<compile_context>
chip_gen: v7x
topology: tpu7x:2x2x1
jax: 0.10.2.dev20260603
libtpu: 0.0.44.dev20260713+nightly
codegen_flags: <defaults>
</compile_context>

<pallas_src>
import functools

import jax
import jax.numpy as jnp
from jax import lax
from jax.experimental import pallas as pl
from jax.experimental.pallas import tpu as pltpu
from jax.experimental.pallas import tpu_sc as plsc

N, E, D = 10000, 320000, 128
NC, NS = 2, 16
NW = NC * NS
EDGES_PER_TILE = E // NW
CHUNK = 80
NCHUNK = EDGES_PER_TILE // CHUNK
N_PAD = 10240
ROWS_PER_TILE = N_PAD // NS


def _make_sc_aggregate():
    mesh = plsc.VectorSubcoreMesh(core_axis_name="c", subcore_axis_name="s")

    @functools.partial(
        pl.kernel,
        mesh=mesh,
        out_type=jax.ShapeDtypeStruct((NC, N_PAD, D), jnp.float32),
        scratch_types=(
            [pltpu.VMEM((CHUNK,), jnp.int32)] * 4
            + [pltpu.VMEM((CHUNK,), jnp.int32)] * 4
            + [pltpu.VMEM((CHUNK,), jnp.int32)] * 4
            + [pltpu.VMEM((CHUNK, D), jnp.float32)] * 4
            + [pltpu.VMEM_SHARED((N_PAD, D), jnp.float32)]
            + [pltpu.SemaphoreType.DMA] * 12
        ),
    )
    def agg(table_hbm, src_hbm, dst_hbm, out_hbm, *scratch):
        cid = lax.axis_index("c")
        sid = lax.axis_index("s")
        wid = cid * NS + sid
        srci = scratch[0:4]
        dsti = scratch[4:8]
        sdsti = scratch[8:12]
        bufs = scratch[12:16]
        acc_sh = scratch[16]
        isem = scratch[17:21]
        gsem = scratch[21:25]
        ssem = scratch[25:29]
        base0 = wid * EDGES_PER_TILE

        def zero_row(r, carry):
            for c in range(D // 16):
                bufs[0][r, pl.ds(c * 16, 16)] = jnp.zeros((16,), jnp.float32)
            return carry
        lax.fori_loop(0, CHUNK, zero_row, 0)
        for j in range(ROWS_PER_TILE // CHUNK):
            pltpu.sync_copy(
                bufs[0],
                acc_sh.at[pl.ds(sid * ROWS_PER_TILE + j * CHUNK, CHUNK)])
        plsc.subcore_barrier()

        def idx_fetch(k, b):
            pltpu.async_copy(src_hbm.at[pl.ds(base0 + k * CHUNK, CHUNK)],
                             srci[b], isem[b])
            pltpu.async_copy(dst_hbm.at[pl.ds(base0 + k * CHUNK, CHUNK)],
                             dsti[b], isem[b])

        def wait_idx(k, b):
            pltpu.make_async_copy(src_hbm.at[pl.ds(base0 + k * CHUNK, CHUNK)],
                                  srci[b], isem[b]).wait()
            pltpu.make_async_copy(dst_hbm.at[pl.ds(base0 + k * CHUNK, CHUNK)],
                                  dsti[b], isem[b]).wait()

        def gather(k, b):
            pltpu.async_copy(table_hbm.at[srci[b]], bufs[b], gsem[b])

        def wait_gather(k, b):
            pltpu.make_async_copy(table_hbm.at[srci[b]], bufs[b], gsem[b]).wait()

        def stage_dst(b):
            for i in range(CHUNK // 16):
                sdsti[b][pl.ds(i * 16, 16)] = dsti[b][pl.ds(i * 16, 16)]

        def scatter(k, b):
            pltpu.async_copy(bufs[b], acc_sh.at[sdsti[b]], ssem[b], add=True)

        def wait_scatter(k, b):
            pltpu.make_async_copy(bufs[b], acc_sh.at[sdsti[b]], ssem[b]).wait()

        def step(k, b, ws=True, g=True, f=True):
            if ws:
                wait_scatter(k - 2, (b + 2) % 4)
            if g:
                wait_idx(k + 2, (b + 2) % 4)
                gather(k + 2, (b + 2) % 4)
            wait_gather(k, b)
            stage_dst(b)
            if f:
                idx_fetch(k + 4, b)
            scatter(k, b)

        for j in range(4):
            idx_fetch(j, j)
        wait_idx(0, 0)
        gather(0, 0)
        wait_idx(1, 1)
        gather(1, 1)
        step(0, 0, ws=False)
        step(1, 1, ws=False)

        def quad_body(g, carry):
            for j in range(4):
                step(2 + 4 * g + j, (2 + j) % 4)
            return carry
        lax.fori_loop(0, (NCHUNK - 9) // 4, quad_body, 0)

        step(NCHUNK - 7, 2)
        step(NCHUNK - 6, 3)
        step(NCHUNK - 5, 0)
        step(NCHUNK - 4, 1, f=False)
        step(NCHUNK - 3, 2, f=False)
        step(NCHUNK - 2, 3, g=False, f=False)
        step(NCHUNK - 1, 0, g=False, f=False)
        wait_scatter(NCHUNK - 2, 3)
        wait_scatter(NCHUNK - 1, 0)

        plsc.subcore_barrier()
        pltpu.sync_copy(
            acc_sh.at[pl.ds(sid * ROWS_PER_TILE, ROWS_PER_TILE)],
            out_hbm.at[cid, pl.ds(sid * ROWS_PER_TILE, ROWS_PER_TILE)])

    return agg


_sc_aggregate = _make_sc_aggregate()


def _linear(partials, W, b, relu):
    n, d = N, partials.shape[2]
    h = W.shape[1]
    bn = 1000

    def body(p_ref, w_ref, b_ref, o_ref):
        acc = p_ref[0] + p_ref[1]
        y = jnp.dot(acc, w_ref[...], preferred_element_type=jnp.float32)
        y = y + b_ref[...]
        if relu:
            y = jnp.maximum(y, 0.0)
        o_ref[...] = y

    return pl.pallas_call(
        body,
        grid=(n // bn,),
        in_specs=[
            pl.BlockSpec((NC, bn, d), lambda i: (0, i, 0)),
            pl.BlockSpec((d, h), lambda i: (0, 0)),
            pl.BlockSpec((1, h), lambda i: (0, 0)),
        ],
        out_specs=pl.BlockSpec((bn, h), lambda i: (i, 0)),
        out_shape=jax.ShapeDtypeStruct((n, h), jnp.float32),
    )(partials, W, b.reshape(1, h))


def kernel(features, edge_index, W1, b1, W2, b2):
    x = features[0]
    src = edge_index[0]
    dst = edge_index[1]
    p1 = _sc_aggregate(x, src, dst)
    hidden = _linear(p1, W1, b1, relu=True)
    p2 = _sc_aggregate(hidden, src, dst)
    y = _linear(p2, W2, b2, relu=False)
    return y[None]

# --- scband reference (transcript-rebuilt; emitter-appended) ---
"""Pipeline reference for scband-gnn-53446573031871 (READ-ONLY COPY).

The authoritative reference and input builder live on the scoring server;
editing this copy changes nothing except your own understanding.
"""

import jax, jax.numpy as jnp
import numpy as np

N, E, D, H, O = 10000, 320000, 128, 128, 128

def setup_inputs(seed: int = 0):
    key = jax.random.key(seed)
    k1, k2, k3, k4, k5, k6 = jax.random.split(key, 6)
    features = jax.random.normal(k1, (1, N, D), dtype=jnp.float32)
    edge_index = jax.random.randint(k2, (2, E), 0, N, dtype=jnp.int32)
    W1 = jax.random.normal(k3, (D, H), dtype=jnp.float32) * (1.0 / np.sqrt(D))
    b1 = jax.random.normal(k4, (H,), dtype=jnp.float32) * 0.01
    W2 = jax.random.normal(k5, (H, O), dtype=jnp.float32) * (1.0 / np.sqrt(H))
    b2 = jax.random.normal(k6, (O,), dtype=jnp.float32) * 0.01
    return {"features": features, "edge_index": edge_index, "W1": W1, "b1": b1, "W2": W2, "b2": b2}

def _graph_conv(x, src, dst, W, b):
    # DGL update_all(copy_u('h','m'), sum('m','h')): h_new[v] = sum_{(u,v) in E} x[u]
    agg = jnp.zeros_like(x).at[dst].add(x[src])
    return agg @ W + b

def reference(features, edge_index, W1, b1, W2, b2):
    src = edge_index[0]
    dst = edge_index[1]
    outs = []
    for i in range(features.shape[0]):
        x = features[i]
        h = jax.nn.relu(_graph_conv(x, src, dst, W1, b1))
        y = _graph_conv(h, src, dst, W2, b2)
        outs.append(y)
    return jnp.stack(outs)

if __name__ == "__main__":
    import jax
    _d = setup_inputs()
    print(jax.jit(kernel)(*tuple(_d.values())))

</pallas_src>

<mosaic_0001>
#map = affine_map<(d0, d1) -> (0, 0)>
#map1 = affine_map<(d0, d1) -> (0)>
#map2 = affine_map<(d0, d1) -> (0, 0, 0)>
module attributes {stable_mosaic.version = 14 : i64} {
  func.func @agg(%arg0: i32, %arg1: i32, %arg2: memref<10000x128xf32, #tpu.memory_space<hbm>>, %arg3: memref<320000xi32, #tpu.memory_space<hbm>>, %arg4: memref<320000xi32, #tpu.memory_space<hbm>>, %arg5: memref<2x10240x128xf32, #tpu.memory_space<hbm>>, %arg6: memref<80xi32, #tpu.memory_space<vmem>>, %arg7: memref<80xi32, #tpu.memory_space<vmem>>, %arg8: memref<80xi32, #tpu.memory_space<vmem>>, %arg9: memref<80xi32, #tpu.memory_space<vmem>>, %arg10: memref<80xi32, #tpu.memory_space<vmem>>, %arg11: memref<80xi32, #tpu.memory_space<vmem>>, %arg12: memref<80xi32, #tpu.memory_space<vmem>>, %arg13: memref<80xi32, #tpu.memory_space<vmem>>, %arg14: memref<80xi32, #tpu.memory_space<vmem>>, %arg15: memref<80xi32, #tpu.memory_space<vmem>>, %arg16: memref<80xi32, #tpu.memory_space<vmem>>, %arg17: memref<80xi32, #tpu.memory_space<vmem>>, %arg18: memref<80x128xf32, #tpu.memory_space<vmem>>, %arg19: memref<80x128xf32, #tpu.memory_space<vmem>>, %arg20: memref<80x128xf32, #tpu.memory_space<vmem>>, %arg21: memref<80x128xf32, #tpu.memory_space<vmem>>, %arg22: memref<10240x128xf32, #tpu.memory_space<vmem_shared>>, %arg23: memref<!tpu.dma_semaphore, #tpu.memory_space<semaphore_mem>>, %arg24: memref<!tpu.dma_semaphore, #tpu.memory_space<semaphore_mem>>, %arg25: memref<!tpu.dma_semaphore, #tpu.memory_space<semaphore_mem>>, %arg26: memref<!tpu.dma_semaphore, #tpu.memory_space<semaphore_mem>>, %arg27: memref<!tpu.dma_semaphore, #tpu.memory_space<semaphore_mem>>, %arg28: memref<!tpu.dma_semaphore, #tpu.memory_space<semaphore_mem>>, %arg29: memref<!tpu.dma_semaphore, #tpu.memory_space<semaphore_mem>>, %arg30: memref<!tpu.dma_semaphore, #tpu.memory_space<semaphore_mem>>, %arg31: memref<!tpu.dma_semaphore, #tpu.memory_space<semaphore_mem>>, %arg32: memref<!tpu.dma_semaphore, #tpu.memory_space<semaphore_mem>>, %arg33: memref<!tpu.dma_semaphore, #tpu.memory_space<semaphore_mem>>, %arg34: memref<!tpu.dma_semaphore, #tpu.memory_space<semaphore_mem>>) attributes {dimension_semantics = [#tpu.dimension_semantics<core_parallel>, #tpu.dimension_semantics<subcore_parallel>], iteration_bounds = array<i64: 2, 16>, scalar_prefetch = 0 : i64, scratch_operands = 29 : i64, tpu.core_type = #tpu.core_type<sc_vector_subcore>, window_params = [{transform_indices = #map}, {transform_indices = #map1}, {transform_indices = #map1}, {transform_indices = #map2}]} {
    %mul3A = arith.constant 16 : i32
    %mul3A_0 = arith.muli %arg0, %mul3A : i32
    %add3A = arith.addi %mul3A_0, %arg1 : i32
    %mul3A_1 = arith.constant 10000 : i32
    %mul3A_2 = arith.muli %add3A, %mul3A_1 : i32
    %scan3A = arith.constant 0 : i32
    %scan3A_3 = arith.constant 0 : i32
    %scan3A_4 = arith.constant 80 : i32
    %scan3A_5 = arith.addi %scan3A_3, %scan3A_4 : i32
    %scan3A_6 = arith.constant 1 : i32
    scf.for %scan3A_614 = %scan3A_3 to %scan3A_5 step %scan3A_6  : i32 {
      %broadcast_in_dim3A = arith.constant 0.000000e+00 : f32
      %broadcast_in_dim3A_615 = vector.broadcast %broadcast_in_dim3A : f32 to vector<16xf32>
      %swap3A_616 = arith.index_cast %scan3A_614 : i32 to index
      %swap3A_617 = arith.constant 0 : index
      %swap3A_618 = tpu.vector_load %arg18[%swap3A_616, %swap3A_617] {strides = array<i32>} : memref<80x128xf32, #tpu.memory_space<vmem>>, vector<1x16xf32>,
      %swap3A_619 = vector.shape_cast %swap3A_618 : vector<1x16xf32> to vector<16xf32>
      %swap3A_620 = vector.shape_cast %broadcast_in_dim3A_615 : vector<16xf32> to vector<1x16xf32>
      tpu.vector_store %arg18[%swap3A_616, %swap3A_617], %swap3A_620 {strides = array<i32>} : memref<80x128xf32, #tpu.memory_space<vmem>>, vector<1x16xf32>,
      %broadcast_in_dim3A_621 = arith.constant 0.000000e+00 : f32
      %broadcast_in_dim3A_622 = vector.broadcast %broadcast_in_dim3A_621 : f32 to vector<16xf32>
      %swap3A_623 = arith.index_cast %scan3A_614 : i32 to index
      %swap3A_624 = arith.constant 16 : index
      %swap3A_625 = tpu.vector_load %arg18[%swap3A_623, %swap3A_624] {strides = array<i32>} : memref<80x128xf32, #tpu.memory_space<vmem>>, vector<1x16xf32>,
      %swap3A_626 = vector.shape_cast %swap3A_625 : vector<1x16xf32> to vector<16xf32>
      %swap3A_627 = vector.shape_cast %broadcast_in_dim3A_622 : vector<16xf32> to vector<1x16xf32>
      tpu.vector_store %arg18[%swap3A_623, %swap3A_624], %swap3A_627 {strides = array<i32>} : memref<80x128xf32, #tpu.memory_space<vmem>>, vector<1x16xf32>,
      %broadcast_in_dim3A_628 = arith.constant 0.000000e+00 : f32
      %broadcast_in_dim3A_629 = vector.broadcast %broadcast_in_dim3A_628 : f32 to vector<16xf32>
      %swap3A_630 = arith.index_cast %scan3A_614 : i32 to index
      %swap3A_631 = arith.constant 32 : index
      %swap3A_632 = tpu.vector_load %arg18[%swap3A_630, %swap3A_631] {strides = array<i32>} : memref<80x128xf32, #tpu.memory_space<vmem>>, vector<1x16xf32>,
      %swap3A_633 = vector.shape_cast %swap3A_632 : vector<1x16xf32> to vector<16xf32>
      %swap3A_634 = vector.shape_cast %broadcast_in_dim3A_629 : vector<16xf32> to vector<1x16xf32>
      tpu.vector_store %arg18[%swap3A_630, %swap3A_631], %swap3A_634 {strides = array<i32>} : memref<80x128xf32, #tpu.memory_space<vmem>>, vector<1x16xf32>,
      %broadcast_in_dim3A_635 = arith.constant 0.000000e+00 : f32
      %broadcast_in_dim3A_636 = vector.broadcast %broadcast_in_dim3A_635 : f32 to vector<16xf32>
      %swap3A_637 = arith.index_cast %scan3A_614 : i32 to index
      %swap3A_638 = arith.constant 48 : index
      %swap3A_639 = tpu.vector_load %arg18[%swap3A_637, %swap3A_638] {strides = array<i32>} : memref<80x128xf32, #tpu.memory_space<vmem>>, vector<1x16xf32>,
      %swap3A_640 = vector.shape_cast %swap3A_639 : vector<1x16xf32> to vector<16xf32>
      %swap3A_641 = vector.shape_cast %broadcast_in_dim3A_636 : vector<16xf32> to vector<1x16xf32>
      tpu.vector_store %arg18[%swap3A_637, %swap3A_638], %swap3A_641 {strides = array<i32>} : memref<80x128xf32, #tpu.memory_space<vmem>>, vector<1x16xf32>,
      %broadcast_in_dim3A_642 = arith.constant 0.000000e+00 : f32
      %broadcast_in_dim3A_643 = vector.broadcast %broadcast_in_dim3A_642 : f32 to vector<16xf32>
      %swap3A_644 = arith.index_cast %scan3A_614 : i32 to index
      %swap3A_645 = arith.constant 64 : index
      %swap3A_646 = tpu.vector_load %arg18[%swap3A_644, %swap3A_645] {strides = array<i32>} : memref<80x128xf32, #tpu.memory_space<vmem>>, vector<1x16xf32>,
      %swap3A_647 = vector.shape_cast %swap3A_646 : vector<1x16xf32> to vector<16xf32>
      %swap3A_648 = vector.shape_cast %broadcast_in_dim3A_643 : vector<16xf32> to vector<1x16xf32>
      tpu.vector_store %arg18[%swap3A_644, %swap3A_645], %swap3A_648 {strides = array<i32>} : memref<80x128xf32, #tpu.memory_space<vmem>>, vector<1x16xf32>,
      %broadcast_in_dim3A_649 = arith.constant 0.000000e+00 : f32
      %broadcast_in_dim3A_650 = vector.broadcast %broadcast_in_dim3A_649 : f32 to vector<16xf32>
      %swap3A_651 = arith.index_cast %scan3A_614 : i32 to index
      %swap3A_652 = arith.constant 80 : index
      %swap3A_653 = tpu.vector_load %arg18[%swap3A_651, %swap3A_652] {strides = array<i32>} : memref<80x128xf32, #tpu.memory_space<vmem>>, vector<1x16xf32>,
      %swap3A_654 = vector.shape_cast %swap3A_653 : vector<1x16xf32> to vector<16xf32>
      %swap3A_655 = vector.shape_cast %broadcast_in_dim3A_650 : vector<16xf32> to vector<1x16xf32>
      tpu.vector_store %arg18[%swap3A_651, %swap3A_652], %swap3A_655 {strides = array<i32>} : memref<80x128xf32, #tpu.memory_space<vmem>>, vector<1x16xf32>,
      %broadcast_in_dim3A_656 = arith.constant 0.000000e+00 : f32
      %broadcast_in_dim3A_657 = vector.broadcast %broadcast_in_dim3A_656 : f32 to vector<16xf32>
      %swap3A_658 = arith.index_cast %scan3A_614 : i32 to index
      %swap3A_659 = arith.constant 96 : index
      %swap3A_660 = tpu.vector_load %arg18[%swap3A_658, %swap3A_659] {strides = array<i32>} : memref<80x128xf32, #tpu.memory_space<vmem>>, vector<1x16xf32>,
      %swap3A_661 = vector.shape_cast %swap3A_660 : vector<1x16xf32> to vector<16xf32>
      %swap3A_662 = vector.shape_cast %broadcast_in_dim3A_657 : vector<16xf32> to vector<1x16xf32>
      tpu.vector_store %arg18[%swap3A_658, %swap3A_659], %swap3A_662 {strides = array<i32>} : memref<80x128xf32, #tpu.memory_space<vmem>>, vector<1x16xf32>,
      %broadcast_in_dim3A_663 = arith.constant 0.000000e+00 : f32
      %broadcast_in_dim3A_664 = vector.broadcast %broadcast_in_dim3A_663 : f32 to vector<16xf32>
      %swap3A_665 = arith.index_cast %scan3A_614 : i32 to index
      %swap3A_666 = arith.constant 112 : index
      %swap3A_667 = tpu.vector_load %arg18[%swap3A_665, %swap3A_666] {strides = array<i32>} : memref<80x128xf32, #tpu.memory_space<vmem>>, vector<1x16xf32>,
      %swap3A_668 = vector.shape_cast %swap3A_667 : vector<1x16xf32> to vector<16xf32>
      %swap3A_669 = vector.shape_cast %broadcast_in_dim3A_664 : vector<16xf32> to vector<1x16xf32>
      tpu.vector_store %arg18[%swap3A_665, %swap3A_666], %swap3A_669 {strides = array<i32>} : memref<80x128xf32, #tpu.memory_space<vmem>>, vector<1x16xf32>,
    }
    %scan3A_7 = arith.constant 80 : i32
    %mul3A_8 = arith.constant 640 : i32
    %mul3A_9 = arith.muli %arg1, %mul3A_8 : i32
    %add3A_10 = arith.constant 0 : i32
    %add3A_11 = arith.addi %mul3A_9, %add3A_10 : i32
    "tpu.region"() ({
      %run_scoped3A = tpu.sem_alloc : memref<!tpu.dma_semaphore, #tpu.memory_space<semaphore_mem>>
      %dma_start3A_614 = arith.constant 0 : i32
      %dma_start3A_615 = tpu.memref_slice %arg22[%add3A_11, %dma_start3A_614] : memref<10240x128xf32, #tpu.memory_space<vmem_shared>> -> memref<80x128xf32, #tpu.memory_space<vmem_shared>>
      %dma_start3A_616 = arith.constant 0 : i32
      %dma_start3A_617 = tpu.memref_slice %arg22[%add3A_11, %dma_start3A_616] : memref<10240x128xf32, #tpu.memory_space<vmem_shared>> -> memref<80x128xf32, #tpu.memory_space<vmem_shared>>
      tpu.enqueue_dma source(%arg18 : memref<80x128xf32, #tpu.memory_space<vmem>>) target(%dma_start3A_617 : memref<80x128xf32, #tpu.memory_space<vmem_shared>>) target_semaphore(%run_scoped3A : memref<!tpu.dma_semaphore, #tpu.memory_space<semaphore_mem>>)
      %dma_wait3A_618 = arith.constant 0 : i32
      %dma_wait3A_619 = tpu.memref_slice %arg22[%add3A_11, %dma_wait3A_618] : memref<10240x128xf32, #tpu.memory_space<vmem_shared>> -> memref<80x128xf32, #tpu.memory_space<vmem_shared>>
      %dma_wait3A_620 = arith.constant 0 : i32
      %dma_wait3A_621 = tpu.memref_slice %arg22[%add3A_11, %dma_wait3A_620] : memref<10240x128xf32, #tpu.memory_space<vmem_shared>> -> memref<80x128xf32, #tpu.memory_space<vmem_shared>>
      tpu.wait_dma2 semaphore(%run_scoped3A : memref<!tpu.dma_semaphore, #tpu.memory_space<semaphore_mem>>) src(%arg18 : memref<80x128xf32, #tpu.memory_space<vmem>>) dst(%dma_wait3A_621 : memref<80x128xf32, #tpu.memory_space<vmem_shared>>)
      tpu.yield
    }) : () -> ()
    %mul3A_12 = arith.constant 640 : i32
    %mul3A_13 = arith.muli %arg1, %mul3A_12 : i32
    %add3A_14 = arith.constant 80 : i32
    %add3A_15 = arith.addi %mul3A_13, %add3A_14 : i32
    "tpu.region"() ({
      %run_scoped3A = tpu.sem_alloc : memref<!tpu.dma_semaphore, #tpu.memory_space<semaphore_mem>>
      %dma_start3A_614 = arith.constant 0 : i32
      %dma_start3A_615 = tpu.memref_slice %arg22[%add3A_15, %dma_start3A_614] : memref<10240x128xf32, #tpu.memory_space<vmem_shared>> -> memref<80x128xf32, #tpu.memory_space<vmem_shared>>
      %dma_start3A_616 = arith.constant 0 : i32
      %dma_start3A_617 = tpu.memref_slice %arg22[%add3A_15, %dma_start3A_616] : memref<10240x128xf32, #tpu.memory_space<vmem_shared>> -> memref<80x128xf32, #tpu.memory_space<vmem_shared>>
      tpu.enqueue_dma source(%arg18 : memref<80x128xf32, #tpu.memory_space<vmem>>) target(%dma_start3A_617 : memref<80x128xf32, #tpu.memory_space<vmem_shared>>) target_semaphore(%run_scoped3A : memref<!tpu.dma_semaphore, #tpu.memory_space<semaphore_mem>>)
      %dma_wait3A_618 = arith.constant 0 : i32
      %dma_wait3A_619 = tpu.memref_slice %arg22[%add3A_15, %dma_wait3A_618] : memref<10240x128xf32, #tpu.memory_space<vmem_shared>> -> memref<80x128xf32, #tpu.memory_space<vmem_shared>>
      %dma_wait3A_620 = arith.constant 0 : i32
      %dma_wait3A_621 = tpu.memref_slice %arg22[%add3A_15, %dma_wait3A_620] : memref<10240x128xf32, #tpu.memory_space<vmem_shared>> -> memref<80x128xf32, #tpu.memory_space<vmem_shared>>
      tpu.wait_dma2 semaphore(%run_scoped3A : memref<!tpu.dma_semaphore, #tpu.memory_space<semaphore_mem>>) src(%arg18 : memref<80x128xf32, #tpu.memory_space<vmem>>) dst(%dma_wait3A_621 : memref<80x128xf32, #tpu.memory_space<vmem_shared>>)
      tpu.yield
    }) : () -> ()
    %mul3A_16 = arith.constant 640 : i32
    %mul3A_17 = arith.muli %arg1, %mul3A_16 : i32
    %add3A_18 = arith.constant 160 : i32
    %add3A_19 = arith.addi %mul3A_17, %add3A_18 : i32
    "tpu.region"() ({
      %run_scoped3A = tpu.sem_alloc : memref<!tpu.dma_semaphore, #tpu.memory_space<semaphore_mem>>
      %dma_start3A_614 = arith.constant 0 : i32
      %dma_start3A_615 = tpu.memref_slice %arg22[%add3A_19, %dma_start3A_614] : memref<10240x128xf32, #tpu.memory_space<vmem_shared>> -> memref<80x128xf32, #tpu.memory_space<vmem_shared>>
      %dma_start3A_616 = arith.constant 0 : i32
      %dma_start3A_617 = tpu.memref_slice %arg22[%add3A_19, %dma_start3A_616] : memref<10240x128xf32, #tpu.memory_space<vmem_shared>> -> memref<80x128xf32, #tpu.memory_space<vmem_shared>>
      tpu.enqueue_dma source(%arg18 : memref<80x128xf32, #tpu.memory_space<vmem>>) target(%dma_start3A_617 : memref<80x128xf32, #tpu.memory_space<vmem_shared>>) target_semaphore(%run_scoped3A : memref<!tpu.dma_semaphore, #tpu.memory_space<semaphore_mem>>)
      %dma_wait3A_618 = arith.constant 0 : i32
      %dma_wait3A_619 = tpu.memref_slice %arg22[%add3A_19, %dma_wait3A_618] : memref<10240x128xf32, #tpu.memory_space<vmem_shared>> -> memref<80x128xf32, #tpu.memory_space<vmem_shared>>
      %dma_wait3A_620 = arith.constant 0 : i32
      %dma_wait3A_621 = tpu.memref_slice %arg22[%add3A_19, %dma_wait3A_620] : memref<10240x128xf32, #tpu.memory_space<vmem_shared>> -> memref<80x128xf32, #tpu.memory_space<vmem_shared>>
      tpu.wait_dma2 semaphore(%run_scoped3A : memref<!tpu.dma_semaphore, #tpu.memory_space<semaphore_mem>>) src(%arg18 : memref<80x128xf32, #tpu.memory_space<vmem>>) dst(%dma_wait3A_621 : memref<80x128xf32, #tpu.memory_space<vmem_shared>>)
      tpu.yield
    }) : () -> ()
    %mul3A_20 = arith.constant 640 : i32
    %mul3A_21 = arith.muli %arg1, %mul3A_20 : i32
    %add3A_22 = arith.constant 240 : i32
    %add3A_23 = arith.addi %mul3A_21, %add3A_22 : i32
    "tpu.region"() ({
      %run_scoped3A = tpu.sem_alloc : memref<!tpu.dma_semaphore, #tpu.memory_space<semaphore_mem>>
      %dma_start3A_614 = arith.constant 0 : i32
      %dma_start3A_615 = tpu.memref_slice %arg22[%add3A_23, %dma_start3A_614] : memref<10240x128xf32, #tpu.memory_space<vmem_shared>> -> memref<80x128xf32, #tpu.memory_space<vmem_shared>>
      %dma_start3A_616 = arith.constant 0 : i32
      %dma_start3A_617 = tpu.memref_slice %arg22[%add3A_23, %dma_start3A_616] : memref<10240x128xf32, #tpu.memory_space<vmem_shared>> -> memref<80x128xf32, #tpu.memory_space<vmem_shared>>
      tpu.enqueue_dma source(%arg18 : memref<80x128xf32, #tpu.memory_space<vmem>>) target(%dma_start3A_617 : memref<80x128xf32, #tpu.memory_space<vmem_shared>>) target_semaphore(%run_scoped3A : memref<!tpu.dma_semaphore, #tpu.memory_space<semaphore_mem>>)
      %dma_wait3A_618 = arith.constant 0 : i32
      %dma_wait3A_619 = tpu.memref_slice %arg22[%add3A_23, %dma_wait3A_618] : memref<10240x128xf32, #tpu.memory_space<vmem_shared>> -> memref<80x128xf32, #tpu.memory_space<vmem_shared>>
      %dma_wait3A_620 = arith.constant 0 : i32
      %dma_wait3A_621 = tpu.memref_slice %arg22[%add3A_23, %dma_wait3A_620] : memref<10240x128xf32, #tpu.memory_space<vmem_shared>> -> memref<80x128xf32, #tpu.memory_space<vmem_shared>>
      tpu.wait_dma2 semaphore(%run_scoped3A : memref<!tpu.dma_semaphore, #tpu.memory_space<semaphore_mem>>) src(%arg18 : memref<80x128xf32, #tpu.memory_space<vmem>>) dst(%dma_wait3A_621 : memref<80x128xf32, #tpu.memory_space<vmem_shared>>)
      tpu.yield
    }) : () -> ()
    %mul3A_24 = arith.constant 640 : i32
    %mul3A_25 = arith.muli %arg1, %mul3A_24 : i32
    %add3A_26 = arith.constant 320 : i32
    %add3A_27 = arith.addi %mul3A_25, %add3A_26 : i32
    "tpu.region"() ({
      %run_scoped3A = tpu.sem_alloc : memref<!tpu.dma_semaphore, #tpu.memory_space<semaphore_mem>>
      %dma_start3A_614 = arith.constant 0 : i32
      %dma_start3A_615 = tpu.memref_slice %arg22[%add3A_27, %dma_start3A_614] : memref<10240x128xf32, #tpu.memory_space<vmem_shared>> -> memref<80x128xf32, #tpu.memory_space<vmem_shared>>
      %dma_start3A_616 = arith.constant 0 : i32
      %dma_start3A_617 = tpu.memref_slice %arg22[%add3A_27, %dma_start3A_616] : memref<10240x128xf32, #tpu.memory_space<vmem_shared>> -> memref<80x128xf32, #tpu.memory_space<vmem_shared>>
      tpu.enqueue_dma source(%arg18 : memref<80x128xf32, #tpu.memory_space<vmem>>) target(%dma_start3A_617 : memref<80x128xf32, #tpu.memory_space<vmem_shared>>) target_semaphore(%run_scoped3A : memref<!tpu.dma_semaphore, #tpu.memory_space<semaphore_mem>>)
      %dma_wait3A_618 = arith.constant 0 : i32
      %dma_wait3A_619 = tpu.memref_slice %arg22[%add3A_27, %dma_wait3A_618] : memref<10240x128xf32, #tpu.memory_space<vmem_shared>> -> memref<80x128xf32, #tpu.memory_space<vmem_shared>>
      %dma_wait3A_620 = arith.constant 0 : i32
      %dma_wait3A_621 = tpu.memref_slice %arg22[%add3A_27, %dma_wait3A_620] : memref<10240x128xf32, #tpu.memory_space<vmem_shared>> -> memref<80x128xf32, #tpu.memory_space<vmem_shared>>
      tpu.wait_dma2 semaphore(%run_scoped3A : memref<!tpu.dma_semaphore, #tpu.memory_space<semaphore_mem>>) src(%arg18 : memref<80x128xf32, #tpu.memory_space<vmem>>) dst(%dma_wait3A_621 : memref<80x128xf32, #tpu.memory_space<vmem_shared>>)
      tpu.yield
    }) : () -> ()
    %mul3A_28 = arith.constant 640 : i32
    %mul3A_29 = arith.muli %arg1, %mul3A_28 : i32
    %add3A_30 = arith.constant 400 : i32
    %add3A_31 = arith.addi %mul3A_29, %add3A_30 : i32
    "tpu.region"() ({
      %run_scoped3A = tpu.sem_alloc : memref<!tpu.dma_semaphore, #tpu.memory_space<semaphore_mem>>
      %dma_start3A_614 = arith.constant 0 : i32
      %dma_start3A_615 = tpu.memref_slice %arg22[%add3A_31, %dma_start3A_614] : memref<10240x128xf32, #tpu.memory_space<vmem_shared>> -> memref<80x128xf32, #tpu.memory_space<vmem_shared>>
      %dma_start3A_616 = arith.constant 0 : i32
      %dma_start3A_617 = tpu.memref_slice %arg22[%add3A_31, %dma_start3A_616] : memref<10240x128xf32, #tpu.memory_space<vmem_shared>> -> memref<80x128xf32, #tpu.memory_space<vmem_shared>>
      tpu.enqueue_dma source(%arg18 : memref<80x128xf32, #tpu.memory_space<vmem>>) target(%dma_start3A_617 : memref<80x128xf32, #tpu.memory_space<vmem_shared>>) target_semaphore(%run_scoped3A : memref<!tpu.dma_semaphore, #tpu.memory_space<semaphore_mem>>)
      %dma_wait3A_618 = arith.constant 0 : i32
      %dma_wait3A_619 = tpu.memref_slice %arg22[%add3A_31, %dma_wait3A_618] : memref<10240x128xf32, #tpu.memory_space<vmem_shared>> -> memref<80x128xf32, #tpu.memory_space<vmem_shared>>
      %dma_wait3A_620 = arith.constant 0 : i32
      %dma_wait3A_621 = tpu.memref_slice %arg22[%add3A_31, %dma_wait3A_620] : memref<10240x128xf32, #tpu.memory_space<vmem_shared>> -> memref<80x128xf32, #tpu.memory_space<vmem_shared>>
      tpu.wait_dma2 semaphore(%run_scoped3A : memref<!tpu.dma_semaphore, #tpu.memory_space<semaphore_mem>>) src(%arg18 : memref<80x128xf32, #tpu.memory_space<vmem>>) dst(%dma_wait3A_621 : memref<80x128xf32, #tpu.memory_space<vmem_shared>>)
      tpu.yield
    }) : () -> ()
    %mul3A_32 = arith.constant 640 : i32
    %mul3A_33 = arith.muli %arg1, %mul3A_32 : i32
    %add3A_34 = arith.constant 480 : i32
    %add3A_35 = arith.addi %mul3A_33, %add3A_34 : i32
    "tpu.region"() ({
      %run_scoped3A = tpu.sem_alloc : memref<!tpu.dma_semaphore, #tpu.memory_space<semaphore_mem>>
      %dma_start3A_614 = arith.constant 0 : i32
      %dma_start3A_615 = tpu.memref_slice %arg22[%add3A_35, %dma_start3A_614] : memref<10240x128xf32, #tpu.memory_space<vmem_shared>> -> memref<80x128xf32, #tpu.memory_space<vmem_shared>>
      %dma_start3A_616 = arith.constant 0 : i32
      %dma_start3A_617 = tpu.memref_slice %arg22[%add3A_35, %dma_start3A_616] : memref<10240x128xf32, #tpu.memory_space<vmem_shared>> -> memref<80x128xf32, #tpu.memory_space<vmem_shared>>
      tpu.enqueue_dma source(%arg18 : memref<80x128xf32, #tpu.memory_space<vmem>>) target(%dma_start3A_617 : memref<80x128xf32, #tpu.memory_space<vmem_shared>>) target_semaphore(%run_scoped3A : memref<!tpu.dma_semaphore, #tpu.memory_space<semaphore_mem>>)
      %dma_wait3A_618 = arith.constant 0 : i32
      %dma_wait3A_619 = tpu.memref_slice %arg22[%add3A_35, %dma_wait3A_618] : memref<10240x128xf32, #tpu.memory_space<vmem_shared>> -> memref<80x128xf32, #tpu.memory_space<vmem_shared>>
      %dma_wait3A_620 = arith.constant 0 : i32
      %dma_wait3A_621 = tpu.memref_slice %arg22[%add3A_35, %dma_wait3A_620] : memref<10240x128xf32, #tpu.memory_space<vmem_shared>> -> memref<80x128xf32, #tpu.memory_space<vmem_shared>>
      tpu.wait_dma2 semaphore(%run_scoped3A : memref<!tpu.dma_semaphore, #tpu.memory_space<semaphore_mem>>) src(%arg18 : memref<80x128xf32, #tpu.memory_space<vmem>>) dst(%dma_wait3A_621 : memref<80x128xf32, #tpu.memory_space<vmem_shared>>)
      tpu.yield
    }) : () -> ()
    %mul3A_36 = arith.constant 640 : i32
    %mul3A_37 = arith.muli %arg1, %mul3A_36 : i32
    %add3A_38 = arith.constant 560 : i32
    %add3A_39 = arith.addi %mul3A_37, %add3A_38 : i32
    "tpu.region"() ({
      %run_scoped3A = tpu.sem_alloc : memref<!tpu.dma_semaphore, #tpu.memory_space<semaphore_mem>>
      %dma_start3A_614 = arith.constant 0 : i32
      %dma_start3A_615 = tpu.memref_slice %arg22[%add3A_39, %dma_start3A_614] : memref<10240x128xf32, #tpu.memory_space<vmem_shared>> -> memref<80x128xf32, #tpu.memory_space<vmem_shared>>
      %dma_start3A_616 = arith.constant 0 : i32
      %dma_start3A_617 = tpu.memref_slice %arg22[%add3A_39, %dma_start3A_616] : memref<10240x128xf32, #tpu.memory_space<vmem_shared>> -> memref<80x128xf32, #tpu.memory_space<vmem_shared>>
      tpu.enqueue_dma source(%arg18 : memref<80x128xf32, #tpu.memory_space<vmem>>) target(%dma_start3A_617 : memref<80x128xf32, #tpu.memory_space<vmem_shared>>) target_semaphore(%run_scoped3A : memref<!tpu.dma_semaphore, #tpu.memory_space<semaphore_mem>>)
      %dma_wait3A_618 = arith.constant 0 : i32
      %dma_wait3A_619 = tpu.memref_slice %arg22[%add3A_39, %dma_wait3A_618] : memref<10240x128xf32, #tpu.memory_space<vmem_shared>> -> memref<80x128xf32, #tpu.memory_space<vmem_shared>>
      %dma_wait3A_620 = arith.constant 0 : i32
      %dma_wait3A_621 = tpu.memref_slice %arg22[%add3A_39, %dma_wait3A_620] : memref<10240x128xf32, #tpu.memory_space<vmem_shared>> -> memref<80x128xf32, #tpu.memory_space<vmem_shared>>
      tpu.wait_dma2 semaphore(%run_scoped3A : memref<!tpu.dma_semaphore, #tpu.memory_space<semaphore_mem>>) src(%arg18 : memref<80x128xf32, #tpu.memory_space<vmem>>) dst(%dma_wait3A_621 : memref<80x128xf32, #tpu.memory_space<vmem_shared>>)
      tpu.yield
    }) : () -> ()
    %barrier3A = arith.constant 0 : index
    tpu.barrier barrier_id(%barrier3A)
    %add3A_40 = arith.constant 0 : i32
    %add3A_41 = arith.addi %mul3A_2, %add3A_40 : i32
    %dma_start3A = tpu.memref_slice %arg3[%add3A_41] : memref<320000xi32, #tpu.memory_space<hbm>> -> memref<80xi32, #tpu.memory_space<hbm>>
    %dma_start3A_42 = tpu.memref_slice %arg3[%add3A_41] : memref<320000xi32, #tpu.memory_space<hbm>> -> memref<80xi32, #tpu.memory_space<hbm>>
    tpu.enqueue_dma source(%dma_start3A_42 : memref<80xi32, #tpu.memory_space<hbm>>) target(%arg6 : memref<80xi32, #tpu.memory_space<vmem>>) target_semaphore(%arg23 : memref<!tpu.dma_semaphore, #tpu.memory_space<semaphore_mem>>)
    %add3A_43 = arith.constant 0 : i32
    %add3A_44 = arith.addi %mul3A_2, %add3A_43 : i32
    %dma_start3A_45 = tpu.memref_slice %arg4[%add3A_44] : memref<320000xi32, #tpu.memory_space<hbm>> -> memref<80xi32, #tpu.memory_space<hbm>>
    %dma_start3A_46 = tpu.memref_slice %arg4[%add3A_44] : memref<320000xi32, #tpu.memory_space<hbm>> -> memref<80xi32, #tpu.memory_space<hbm>>
    tpu.enqueue_dma source(%dma_start3A_46 : memref<80xi32, #tpu.memory_space<hbm>>) target(%arg10 : memref<80xi32, #tpu.memory_space<vmem>>) target_semaphore(%arg23 : memref<!tpu.dma_semaphore, #tpu.memory_space<semaphore_mem>>)
    %add3A_47 = arith.constant 80 : i32
    %add3A_48 = arith.addi %mul3A_2, %add3A_47 : i32
    %dma_start3A_49 = tpu.memref_slice %arg3[%add3A_48] : memref<320000xi32, #tpu.memory_space<hbm>> -> memref<80xi32, #tpu.memory_space<hbm>>
    %dma_start3A_50 = tpu.memref_slice %arg3[%add3A_48] : memref<320000xi32, #tpu.memory_space<hbm>> -> memref<80xi32, #tpu.memory_space<hbm>>
    tpu.enqueue_dma source(%dma_start3A_50 : memref<80xi32, #tpu.memory_space<hbm>>) target(%arg7 : memref<80xi32, #tpu.memory_space<vmem>>) target_semaphore(%arg24 : memref<!tpu.dma_semaphore, #tpu.memory_space<semaphore_mem>>)
    %add3A_51 = arith.constant 80 : i32
    %add3A_52 = arith.addi %mul3A_2, %add3A_51 : i32
    %dma_start3A_53 = tpu.memref_slice %arg4[%add3A_52] : memref<320000xi32, #tpu.memory_space<hbm>> -> memref<80xi32, #tpu.memory_space<hbm>>
    %dma_start3A_54 = tpu.memref_slice %arg4[%add3A_52] : memref<320000xi32, #tpu.memory_space<hbm>> -> memref<80xi32, #tpu.memory_space<hbm>>
    tpu.enqueue_dma source(%dma_start3A_54 : memref<80xi32, #tpu.memory_space<hbm>>) target(%arg11 : memref<80xi32, #tpu.memory_space<vmem>>) target_semaphore(%arg24 : memref<!tpu.dma_semaphore, #tpu.memory_space<semaphore_mem>>)
    %add3A_55 = arith.constant 160 : i32
    %add3A_56 = arith.addi %mul3A_2, %add3A_55 : i32
    %dma_start3A_57 = tpu.memref_slice %arg3[%add3A_56] : memref<320000xi32, #tpu.memory_space<hbm>> -> memref<80xi32, #tpu.memory_space<hbm>>
    %dma_start3A_58 = tpu.memref_slice %arg3[%add3A_56] : memref<320000xi32, #tpu.memory_space<hbm>> -> memref<80xi32, #tpu.memory_space<hbm>>
    tpu.enqueue_dma source(%dma_start3A_58 : memref<80xi32, #tpu.memory_space<hbm>>) target(%arg8 : memref<80xi32, #tpu.memory_space<vmem>>) target_semaphore(%arg25 : memref<!tpu.dma_semaphore, #tpu.memory_space<semaphore_mem>>)
    %add3A_59 = arith.constant 160 : i32
    %add3A_60 = arith.addi %mul3A_2, %add3A_59 : i32
    %dma_start3A_61 = tpu.memref_slice %arg4[%add3A_60] : memref<320000xi32, #tpu.memory_space<hbm>> -> memref<80xi32, #tpu.memory_space<hbm>>
    %dma_start3A_62 = tpu.memref_slice %arg4[%add3A_60] : memref<320000xi32, #tpu.memory_space<hbm>> -> memref<80xi32, #tpu.memory_space<hbm>>
    tpu.enqueue_dma source(%dma_start3A_62 : memref<80xi32, #tpu.memory_space<hbm>>) target(%arg12 : memref<80xi32, #tpu.memory_space<vmem>>) target_semaphore(%arg25 : memref<!tpu.dma_semaphore, #tpu.memory_space<semaphore_mem>>)
    %add3A_63 = arith.constant 240 : i32
    %add3A_64 = arith.addi %mul3A_2, %add3A_63 : i32
    %dma_start3A_65 = tpu.memref_slice %arg3[%add3A_64] : memref<320000xi32, #tpu.memory_space<hbm>> -> memref<80xi32, #tpu.memory_space<hbm>>
    %dma_start3A_66 = tpu.memref_slice %arg3[%add3A_64] : memref<320000xi32, #tpu.memory_space<hbm>> -> memref<80xi32, #tpu.memory_space<hbm>>
    tpu.enqueue_dma source(%dma_start3A_66 : memref<80xi32, #tpu.memory_space<hbm>>) target(%arg9 : memref<80xi32, #tpu.memory_space<vmem>>) target_semaphore(%arg26 : memref<!tpu.dma_semaphore, #tpu.memory_space<semaphore_mem>>)
    %add3A_67 = arith.constant 240 : i32
    %add3A_68 = arith.addi %mul3A_2, %add3A_67 : i32
    %dma_start3A_69 = tpu.memref_slice %arg4[%add3A_68] : memref<320000xi32, #tpu.memory_space<hbm>> -> memref<80xi32, #tpu.memory_space<hbm>>
    %dma_start3A_70 = tpu.memref_slice %arg4[%add3A_68] : memref<320000xi32, #tpu.memory_space<hbm>> -> memref<80xi32, #tpu.memory_space<hbm>>
    tpu.enqueue_dma source(%dma_start3A_70 : memref<80xi32, #tpu.memory_space<hbm>>) target(%arg13 : memref<80xi32, #tpu.memory_space<vmem>>) target_semaphore(%arg26 : memref<!tpu.dma_semaphore, #tpu.memory_space<semaphore_mem>>)
    %add3A_71 = arith.constant 0 : i32
    %add3A_72 = arith.addi %mul3A_2, %add3A_71 : i32
    %dma_wait3A = tpu.memref_slice %arg3[%add3A_72] : memref<320000xi32, #tpu.memory_space<hbm>> -> memref<80xi32, #tpu.memory_space<hbm>>
    %dma_wait3A_73 = tpu.memref_slice %arg3[%add3A_72] : memref<320000xi32, #tpu.memory_space<hbm>> -> memref<80xi32, #tpu.memory_space<hbm>>
    tpu.wait_dma2 semaphore(%arg23 : memref<!tpu.dma_semaphore, #tpu.memory_space<semaphore_mem>>) src(%dma_wait3A_73 : memref<80xi32, #tpu.memory_space<hbm>>) dst(%arg6 : memref<80xi32, #tpu.memory_space<vmem>>)
    %add3A_74 = arith.constant 0 : i32
    %add3A_75 = arith.addi %mul3A_2, %add3A_74 : i32
    %dma_wait3A_76 = tpu.memref_slice %arg4[%add3A_75] : memref<320000xi32, #tpu.memory_space<hbm>> -> memref<80xi32, #tpu.memory_space<hbm>>
    %dma_wait3A_77 = tpu.memref_slice %arg4[%add3A_75] : memref<320000xi32, #tpu.memory_space<hbm>> -> memref<80xi32, #tpu.memory_space<hbm>>
    tpu.wait_dma2 semaphore(%arg23 : memref<!tpu.dma_semaphore, #tpu.memory_space<semaphore_mem>>) src(%dma_wait3A_77 : memref<80xi32, #tpu.memory_space<hbm>>) dst(%arg10 : memref<80xi32, #tpu.memory_space<vmem>>)
    %dma_start3A_78 = arith.constant 0 : i32
    %dma_start3A_79 = arith.constant 0 : i32
    %dma_start3A_80 = tpu.memref_slice %arg2[%dma_start3A_78, %dma_start3A_79] : memref<10000x128xf32, #tpu.memory_space<hbm>> -> memref<10000x128xf32, #tpu.memory_space<hbm>>
    tpu.enqueue_indirect_dma source(%dma_start3A_80 : memref<10000x128xf32, #tpu.memory_space<hbm>>) target(%arg18 : memref<80x128xf32, #tpu.memory_space<vmem>>) offsets(%arg6 : memref<80xi32, #tpu.memory_space<vmem>>) semaphore(%arg27 : memref<!tpu.dma_semaphore, #tpu.memory_space<semaphore_mem>>)
    %add3A_81 = arith.constant 80 : i32
    %add3A_82 = arith.addi %mul3A_2, %add3A_81 : i32
    %dma_wait3A_83 = tpu.memref_slice %arg3[%add3A_82] : memref<320000xi32, #tpu.memory_space<hbm>> -> memref<80xi32, #tpu.memory_space<hbm>>
    %dma_wait3A_84 = tpu.memref_slice %arg3[%add3A_82] : memref<320000xi32, #tpu.memory_space<hbm>> -> memref<80xi32, #tpu.memory_space<hbm>>
    tpu.wait_dma2 semaphore(%arg24 : memref<!tpu.dma_semaphore, #tpu.memory_space<semaphore_mem>>) src(%dma_wait3A_84 : memref<80xi32, #tpu.memory_space<hbm>>) dst(%arg7 : memref<80xi32, #tpu.memory_space<vmem>>)
    %add3A_85 = arith.constant 80 : i32
    %add3A_86 = arith.addi %mul3A_2, %add3A_85 : i32
    %dma_wait3A_87 = tpu.memref_slice %arg4[%add3A_86] : memref<320000xi32, #tpu.memory_space<hbm>> -> memref<80xi32, #tpu.memory_space<hbm>>
    %dma_wait3A_88 = tpu.memref_slice %arg4[%add3A_86] : memref<320000xi32, #tpu.memory_space<hbm>> -> memref<80xi32, #tpu.memory_space<hbm>>
    tpu.wait_dma2 semaphore(%arg24 : memref<!tpu.dma_semaphore, #tpu.memory_space<semaphore_mem>>) src(%dma_wait3A_88 : memref<80xi32, #tpu.memory_space<hbm>>) dst(%arg11 : memref<80xi32, #tpu.memory_space<vmem>>)
    %dma_start3A_89 = arith.constant 0 : i32
    %dma_start3A_90 = arith.constant 0 : i32
    %dma_start3A_91 = tpu.memref_slice %arg2[%dma_start3A_89, %dma_start3A_90] : memref<10000x128xf32, #tpu.memory_space<hbm>> -> memref<10000x128xf32, #tpu.memory_space<hbm>>
    tpu.enqueue_indirect_dma source(%dma_start3A_91 : memref<10000x128xf32, #tpu.memory_space<hbm>>) target(%arg19 : memref<80x128xf32, #tpu.memory_space<vmem>>) offsets(%arg7 : memref<80xi32, #tpu.memory_space<vmem>>) semaphore(%arg28 : memref<!tpu.dma_semaphore, #tpu.memory_space<semaphore_mem>>)
    %add3A_92 = arith.constant 160 : i32
    %add3A_93 = arith.addi %mul3A_2, %add3A_92 : i32
    %dma_wait3A_94 = tpu.memref_slice %arg3[%add3A_93] : memref<320000xi32, #tpu.memory_space<hbm>> -> memref<80xi32, #tpu.memory_space<hbm>>
    %dma_wait3A_95 = tpu.memref_slice %arg3[%add3A_93] : memref<320000xi32, #tpu.memory_space<hbm>> -> memref<80xi32, #tpu.memory_space<hbm>>
    tpu.wait_dma2 semaphore(%arg25 : memref<!tpu.dma_semaphore, #tpu.memory_space<semaphore_mem>>) src(%dma_wait3A_95 : memref<80xi32, #tpu.memory_space<hbm>>) dst(%arg8 : memref<80xi32, #tpu.memory_space<vmem>>)
    %add3A_96 = arith.constant 160 : i32
    %add3A_97 = arith.addi %mul3A_2, %add3A_96 : i32
    %dma_wait3A_98 = tpu.memref_slice %arg4[%add3A_97] : memref<320000xi32, #tpu.memory_space<hbm>> -> memref<80xi32, #tpu.memory_space<hbm>>
    %dma_wait3A_99 = tpu.memref_slice %arg4[%add3A_97] : memref<320000xi32, #tpu.memory_space<hbm>> -> memref<80xi32, #tpu.memory_space<hbm>>
    tpu.wait_dma2 semaphore(%arg25 : memref<!tpu.dma_semaphore, #tpu.memory_space<semaphore_mem>>) src(%dma_wait3A_99 : memref<80xi32, #tpu.memory_space<hbm>>) dst(%arg12 : memref<80xi32, #tpu.memory_space<vmem>>)
    %dma_start3A_100 = arith.constant 0 : i32
    %dma_start3A_101 = arith.constant 0 : i32
    %dma_start3A_102 = tpu.memref_slice %arg2[%dma_start3A_100, %dma_start3A_101] : memref<10000x128xf32, #tpu.memory_space<hbm>> -> memref<10000x128xf32, #tpu.memory_space<hbm>>
    tpu.enqueue_indirect_dma source(%dma_start3A_102 : memref<10000x128xf32, #tpu.memory_space<hbm>>) target(%arg20 : memref<80x128xf32, #tpu.memory_space<vmem>>) offsets(%arg8 : memref<80xi32, #tpu.memory_space<vmem>>) semaphore(%arg29 : memref<!tpu.dma_semaphore, #tpu.memory_space<semaphore_mem>>)
    %dma_wait3A_103 = arith.constant 0 : i32
    %dma_wait3A_104 = arith.constant 0 : i32
    %dma_wait3A_105 = tpu.memref_slice %arg2[%dma_wait3A_103, %dma_wait3A_104] : memref<10000x128xf32, #tpu.memory_space<hbm>> -> memref<10000x128xf32, #tpu.memory_space<hbm>>
    tpu.wait_indirect_dma semaphore(%arg27 : memref<!tpu.dma_semaphore, #tpu.memory_space<semaphore_mem>>) src(%dma_wait3A_105 : memref<10000x128xf32, #tpu.memory_space<hbm>>) dst(%arg18 : memref<80x128xf32, #tpu.memory_space<vmem>>)
    %get3A = arith.constant 0 : index
    %get3A_106 = tpu.vector_load %arg10[%get3A] {strides = array<i32>} : memref<80xi32, #tpu.memory_space<vmem>>, vector<16xi32>,
    %get3A_107 = vector.shape_cast %get3A_106 : vector<16xi32> to vector<16xi32>
    %swap3A = arith.constant 0 : index
    %swap3A_108 = tpu.vector_load %arg14[%swap3A] {strides = array<i32>} : memref<80xi32, #tpu.memory_space<vmem>>, vector<16xi32>,
    %swap3A_109 = vector.shape_cast %swap3A_108 : vector<16xi32> to vector<16xi32>
    %swap3A_110 = vector.shape_cast %get3A_107 : vector<16xi32> to vector<16xi32>
    tpu.vector_store %arg14[%swap3A], %swap3A_110 {strides = array<i32>} : memref<80xi32, #tpu.memory_space<vmem>>, vector<16xi32>,
    %get3A_111 = arith.constant 16 : index
    %get3A_112 = tpu.vector_load %arg10[%get3A_111] {strides = array<i32>} : memref<80xi32, #tpu.memory_space<vmem>>, vector<16xi32>,
    %get3A_113 = vector.shape_cast %get3A_112 : vector<16xi32> to vector<16xi32>
    %swap3A_114 = arith.constant 16 : index
    %swap3A_115 = tpu.vector_load %arg14[%swap3A_114] {strides = array<i32>} : memref<80xi32, #tpu.memory_space<vmem>>, vector<16xi32>,
    %swap3A_116 = vector.shape_cast %swap3A_115 : vector<16xi32> to vector<16xi32>
    %swap3A_117 = vector.shape_cast %get3A_113 : vector<16xi32> to vector<16xi32>
    tpu.vector_store %arg14[%swap3A_114], %swap3A_117 {strides = array<i32>} : memref<80xi32, #tpu.memory_space<vmem>>, vector<16xi32>,
    %get3A_118 = arith.constant 32 : index
    %get3A_119 = tpu.vector_load %arg10[%get3A_118] {strides = array<i32>} : memref<80xi32, #tpu.memory_space<vmem>>, vector<16xi32>,
    %get3A_120 = vector.shape_cast %get3A_119 : vector<16xi32> to vector<16xi32>
    %swap3A_121 = arith.constant 32 : index
    %swap3A_122 = tpu.vector_load %arg14[%swap3A_121] {strides = array<i32>} : memref<80xi32, #tpu.memory_space<vmem>>, vector<16xi32>,
    %swap3A_123 = vector.shape_cast %swap3A_122 : vector<16xi32> to vector<16xi32>
    %swap3A_124 = vector.shape_cast %get3A_120 : vector<16xi32> to vector<16xi32>
    tpu.vector_store %arg14[%swap3A_121], %swap3A_124 {strides = array<i32>} : memref<80xi32, #tpu.memory_space<vmem>>, vector<16xi32>,
    %get3A_125 = arith.constant 48 : index
    %get3A_126 = tpu.vector_load %arg10[%get3A_125] {strides = array<i32>} : memref<80xi32, #tpu.memory_space<vmem>>, vector<16xi32>,
    %get3A_127 = vector.shape_cast %get3A_126 : vector<16xi32> to vector<16xi32>
    %swap3A_128 = arith.constant 48 : index
    %swap3A_129 = tpu.vector_load %arg14[%swap3A_128] {strides = array<i32>} : memref<80xi32, #tpu.memory_space<vmem>>, vector<16xi32>,
    %swap3A_130 = vector.shape_cast %swap3A_129 : vector<16xi32> to vector<16xi32>
    %swap3A_131 = vector.shape_cast %get3A_127 : vector<16xi32> to vector<16xi32>
    tpu.vector_store %arg14[%swap3A_128], %swap3A_131 {strides = array<i32>} : memref<80xi32, #tpu.memory_space<vmem>>, vector<16xi32>,
    %get3A_132 = arith.constant 64 : index
    %get3A_133 = tpu.vector_load %arg10[%get3A_132] {strides = array<i32>} : memref<80xi32, #tpu.memory_space<vmem>>, vector<16xi32>,
    %get3A_134 = vector.shape_cast %get3A_133 : vector<16xi32> to vector<16xi32>
    %swap3A_135 = arith.constant 64 : index
    %swap3A_136 = tpu.vector_load %arg14[%swap3A_135] {strides = array<i32>} : memref<80xi32, #tpu.memory_space<vmem>>, vector<16xi32>,
    %swap3A_137 = vector.shape_cast %swap3A_136 : vector<16xi32> to vector<16xi32>
    %swap3A_138 = vector.shape_cast %get3A_134 : vector<16xi32> to vector<16xi32>
    tpu.vector_store %arg14[%swap3A_135], %swap3A_138 {strides = array<i32>} : memref<80xi32, #tpu.memory_space<vmem>>, vector<16xi32>,
    %add3A_139 = arith.constant 320 : i32
    %add3A_140 = arith.addi %mul3A_2, %add3A_139 : i32
    %dma_start3A_141 = tpu.memref_slice %arg3[%add3A_140] : memref<320000xi32, #tpu.memory_space<hbm>> -> memref<80xi32, #tpu.memory_space<hbm>>
    %dma_start3A_142 = tpu.memref_slice %arg3[%add3A_140] : memref<320000xi32, #tpu.memory_space<hbm>> -> memref<80xi32, #tpu.memory_space<hbm>>
    tpu.enqueue_dma source(%dma_start3A_142 : memref<80xi32, #tpu.memory_space<hbm>>) target(%arg6 : memref<80xi32, #tpu.memory_space<vmem>>) target_semaphore(%arg23 : memref<!tpu.dma_semaphore, #tpu.memory_space<semaphore_mem>>)
    %add3A_143 = arith.constant 320 : i32
    %add3A_144 = arith.addi %mul3A_2, %add3A_143 : i32
    %dma_start3A_145 = tpu.memref_slice %arg4[%add3A_144] : memref<320000xi32, #tpu.memory_space<hbm>> -> memref<80xi32, #tpu.memory_space<hbm>>
    %dma_start3A_146 = tpu.memref_slice %arg4[%add3A_144] : memref<320000xi32, #tpu.memory_space<hbm>> -> memref<80xi32, #tpu.memory_space<hbm>>
    tpu.enqueue_dma source(%dma_start3A_146 : memref<80xi32, #tpu.memory_space<hbm>>) target(%arg10 : memref<80xi32, #tpu.memory_space<vmem>>) target_semaphore(%arg23 : memref<!tpu.dma_semaphore, #tpu.memory_space<semaphore_mem>>)
    %dma_start3A_147 = arith.constant 0 : i32
    %dma_start3A_148 = arith.constant 0 : i32
    %dma_start3A_149 = tpu.memref_slice %arg22[%dma_start3A_147, %dma_start3A_148] : memref<10240x128xf32, #tpu.memory_space<vmem_shared>> -> memref<10240x128xf32, #tpu.memory_space<vmem_shared>>
    tpu.enqueue_indirect_dma source(%arg18 : memref<80x128xf32, #tpu.memory_space<vmem>>) target(%dma_start3A_149 : memref<10240x128xf32, #tpu.memory_space<vmem_shared>>) offsets(%arg14 : memref<80xi32, #tpu.memory_space<vmem>>) semaphore(%arg31 : memref<!tpu.dma_semaphore, #tpu.memory_space<semaphore_mem>>) {add = true}
    %add3A_150 = arith.constant 240 : i32
    %add3A_151 = arith.addi %mul3A_2, %add3A_150 : i32
    %dma_wait3A_152 = tpu.memref_slice %arg3[%add3A_151] : memref<320000xi32, #tpu.memory_space<hbm>> -> memref<80xi32, #tpu.memory_space<hbm>>
    %dma_wait3A_153 = tpu.memref_slice %arg3[%add3A_151] : memref<320000xi32, #tpu.memory_space<hbm>> -> memref<80xi32, #tpu.memory_space<hbm>>
    tpu.wait_dma2 semaphore(%arg26 : memref<!tpu.dma_semaphore, #tpu.memory_space<semaphore_mem>>) src(%dma_wait3A_153 : memref<80xi32, #tpu.memory_space<hbm>>) dst(%arg9 : memref<80xi32, #tpu.memory_space<vmem>>)
    %add3A_154 = arith.constant 240 : i32
    %add3A_155 = arith.addi %mul3A_2, %add3A_154 : i32
    %dma_wait3A_156 = tpu.memref_slice %arg4[%add3A_155] : memref<320000xi32, #tpu.memory_space<hbm>> -> memref<80xi32, #tpu.memory_space<hbm>>
    %dma_wait3A_157 = tpu.memref_slice %arg4[%add3A_155] : memref<320000xi32, #tpu.memory_space<hbm>> -> memref<80xi32, #tpu.memory_space<hbm>>
    tpu.wait_dma2 semaphore(%arg26 : memref<!tpu.dma_semaphore, #tpu.memory_space<semaphore_mem>>) src(%dma_wait3A_157 : memref<80xi32, #tpu.memory_space<hbm>>) dst(%arg13 : memref<80xi32, #tpu.memory_space<vmem>>)
    %dma_start3A_158 = arith.constant 0 : i32
    %dma_start3A_159 = arith.constant 0 : i32
    %dma_start3A_160 = tpu.memref_slice %arg2[%dma_start3A_158, %dma_start3A_159] : memref<10000x128xf32, #tpu.memory_space<hbm>> -> memref<10000x128xf32, #tpu.memory_space<hbm>>
    tpu.enqueue_indirect_dma source(%dma_start3A_160 : memref<10000x128xf32, #tpu.memory_space<hbm>>) target(%arg21 : memref<80x128xf32, #tpu.memory_space<vmem>>) offsets(%arg9 : memref<80xi32, #tpu.memory_space<vmem>>) semaphore(%arg30 : memref<!tpu.dma_semaphore, #tpu.memory_space<semaphore_mem>>)
    %dma_wait3A_161 = arith.constant 0 : i32
    %dma_wait3A_162 = arith.constant 0 : i32
    %dma_wait3A_163 = tpu.memref_slice %arg2[%dma_wait3A_161, %dma_wait3A_162] : memref<10000x128xf32, #tpu.memory_space<hbm>> -> memref<10000x128xf32, #tpu.memory_space<hbm>>
    tpu.wait_indirect_dma semaphore(%arg28 : memref<!tpu.dma_semaphore, #tpu.memory_space<semaphore_mem>>) src(%dma_wait3A_163 : memref<10000x128xf32, #tpu.memory_space<hbm>>) dst(%arg19 : memref<80x128xf32, #tpu.memory_space<vmem>>)
    %get3A_164 = arith.constant 0 : index
    %get3A_165 = tpu.vector_load %arg11[%get3A_164] {strides = array<i32>} : memref<80xi32, #tpu.memory_space<vmem>>, vector<16xi32>,
    %get3A_166 = vector.shape_cast %get3A_165 : vector<16xi32> to vector<16xi32>
    %swap3A_167 = arith.constant 0 : index
    %swap3A_168 = tpu.vector_load %arg15[%swap3A_167] {strides = array<i32>} : memref<80xi32, #tpu.memory_space<vmem>>, vector<16xi32>,
    %swap3A_169 = vector.shape_cast %swap3A_168 : vector<16xi32> to vector<16xi32>
    %swap3A_170 = vector.shape_cast %get3A_166 : vector<16xi32> to vector<16xi32>
    tpu.vector_store %arg15[%swap3A_167], %swap3A_170 {strides = array<i32>} : memref<80xi32, #tpu.memory_space<vmem>>, vector<16xi32>,
    %get3A_171 = arith.constant 16 : index
    %get3A_172 = tpu.vector_load %arg11[%get3A_171] {strides = array<i32>} : memref<80xi32, #tpu.memory_space<vmem>>, vector<16xi32>,
    %get3A_173 = vector.shape_cast %get3A_172 : vector<16xi32> to vector<16xi32>
    %swap3A_174 = arith.constant 16 : index
    %swap3A_175 = tpu.vector_load %arg15[%swap3A_174] {strides = array<i32>} : memref<80xi32, #tpu.memory_space<vmem>>, vector<16xi32>,
    %swap3A_176 = vector.shape_cast %swap3A_175 : vector<16xi32> to vector<16xi32>
    %swap3A_177 = vector.shape_cast %get3A_173 : vector<16xi32> to vector<16xi32>
    tpu.vector_store %arg15[%swap3A_174], %swap3A_177 {strides = array<i32>} : memref<80xi32, #tpu.memory_space<vmem>>, vector<16xi32>,
    %get3A_178 = arith.constant 32 : index
    %get3A_179 = tpu.vector_load %arg11[%get3A_178] {strides = array<i32>} : memref<80xi32, #tpu.memory_space<vmem>>, vector<16xi32>,
    %get3A_180 = vector.shape_cast %get3A_179 : vector<16xi32> to vector<16xi32>
    %swap3A_181 = arith.constant 32 : index
    %swap3A_182 = tpu.vector_load %arg15[%swap3A_181] {strides = array<i32>} : memref<80xi32, #tpu.memory_space<vmem>>, vector<16xi32>,
    %swap3A_183 = vector.shape_cast %swap3A_182 : vector<16xi32> to vector<16xi32>
    %swap3A_184 = vector.shape_cast %get3A_180 : vector<16xi32> to vector<16xi32>
    tpu.vector_store %arg15[%swap3A_181], %swap3A_184 {strides = array<i32>} : memref<80xi32, #tpu.memory_space<vmem>>, vector<16xi32>,
    %get3A_185 = arith.constant 48 : index
    %get3A_186 = tpu.vector_load %arg11[%get3A_185] {strides = array<i32>} : memref<80xi32, #tpu.memory_space<vmem>>, vector<16xi32>,
    %get3A_187 = vector.shape_cast %get3A_186 : vector<16xi32> to vector<16xi32>
    %swap3A_188 = arith.constant 48 : index
    %swap3A_189 = tpu.vector_load %arg15[%swap3A_188] {strides = array<i32>} : memref<80xi32, #tpu.memory_space<vmem>>, vector<16xi32>,
    %swap3A_190 = vector.shape_cast %swap3A_189 : vector<16xi32> to vector<16xi32>
    %swap3A_191 = vector.shape_cast %get3A_187 : vector<16xi32> to vector<16xi32>
    tpu.vector_store %arg15[%swap3A_188], %swap3A_191 {strides = array<i32>} : memref<80xi32, #tpu.memory_space<vmem>>, vector<16xi32>,
    %get3A_192 = arith.constant 64 : index
    %get3A_193 = tpu.vector_load %arg11[%get3A_192] {strides = array<i32>} : memref<80xi32, #tpu.memory_space<vmem>>, vector<16xi32>,
    %get3A_194 = vector.shape_cast %get3A_193 : vector<16xi32> to vector<16xi32>
    %swap3A_195 = arith.constant 64 : index
    %swap3A_196 = tpu.vector_load %arg15[%swap3A_195] {strides = array<i32>} : memref<80xi32, #tpu.memory_space<vmem>>, vector<16xi32>,
    %swap3A_197 = vector.shape_cast %swap3A_196 : vector<16xi32> to vector<16xi32>
    %swap3A_198 = vector.shape_cast %get3A_194 : vector<16xi32> to vector<16xi32>
    tpu.vector_store %arg15[%swap3A_195], %swap3A_198 {strides = array<i32>} : memref<80xi32, #tpu.memory_space<vmem>>, vector<16xi32>,
    %add3A_199 = arith.constant 400 : i32
    %add3A_200 = arith.addi %mul3A_2, %add3A_199 : i32
    %dma_start3A_201 = tpu.memref_slice %arg3[%add3A_200] : memref<320000xi32, #tpu.memory_space<hbm>> -> memref<80xi32, #tpu.memory_space<hbm>>
    %dma_start3A_202 = tpu.memref_slice %arg3[%add3A_200] : memref<320000xi32, #tpu.memory_space<hbm>> -> memref<80xi32, #tpu.memory_space<hbm>>
    tpu.enqueue_dma source(%dma_start3A_202 : memref<80xi32, #tpu.memory_space<hbm>>) target(%arg7 : memref<80xi32, #tpu.memory_space<vmem>>) target_semaphore(%arg24 : memref<!tpu.dma_semaphore, #tpu.memory_space<semaphore_mem>>)
    %add3A_203 = arith.constant 400 : i32
    %add3A_204 = arith.addi %mul3A_2, %add3A_203 : i32
    %dma_start3A_205 = tpu.memref_slice %arg4[%add3A_204] : memref<320000xi32, #tpu.memory_space<hbm>> -> memref<80xi32, #tpu.memory_space<hbm>>
    %dma_start3A_206 = tpu.memref_slice %arg4[%add3A_204] : memref<320000xi32, #tpu.memory_space<hbm>> -> memref<80xi32, #tpu.memory_space<hbm>>
    tpu.enqueue_dma source(%dma_start3A_206 : memref<80xi32, #tpu.memory_space<hbm>>) target(%arg11 : memref<80xi32, #tpu.memory_space<vmem>>) target_semaphore(%arg24 : memref<!tpu.dma_semaphore, #tpu.memory_space<semaphore_mem>>)
    %dma_start3A_207 = arith.constant 0 : i32
    %dma_start3A_208 = arith.constant 0 : i32
    %dma_start3A_209 = tpu.memref_slice %arg22[%dma_start3A_207, %dma_start3A_208] : memref<10240x128xf32, #tpu.memory_space<vmem_shared>> -> memref<10240x128xf32, #tpu.memory_space<vmem_shared>>
    tpu.enqueue_indirect_dma source(%arg19 : memref<80x128xf32, #tpu.memory_space<vmem>>) target(%dma_start3A_209 : memref<10240x128xf32, #tpu.memory_space<vmem_shared>>) offsets(%arg15 : memref<80xi32, #tpu.memory_space<vmem>>) semaphore(%arg32 : memref<!tpu.dma_semaphore, #tpu.memory_space<semaphore_mem>>) {add = true}
    %scan3A_210 = arith.constant 0 : i32
    %scan3A_211 = arith.constant 0 : i32
    %scan3A_212 = arith.constant 29 : i32
    %scan3A_213 = arith.addi %scan3A_211, %scan3A_212 : i32
    %scan3A_214 = arith.constant 1 : i32
    scf.for %scan3A_614 = %scan3A_211 to %scan3A_213 step %scan3A_214  : i32 {
      %mul3A_615 = arith.constant 4 : i32
      %mul3A_616 = arith.muli %mul3A_615, %scan3A_614 : i32
      %add3A_617 = arith.constant 2 : i32
      %add3A_618 = arith.addi %add3A_617, %mul3A_616 : i32
      %add3A_619 = arith.constant 0 : i32
      %add3A_620 = arith.addi %add3A_618, %add3A_619 : i32
      %sub3A = arith.constant 2 : i32
      %sub3A_621 = arith.subi %add3A_620, %sub3A : i32
      %dma_wait3A_622 = arith.constant 0 : i32
      %dma_wait3A_623 = arith.constant 0 : i32
      %dma_wait3A_624 = tpu.memref_slice %arg22[%dma_wait3A_622, %dma_wait3A_623] : memref<10240x128xf32, #tpu.memory_space<vmem_shared>> -> memref<10240x128xf32, #tpu.memory_space<vmem_shared>>
      tpu.wait_indirect_dma semaphore(%arg31 : memref<!tpu.dma_semaphore, #tpu.memory_space<semaphore_mem>>) src(%arg18 : memref<80x128xf32, #tpu.memory_space<vmem>>) dst(%dma_wait3A_624 : memref<10240x128xf32, #tpu.memory_space<vmem_shared>>)
      %add3A_625 = arith.constant 2 : i32
      %add3A_626 = arith.addi %add3A_620, %add3A_625 : i32
      %mul3A_627 = arith.constant 80 : i32
      %mul3A_628 = arith.muli %add3A_626, %mul3A_627 : i32
      %add3A_629 = arith.addi %mul3A_2, %mul3A_628 : i32
      %dma_wait3A_630 = tpu.memref_slice %arg3[%add3A_629] : memref<320000xi32, #tpu.memory_space<hbm>> -> memref<80xi32, #tpu.memory_space<hbm>>
      %dma_wait3A_631 = tpu.memref_slice %arg3[%add3A_629] : memref<320000xi32, #tpu.memory_space<hbm>> -> memref<80xi32, #tpu.memory_space<hbm>>
      tpu.wait_dma2 semaphore(%arg23 : memref<!tpu.dma_semaphore, #tpu.memory_space<semaphore_mem>>) src(%dma_wait3A_631 : memref<80xi32, #tpu.memory_space<hbm>>) dst(%arg6 : memref<80xi32, #tpu.memory_space<vmem>>)
      %mul3A_632 = arith.constant 80 : i32
      %mul3A_633 = arith.muli %add3A_626, %mul3A_632 : i32
      %add3A_634 = arith.addi %mul3A_2, %mul3A_633 : i32
      %dma_wait3A_635 = tpu.memref_slice %arg4[%add3A_634] : memref<320000xi32, #tpu.memory_space<hbm>> -> memref<80xi32, #tpu.memory_space<hbm>>
      %dma_wait3A_636 = tpu.memref_slice %arg4[%add3A_634] : memref<320000xi32, #tpu.memory_space<hbm>> -> memref<80xi32, #tpu.memory_space<hbm>>
      tpu.wait_dma2 semaphore(%arg23 : memref<!tpu.dma_semaphore, #tpu.memory_space<semaphore_mem>>) src(%dma_wait3A_636 : memref<80xi32, #tpu.memory_space<hbm>>) dst(%arg10 : memref<80xi32, #tpu.memory_space<vmem>>)
      %add3A_637 = arith.constant 2 : i32
      %add3A_638 = arith.addi %add3A_620, %add3A_637 : i32
      %dma_start3A_639 = arith.constant 0 : i32
      %dma_start3A_640 = arith.constant 0 : i32
      %dma_start3A_641 = tpu.memref_slice %arg2[%dma_start3A_639, %dma_start3A_640] : memref<10000x128xf32, #tpu.memory_space<hbm>> -> memref<10000x128xf32, #tpu.memory_space<hbm>>
      tpu.enqueue_indirect_dma source(%dma_start3A_641 : memref<10000x128xf32, #tpu.memory_space<hbm>>) target(%arg18 : memref<80x128xf32, #tpu.memory_space<vmem>>) offsets(%arg6 : memref<80xi32, #tpu.memory_space<vmem>>) semaphore(%arg27 : memref<!tpu.dma_semaphore, #tpu.memory_space<semaphore_mem>>)
      %dma_wait3A_642 = arith.constant 0 : i32
      %dma_wait3A_643 = arith.constant 0 : i32
      %dma_wait3A_644 = tpu.memref_slice %arg2[%dma_wait3A_642, %dma_wait3A_643] : memref<10000x128xf32, #tpu.memory_space<hbm>> -> memref<10000x128xf32, #tpu.memory_space<hbm>>
      tpu.wait_indirect_dma semaphore(%arg29 : memref<!tpu.dma_semaphore, #tpu.memory_space<semaphore_mem>>) src(%dma_wait3A_644 : memref<10000x128xf32, #tpu.memory_space<hbm>>) dst(%arg20 : memref<80x128xf32, #tpu.memory_space<vmem>>)
      %get3A_645 = arith.constant 0 : index
      %get3A_646 = tpu.vector_load %arg12[%get3A_645] {strides = array<i32>} : memref<80xi32, #tpu.memory_space<vmem>>, vector<16xi32>,
      %get3A_647 = vector.shape_cast %get3A_646 : vector<16xi32> to vector<16xi32>
      %swap3A_648 = arith.constant 0 : index
      %swap3A_649 = tpu.vector_load %arg16[%swap3A_648] {strides = array<i32>} : memref<80xi32, #tpu.memory_space<vmem>>, vector<16xi32>,
      %swap3A_650 = vector.shape_cast %swap3A_649 : vector<16xi32> to vector<16xi32>
      %swap3A_651 = vector.shape_cast %get3A_647 : vector<16xi32> to vector<16xi32>
      tpu.vector_store %arg16[%swap3A_648], %swap3A_651 {strides = array<i32>} : memref<80xi32, #tpu.memory_space<vmem>>, vector<16xi32>,
      %get3A_652 = arith.constant 16 : index
      %get3A_653 = tpu.vector_load %arg12[%get3A_652] {strides = array<i32>} : memref<80xi32, #tpu.memory_space<vmem>>, vector<16xi32>,
      %get3A_654 = vector.shape_cast %get3A_653 : vector<16xi32> to vector<16xi32>
      %swap3A_655 = arith.constant 16 : index
      %swap3A_656 = tpu.vector_load %arg16[%swap3A_655] {strides = array<i32>} : memref<80xi32, #tpu.memory_space<vmem>>, vector<16xi32>,
      %swap3A_657 = vector.shape_cast %swap3A_656 : vector<16xi32> to vector<16xi32>
      %swap3A_658 = vector.shape_cast %get3A_654 : vector<16xi32> to vector<16xi32>
      tpu.vector_store %arg16[%swap3A_655], %swap3A_658 {strides = array<i32>} : memref<80xi32, #tpu.memory_space<vmem>>, vector<16xi32>,
      %get3A_659 = arith.constant 32 : index
      %get3A_660 = tpu.vector_load %arg12[%get3A_659] {strides = array<i32>} : memref<80xi32, #tpu.memory_space<vmem>>, vector<16xi32>,
      %get3A_661 = vector.shape_cast %get3A_660 : vector<16xi32> to vector<16xi32>
      %swap3A_662 = arith.constant 32 : index
      %swap3A_663 = tpu.vector_load %arg16[%swap3A_662] {strides = array<i32>} : memref<80xi32, #tpu.memory_space<vmem>>, vector<16xi32>,
      %swap3A_664 = vector.shape_cast %swap3A_663 : vector<16xi32> to vector<16xi32>
      %swap3A_665 = vector.shape_cast %get3A_661 : vector<16xi32> to vector<16xi32>
      tpu.vector_store %arg16[%swap3A_662], %swap3A_665 {strides = array<i32>} : memref<80xi32, #tpu.memory_space<vmem>>, vector<16xi32>,
      %get3A_666 = arith.constant 48 : index
      %get3A_667 = tpu.vector_load %arg12[%get3A_666] {strides = array<i32>} : memref<80xi32, #tpu.memory_space<vmem>>, vector<16xi32>,
      %get3A_668 = vector.shape_cast %get3A_667 : vector<16xi32> to vector<16xi32>
      %swap3A_669 = arith.constant 48 : index
      %swap3A_670 = tpu.vector_load %arg16[%swap3A_669] {strides = array<i32>} : memref<80xi32, #tpu.memory_space<vmem>>, vector<16xi32>,
      %swap3A_671 = vector.shape_cast %swap3A_670 : vector<16xi32> to vector<16xi32>
      %swap3A_672 = vector.shape_cast %get3A_668 : vector<16xi32> to vector<16xi32>
      tpu.vector_store %arg16[%swap3A_669], %swap3A_672 {strides = array<i32>} : memref<80xi32, #tpu.memory_space<vmem>>, vector<16xi32>,
      %get3A_673 = arith.constant 64 : index
      %get3A_674 = tpu.vector_load %arg12[%get3A_673] {strides = array<i32>} : memref<80xi32, #tpu.memory_space<vmem>>, vector<16xi32>,
      %get3A_675 = vector.shape_cast %get3A_674 : vector<16xi32> to vector<16xi32>
      %swap3A_676 = arith.constant 64 : index
      %swap3A_677 = tpu.vector_load %arg16[%swap3A_676] {strides = array<i32>} : memref<80xi32, #tpu.memory_space<vmem>>, vector<16xi32>,
      %swap3A_678 = vector.shape_cast %swap3A_677 : vector<16xi32> to vector<16xi32>
      %swap3A_679 = vector.shape_cast %get3A_675 : vector<16xi32> to vector<16xi32>
      tpu.vector_store %arg16[%swap3A_676], %swap3A_679 {strides = array<i32>} : memref<80xi32, #tpu.memory_space<vmem>>, vector<16xi32>,
      %add3A_680 = arith.constant 4 : i32
      %add3A_681 = arith.addi %add3A_620, %add3A_680 : i32
      %mul3A_682 = arith.constant 80 : i32
      %mul3A_683 = arith.muli %add3A_681, %mul3A_682 : i32
      %add3A_684 = arith.addi %mul3A_2, %mul3A_683 : i32
      %dma_start3A_685 = tpu.memref_slice %arg3[%add3A_684] : memref<320000xi32, #tpu.memory_space<hbm>> -> memref<80xi32, #tpu.memory_space<hbm>>
      %dma_start3A_686 = tpu.memref_slice %arg3[%add3A_684] : memref<320000xi32, #tpu.memory_space<hbm>> -> memref<80xi32, #tpu.memory_space<hbm>>
      tpu.enqueue_dma source(%dma_start3A_686 : memref<80xi32, #tpu.memory_space<hbm>>) target(%arg8 : memref<80xi32, #tpu.memory_space<vmem>>) target_semaphore(%arg25 : memref<!tpu.dma_semaphore, #tpu.memory_space<semaphore_mem>>)
      %mul3A_687 = arith.constant 80 : i32
      %mul3A_688 = arith.muli %add3A_681, %mul3A_687 : i32
      %add3A_689 = arith.addi %mul3A_2, %mul3A_688 : i32
      %dma_start3A_690 = tpu.memref_slice %arg4[%add3A_689] : memref<320000xi32, #tpu.memory_space<hbm>> -> memref<80xi32, #tpu.memory_space<hbm>>
      %dma_start3A_691 = tpu.memref_slice %arg4[%add3A_689] : memref<320000xi32, #tpu.memory_space<hbm>> -> memref<80xi32, #tpu.memory_space<hbm>>
      tpu.enqueue_dma source(%dma_start3A_691 : memref<80xi32, #tpu.memory_space<hbm>>) target(%arg12 : memref<80xi32, #tpu.memory_space<vmem>>) target_semaphore(%arg25 : memref<!tpu.dma_semaphore, #tpu.memory_space<semaphore_mem>>)
      %dma_start3A_692 = arith.constant 0 : i32
      %dma_start3A_693 = arith.constant 0 : i32
      %dma_start3A_694 = tpu.memref_slice %arg22[%dma_start3A_692, %dma_start3A_693] : memref<10240x128xf32, #tpu.memory_space<vmem_shared>> -> memref<10240x128xf32, #tpu.memory_space<vmem_shared>>
      tpu.enqueue_indirect_dma source(%arg20 : memref<80x128xf32, #tpu.memory_space<vmem>>) target(%dma_start3A_694 : memref<10240x128xf32, #tpu.memory_space<vmem_shared>>) offsets(%arg16 : memref<80xi32, #tpu.memory_space<vmem>>) semaphore(%arg33 : memref<!tpu.dma_semaphore, #tpu.memory_space<semaphore_mem>>) {add = true}
      %mul3A_695 = arith.constant 4 : i32
      %mul3A_696 = arith.muli %mul3A_695, %scan3A_614 : i32
      %add3A_697 = arith.constant 2 : i32
      %add3A_698 = arith.addi %add3A_697, %mul3A_696 : i32
      %add3A_699 = arith.constant 1 : i32
      %add3A_700 = arith.addi %add3A_698, %add3A_699 : i32
      %sub3A_701 = arith.constant 2 : i32
      %sub3A_702 = arith.subi %add3A_700, %sub3A_701 : i32
      %dma_wait3A_703 = arith.constant 0 : i32
      %dma_wait3A_704 = arith.constant 0 : i32
      %dma_wait3A_705 = tpu.memref_slice %arg22[%dma_wait3A_703, %dma_wait3A_704] : memref<10240x128xf32, #tpu.memory_space<vmem_shared>> -> memref<10240x128xf32, #tpu.memory_space<vmem_shared>>
      tpu.wait_indirect_dma semaphore(%arg32 : memref<!tpu.dma_semaphore, #tpu.memory_space<semaphore_mem>>) src(%arg19 : memref<80x128xf32, #tpu.memory_space<vmem>>) dst(%dma_wait3A_705 : memref<10240x128xf32, #tpu.memory_space<vmem_shared>>)
      %add3A_706 = arith.constant 2 : i32
      %add3A_707 = arith.addi %add3A_700, %add3A_706 : i32
      %mul3A_708 = arith.constant 80 : i32
      %mul3A_709 = arith.muli %add3A_707, %mul3A_708 : i32
      %add3A_710 = arith.addi %mul3A_2, %mul3A_709 : i32
      %dma_wait3A_711 = tpu.memref_slice %arg3[%add3A_710] : memref<320000xi32, #tpu.memory_space<hbm>> -> memref<80xi32, #tpu.memory_space<hbm>>
      %dma_wait3A_712 = tpu.memref_slice %arg3[%add3A_710] : memref<320000xi32, #tpu.memory_space<hbm>> -> memref<80xi32, #tpu.memory_space<hbm>>
      tpu.wait_dma2 semaphore(%arg24 : memref<!tpu.dma_semaphore, #tpu.memory_space<semaphore_mem>>) src(%dma_wait3A_712 : memref<80xi32, #tpu.memory_space<hbm>>) dst(%arg7 : memref<80xi32, #tpu.memory_space<vmem>>)
      %mul3A_713 = arith.constant 80 : i32
      %mul3A_714 = arith.muli %add3A_707, %mul3A_713 : i32
      %add3A_715 = arith.addi %mul3A_2, %mul3A_714 : i32
      %dma_wait3A_716 = tpu.memref_slice %arg4[%add3A_715] : memref<320000xi32, #tpu.memory_space<hbm>> -> memref<80xi32, #tpu.memory_space<hbm>>
      %dma_wait3A_717 = tpu.memref_slice %arg4[%add3A_715] : memref<320000xi32, #tpu.memory_space<hbm>> -> memref<80xi32, #tpu.memory_space<hbm>>
      tpu.wait_dma2 semaphore(%arg24 : memref<!tpu.dma_semaphore, #tpu.memory_space<semaphore_mem>>) src(%dma_wait3A_717 : memref<80xi32, #tpu.memory_space<hbm>>) dst(%arg11 : memref<80xi32, #tpu.memory_space<vmem>>)
      %add3A_718 = arith.constant 2 : i32
      %add3A_719 = arith.addi %add3A_700, %add3A_718 : i32
      %dma_start3A_720 = arith.constant 0 : i32
      %dma_start3A_721 = arith.constant 0 : i32
      %dma_start3A_722 = tpu.memref_slice %arg2[%dma_start3A_720, %dma_start3A_721] : memref<10000x128xf32, #tpu.memory_space<hbm>> -> memref<10000x128xf32, #tpu.memory_space<hbm>>
      tpu.enqueue_indirect_dma source(%dma_start3A_722 : memref<10000x128xf32, #tpu.memory_space<hbm>>) target(%arg19 : memref<80x128xf32, #tpu.memory_space<vmem>>) offsets(%arg7 : memref<80xi32, #tpu.memory_space<vmem>>) semaphore(%arg28 : memref<!tpu.dma_semaphore, #tpu.memory_space<semaphore_mem>>)
      %dma_wait3A_723 = arith.constant 0 : i32
      %dma_wait3A_724 = arith.constant 0 : i32
      %dma_wait3A_725 = tpu.memref_slice %arg2[%dma_wait3A_723, %dma_wait3A_724] : memref<10000x128xf32, #tpu.memory_space<hbm>> -> memref<10000x128xf32, #tpu.memory_space<hbm>>
      tpu.wait_indirect_dma semaphore(%arg30 : memref<!tpu.dma_semaphore, #tpu.memory_space<semaphore_mem>>) src(%dma_wait3A_725 : memref<10000x128xf32, #tpu.memory_space<hbm>>) dst(%arg21 : memref<80x128xf32, #tpu.memory_space<vmem>>)
      %get3A_726 = arith.constant 0 : index
      %get3A_727 = tpu.vector_load %arg13[%get3A_726] {strides = array<i32>} : memref<80xi32, #tpu.memory_space<vmem>>, vector<16xi32>,
      %get3A_728 = vector.shape_cast %get3A_727 : vector<16xi32> to vector<16xi32>
      %swap3A_729 = arith.constant 0 : index
      %swap3A_730 = tpu.vector_load %arg17[%swap3A_729] {strides = array<i32>} : memref<80xi32, #tpu.memory_space<vmem>>, vector<16xi32>,
      %swap3A_731 = vector.shape_cast %swap3A_730 : vector<16xi32> to vector<16xi32>
      %swap3A_732 = vector.shape_cast %get3A_728 : vector<16xi32> to vector<16xi32>
      tpu.vector_store %arg17[%swap3A_729], %swap3A_732 {strides = array<i32>} : memref<80xi32, #tpu.memory_space<vmem>>, vector<16xi32>,
      %get3A_733 = arith.constant 16 : index
      %get3A_734 = tpu.vector_load %arg13[%get3A_733] {strides = array<i32>} : memref<80xi32, #tpu.memory_space<vmem>>, vector<16xi32>,
      %get3A_735 = vector.shape_cast %get3A_734 : vector<16xi32> to vector<16xi32>
      %swap3A_736 = arith.constant 16 : index
      %swap3A_737 = tpu.vector_load %arg17[%swap3A_736] {strides = array<i32>} : memref<80xi32, #tpu.memory_space<vmem>>, vector<16xi32>,
      %swap3A_738 = vector.shape_cast %swap3A_737 : vector<16xi32> to vector<16xi32>
      %swap3A_739 = vector.shape_cast %get3A_735 : vector<16xi32> to vector<16xi32>
      tpu.vector_store %arg17[%swap3A_736], %swap3A_739 {strides = array<i32>} : memref<80xi32, #tpu.memory_space<vmem>>, vector<16xi32>,
      %get3A_740 = arith.constant 32 : index
      %get3A_741 = tpu.vector_load %arg13[%get3A_740] {strides = array<i32>} : memref<80xi32, #tpu.memory_space<vmem>>, vector<16xi32>,
      %get3A_742 = vector.shape_cast %get3A_741 : vector<16xi32> to vector<16xi32>
      %swap3A_743 = arith.constant 32 : index
      %swap3A_744 = tpu.vector_load %arg17[%swap3A_743] {strides = array<i32>} : memref<80xi32, #tpu.memory_space<vmem>>, vector<16xi32>,
      %swap3A_745 = vector.shape_cast %swap3A_744 : vector<16xi32> to vector<16xi32>
      %swap3A_746 = vector.shape_cast %get3A_742 : vector<16xi32> to vector<16xi32>
      tpu.vector_store %arg17[%swap3A_743], %swap3A_746 {strides = array<i32>} : memref<80xi32, #tpu.memory_space<vmem>>, vector<16xi32>,
      %get3A_747 = arith.constant 48 : index
      %get3A_748 = tpu.vector_load %arg13[%get3A_747] {strides = array<i32>} : memref<80xi32, #tpu.memory_space<vmem>>, vector<16xi32>,
      %get3A_749 = vector.shape_cast %get3A_748 : vector<16xi32> to vector<16xi32>
      %swap3A_750 = arith.constant 48 : index
      %swap3A_751 = tpu.vector_load %arg17[%swap3A_750] {strides = array<i32>} : memref<80xi32, #tpu.memory_space<vmem>>, vector<16xi32>,
      %swap3A_752 = vector.shape_cast %swap3A_751 : vector<16xi32> to vector<16xi32>
      %swap3A_753 = vector.shape_cast %get3A_749 : vector<16xi32> to vector<16xi32>
      tpu.vector_store %arg17[%swap3A_750], %swap3A_753 {strides = array<i32>} : memref<80xi32, #tpu.memory_space<vmem>>, vector<16xi32>,
      %get3A_754 = arith.constant 64 : index
      %get3A_755 = tpu.vector_load %arg13[%get3A_754] {strides = array<i32>} : memref<80xi32, #tpu.memory_space<vmem>>, vector<16xi32>,
      %get3A_756 = vector.shape_cast %get3A_755 : vector<16xi32> to vector<16xi32>
      %swap3A_757 = arith.constant 64 : index
      %swap3A_758 = tpu.vector_load %arg17[%swap3A_757] {strides = array<i32>} : memref<80xi32, #tpu.memory_space<vmem>>, vector<16xi32>,
      %swap3A_759 = vector.shape_cast %swap3A_758 : vector<16xi32> to vector<16xi32>
      %swap3A_760 = vector.shape_cast %get3A_756 : vector<16xi32> to vector<16xi32>
      tpu.vector_store %arg17[%swap3A_757], %swap3A_760 {strides = array<i32>} : memref<80xi32, #tpu.memory_space<vmem>>, vector<16xi32>,
      %add3A_761 = arith.constant 4 : i32
      %add3A_762 = arith.addi %add3A_700, %add3A_761 : i32
      %mul3A_763 = arith.constant 80 : i32
      %mul3A_764 = arith.muli %add3A_762, %mul3A_763 : i32
      %add3A_765 = arith.addi %mul3A_2, %mul3A_764 : i32
      %dma_start3A_766 = tpu.memref_slice %arg3[%add3A_765] : memref<320000xi32, #tpu.memory_space<hbm>> -> memref<80xi32, #tpu.memory_space<hbm>>
      %dma_start3A_767 = tpu.memref_slice %arg3[%add3A_765] : memref<320000xi32, #tpu.memory_space<hbm>> -> memref<80xi32, #tpu.memory_space<hbm>>
      tpu.enqueue_dma source(%dma_start3A_767 : memref<80xi32, #tpu.memory_space<hbm>>) target(%arg9 : memref<80xi32, #tpu.memory_space<vmem>>) target_semaphore(%arg26 : memref<!tpu.dma_semaphore, #tpu.memory_space<semaphore_mem>>)
      %mul3A_768 = arith.constant 80 : i32
      %mul3A_769 = arith.muli %add3A_762, %mul3A_768 : i32
      %add3A_770 = arith.addi %mul3A_2, %mul3A_769 : i32
      %dma_start3A_771 = tpu.memref_slice %arg4[%add3A_770] : memref<320000xi32, #tpu.memory_space<hbm>> -> memref<80xi32, #tpu.memory_space<hbm>>
      %dma_start3A_772 = tpu.memref_slice %arg4[%add3A_770] : memref<320000xi32, #tpu.memory_space<hbm>> -> memref<80xi32, #tpu.memory_space<hbm>>
      tpu.enqueue_dma source(%dma_start3A_772 : memref<80xi32, #tpu.memory_space<hbm>>) target(%arg13 : memref<80xi32, #tpu.memory_space<vmem>>) target_semaphore(%arg26 : memref<!tpu.dma_semaphore, #tpu.memory_space<semaphore_mem>>)
      %dma_start3A_773 = arith.constant 0 : i32
      %dma_start3A_774 = arith.constant 0 : i32
      %dma_start3A_775 = tpu.memref_slice %arg22[%dma_start3A_773, %dma_start3A_774] : memref<10240x128xf32, #tpu.memory_space<vmem_shared>> -> memref<10240x128xf32, #tpu.memory_space<vmem_shared>>
      tpu.enqueue_indirect_dma source(%arg21 : memref<80x128xf32, #tpu.memory_space<vmem>>) target(%dma_start3A_775 : memref<10240x128xf32, #tpu.memory_space<vmem_shared>>) offsets(%arg17 : memref<80xi32, #tpu.memory_space<vmem>>) semaphore(%arg34 : memref<!tpu.dma_semaphore, #tpu.memory_space<semaphore_mem>>) {add = true}
      %mul3A_776 = arith.constant 4 : i32
      %mul3A_777 = arith.muli %mul3A_776, %scan3A_614 : i32
      %add3A_778 = arith.constant 2 : i32
      %add3A_779 = arith.addi %add3A_778, %mul3A_777 : i32
      %add3A_780 = arith.constant 2 : i32
      %add3A_781 = arith.addi %add3A_779, %add3A_780 : i32
      %sub3A_782 = arith.constant 2 : i32
      %sub3A_783 = arith.subi %add3A_781, %sub3A_782 : i32
      %dma_wait3A_784 = arith.constant 0 : i32
      %dma_wait3A_785 = arith.constant 0 : i32
      %dma_wait3A_786 = tpu.memref_slice %arg22[%dma_wait3A_784, %dma_wait3A_785] : memref<10240x128xf32, #tpu.memory_space<vmem_shared>> -> memref<10240x128xf32, #tpu.memory_space<vmem_shared>>
      tpu.wait_indirect_dma semaphore(%arg33 : memref<!tpu.dma_semaphore, #tpu.memory_space<semaphore_mem>>) src(%arg20 : memref<80x128xf32, #tpu.memory_space<vmem>>) dst(%dma_wait3A_786 : memref<10240x128xf32, #tpu.memory_space<vmem_shared>>)
      %add3A_787 = arith.constant 2 : i32
      %add3A_788 = arith.addi %add3A_781, %add3A_787 : i32
      %mul3A_789 = arith.constant 80 : i32
      %mul3A_790 = arith.muli %add3A_788, %mul3A_789 : i32
      %add3A_791 = arith.addi %mul3A_2, %mul3A_790 : i32
      %dma_wait3A_792 = tpu.memref_slice %arg3[%add3A_791] : memref<320000xi32, #tpu.memory_space<hbm>> -> memref<80xi32, #tpu.memory_space<hbm>>
      %dma_wait3A_793 = tpu.memref_slice %arg3[%add3A_791] : memref<320000xi32, #tpu.memory_space<hbm>> -> memref<80xi32, #tpu.memory_space<hbm>>
      tpu.wait_dma2 semaphore(%arg25 : memref<!tpu.dma_semaphore, #tpu.memory_space<semaphore_mem>>) src(%dma_wait3A_793 : memref<80xi32, #tpu.memory_space<hbm>>) dst(%arg8 : memref<80xi32, #tpu.memory_space<vmem>>)
      %mul3A_794 = arith.constant 80 : i32
      %mul3A_795 = arith.muli %add3A_788, %mul3A_794 : i32
      %add3A_796 = arith.addi %mul3A_2, %mul3A_795 : i32
      %dma_wait3A_797 = tpu.memref_slice %arg4[%add3A_796] : memref<320000xi32, #tpu.memory_space<hbm>> -> memref<80xi32, #tpu.memory_space<hbm>>
      %dma_wait3A_798 = tpu.memref_slice %arg4[%add3A_796] : memref<320000xi32, #tpu.memory_space<hbm>> -> memref<80xi32, #tpu.memory_space<hbm>>
      tpu.wait_dma2 semaphore(%arg25 : memref<!tpu.dma_semaphore, #tpu.memory_space<semaphore_mem>>) src(%dma_wait3A_798 : memref<80xi32, #tpu.memory_space<hbm>>) dst(%arg12 : memref<80xi32, #tpu.memory_space<vmem>>)
      %add3A_799 = arith.constant 2 : i32
      %add3A_800 = arith.addi %add3A_781, %add3A_799 : i32
      %dma_start3A_801 = arith.constant 0 : i32
      %dma_start3A_802 = arith.constant 0 : i32
      %dma_start3A_803 = tpu.memref_slice %arg2[%dma_start3A_801, %dma_start3A_802] : memref<10000x128xf32, #tpu.memory_space<hbm>> -> memref<10000x128xf32, #tpu.memory_space<hbm>>
      tpu.enqueue_indirect_dma source(%dma_start3A_803 : memref<10000x128xf32, #tpu.memory_space<hbm>>) target(%arg20 : memref<80x128xf32, #tpu.memory_space<vmem>>) offsets(%arg8 : memref<80xi32, #tpu.memory_space<vmem>>) semaphore(%arg29 : memref<!tpu.dma_semaphore, #tpu.memory_space<semaphore_mem>>)
      %dma_wait3A_804 = arith.constant 0 : i32
      %dma_wait3A_805 = arith.constant 0 : i32
      %dma_wait3A_806 = tpu.memref_slice %arg2[%dma_wait3A_804, %dma_wait3A_805] : memref<10000x128xf32, #tpu.memory_space<hbm>> -> memref<10000x128xf32, #tpu.memory_space<hbm>>
      tpu.wait_indirect_dma semaphore(%arg27 : memref<!tpu.dma_semaphore, #tpu.memory_space<semaphore_mem>>) src(%dma_wait3A_806 : memref<10000x128xf32, #tpu.memory_space<hbm>>) dst(%arg18 : memref<80x128xf32, #tpu.memory_space<vmem>>)
      %get3A_807 = arith.constant 0 : index
      %get3A_808 = tpu.vector_load %arg10[%get3A_807] {strides = array<i32>} : memref<80xi32, #tpu.memory_space<vmem>>, vector<16xi32>,
      %get3A_809 = vector.shape_cast %get3A_808 : vector<16xi32> to vector<16xi32>
      %swap3A_810 = arith.constant 0 : index
      %swap3A_811 = tpu.vector_load %arg14[%swap3A_810] {strides = array<i32>} : memref<80xi32, #tpu.memory_space<vmem>>, vector<16xi32>,
      %swap3A_812 = vector.shape_cast %swap3A_811 : vector<16xi32> to vector<16xi32>
      %swap3A_813 = vector.shape_cast %get3A_809 : vector<16xi32> to vector<16xi32>
      tpu.vector_store %arg14[%swap3A_810], %swap3A_813 {strides = array<i32>} : memref<80xi32, #tpu.memory_space<vmem>>, vector<16xi32>,
      %get3A_814 = arith.constant 16 : index
      %get3A_815 = tpu.vector_load %arg10[%get3A_814] {strides = array<i32>} : memref<80xi32, #tpu.memory_space<vmem>>, vector<16xi32>,
      %get3A_816 = vector.shape_cast %get3A_815 : vector<16xi32> to vector<16xi32>
      %swap3A_817 = arith.constant 16 : index
      %swap3A_818 = tpu.vector_load %arg14[%swap3A_817] {strides = array<i32>} : memref<80xi32, #tpu.memory_space<vmem>>, vector<16xi32>,
      %swap3A_819 = vector.shape_cast %swap3A_818 : vector<16xi32> to vector<16xi32>
      %swap3A_820 = vector.shape_cast %get3A_816 : vector<16xi32> to vector<16xi32>
      tpu.vector_store %arg14[%swap3A_817], %swap3A_820 {strides = array<i32>} : memref<80xi32, #tpu.memory_space<vmem>>, vector<16xi32>,
      %get3A_821 = arith.constant 32 : index
      %get3A_822 = tpu.vector_load %arg10[%get3A_821] {strides = array<i32>} : memref<80xi32, #tpu.memory_space<vmem>>, vector<16xi32>,
      %get3A_823 = vector.shape_cast %get3A_822 : vector<16xi32> to vector<16xi32>
      %swap3A_824 = arith.constant 32 : index
      %swap3A_825 = tpu.vector_load %arg14[%swap3A_824] {strides = array<i32>} : memref<80xi32, #tpu.memory_space<vmem>>, vector<16xi32>,
      %swap3A_826 = vector.shape_cast %swap3A_825 : vector<16xi32> to vector<16xi32>
      %swap3A_827 = vector.shape_cast %get3A_823 : vector<16xi32> to vector<16xi32>
      tpu.vector_store %arg14[%swap3A_824], %swap3A_827 {strides = array<i32>} : memref<80xi32, #tpu.memory_space<vmem>>, vector<16xi32>,
      %get3A_828 = arith.constant 48 : index
      %get3A_829 = tpu.vector_load %arg10[%get3A_828] {strides = array<i32>} : memref<80xi32, #tpu.memory_space<vmem>>, vector<16xi32>,
      %get3A_830 = vector.shape_cast %get3A_829 : vector<16xi32> to vector<16xi32>
      %swap3A_831 = arith.constant 48 : index
      %swap3A_832 = tpu.vector_load %arg14[%swap3A_831] {strides = array<i32>} : memref<80xi32, #tpu.memory_space<vmem>>, vector<16xi32>,
      %swap3A_833 = vector.shape_cast %swap3A_832 : vector<16xi32> to vector<16xi32>
      %swap3A_834 = vector.shape_cast %get3A_830 : vector<16xi32> to vector<16xi32>
      tpu.vector_store %arg14[%swap3A_831], %swap3A_834 {strides = array<i32>} : memref<80xi32, #tpu.memory_space<vmem>>, vector<16xi32>,
      %get3A_835 = arith.constant 64 : index
      %get3A_836 = tpu.vector_load %arg10[%get3A_835] {strides = array<i32>} : memref<80xi32, #tpu.memory_space<vmem>>, vector<16xi32>,
      %get3A_837 = vector.shape_cast %get3A_836 : vector<16xi32> to vector<16xi32>
      %swap3A_838 = arith.constant 64 : index
      %swap3A_839 = tpu.vector_load %arg14[%swap3A_838] {strides = array<i32>} : memref<80xi32, #tpu.memory_space<vmem>>, vector<16xi32>,
      %swap3A_840 = vector.shape_cast %swap3A_839 : vector<16xi32> to vector<16xi32>
      %swap3A_841 = vector.shape_cast %get3A_837 : vector<16xi32> to vector<16xi32>
      tpu.vector_store %arg14[%swap3A_838], %swap3A_841 {strides = array<i32>} : memref<80xi32, #tpu.memory_space<vmem>>, vector<16xi32>,
      %add3A_842 = arith.constant 4 : i32
      %add3A_843 = arith.addi %add3A_781, %add3A_842 : i32
      %mul3A_844 = arith.constant 80 : i32
      %mul3A_845 = arith.muli %add3A_843, %mul3A_844 : i32
      %add3A_846 = arith.addi %mul3A_2, %mul3A_845 : i32
      %dma_start3A_847 = tpu.memref_slice %arg3[%add3A_846] : memref<320000xi32, #tpu.memory_space<hbm>> -> memref<80xi32, #tpu.memory_space<hbm>>
      %dma_start3A_848 = tpu.memref_slice %arg3[%add3A_846] : memref<320000xi32, #tpu.memory_space<hbm>> -> memref<80xi32, #tpu.memory_space<hbm>>
      tpu.enqueue_dma source(%dma_start3A_848 : memref<80xi32, #tpu.memory_space<hbm>>) target(%arg6 : memref<80xi32, #tpu.memory_space<vmem>>) target_semaphore(%arg23 : memref<!tpu.dma_semaphore, #tpu.memory_space<semaphore_mem>>)
      %mul3A_849 = arith.constant 80 : i32
      %mul3A_850 = arith.muli %add3A_843, %mul3A_849 : i32
      %add3A_851 = arith.addi %mul3A_2, %mul3A_850 : i32
      %dma_start3A_852 = tpu.memref_slice %arg4[%add3A_851] : memref<320000xi32, #tpu.memory_space<hbm>> -> memref<80xi32, #tpu.memory_space<hbm>>
      %dma_start3A_853 = tpu.memref_slice %arg4[%add3A_851] : memref<320000xi32, #tpu.memory_space<hbm>> -> memref<80xi32, #tpu.memory_space<hbm>>
      tpu.enqueue_dma source(%dma_start3A_853 : memref<80xi32, #tpu.memory_space<hbm>>) target(%arg10 : memref<80xi32, #tpu.memory_space<vmem>>) target_semaphore(%arg23 : memref<!tpu.dma_semaphore, #tpu.memory_space<semaphore_mem>>)
      %dma_start3A_854 = arith.constant 0 : i32
      %dma_start3A_855 = arith.constant 0 : i32
      %dma_start3A_856 = tpu.memref_slice %arg22[%dma_start3A_854, %dma_start3A_855] : memref<10240x128xf32, #tpu.memory_space<vmem_shared>> -> memref<10240x128xf32, #tpu.memory_space<vmem_shared>>
      tpu.enqueue_indirect_dma source(%arg18 : memref<80x128xf32, #tpu.memory_space<vmem>>) target(%dma_start3A_856 : memref<10240x128xf32, #tpu.memory_space<vmem_shared>>) offsets(%arg14 : memref<80xi32, #tpu.memory_space<vmem>>) semaphore(%arg31 : memref<!tpu.dma_semaphore, #tpu.memory_space<semaphore_mem>>) {add = true}
      %mul3A_857 = arith.constant 4 : i32
      %mul3A_858 = arith.muli %mul3A_857, %scan3A_614 : i32
      %add3A_859 = arith.constant 2 : i32
      %add3A_860 = arith.addi %add3A_859, %mul3A_858 : i32
      %add3A_861 = arith.constant 3 : i32
      %add3A_862 = arith.addi %add3A_860, %add3A_861 : i32
      %sub3A_863 = arith.constant 2 : i32
      %sub3A_864 = arith.subi %add3A_862, %sub3A_863 : i32
      %dma_wait3A_865 = arith.constant 0 : i32
      %dma_wait3A_866 = arith.constant 0 : i32
      %dma_wait3A_867 = tpu.memref_slice %arg22[%dma_wait3A_865, %dma_wait3A_866] : memref<10240x128xf32, #tpu.memory_space<vmem_shared>> -> memref<10240x128xf32, #tpu.memory_space<vmem_shared>>
      tpu.wait_indirect_dma semaphore(%arg34 : memref<!tpu.dma_semaphore, #tpu.memory_space<semaphore_mem>>) src(%arg21 : memref<80x128xf32, #tpu.memory_space<vmem>>) dst(%dma_wait3A_867 : memref<10240x128xf32, #tpu.memory_space<vmem_shared>>)
      %add3A_868 = arith.constant 2 : i32
      %add3A_869 = arith.addi %add3A_862, %add3A_868 : i32
      %mul3A_870 = arith.constant 80 : i32
      %mul3A_871 = arith.muli %add3A_869, %mul3A_870 : i32
      %add3A_872 = arith.addi %mul3A_2, %mul3A_871 : i32
      %dma_wait3A_873 = tpu.memref_slice %arg3[%add3A_872] : memref<320000xi32, #tpu.memory_space<hbm>> -> memref<80xi32, #tpu.memory_space<hbm>>
      %dma_wait3A_874 = tpu.memref_slice %arg3[%add3A_872] : memref<320000xi32, #tpu.memory_space<hbm>> -> memref<80xi32, #tpu.memory_space<hbm>>
      tpu.wait_dma2 semaphore(%arg26 : memref<!tpu.dma_semaphore, #tpu.memory_space<semaphore_mem>>) src(%dma_wait3A_874 : memref<80xi32, #tpu.memory_space<hbm>>) dst(%arg9 : memref<80xi32, #tpu.memory_space<vmem>>)
      %mul3A_875 = arith.constant 80 : i32
      %mul3A_876 = arith.muli %add3A_869, %mul3A_875 : i32
      %add3A_877 = arith.addi %mul3A_2, %mul3A_876 : i32
      %dma_wait3A_878 = tpu.memref_slice %arg4[%add3A_877] : memref<320000xi32, #tpu.memory_space<hbm>> -> memref<80xi32, #tpu.memory_space<hbm>>
      %dma_wait3A_879 = tpu.memref_slice %arg4[%add3A_877] : memref<320000xi32, #tpu.memory_space<hbm>> -> memref<80xi32, #tpu.memory_space<hbm>>
      tpu.wait_dma2 semaphore(%arg26 : memref<!tpu.dma_semaphore, #tpu.memory_space<semaphore_mem>>) src(%dma_wait3A_879 : memref<80xi32, #tpu.memory_space<hbm>>) dst(%arg13 : memref<80xi32, #tpu.memory_space<vmem>>)
      %add3A_880 = arith.constant 2 : i32
      %add3A_881 = arith.addi %add3A_862, %add3A_880 : i32
      %dma_start3A_882 = arith.constant 0 : i32
      %dma_start3A_883 = arith.constant 0 : i32
      %dma_start3A_884 = tpu.memref_slice %arg2[%dma_start3A_882, %dma_start3A_883] : memref<10000x128xf32, #tpu.memory_space<hbm>> -> memref<10000x128xf32, #tpu.memory_space<hbm>>
      tpu.enqueue_indirect_dma source(%dma_start3A_884 : memref<10000x128xf32, #tpu.memory_space<hbm>>) target(%arg21 : memref<80x128xf32, #tpu.memory_space<vmem>>) offsets(%arg9 : memref<80xi32, #tpu.memory_space<vmem>>) semaphore(%arg30 : memref<!tpu.dma_semaphore, #tpu.memory_space<semaphore_mem>>)
      %dma_wait3A_885 = arith.constant 0 : i32
      %dma_wait3A_886 = arith.constant 0 : i32
      %dma_wait3A_887 = tpu.memref_slice %arg2[%dma_wait3A_885, %dma_wait3A_886] : memref<10000x128xf32, #tpu.memory_space<hbm>> -> memref<10000x128xf32, #tpu.memory_space<hbm>>
      tpu.wait_indirect_dma semaphore(%arg28 : memref<!tpu.dma_semaphore, #tpu.memory_space<semaphore_mem>>) src(%dma_wait3A_887 : memref<10000x128xf32, #tpu.memory_space<hbm>>) dst(%arg19 : memref<80x128xf32, #tpu.memory_space<vmem>>)
      %get3A_888 = arith.constant 0 : index
      %get3A_889 = tpu.vector_load %arg11[%get3A_888] {strides = array<i32>} : memref<80xi32, #tpu.memory_space<vmem>>, vector<16xi32>,
      %get3A_890 = vector.shape_cast %get3A_889 : vector<16xi32> to vector<16xi32>
      %swap3A_891 = arith.constant 0 : index
      %swap3A_892 = tpu.vector_load %arg15[%swap3A_891] {strides = array<i32>} : memref<80xi32, #tpu.memory_space<vmem>>, vector<16xi32>,
      %swap3A_893 = vector.shape_cast %swap3A_892 : vector<16xi32> to vector<16xi32>
      %swap3A_894 = vector.shape_cast %get3A_890 : vector<16xi32> to vector<16xi32>
      tpu.vector_store %arg15[%swap3A_891], %swap3A_894 {strides = array<i32>} : memref<80xi32, #tpu.memory_space<vmem>>, vector<16xi32>,
      %get3A_895 = arith.constant 16 : index
      %get3A_896 = tpu.vector_load %arg11[%get3A_895] {strides = array<i32>} : memref<80xi32, #tpu.memory_space<vmem>>, vector<16xi32>,
      %get3A_897 = vector.shape_cast %get3A_896 : vector<16xi32> to vector<16xi32>
      %swap3A_898 = arith.constant 16 : index
      %swap3A_899 = tpu.vector_load %arg15[%swap3A_898] {strides = array<i32>} : memref<80xi32, #tpu.memory_space<vmem>>, vector<16xi32>,
      %swap3A_900 = vector.shape_cast %swap3A_899 : vector<16xi32> to vector<16xi32>
      %swap3A_901 = vector.shape_cast %get3A_897 : vector<16xi32> to vector<16xi32>
      tpu.vector_store %arg15[%swap3A_898], %swap3A_901 {strides = array<i32>} : memref<80xi32, #tpu.memory_space<vmem>>, vector<16xi32>,
      %get3A_902 = arith.constant 32 : index
      %get3A_903 = tpu.vector_load %arg11[%get3A_902] {strides = array<i32>} : memref<80xi32, #tpu.memory_space<vmem>>, vector<16xi32>,
      %get3A_904 = vector.shape_cast %get3A_903 : vector<16xi32> to vector<16xi32>
      %swap3A_905 = arith.constant 32 : index
      %swap3A_906 = tpu.vector_load %arg15[%swap3A_905] {strides = array<i32>} : memref<80xi32, #tpu.memory_space<vmem>>, vector<16xi32>,
      %swap3A_907 = vector.shape_cast %swap3A_906 : vector<16xi32> to vector<16xi32>
      %swap3A_908 = vector.shape_cast %get3A_904 : vector<16xi32> to vector<16xi32>
      tpu.vector_store %arg15[%swap3A_905], %swap3A_908 {strides = array<i32>} : memref<80xi32, #tpu.memory_space<vmem>>, vector<16xi32>,
      %get3A_909 = arith.constant 48 : index
      %get3A_910 = tpu.vector_load %arg11[%get3A_909] {strides = array<i32>} : memref<80xi32, #tpu.memory_space<vmem>>, vector<16xi32>,
      %get3A_911 = vector.shape_cast %get3A_910 : vector<16xi32> to vector<16xi32>
      %swap3A_912 = arith.constant 48 : index
      %swap3A_913 = tpu.vector_load %arg15[%swap3A_912] {strides = array<i32>} : memref<80xi32, #tpu.memory_space<vmem>>, vector<16xi32>,
      %swap3A_914 = vector.shape_cast %swap3A_913 : vector<16xi32> to vector<16xi32>
      %swap3A_915 = vector.shape_cast %get3A_911 : vector<16xi32> to vector<16xi32>
      tpu.vector_store %arg15[%swap3A_912], %swap3A_915 {strides = array<i32>} : memref<80xi32, #tpu.memory_space<vmem>>, vector<16xi32>,
      %get3A_916 = arith.constant 64 : index
      %get3A_917 = tpu.vector_load %arg11[%get3A_916] {strides = array<i32>} : memref<80xi32, #tpu.memory_space<vmem>>, vector<16xi32>,
      %get3A_918 = vector.shape_cast %get3A_917 : vector<16xi32> to vector<16xi32>
      %swap3A_919 = arith.constant 64 : index
      %swap3A_920 = tpu.vector_load %arg15[%swap3A_919] {strides = array<i32>} : memref<80xi32, #tpu.memory_space<vmem>>, vector<16xi32>,
      %swap3A_921 = vector.shape_cast %swap3A_920 : vector<16xi32> to vector<16xi32>
      %swap3A_922 = vector.shape_cast %get3A_918 : vector<16xi32> to vector<16xi32>
      tpu.vector_store %arg15[%swap3A_919], %swap3A_922 {strides = array<i32>} : memref<80xi32, #tpu.memory_space<vmem>>, vector<16xi32>,
      %add3A_923 = arith.constant 4 : i32
      %add3A_924 = arith.addi %add3A_862, %add3A_923 : i32
      %mul3A_925 = arith.constant 80 : i32
      %mul3A_926 = arith.muli %add3A_924, %mul3A_925 : i32
      %add3A_927 = arith.addi %mul3A_2, %mul3A_926 : i32
      %dma_start3A_928 = tpu.memref_slice %arg3[%add3A_927] : memref<320000xi32, #tpu.memory_space<hbm>> -> memref<80xi32, #tpu.memory_space<hbm>>
      %dma_start3A_929 = tpu.memref_slice %arg3[%add3A_927] : memref<320000xi32, #tpu.memory_space<hbm>> -> memref<80xi32, #tpu.memory_space<hbm>>
      tpu.enqueue_dma source(%dma_start3A_929 : memref<80xi32, #tpu.memory_space<hbm>>) target(%arg7 : memref<80xi32, #tpu.memory_space<vmem>>) target_semaphore(%arg24 : memref<!tpu.dma_semaphore, #tpu.memory_space<semaphore_mem>>)
      %mul3A_930 = arith.constant 80 : i32
      %mul3A_931 = arith.muli %add3A_924, %mul3A_930 : i32
      %add3A_932 = arith.addi %mul3A_2, %mul3A_931 : i32
      %dma_start3A_933 = tpu.memref_slice %arg4[%add3A_932] : memref<320000xi32, #tpu.memory_space<hbm>> -> memref<80xi32, #tpu.memory_space<hbm>>
      %dma_start3A_934 = tpu.memref_slice %arg4[%add3A_932] : memref<320000xi32, #tpu.memory_space<hbm>> -> memref<80xi32, #tpu.memory_space<hbm>>
      tpu.enqueue_dma source(%dma_start3A_934 : memref<80xi32, #tpu.memory_space<hbm>>) target(%arg11 : memref<80xi32, #tpu.memory_space<vmem>>) target_semaphore(%arg24 : memref<!tpu.dma_semaphore, #tpu.memory_space<semaphore_mem>>)
      %dma_start3A_935 = arith.constant 0 : i32
      %dma_start3A_936 = arith.constant 0 : i32
      %dma_start3A_937 = tpu.memref_slice %arg22[%dma_start3A_935, %dma_start3A_936] : memref<10240x128xf32, #tpu.memory_space<vmem_shared>> -> memref<10240x128xf32, #tpu.memory_space<vmem_shared>>
      tpu.enqueue_indirect_dma source(%arg19 : memref<80x128xf32, #tpu.memory_space<vmem>>) target(%dma_start3A_937 : memref<10240x128xf32, #tpu.memory_space<vmem_shared>>) offsets(%arg15 : memref<80xi32, #tpu.memory_space<vmem>>) semaphore(%arg32 : memref<!tpu.dma_semaphore, #tpu.memory_space<semaphore_mem>>) {add = true}
    }
    %scan3A_215 = arith.constant 29 : i32
    %dma_wait3A_216 = arith.constant 0 : i32
    %dma_wait3A_217 = arith.constant 0 : i32
    %dma_wait3A_218 = tpu.memref_slice %arg22[%dma_wait3A_216, %dma_wait3A_217] : memref<10240x128xf32, #tpu.memory_space<vmem_shared>> -> memref<10240x128xf32, #tpu.memory_space<vmem_shared>>
    tpu.wait_indirect_dma semaphore(%arg31 : memref<!tpu.dma_semaphore, #tpu.memory_space<semaphore_mem>>) src(%arg18 : memref<80x128xf32, #tpu.memory_space<vmem>>) dst(%dma_wait3A_218 : memref<10240x128xf32, #tpu.memory_space<vmem_shared>>)
    %add3A_219 = arith.constant 9600 : i32
    %add3A_220 = arith.addi %mul3A_2, %add3A_219 : i32
    %dma_wait3A_221 = tpu.memref_slice %arg3[%add3A_220] : memref<320000xi32, #tpu.memory_space<hbm>> -> memref<80xi32, #tpu.memory_space<hbm>>
    %dma_wait3A_222 = tpu.memref_slice %arg3[%add3A_220] : memref<320000xi32, #tpu.memory_space<hbm>> -> memref<80xi32, #tpu.memory_space<hbm>>
    tpu.wait_dma2 semaphore(%arg23 : memref<!tpu.dma_semaphore, #tpu.memory_space<semaphore_mem>>) src(%dma_wait3A_222 : memref<80xi32, #tpu.memory_space<hbm>>) dst(%arg6 : memref<80xi32, #tpu.memory_space<vmem>>)
    %add3A_223 = arith.constant 9600 : i32
    %add3A_224 = arith.addi %mul3A_2, %add3A_223 : i32
    %dma_wait3A_225 = tpu.memref_slice %arg4[%add3A_224] : memref<320000xi32, #tpu.memory_space<hbm>> -> memref<80xi32, #tpu.memory_space<hbm>>
    %dma_wait3A_226 = tpu.memref_slice %arg4[%add3A_224] : memref<320000xi32, #tpu.memory_space<hbm>> -> memref<80xi32, #tpu.memory_space<hbm>>
    tpu.wait_dma2 semaphore(%arg23 : memref<!tpu.dma_semaphore, #tpu.memory_space<semaphore_mem>>) src(%dma_wait3A_226 : memref<80xi32, #tpu.memory_space<hbm>>) dst(%arg10 : memref<80xi32, #tpu.memory_space<vmem>>)
    %dma_start3A_227 = arith.constant 0 : i32
    %dma_start3A_228 = arith.constant 0 : i32
    %dma_start3A_229 = tpu.memref_slice %arg2[%dma_start3A_227, %dma_start3A_228] : memref<10000x128xf32, #tpu.memory_space<hbm>> -> memref<10000x128xf32, #tpu.memory_space<hbm>>
    tpu.enqueue_indirect_dma source(%dma_start3A_229 : memref<10000x128xf32, #tpu.memory_space<hbm>>) target(%arg18 : memref<80x128xf32, #tpu.memory_space<vmem>>) offsets(%arg6 : memref<80xi32, #tpu.memory_space<vmem>>) semaphore(%arg27 : memref<!tpu.dma_semaphore, #tpu.memory_space<semaphore_mem>>)
    %dma_wait3A_230 = arith.constant 0 : i32
    %dma_wait3A_231 = arith.constant 0 : i32
    %dma_wait3A_232 = tpu.memref_slice %arg2[%dma_wait3A_230, %dma_wait3A_231] : memref<10000x128xf32, #tpu.memory_space<hbm>> -> memref<10000x128xf32, #tpu.memory_space<hbm>>
    tpu.wait_indirect_dma semaphore(%arg29 : memref<!tpu.dma_semaphore, #tpu.memory_space<semaphore_mem>>) src(%dma_wait3A_232 : memref<10000x128xf32, #tpu.memory_space<hbm>>) dst(%arg20 : memref<80x128xf32, #tpu.memory_space<vmem>>)
    %get3A_233 = arith.constant 0 : index
    %get3A_234 = tpu.vector_load %arg12[%get3A_233] {strides = array<i32>} : memref<80xi32, #tpu.memory_space<vmem>>, vector<16xi32>,
    %get3A_235 = vector.shape_cast %get3A_234 : vector<16xi32> to vector<16xi32>
    %swap3A_236 = arith.constant 0 : index
    %swap3A_237 = tpu.vector_load %arg16[%swap3A_236] {strides = array<i32>} : memref<80xi32, #tpu.memory_space<vmem>>, vector<16xi32>,
    %swap3A_238 = vector.shape_cast %swap3A_237 : vector<16xi32> to vector<16xi32>
    %swap3A_239 = vector.shape_cast %get3A_235 : vector<16xi32> to vector<16xi32>
    tpu.vector_store %arg16[%swap3A_236], %swap3A_239 {strides = array<i32>} : memref<80xi32, #tpu.memory_space<vmem>>, vector<16xi32>,
    %get3A_240 = arith.constant 16 : index
    %get3A_241 = tpu.vector_load %arg12[%get3A_240] {strides = array<i32>} : memref<80xi32, #tpu.memory_space<vmem>>, vector<16xi32>,
    %get3A_242 = vector.shape_cast %get3A_241 : vector<16xi32> to vector<16xi32>
    %swap3A_243 = arith.constant 16 : index
    %swap3A_244 = tpu.vector_load %arg16[%swap3A_243] {strides = array<i32>} : memref<80xi32, #tpu.memory_space<vmem>>, vector<16xi32>,
    %swap3A_245 = vector.shape_cast %swap3A_244 : vector<16xi32> to vector<16xi32>
    %swap3A_246 = vector.shape_cast %get3A_242 : vector<16xi32> to vector<16xi32>
    tpu.vector_store %arg16[%swap3A_243], %swap3A_246 {strides = array<i32>} : memref<80xi32, #tpu.memory_space<vmem>>, vector<16xi32>,
    %get3A_247 = arith.constant 32 : index
    %get3A_248 = tpu.vector_load %arg12[%get3A_247] {strides = array<i32>} : memref<80xi32, #tpu.memory_space<vmem>>, vector<16xi32>,
    %get3A_249 = vector.shape_cast %get3A_248 : vector<16xi32> to vector<16xi32>
    %swap3A_250 = arith.constant 32 : index
    %swap3A_251 = tpu.vector_load %arg16[%swap3A_250] {strides = array<i32>} : memref<80xi32, #tpu.memory_space<vmem>>, vector<16xi32>,
    %swap3A_252 = vector.shape_cast %swap3A_251 : vector<16xi32> to vector<16xi32>
    %swap3A_253 = vector.shape_cast %get3A_249 : vector<16xi32> to vector<16xi32>
    tpu.vector_store %arg16[%swap3A_250], %swap3A_253 {strides = array<i32>} : memref<80xi32, #tpu.memory_space<vmem>>, vector<16xi32>,
    %get3A_254 = arith.constant 48 : index
    %get3A_255 = tpu.vector_load %arg12[%get3A_254] {strides = array<i32>} : memref<80xi32, #tpu.memory_space<vmem>>, vector<16xi32>,
    %get3A_256 = vector.shape_cast %get3A_255 : vector<16xi32> to vector<16xi32>
    %swap3A_257 = arith.constant 48 : index
    %swap3A_258 = tpu.vector_load %arg16[%swap3A_257] {strides = array<i32>} : memref<80xi32, #tpu.memory_space<vmem>>, vector<16xi32>,
    %swap3A_259 = vector.shape_cast %swap3A_258 : vector<16xi32> to vector<16xi32>
    %swap3A_260 = vector.shape_cast %get3A_256 : vector<16xi32> to vector<16xi32>
    tpu.vector_store %arg16[%swap3A_257], %swap3A_260 {strides = array<i32>} : memref<80xi32, #tpu.memory_space<vmem>>, vector<16xi32>,
    %get3A_261 = arith.constant 64 : index
    %get3A_262 = tpu.vector_load %arg12[%get3A_261] {strides = array<i32>} : memref<80xi32, #tpu.memory_space<vmem>>, vector<16xi32>,
    %get3A_263 = vector.shape_cast %get3A_262 : vector<16xi32> to vector<16xi32>
    %swap3A_264 = arith.constant 64 : index
    %swap3A_265 = tpu.vector_load %arg16[%swap3A_264] {strides = array<i32>} : memref<80xi32, #tpu.memory_space<vmem>>, vector<16xi32>,
    %swap3A_266 = vector.shape_cast %swap3A_265 : vector<16xi32> to vector<16xi32>
    %swap3A_267 = vector.shape_cast %get3A_263 : vector<16xi32> to vector<16xi32>
    tpu.vector_store %arg16[%swap3A_264], %swap3A_267 {strides = array<i32>} : memref<80xi32, #tpu.memory_space<vmem>>, vector<16xi32>,
    %add3A_268 = arith.constant 9760 : i32
    %add3A_269 = arith.addi %mul3A_2, %add3A_268 : i32
    %dma_start3A_270 = tpu.memref_slice %arg3[%add3A_269] : memref<320000xi32, #tpu.memory_space<hbm>> -> memref<80xi32, #tpu.memory_space<hbm>>
    %dma_start3A_271 = tpu.memref_slice %arg3[%add3A_269] : memref<320000xi32, #tpu.memory_space<hbm>> -> memref<80xi32, #tpu.memory_space<hbm>>
    tpu.enqueue_dma source(%dma_start3A_271 : memref<80xi32, #tpu.memory_space<hbm>>) target(%arg8 : memref<80xi32, #tpu.memory_space<vmem>>) target_semaphore(%arg25 : memref<!tpu.dma_semaphore, #tpu.memory_space<semaphore_mem>>)
    %add3A_272 = arith.constant 9760 : i32
    %add3A_273 = arith.addi %mul3A_2, %add3A_272 : i32
    %dma_start3A_274 = tpu.memref_slice %arg4[%add3A_273] : memref<320000xi32, #tpu.memory_space<hbm>> -> memref<80xi32, #tpu.memory_space<hbm>>
    %dma_start3A_275 = tpu.memref_slice %arg4[%add3A_273] : memref<320000xi32, #tpu.memory_space<hbm>> -> memref<80xi32, #tpu.memory_space<hbm>>
    tpu.enqueue_dma source(%dma_start3A_275 : memref<80xi32, #tpu.memory_space<hbm>>) target(%arg12 : memref<80xi32, #tpu.memory_space<vmem>>) target_semaphore(%arg25 : memref<!tpu.dma_semaphore, #tpu.memory_space<semaphore_mem>>)
    %dma_start3A_276 = arith.constant 0 : i32
    %dma_start3A_277 = arith.constant 0 : i32
    %dma_start3A_278 = tpu.memref_slice %arg22[%dma_start3A_276, %dma_start3A_277] : memref<10240x128xf32, #tpu.memory_space<vmem_shared>> -> memref<10240x128xf32, #tpu.memory_space<vmem_shared>>
    tpu.enqueue_indirect_dma source(%arg20 : memref<80x128xf32, #tpu.memory_space<vmem>>) target(%dma_start3A_278 : memref<10240x128xf32, #tpu.memory_space<vmem_shared>>) offsets(%arg16 : memref<80xi32, #tpu.memory_space<vmem>>) semaphore(%arg33 : memref<!tpu.dma_semaphore, #tpu.memory_space<semaphore_mem>>) {add = true}
    %dma_wait3A_279 = arith.constant 0 : i32
    %dma_wait3A_280 = arith.constant 0 : i32
    %dma_wait3A_281 = tpu.memref_slice %arg22[%dma_wait3A_279, %dma_wait3A_280] : memref<10240x128xf32, #tpu.memory_space<vmem_shared>> -> memref<10240x128xf32, #tpu.memory_space<vmem_shared>>
    tpu.wait_indirect_dma semaphore(%arg32 : memref<!tpu.dma_semaphore, #tpu.memory_space<semaphore_mem>>) src(%arg19 : memref<80x128xf32, #tpu.memory_space<vmem>>) dst(%dma_wait3A_281 : memref<10240x128xf32, #tpu.memory_space<vmem_shared>>)
    %add3A_282 = arith.constant 9680 : i32
    %add3A_283 = arith.addi %mul3A_2, %add3A_282 : i32
    %dma_wait3A_284 = tpu.memref_slice %arg3[%add3A_283] : memref<320000xi32, #tpu.memory_space<hbm>> -> memref<80xi32, #tpu.memory_space<hbm>>
    %dma_wait3A_285 = tpu.memref_slice %arg3[%add3A_283] : memref<320000xi32, #tpu.memory_space<hbm>> -> memref<80xi32, #tpu.memory_space<hbm>>
    tpu.wait_dma2 semaphore(%arg24 : memref<!tpu.dma_semaphore, #tpu.memory_space<semaphore_mem>>) src(%dma_wait3A_285 : memref<80xi32, #tpu.memory_space<hbm>>) dst(%arg7 : memref<80xi32, #tpu.memory_space<vmem>>)
    %add3A_286 = arith.constant 9680 : i32
    %add3A_287 = arith.addi %mul3A_2, %add3A_286 : i32
    %dma_wait3A_288 = tpu.memref_slice %arg4[%add3A_287] : memref<320000xi32, #tpu.memory_space<hbm>> -> memref<80xi32, #tpu.memory_space<hbm>>
    %dma_wait3A_289 = tpu.memref_slice %arg4[%add3A_287] : memref<320000xi32, #tpu.memory_space<hbm>> -> memref<80xi32, #tpu.memory_space<hbm>>
    tpu.wait_dma2 semaphore(%arg24 : memref<!tpu.dma_semaphore, #tpu.memory_space<semaphore_mem>>) src(%dma_wait3A_289 : memref<80xi32, #tpu.memory_space<hbm>>) dst(%arg11 : memref<80xi32, #tpu.memory_space<vmem>>)
    %dma_start3A_290 = arith.constant 0 : i32
    %dma_start3A_291 = arith.constant 0 : i32
    %dma_start3A_292 = tpu.memref_slice %arg2[%dma_start3A_290, %dma_start3A_291] : memref<10000x128xf32, #tpu.memory_space<hbm>> -> memref<10000x128xf32, #tpu.memory_space<hbm>>
    tpu.enqueue_indirect_dma source(%dma_start3A_292 : memref<10000x128xf32, #tpu.memory_space<hbm>>) target(%arg19 : memref<80x128xf32, #tpu.memory_space<vmem>>) offsets(%arg7 : memref<80xi32, #tpu.memory_space<vmem>>) semaphore(%arg28 : memref<!tpu.dma_semaphore, #tpu.memory_space<semaphore_mem>>)
    %dma_wait3A_293 = arith.constant 0 : i32
    %dma_wait3A_294 = arith.constant 0 : i32
    %dma_wait3A_295 = tpu.memref_slice %arg2[%dma_wait3A_293, %dma_wait3A_294] : memref<10000x128xf32, #tpu.memory_space<hbm>> -> memref<10000x128xf32, #tpu.memory_space<hbm>>
    tpu.wait_indirect_dma semaphore(%arg30 : memref<!tpu.dma_semaphore, #tpu.memory_space<semaphore_mem>>) src(%dma_wait3A_295 : memref<10000x128xf32, #tpu.memory_space<hbm>>) dst(%arg21 : memref<80x128xf32, #tpu.memory_space<vmem>>)
    %get3A_296 = arith.constant 0 : index
    %get3A_297 = tpu.vector_load %arg13[%get3A_296] {strides = array<i32>} : memref<80xi32, #tpu.memory_space<vmem>>, vector<16xi32>,
    %get3A_298 = vector.shape_cast %get3A_297 : vector<16xi32> to vector<16xi32>
    %swap3A_299 = arith.constant 0 : index
    %swap3A_300 = tpu.vector_load %arg17[%swap3A_299] {strides = array<i32>} : memref<80xi32, #tpu.memory_space<vmem>>, vector<16xi32>,
    %swap3A_301 = vector.shape_cast %swap3A_300 : vector<16xi32> to vector<16xi32>
    %swap3A_302 = vector.shape_cast %get3A_298 : vector<16xi32> to vector<16xi32>
    tpu.vector_store %arg17[%swap3A_299], %swap3A_302 {strides = array<i32>} : memref<80xi32, #tpu.memory_space<vmem>>, vector<16xi32>,
    %get3A_303 = arith.constant 16 : index
    %get3A_304 = tpu.vector_load %arg13[%get3A_303] {strides = array<i32>} : memref<80xi32, #tpu.memory_space<vmem>>, vector<16xi32>,
    %get3A_305 = vector.shape_cast %get3A_304 : vector<16xi32> to vector<16xi32>
    %swap3A_306 = arith.constant 16 : index
    %swap3A_307 = tpu.vector_load %arg17[%swap3A_306] {strides = array<i32>} : memref<80xi32, #tpu.memory_space<vmem>>, vector<16xi32>,
    %swap3A_308 = vector.shape_cast %swap3A_307 : vector<16xi32> to vector<16xi32>
    %swap3A_309 = vector.shape_cast %get3A_305 : vector<16xi32> to vector<16xi32>
    tpu.vector_store %arg17[%swap3A_306], %swap3A_309 {strides = array<i32>} : memref<80xi32, #tpu.memory_space<vmem>>, vector<16xi32>,
    %get3A_310 = arith.constant 32 : index
    %get3A_311 = tpu.vector_load %arg13[%get3A_310] {strides = array<i32>} : memref<80xi32, #tpu.memory_space<vmem>>, vector<16xi32>,
    %get3A_312 = vector.shape_cast %get3A_311 : vector<16xi32> to vector<16xi32>
    %swap3A_313 = arith.constant 32 : index
    %swap3A_314 = tpu.vector_load %arg17[%swap3A_313] {strides = array<i32>} : memref<80xi32, #tpu.memory_space<vmem>>, vector<16xi32>,
    %swap3A_315 = vector.shape_cast %swap3A_314 : vector<16xi32> to vector<16xi32>
    %swap3A_316 = vector.shape_cast %get3A_312 : vector<16xi32> to vector<16xi32>
    tpu.vector_store %arg17[%swap3A_313], %swap3A_316 {strides = array<i32>} : memref<80xi32, #tpu.memory_space<vmem>>, vector<16xi32>,
    %get3A_317 = arith.constant 48 : index
    %get3A_318 = tpu.vector_load %arg13[%get3A_317] {strides = array<i32>} : memref<80xi32, #tpu.memory_space<vmem>>, vector<16xi32>,
    %get3A_319 = vector.shape_cast %get3A_318 : vector<16xi32> to vector<16xi32>
    %swap3A_320 = arith.constant 48 : index
    %swap3A_321 = tpu.vector_load %arg17[%swap3A_320] {strides = array<i32>} : memref<80xi32, #tpu.memory_space<vmem>>, vector<16xi32>,
    %swap3A_322 = vector.shape_cast %swap3A_321 : vector<16xi32> to vector<16xi32>
    %swap3A_323 = vector.shape_cast %get3A_319 : vector<16xi32> to vector<16xi32>
    tpu.vector_store %arg17[%swap3A_320], %swap3A_323 {strides = array<i32>} : memref<80xi32, #tpu.memory_space<vmem>>, vector<16xi32>,
    %get3A_324 = arith.constant 64 : index
    %get3A_325 = tpu.vector_load %arg13[%get3A_324] {strides = array<i32>} : memref<80xi32, #tpu.memory_space<vmem>>, vector<16xi32>,
    %get3A_326 = vector.shape_cast %get3A_325 : vector<16xi32> to vector<16xi32>
    %swap3A_327 = arith.constant 64 : index
    %swap3A_328 = tpu.vector_load %arg17[%swap3A_327] {strides = array<i32>} : memref<80xi32, #tpu.memory_space<vmem>>, vector<16xi32>,
    %swap3A_329 = vector.shape_cast %swap3A_328 : vector<16xi32> to vector<16xi32>
    %swap3A_330 = vector.shape_cast %get3A_326 : vector<16xi32> to vector<16xi32>
    tpu.vector_store %arg17[%swap3A_327], %swap3A_330 {strides = array<i32>} : memref<80xi32, #tpu.memory_space<vmem>>, vector<16xi32>,
    %add3A_331 = arith.constant 9840 : i32
    %add3A_332 = arith.addi %mul3A_2, %add3A_331 : i32
    %dma_start3A_333 = tpu.memref_slice %arg3[%add3A_332] : memref<320000xi32, #tpu.memory_space<hbm>> -> memref<80xi32, #tpu.memory_space<hbm>>
    %dma_start3A_334 = tpu.memref_slice %arg3[%add3A_332] : memref<320000xi32, #tpu.memory_space<hbm>> -> memref<80xi32, #tpu.memory_space<hbm>>
    tpu.enqueue_dma source(%dma_start3A_334 : memref<80xi32, #tpu.memory_space<hbm>>) target(%arg9 : memref<80xi32, #tpu.memory_space<vmem>>) target_semaphore(%arg26 : memref<!tpu.dma_semaphore, #tpu.memory_space<semaphore_mem>>)
    %add3A_335 = arith.constant 9840 : i32
    %add3A_336 = arith.addi %mul3A_2, %add3A_335 : i32
    %dma_start3A_337 = tpu.memref_slice %arg4[%add3A_336] : memref<320000xi32, #tpu.memory_space<hbm>> -> memref<80xi32, #tpu.memory_space<hbm>>
    %dma_start3A_338 = tpu.memref_slice %arg4[%add3A_336] : memref<320000xi32, #tpu.memory_space<hbm>> -> memref<80xi32, #tpu.memory_space<hbm>>
    tpu.enqueue_dma source(%dma_start3A_338 : memref<80xi32, #tpu.memory_space<hbm>>) target(%arg13 : memref<80xi32, #tpu.memory_space<vmem>>) target_semaphore(%arg26 : memref<!tpu.dma_semaphore, #tpu.memory_space<semaphore_mem>>)
    %dma_start3A_339 = arith.constant 0 : i32
    %dma_start3A_340 = arith.constant 0 : i32
    %dma_start3A_341 = tpu.memref_slice %arg22[%dma_start3A_339, %dma_start3A_340] : memref<10240x128xf32, #tpu.memory_space<vmem_shared>> -> memref<10240x128xf32, #tpu.memory_space<vmem_shared>>
    tpu.enqueue_indirect_dma source(%arg21 : memref<80x128xf32, #tpu.memory_space<vmem>>) target(%dma_start3A_341 : memref<10240x128xf32, #tpu.memory_space<vmem_shared>>) offsets(%arg17 : memref<80xi32, #tpu.memory_space<vmem>>) semaphore(%arg34 : memref<!tpu.dma_semaphore, #tpu.memory_space<semaphore_mem>>) {add = true}
    %dma_wait3A_342 = arith.constant 0 : i32
    %dma_wait3A_343 = arith.constant 0 : i32
    %dma_wait3A_344 = tpu.memref_slice %arg22[%dma_wait3A_342, %dma_wait3A_343] : memref<10240x128xf32, #tpu.memory_space<vmem_shared>> -> memref<10240x128xf32, #tpu.memory_space<vmem_shared>>
    tpu.wait_indirect_dma semaphore(%arg33 : memref<!tpu.dma_semaphore, #tpu.memory_space<semaphore_mem>>) src(%arg20 : memref<80x128xf32, #tpu.memory_space<vmem>>) dst(%dma_wait3A_344 : memref<10240x128xf32, #tpu.memory_space<vmem_shared>>)
    %add3A_345 = arith.constant 9760 : i32
    %add3A_346 = arith.addi %mul3A_2, %add3A_345 : i32
    %dma_wait3A_347 = tpu.memref_slice %arg3[%add3A_346] : memref<320000xi32, #tpu.memory_space<hbm>> -> memref<80xi32, #tpu.memory_space<hbm>>
    %dma_wait3A_348 = tpu.memref_slice %arg3[%add3A_346] : memref<320000xi32, #tpu.memory_space<hbm>> -> memref<80xi32, #tpu.memory_space<hbm>>
    tpu.wait_dma2 semaphore(%arg25 : memref<!tpu.dma_semaphore, #tpu.memory_space<semaphore_mem>>) src(%dma_wait3A_348 : memref<80xi32, #tpu.memory_space<hbm>>) dst(%arg8 : memref<80xi32, #tpu.memory_space<vmem>>)
    %add3A_349 = arith.constant 9760 : i32
    %add3A_350 = arith.addi %mul3A_2, %add3A_349 : i32
    %dma_wait3A_351 = tpu.memref_slice %arg4[%add3A_350] : memref<320000xi32, #tpu.memory_space<hbm>> -> memref<80xi32, #tpu.memory_space<hbm>>
    %dma_wait3A_352 = tpu.memref_slice %arg4[%add3A_350] : memref<320000xi32, #tpu.memory_space<hbm>> -> memref<80xi32, #tpu.memory_space<hbm>>
    tpu.wait_dma2 semaphore(%arg25 : memref<!tpu.dma_semaphore, #tpu.memory_space<semaphore_mem>>) src(%dma_wait3A_352 : memref<80xi32, #tpu.memory_space<hbm>>) dst(%arg12 : memref<80xi32, #tpu.memory_space<vmem>>)
    %dma_start3A_353 = arith.constant 0 : i32
    %dma_start3A_354 = arith.constant 0 : i32
    %dma_start3A_355 = tpu.memref_slice %arg2[%dma_start3A_353, %dma_start3A_354] : memref<10000x128xf32, #tpu.memory_space<hbm>> -> memref<10000x128xf32, #tpu.memory_space<hbm>>
    tpu.enqueue_indirect_dma source(%dma_start3A_355 : memref<10000x128xf32, #tpu.memory_space<hbm>>) target(%arg20 : memref<80x128xf32, #tpu.memory_space<vmem>>) offsets(%arg8 : memref<80xi32, #tpu.memory_space<vmem>>) semaphore(%arg29 : memref<!tpu.dma_semaphore, #tpu.memory_space<semaphore_mem>>)
    %dma_wait3A_356 = arith.constant 0 : i32
    %dma_wait3A_357 = arith.constant 0 : i32
    %dma_wait3A_358 = tpu.memref_slice %arg2[%dma_wait3A_356, %dma_wait3A_357] : memref<10000x128xf32, #tpu.memory_space<hbm>> -> memref<10000x128xf32, #tpu.memory_space<hbm>>
    tpu.wait_indirect_dma semaphore(%arg27 : memref<!tpu.dma_semaphore, #tpu.memory_space<semaphore_mem>>) src(%dma_wait3A_358 : memref<10000x128xf32, #tpu.memory_space<hbm>>) dst(%arg18 : memref<80x128xf32, #tpu.memory_space<vmem>>)
    %get3A_359 = arith.constant 0 : index
    %get3A_360 = tpu.vector_load %arg10[%get3A_359] {strides = array<i32>} : memref<80xi32, #tpu.memory_space<vmem>>, vector<16xi32>,
    %get3A_361 = vector.shape_cast %get3A_360 : vector<16xi32> to vector<16xi32>
    %swap3A_362 = arith.constant 0 : index
    %swap3A_363 = tpu.vector_load %arg14[%swap3A_362] {strides = array<i32>} : memref<80xi32, #tpu.memory_space<vmem>>, vector<16xi32>,
    %swap3A_364 = vector.shape_cast %swap3A_363 : vector<16xi32> to vector<16xi32>
    %swap3A_365 = vector.shape_cast %get3A_361 : vector<16xi32> to vector<16xi32>
    tpu.vector_store %arg14[%swap3A_362], %swap3A_365 {strides = array<i32>} : memref<80xi32, #tpu.memory_space<vmem>>, vector<16xi32>,
    %get3A_366 = arith.constant 16 : index
    %get3A_367 = tpu.vector_load %arg10[%get3A_366] {strides = array<i32>} : memref<80xi32, #tpu.memory_space<vmem>>, vector<16xi32>,
    %get3A_368 = vector.shape_cast %get3A_367 : vector<16xi32> to vector<16xi32>
    %swap3A_369 = arith.constant 16 : index
    %swap3A_370 = tpu.vector_load %arg14[%swap3A_369] {strides = array<i32>} : memref<80xi32, #tpu.memory_space<vmem>>, vector<16xi32>,
    %swap3A_371 = vector.shape_cast %swap3A_370 : vector<16xi32> to vector<16xi32>
    %swap3A_372 = vector.shape_cast %get3A_368 : vector<16xi32> to vector<16xi32>
    tpu.vector_store %arg14[%swap3A_369], %swap3A_372 {strides = array<i32>} : memref<80xi32, #tpu.memory_space<vmem>>, vector<16xi32>,
    %get3A_373 = arith.constant 32 : index
    %get3A_374 = tpu.vector_load %arg10[%get3A_373] {strides = array<i32>} : memref<80xi32, #tpu.memory_space<vmem>>, vector<16xi32>,
    %get3A_375 = vector.shape_cast %get3A_374 : vector<16xi32> to vector<16xi32>
    %swap3A_376 = arith.constant 32 : index
    %swap3A_377 = tpu.vector_load %arg14[%swap3A_376] {strides = array<i32>} : memref<80xi32, #tpu.memory_space<vmem>>, vector<16xi32>,
    %swap3A_378 = vector.shape_cast %swap3A_377 : vector<16xi32> to vector<16xi32>
    %swap3A_379 = vector.shape_cast %get3A_375 : vector<16xi32> to vector<16xi32>
    tpu.vector_store %arg14[%swap3A_376], %swap3A_379 {strides = array<i32>} : memref<80xi32, #tpu.memory_space<vmem>>, vector<16xi32>,
    %get3A_380 = arith.constant 48 : index
    %get3A_381 = tpu.vector_load %arg10[%get3A_380] {strides = array<i32>} : memref<80xi32, #tpu.memory_space<vmem>>, vector<16xi32>,
    %get3A_382 = vector.shape_cast %get3A_381 : vector<16xi32> to vector<16xi32>
    %swap3A_383 = arith.constant 48 : index
    %swap3A_384 = tpu.vector_load %arg14[%swap3A_383] {strides = array<i32>} : memref<80xi32, #tpu.memory_space<vmem>>, vector<16xi32>,
    %swap3A_385 = vector.shape_cast %swap3A_384 : vector<16xi32> to vector<16xi32>
    %swap3A_386 = vector.shape_cast %get3A_382 : vector<16xi32> to vector<16xi32>
    tpu.vector_store %arg14[%swap3A_383], %swap3A_386 {strides = array<i32>} : memref<80xi32, #tpu.memory_space<vmem>>, vector<16xi32>,
    %get3A_387 = arith.constant 64 : index
    %get3A_388 = tpu.vector_load %arg10[%get3A_387] {strides = array<i32>} : memref<80xi32, #tpu.memory_space<vmem>>, vector<16xi32>,
    %get3A_389 = vector.shape_cast %get3A_388 : vector<16xi32> to vector<16xi32>
    %swap3A_390 = arith.constant 64 : index
    %swap3A_391 = tpu.vector_load %arg14[%swap3A_390] {strides = array<i32>} : memref<80xi32, #tpu.memory_space<vmem>>, vector<16xi32>,
    %swap3A_392 = vector.shape_cast %swap3A_391 : vector<16xi32> to vector<16xi32>
    %swap3A_393 = vector.shape_cast %get3A_389 : vector<16xi32> to vector<16xi32>
    tpu.vector_store %arg14[%swap3A_390], %swap3A_393 {strides = array<i32>} : memref<80xi32, #tpu.memory_space<vmem>>, vector<16xi32>,
    %add3A_394 = arith.constant 9920 : i32
    %add3A_395 = arith.addi %mul3A_2, %add3A_394 : i32
    %dma_start3A_396 = tpu.memref_slice %arg3[%add3A_395] : memref<320000xi32, #tpu.memory_space<hbm>> -> memref<80xi32, #tpu.memory_space<hbm>>
    %dma_start3A_397 = tpu.memref_slice %arg3[%add3A_395] : memref<320000xi32, #tpu.memory_space<hbm>> -> memref<80xi32, #tpu.memory_space<hbm>>
    tpu.enqueue_dma source(%dma_start3A_397 : memref<80xi32, #tpu.memory_space<hbm>>) target(%arg6 : memref<80xi32, #tpu.memory_space<vmem>>) target_semaphore(%arg23 : memref<!tpu.dma_semaphore, #tpu.memory_space<semaphore_mem>>)
    %add3A_398 = arith.constant 9920 : i32
    %add3A_399 = arith.addi %mul3A_2, %add3A_398 : i32
    %dma_start3A_400 = tpu.memref_slice %arg4[%add3A_399] : memref<320000xi32, #tpu.memory_space<hbm>> -> memref<80xi32, #tpu.memory_space<hbm>>
    %dma_start3A_401 = tpu.memref_slice %arg4[%add3A_399] : memref<320000xi32, #tpu.memory_space<hbm>> -> memref<80xi32, #tpu.memory_space<hbm>>
    tpu.enqueue_dma source(%dma_start3A_401 : memref<80xi32, #tpu.memory_space<hbm>>) target(%arg10 : memref<80xi32, #tpu.memory_space<vmem>>) target_semaphore(%arg23 : memref<!tpu.dma_semaphore, #tpu.memory_space<semaphore_mem>>)
    %dma_start3A_402 = arith.constant 0 : i32
    %dma_start3A_403 = arith.constant 0 : i32
    %dma_start3A_404 = tpu.memref_slice %arg22[%dma_start3A_402, %dma_start3A_403] : memref<10240x128xf32, #tpu.memory_space<vmem_shared>> -> memref<10240x128xf32, #tpu.memory_space<vmem_shared>>
    tpu.enqueue_indirect_dma source(%arg18 : memref<80x128xf32, #tpu.memory_space<vmem>>) target(%dma_start3A_404 : memref<10240x128xf32, #tpu.memory_space<vmem_shared>>) offsets(%arg14 : memref<80xi32, #tpu.memory_space<vmem>>) semaphore(%arg31 : memref<!tpu.dma_semaphore, #tpu.memory_space<semaphore_mem>>) {add = true}
    %dma_wait3A_405 = arith.constant 0 : i32
    %dma_wait3A_406 = arith.constant 0 : i32
    %dma_wait3A_407 = tpu.memref_slice %arg22[%dma_wait3A_405, %dma_wait3A_406] : memref<10240x128xf32, #tpu.memory_space<vmem_shared>> -> memref<10240x128xf32, #tpu.memory_space<vmem_shared>>
    tpu.wait_indirect_dma semaphore(%arg34 : memref<!tpu.dma_semaphore, #tpu.memory_space<semaphore_mem>>) src(%arg21 : memref<80x128xf32, #tpu.memory_space<vmem>>) dst(%dma_wait3A_407 : memref<10240x128xf32, #tpu.memory_space<vmem_shared>>)
    %add3A_408 = arith.constant 9840 : i32
    %add3A_409 = arith.addi %mul3A_2, %add3A_408 : i32
    %dma_wait3A_410 = tpu.memref_slice %arg3[%add3A_409] : memref<320000xi32, #tpu.memory_space<hbm>> -> memref<80xi32, #tpu.memory_space<hbm>>
    %dma_wait3A_411 = tpu.memref_slice %arg3[%add3A_409] : memref<320000xi32, #tpu.memory_space<hbm>> -> memref<80xi32, #tpu.memory_space<hbm>>
    tpu.wait_dma2 semaphore(%arg26 : memref<!tpu.dma_semaphore, #tpu.memory_space<semaphore_mem>>) src(%dma_wait3A_411 : memref<80xi32, #tpu.memory_space<hbm>>) dst(%arg9 : memref<80xi32, #tpu.memory_space<vmem>>)
    %add3A_412 = arith.constant 9840 : i32
    %add3A_413 = arith.addi %mul3A_2, %add3A_412 : i32
    %dma_wait3A_414 = tpu.memref_slice %arg4[%add3A_413] : memref<320000xi32, #tpu.memory_space<hbm>> -> memref<80xi32, #tpu.memory_space<hbm>>
    %dma_wait3A_415 = tpu.memref_slice %arg4[%add3A_413] : memref<320000xi32, #tpu.memory_space<hbm>> -> memref<80xi32, #tpu.memory_space<hbm>>
    tpu.wait_dma2 semaphore(%arg26 : memref<!tpu.dma_semaphore, #tpu.memory_space<semaphore_mem>>) src(%dma_wait3A_415 : memref<80xi32, #tpu.memory_space<hbm>>) dst(%arg13 : memref<80xi32, #tpu.memory_space<vmem>>)
    %dma_start3A_416 = arith.constant 0 : i32
    %dma_start3A_417 = arith.constant 0 : i32
    %dma_start3A_418 = tpu.memref_slice %arg2[%dma_start3A_416, %dma_start3A_417] : memref<10000x128xf32, #tpu.memory_space<hbm>> -> memref<10000x128xf32, #tpu.memory_space<hbm>>
    tpu.enqueue_indirect_dma source(%dma_start3A_418 : memref<10000x128xf32, #tpu.memory_space<hbm>>) target(%arg21 : memref<80x128xf32, #tpu.memory_space<vmem>>) offsets(%arg9 : memref<80xi32, #tpu.memory_space<vmem>>) semaphore(%arg30 : memref<!tpu.dma_semaphore, #tpu.memory_space<semaphore_mem>>)
    %dma_wait3A_419 = arith.constant 0 : i32
    %dma_wait3A_420 = arith.constant 0 : i32
    %dma_wait3A_421 = tpu.memref_slice %arg2[%dma_wait3A_419, %dma_wait3A_420] : memref<10000x128xf32, #tpu.memory_space<hbm>> -> memref<10000x128xf32, #tpu.memory_space<hbm>>
    tpu.wait_indirect_dma semaphore(%arg28 : memref<!tpu.dma_semaphore, #tpu.memory_space<semaphore_mem>>) src(%dma_wait3A_421 : memref<10000x128xf32, #tpu.memory_space<hbm>>) dst(%arg19 : memref<80x128xf32, #tpu.memory_space<vmem>>)
    %get3A_422 = arith.constant 0 : index
    %get3A_423 = tpu.vector_load %arg11[%get3A_422] {strides = array<i32>} : memref<80xi32, #tpu.memory_space<vmem>>, vector<16xi32>,
    %get3A_424 = vector.shape_cast %get3A_423 : vector<16xi32> to vector<16xi32>
    %swap3A_425 = arith.constant 0 : index
    %swap3A_426 = tpu.vector_load %arg15[%swap3A_425] {strides = array<i32>} : memref<80xi32, #tpu.memory_space<vmem>>, vector<16xi32>,
    %swap3A_427 = vector.shape_cast %swap3A_426 : vector<16xi32> to vector<16xi32>
    %swap3A_428 = vector.shape_cast %get3A_424 : vector<16xi32> to vector<16xi32>
    tpu.vector_store %arg15[%swap3A_425], %swap3A_428 {strides = array<i32>} : memref<80xi32, #tpu.memory_space<vmem>>, vector<16xi32>,
    %get3A_429 = arith.constant 16 : index
    %get3A_430 = tpu.vector_load %arg11[%get3A_429] {strides = array<i32>} : memref<80xi32, #tpu.memory_space<vmem>>, vector<16xi32>,
    %get3A_431 = vector.shape_cast %get3A_430 : vector<16xi32> to vector<16xi32>
    %swap3A_432 = arith.constant 16 : index
    %swap3A_433 = tpu.vector_load %arg15[%swap3A_432] {strides = array<i32>} : memref<80xi32, #tpu.memory_space<vmem>>, vector<16xi32>,
    %swap3A_434 = vector.shape_cast %swap3A_433 : vector<16xi32> to vector<16xi32>
    %swap3A_435 = vector.shape_cast %get3A_431 : vector<16xi32> to vector<16xi32>
    tpu.vector_store %arg15[%swap3A_432], %swap3A_435 {strides = array<i32>} : memref<80xi32, #tpu.memory_space<vmem>>, vector<16xi32>,
    %get3A_436 = arith.constant 32 : index
    %get3A_437 = tpu.vector_load %arg11[%get3A_436] {strides = array<i32>} : memref<80xi32, #tpu.memory_space<vmem>>, vector<16xi32>,
    %get3A_438 = vector.shape_cast %get3A_437 : vector<16xi32> to vector<16xi32>
    %swap3A_439 = arith.constant 32 : index
    %swap3A_440 = tpu.vector_load %arg15[%swap3A_439] {strides = array<i32>} : memref<80xi32, #tpu.memory_space<vmem>>, vector<16xi32>,
    %swap3A_441 = vector.shape_cast %swap3A_440 : vector<16xi32> to vector<16xi32>
    %swap3A_442 = vector.shape_cast %get3A_438 : vector<16xi32> to vector<16xi32>
    tpu.vector_store %arg15[%swap3A_439], %swap3A_442 {strides = array<i32>} : memref<80xi32, #tpu.memory_space<vmem>>, vector<16xi32>,
    %get3A_443 = arith.constant 48 : index
    %get3A_444 = tpu.vector_load %arg11[%get3A_443] {strides = array<i32>} : memref<80xi32, #tpu.memory_space<vmem>>, vector<16xi32>,
    %get3A_445 = vector.shape_cast %get3A_444 : vector<16xi32> to vector<16xi32>
    %swap3A_446 = arith.constant 48 : index
    %swap3A_447 = tpu.vector_load %arg15[%swap3A_446] {strides = array<i32>} : memref<80xi32, #tpu.memory_space<vmem>>, vector<16xi32>,
    %swap3A_448 = vector.shape_cast %swap3A_447 : vector<16xi32> to vector<16xi32>
    %swap3A_449 = vector.shape_cast %get3A_445 : vector<16xi32> to vector<16xi32>
    tpu.vector_store %arg15[%swap3A_446], %swap3A_449 {strides = array<i32>} : memref<80xi32, #tpu.memory_space<vmem>>, vector<16xi32>,
    %get3A_450 = arith.constant 64 : index
    %get3A_451 = tpu.vector_load %arg11[%get3A_450] {strides = array<i32>} : memref<80xi32, #tpu.memory_space<vmem>>, vector<16xi32>,
    %get3A_452 = vector.shape_cast %get3A_451 : vector<16xi32> to vector<16xi32>
    %swap3A_453 = arith.constant 64 : index
    %swap3A_454 = tpu.vector_load %arg15[%swap3A_453] {strides = array<i32>} : memref<80xi32, #tpu.memory_space<vmem>>, vector<16xi32>,
    %swap3A_455 = vector.shape_cast %swap3A_454 : vector<16xi32> to vector<16xi32>
    %swap3A_456 = vector.shape_cast %get3A_452 : vector<16xi32> to vector<16xi32>
    tpu.vector_store %arg15[%swap3A_453], %swap3A_456 {strides = array<i32>} : memref<80xi32, #tpu.memory_space<vmem>>, vector<16xi32>,
    %dma_start3A_457 = arith.constant 0 : i32
    %dma_start3A_458 = arith.constant 0 : i32
    %dma_start3A_459 = tpu.memref_slice %arg22[%dma_start3A_457, %dma_start3A_458] : memref<10240x128xf32, #tpu.memory_space<vmem_shared>> -> memref<10240x128xf32, #tpu.memory_space<vmem_shared>>
    tpu.enqueue_indirect_dma source(%arg19 : memref<80x128xf32, #tpu.memory_space<vmem>>) target(%dma_start3A_459 : memref<10240x128xf32, #tpu.memory_space<vmem_shared>>) offsets(%arg15 : memref<80xi32, #tpu.memory_space<vmem>>) semaphore(%arg32 : memref<!tpu.dma_semaphore, #tpu.memory_space<semaphore_mem>>) {add = true}
    %dma_wait3A_460 = arith.constant 0 : i32
    %dma_wait3A_461 = arith.constant 0 : i32
    %dma_wait3A_462 = tpu.memref_slice %arg22[%dma_wait3A_460, %dma_wait3A_461] : memref<10240x128xf32, #tpu.memory_space<vmem_shared>> -> memref<10240x128xf32, #tpu.memory_space<vmem_shared>>
    tpu.wait_indirect_dma semaphore(%arg31 : memref<!tpu.dma_semaphore, #tpu.memory_space<semaphore_mem>>) src(%arg18 : memref<80x128xf32, #tpu.memory_space<vmem>>) dst(%dma_wait3A_462 : memref<10240x128xf32, #tpu.memory_space<vmem_shared>>)
    %add3A_463 = arith.constant 9920 : i32
    %add3A_464 = arith.addi %mul3A_2, %add3A_463 : i32
    %dma_wait3A_465 = tpu.memref_slice %arg3[%add3A_464] : memref<320000xi32, #tpu.memory_space<hbm>> -> memref<80xi32, #tpu.memory_space<hbm>>
    %dma_wait3A_466 = tpu.memref_slice %arg3[%add3A_464] : memref<320000xi32, #tpu.memory_space<hbm>> -> memref<80xi32, #tpu.memory_space<hbm>>
    tpu.wait_dma2 semaphore(%arg23 : memref<!tpu.dma_semaphore, #tpu.memory_space<semaphore_mem>>) src(%dma_wait3A_466 : memref<80xi32, #tpu.memory_space<hbm>>) dst(%arg6 : memref<80xi32, #tpu.memory_space<vmem>>)
    %add3A_467 = arith.constant 9920 : i32
    %add3A_468 = arith.addi %mul3A_2, %add3A_467 : i32
    %dma_wait3A_469 = tpu.memref_slice %arg4[%add3A_468] : memref<320000xi32, #tpu.memory_space<hbm>> -> memref<80xi32, #tpu.memory_space<hbm>>
    %dma_wait3A_470 = tpu.memref_slice %arg4[%add3A_468] : memref<320000xi32, #tpu.memory_space<hbm>> -> memref<80xi32, #tpu.memory_space<hbm>>
    tpu.wait_dma2 semaphore(%arg23 : memref<!tpu.dma_semaphore, #tpu.memory_space<semaphore_mem>>) src(%dma_wait3A_470 : memref<80xi32, #tpu.memory_space<hbm>>) dst(%arg10 : memref<80xi32, #tpu.memory_space<vmem>>)
    %dma_start3A_471 = arith.constant 0 : i32
    %dma_start3A_472 = arith.constant 0 : i32
    %dma_start3A_473 = tpu.memref_slice %arg2[%dma_start3A_471, %dma_start3A_472] : memref<10000x128xf32, #tpu.memory_space<hbm>> -> memref<10000x128xf32, #tpu.memory_space<hbm>>
    tpu.enqueue_indirect_dma source(%dma_start3A_473 : memref<10000x128xf32, #tpu.memory_space<hbm>>) target(%arg18 : memref<80x128xf32, #tpu.memory_space<vmem>>) offsets(%arg6 : memref<80xi32, #tpu.memory_space<vmem>>) semaphore(%arg27 : memref<!tpu.dma_semaphore, #tpu.memory_space<semaphore_mem>>)
    %dma_wait3A_474 = arith.constant 0 : i32
    %dma_wait3A_475 = arith.constant 0 : i32
    %dma_wait3A_476 = tpu.memref_slice %arg2[%dma_wait3A_474, %dma_wait3A_475] : memref<10000x128xf32, #tpu.memory_space<hbm>> -> memref<10000x128xf32, #tpu.memory_space<hbm>>
    tpu.wait_indirect_dma semaphore(%arg29 : memref<!tpu.dma_semaphore, #tpu.memory_space<semaphore_mem>>) src(%dma_wait3A_476 : memref<10000x128xf32, #tpu.memory_space<hbm>>) dst(%arg20 : memref<80x128xf32, #tpu.memory_space<vmem>>)
    %get3A_477 = arith.constant 0 : index
    %get3A_478 = tpu.vector_load %arg12[%get3A_477] {strides = array<i32>} : memref<80xi32, #tpu.memory_space<vmem>>, vector<16xi32>,
    %get3A_479 = vector.shape_cast %get3A_478 : vector<16xi32> to vector<16xi32>
    %swap3A_480 = arith.constant 0 : index
    %swap3A_481 = tpu.vector_load %arg16[%swap3A_480] {strides = array<i32>} : memref<80xi32, #tpu.memory_space<vmem>>, vector<16xi32>,
    %swap3A_482 = vector.shape_cast %swap3A_481 : vector<16xi32> to vector<16xi32>
    %swap3A_483 = vector.shape_cast %get3A_479 : vector<16xi32> to vector<16xi32>
    tpu.vector_store %arg16[%swap3A_480], %swap3A_483 {strides = array<i32>} : memref<80xi32, #tpu.memory_space<vmem>>, vector<16xi32>,
    %get3A_484 = arith.constant 16 : index
    %get3A_485 = tpu.vector_load %arg12[%get3A_484] {strides = array<i32>} : memref<80xi32, #tpu.memory_space<vmem>>, vector<16xi32>,
    %get3A_486 = vector.shape_cast %get3A_485 : vector<16xi32> to vector<16xi32>
    %swap3A_487 = arith.constant 16 : index
    %swap3A_488 = tpu.vector_load %arg16[%swap3A_487] {strides = array<i32>} : memref<80xi32, #tpu.memory_space<vmem>>, vector<16xi32>,
    %swap3A_489 = vector.shape_cast %swap3A_488 : vector<16xi32> to vector<16xi32>
    %swap3A_490 = vector.shape_cast %get3A_486 : vector<16xi32> to vector<16xi32>
    tpu.vector_store %arg16[%swap3A_487], %swap3A_490 {strides = array<i32>} : memref<80xi32, #tpu.memory_space<vmem>>, vector<16xi32>,
    %get3A_491 = arith.constant 32 : index
    %get3A_492 = tpu.vector_load %arg12[%get3A_491] {strides = array<i32>} : memref<80xi32, #tpu.memory_space<vmem>>, vector<16xi32>,
    %get3A_493 = vector.shape_cast %get3A_492 : vector<16xi32> to vector<16xi32>
    %swap3A_494 = arith.constant 32 : index
    %swap3A_495 = tpu.vector_load %arg16[%swap3A_494] {strides = array<i32>} : memref<80xi32, #tpu.memory_space<vmem>>, vector<16xi32>,
    %swap3A_496 = vector.shape_cast %swap3A_495 : vector<16xi32> to vector<16xi32>
    %swap3A_497 = vector.shape_cast %get3A_493 : vector<16xi32> to vector<16xi32>
    tpu.vector_store %arg16[%swap3A_494], %swap3A_497 {strides = array<i32>} : memref<80xi32, #tpu.memory_space<vmem>>, vector<16xi32>,
    %get3A_498 = arith.constant 48 : index
    %get3A_499 = tpu.vector_load %arg12[%get3A_498] {strides = array<i32>} : memref<80xi32, #tpu.memory_space<vmem>>, vector<16xi32>,
    %get3A_500 = vector.shape_cast %get3A_499 : vector<16xi32> to vector<16xi32>
    %swap3A_501 = arith.constant 48 : index
    %swap3A_502 = tpu.vector_load %arg16[%swap3A_501] {strides = array<i32>} : memref<80xi32, #tpu.memory_space<vmem>>, vector<16xi32>,
    %swap3A_503 = vector.shape_cast %swap3A_502 : vector<16xi32> to vector<16xi32>
    %swap3A_504 = vector.shape_cast %get3A_500 : vector<16xi32> to vector<16xi32>
    tpu.vector_store %arg16[%swap3A_501], %swap3A_504 {strides = array<i32>} : memref<80xi32, #tpu.memory_space<vmem>>, vector<16xi32>,
    %get3A_505 = arith.constant 64 : index
    %get3A_506 = tpu.vector_load %arg12[%get3A_505] {strides = array<i32>} : memref<80xi32, #tpu.memory_space<vmem>>, vector<16xi32>,
    %get3A_507 = vector.shape_cast %get3A_506 : vector<16xi32> to vector<16xi32>
    %swap3A_508 = arith.constant 64 : index
    %swap3A_509 = tpu.vector_load %arg16[%swap3A_508] {strides = array<i32>} : memref<80xi32, #tpu.memory_space<vmem>>, vector<16xi32>,
    %swap3A_510 = vector.shape_cast %swap3A_509 : vector<16xi32> to vector<16xi32>
    %swap3A_511 = vector.shape_cast %get3A_507 : vector<16xi32> to vector<16xi32>
    tpu.vector_store %arg16[%swap3A_508], %swap3A_511 {strides = array<i32>} : memref<80xi32, #tpu.memory_space<vmem>>, vector<16xi32>,
    %dma_start3A_512 = arith.constant 0 : i32
    %dma_start3A_513 = arith.constant 0 : i32
    %dma_start3A_514 = tpu.memref_slice %arg22[%dma_start3A_512, %dma_start3A_513] : memref<10240x128xf32, #tpu.memory_space<vmem_shared>> -> memref<10240x128xf32, #tpu.memory_space<vmem_shared>>
    tpu.enqueue_indirect_dma source(%arg20 : memref<80x128xf32, #tpu.memory_space<vmem>>) target(%dma_start3A_514 : memref<10240x128xf32, #tpu.memory_space<vmem_shared>>) offsets(%arg16 : memref<80xi32, #tpu.memory_space<vmem>>) semaphore(%arg33 : memref<!tpu.dma_semaphore, #tpu.memory_space<semaphore_mem>>) {add = true}
    %dma_wait3A_515 = arith.constant 0 : i32
    %dma_wait3A_516 = arith.constant 0 : i32
    %dma_wait3A_517 = tpu.memref_slice %arg22[%dma_wait3A_515, %dma_wait3A_516] : memref<10240x128xf32, #tpu.memory_space<vmem_shared>> -> memref<10240x128xf32, #tpu.memory_space<vmem_shared>>
    tpu.wait_indirect_dma semaphore(%arg32 : memref<!tpu.dma_semaphore, #tpu.memory_space<semaphore_mem>>) src(%arg19 : memref<80x128xf32, #tpu.memory_space<vmem>>) dst(%dma_wait3A_517 : memref<10240x128xf32, #tpu.memory_space<vmem_shared>>)
    %dma_wait3A_518 = arith.constant 0 : i32
    %dma_wait3A_519 = arith.constant 0 : i32
    %dma_wait3A_520 = tpu.memref_slice %arg2[%dma_wait3A_518, %dma_wait3A_519] : memref<10000x128xf32, #tpu.memory_space<hbm>> -> memref<10000x128xf32, #tpu.memory_space<hbm>>
    tpu.wait_indirect_dma semaphore(%arg30 : memref<!tpu.dma_semaphore, #tpu.memory_space<semaphore_mem>>) src(%dma_wait3A_520 : memref<10000x128xf32, #tpu.memory_space<hbm>>) dst(%arg21 : memref<80x128xf32, #tpu.memory_space<vmem>>)
    %get3A_521 = arith.constant 0 : index
    %get3A_522 = tpu.vector_load %arg13[%get3A_521] {strides = array<i32>} : memref<80xi32, #tpu.memory_space<vmem>>, vector<16xi32>,
    %get3A_523 = vector.shape_cast %get3A_522 : vector<16xi32> to vector<16xi32>
    %swap3A_524 = arith.constant 0 : index
    %swap3A_525 = tpu.vector_load %arg17[%swap3A_524] {strides = array<i32>} : memref<80xi32, #tpu.memory_space<vmem>>, vector<16xi32>,
    %swap3A_526 = vector.shape_cast %swap3A_525 : vector<16xi32> to vector<16xi32>
    %swap3A_527 = vector.shape_cast %get3A_523 : vector<16xi32> to vector<16xi32>
    tpu.vector_store %arg17[%swap3A_524], %swap3A_527 {strides = array<i32>} : memref<80xi32, #tpu.memory_space<vmem>>, vector<16xi32>,
    %get3A_528 = arith.constant 16 : index
    %get3A_529 = tpu.vector_load %arg13[%get3A_528] {strides = array<i32>} : memref<80xi32, #tpu.memory_space<vmem>>, vector<16xi32>,
    %get3A_530 = vector.shape_cast %get3A_529 : vector<16xi32> to vector<16xi32>
    %swap3A_531 = arith.constant 16 : index
    %swap3A_532 = tpu.vector_load %arg17[%swap3A_531] {strides = array<i32>} : memref<80xi32, #tpu.memory_space<vmem>>, vector<16xi32>,
    %swap3A_533 = vector.shape_cast %swap3A_532 : vector<16xi32> to vector<16xi32>
    %swap3A_534 = vector.shape_cast %get3A_530 : vector<16xi32> to vector<16xi32>
    tpu.vector_store %arg17[%swap3A_531], %swap3A_534 {strides = array<i32>} : memref<80xi32, #tpu.memory_space<vmem>>, vector<16xi32>,
    %get3A_535 = arith.constant 32 : index
    %get3A_536 = tpu.vector_load %arg13[%get3A_535] {strides = array<i32>} : memref<80xi32, #tpu.memory_space<vmem>>, vector<16xi32>,
    %get3A_537 = vector.shape_cast %get3A_536 : vector<16xi32> to vector<16xi32>
    %swap3A_538 = arith.constant 32 : index
    %swap3A_539 = tpu.vector_load %arg17[%swap3A_538] {strides = array<i32>} : memref<80xi32, #tpu.memory_space<vmem>>, vector<16xi32>,
    %swap3A_540 = vector.shape_cast %swap3A_539 : vector<16xi32> to vector<16xi32>
    %swap3A_541 = vector.shape_cast %get3A_537 : vector<16xi32> to vector<16xi32>
    tpu.vector_store %arg17[%swap3A_538], %swap3A_541 {strides = array<i32>} : memref<80xi32, #tpu.memory_space<vmem>>, vector<16xi32>,
    %get3A_542 = arith.constant 48 : index
    %get3A_543 = tpu.vector_load %arg13[%get3A_542] {strides = array<i32>} : memref<80xi32, #tpu.memory_space<vmem>>, vector<16xi32>,
    %get3A_544 = vector.shape_cast %get3A_543 : vector<16xi32> to vector<16xi32>
    %swap3A_545 = arith.constant 48 : index
    %swap3A_546 = tpu.vector_load %arg17[%swap3A_545] {strides = array<i32>} : memref<80xi32, #tpu.memory_space<vmem>>, vector<16xi32>,
    %swap3A_547 = vector.shape_cast %swap3A_546 : vector<16xi32> to vector<16xi32>
    %swap3A_548 = vector.shape_cast %get3A_544 : vector<16xi32> to vector<16xi32>
    tpu.vector_store %arg17[%swap3A_545], %swap3A_548 {strides = array<i32>} : memref<80xi32, #tpu.memory_space<vmem>>, vector<16xi32>,
    %get3A_549 = arith.constant 64 : index
    %get3A_550 = tpu.vector_load %arg13[%get3A_549] {strides = array<i32>} : memref<80xi32, #tpu.memory_space<vmem>>, vector<16xi32>,
    %get3A_551 = vector.shape_cast %get3A_550 : vector<16xi32> to vector<16xi32>
    %swap3A_552 = arith.constant 64 : index
    %swap3A_553 = tpu.vector_load %arg17[%swap3A_552] {strides = array<i32>} : memref<80xi32, #tpu.memory_space<vmem>>, vector<16xi32>,
    %swap3A_554 = vector.shape_cast %swap3A_553 : vector<16xi32> to vector<16xi32>
    %swap3A_555 = vector.shape_cast %get3A_551 : vector<16xi32> to vector<16xi32>
    tpu.vector_store %arg17[%swap3A_552], %swap3A_555 {strides = array<i32>} : memref<80xi32, #tpu.memory_space<vmem>>, vector<16xi32>,
    %dma_start3A_556 = arith.constant 0 : i32
    %dma_start3A_557 = arith.constant 0 : i32
    %dma_start3A_558 = tpu.memref_slice %arg22[%dma_start3A_556, %dma_start3A_557] : memref<10240x128xf32, #tpu.memory_space<vmem_shared>> -> memref<10240x128xf32, #tpu.memory_space<vmem_shared>>
    tpu.enqueue_indirect_dma source(%arg21 : memref<80x128xf32, #tpu.memory_space<vmem>>) target(%dma_start3A_558 : memref<10240x128xf32, #tpu.memory_space<vmem_shared>>) offsets(%arg17 : memref<80xi32, #tpu.memory_space<vmem>>) semaphore(%arg34 : memref<!tpu.dma_semaphore, #tpu.memory_space<semaphore_mem>>) {add = true}
    %dma_wait3A_559 = arith.constant 0 : i32
    %dma_wait3A_560 = arith.constant 0 : i32
    %dma_wait3A_561 = tpu.memref_slice %arg22[%dma_wait3A_559, %dma_wait3A_560] : memref<10240x128xf32, #tpu.memory_space<vmem_shared>> -> memref<10240x128xf32, #tpu.memory_space<vmem_shared>>
    tpu.wait_indirect_dma semaphore(%arg33 : memref<!tpu.dma_semaphore, #tpu.memory_space<semaphore_mem>>) src(%arg20 : memref<80x128xf32, #tpu.memory_space<vmem>>) dst(%dma_wait3A_561 : memref<10240x128xf32, #tpu.memory_space<vmem_shared>>)
    %dma_wait3A_562 = arith.constant 0 : i32
    %dma_wait3A_563 = arith.constant 0 : i32
    %dma_wait3A_564 = tpu.memref_slice %arg2[%dma_wait3A_562, %dma_wait3A_563] : memref<10000x128xf32, #tpu.memory_space<hbm>> -> memref<10000x128xf32, #tpu.memory_space<hbm>>
    tpu.wait_indirect_dma semaphore(%arg27 : memref<!tpu.dma_semaphore, #tpu.memory_space<semaphore_mem>>) src(%dma_wait3A_564 : memref<10000x128xf32, #tpu.memory_space<hbm>>) dst(%arg18 : memref<80x128xf32, #tpu.memory_space<vmem>>)
    %get3A_565 = arith.constant 0 : index
    %get3A_566 = tpu.vector_load %arg10[%get3A_565] {strides = array<i32>} : memref<80xi32, #tpu.memory_space<vmem>>, vector<16xi32>,
    %get3A_567 = vector.shape_cast %get3A_566 : vector<16xi32> to vector<16xi32>
    %swap3A_568 = arith.constant 0 : index
    %swap3A_569 = tpu.vector_load %arg14[%swap3A_568] {strides = array<i32>} : memref<80xi32, #tpu.memory_space<vmem>>, vector<16xi32>,
    %swap3A_570 = vector.shape_cast %swap3A_569 : vector<16xi32> to vector<16xi32>
    %swap3A_571 = vector.shape_cast %get3A_567 : vector<16xi32> to vector<16xi32>
    tpu.vector_store %arg14[%swap3A_568], %swap3A_571 {strides = array<i32>} : memref<80xi32, #tpu.memory_space<vmem>>, vector<16xi32>,
    %get3A_572 = arith.constant 16 : index
    %get3A_573 = tpu.vector_load %arg10[%get3A_572] {strides = array<i32>} : memref<80xi32, #tpu.memory_space<vmem>>, vector<16xi32>,
    %get3A_574 = vector.shape_cast %get3A_573 : vector<16xi32> to vector<16xi32>
    %swap3A_575 = arith.constant 16 : index
    %swap3A_576 = tpu.vector_load %arg14[%swap3A_575] {strides = array<i32>} : memref<80xi32, #tpu.memory_space<vmem>>, vector<16xi32>,
    %swap3A_577 = vector.shape_cast %swap3A_576 : vector<16xi32> to vector<16xi32>
    %swap3A_578 = vector.shape_cast %get3A_574 : vector<16xi32> to vector<16xi32>
    tpu.vector_store %arg14[%swap3A_575], %swap3A_578 {strides = array<i32>} : memref<80xi32, #tpu.memory_space<vmem>>, vector<16xi32>,
    %get3A_579 = arith.constant 32 : index
    %get3A_580 = tpu.vector_load %arg10[%get3A_579] {strides = array<i32>} : memref<80xi32, #tpu.memory_space<vmem>>, vector<16xi32>,
    %get3A_581 = vector.shape_cast %get3A_580 : vector<16xi32> to vector<16xi32>
    %swap3A_582 = arith.constant 32 : index
    %swap3A_583 = tpu.vector_load %arg14[%swap3A_582] {strides = array<i32>} : memref<80xi32, #tpu.memory_space<vmem>>, vector<16xi32>,
    %swap3A_584 = vector.shape_cast %swap3A_583 : vector<16xi32> to vector<16xi32>
    %swap3A_585 = vector.shape_cast %get3A_581 : vector<16xi32> to vector<16xi32>
    tpu.vector_store %arg14[%swap3A_582], %swap3A_585 {strides = array<i32>} : memref<80xi32, #tpu.memory_space<vmem>>, vector<16xi32>,
    %get3A_586 = arith.constant 48 : index
    %get3A_587 = tpu.vector_load %arg10[%get3A_586] {strides = array<i32>} : memref<80xi32, #tpu.memory_space<vmem>>, vector<16xi32>,
    %get3A_588 = vector.shape_cast %get3A_587 : vector<16xi32> to vector<16xi32>
    %swap3A_589 = arith.constant 48 : index
    %swap3A_590 = tpu.vector_load %arg14[%swap3A_589] {strides = array<i32>} : memref<80xi32, #tpu.memory_space<vmem>>, vector<16xi32>,
    %swap3A_591 = vector.shape_cast %swap3A_590 : vector<16xi32> to vector<16xi32>
    %swap3A_592 = vector.shape_cast %get3A_588 : vector<16xi32> to vector<16xi32>
    tpu.vector_store %arg14[%swap3A_589], %swap3A_592 {strides = array<i32>} : memref<80xi32, #tpu.memory_space<vmem>>, vector<16xi32>,
    %get3A_593 = arith.constant 64 : index
    %get3A_594 = tpu.vector_load %arg10[%get3A_593] {strides = array<i32>} : memref<80xi32, #tpu.memory_space<vmem>>, vector<16xi32>,
    %get3A_595 = vector.shape_cast %get3A_594 : vector<16xi32> to vector<16xi32>
    %swap3A_596 = arith.constant 64 : index
    %swap3A_597 = tpu.vector_load %arg14[%swap3A_596] {strides = array<i32>} : memref<80xi32, #tpu.memory_space<vmem>>, vector<16xi32>,
    %swap3A_598 = vector.shape_cast %swap3A_597 : vector<16xi32> to vector<16xi32>
    %swap3A_599 = vector.shape_cast %get3A_595 : vector<16xi32> to vector<16xi32>
    tpu.vector_store %arg14[%swap3A_596], %swap3A_599 {strides = array<i32>} : memref<80xi32, #tpu.memory_space<vmem>>, vector<16xi32>,
    %dma_start3A_600 = arith.constant 0 : i32
    %dma_start3A_601 = arith.constant 0 : i32
    %dma_start3A_602 = tpu.memref_slice %arg22[%dma_start3A_600, %dma_start3A_601] : memref<10240x128xf32, #tpu.memory_space<vmem_shared>> -> memref<10240x128xf32, #tpu.memory_space<vmem_shared>>
    tpu.enqueue_indirect_dma source(%arg18 : memref<80x128xf32, #tpu.memory_space<vmem>>) target(%dma_start3A_602 : memref<10240x128xf32, #tpu.memory_space<vmem_shared>>) offsets(%arg14 : memref<80xi32, #tpu.memory_space<vmem>>) semaphore(%arg31 : memref<!tpu.dma_semaphore, #tpu.memory_space<semaphore_mem>>) {add = true}
    %dma_wait3A_603 = arith.constant 0 : i32
    %dma_wait3A_604 = arith.constant 0 : i32
    %dma_wait3A_605 = tpu.memref_slice %arg22[%dma_wait3A_603, %dma_wait3A_604] : memref<10240x128xf32, #tpu.memory_space<vmem_shared>> -> memref<10240x128xf32, #tpu.memory_space<vmem_shared>>
    tpu.wait_indirect_dma semaphore(%arg34 : memref<!tpu.dma_semaphore, #tpu.memory_space<semaphore_mem>>) src(%arg21 : memref<80x128xf32, #tpu.memory_space<vmem>>) dst(%dma_wait3A_605 : memref<10240x128xf32, #tpu.memory_space<vmem_shared>>)
    %dma_wait3A_606 = arith.constant 0 : i32
    %dma_wait3A_607 = arith.constant 0 : i32
    %dma_wait3A_608 = tpu.memref_slice %arg22[%dma_wait3A_606, %dma_wait3A_607] : memref<10240x128xf32, #tpu.memory_space<vmem_shared>> -> memref<10240x128xf32, #tpu.memory_space<vmem_shared>>
    tpu.wait_indirect_dma semaphore(%arg31 : memref<!tpu.dma_semaphore, #tpu.memory_space<semaphore_mem>>) src(%arg18 : memref<80x128xf32, #tpu.memory_space<vmem>>) dst(%dma_wait3A_608 : memref<10240x128xf32, #tpu.memory_space<vmem_shared>>)
    %barrier3A_609 = arith.constant 0 : index
    tpu.barrier barrier_id(%barrier3A_609)
    %mul3A_610 = arith.constant 640 : i32
    %mul3A_611 = arith.muli %arg1, %mul3A_610 : i32
    %mul3A_612 = arith.constant 640 : i32
    %mul3A_613 = arith.muli %arg1, %mul3A_612 : i32
    "tpu.region"() ({
      %run_scoped3A = tpu.sem_alloc : memref<!tpu.dma_semaphore, #tpu.memory_space<semaphore_mem>>
      %dma_start3A_614 = arith.constant 0 : i32
      %dma_start3A_615 = tpu.memref_slice %arg5[%arg0, %mul3A_613, %dma_start3A_614] : memref<2x10240x128xf32, #tpu.memory_space<hbm>> -> memref<1x640x128xf32, #tpu.memory_space<hbm>>
      %dma_start3A_616 = tpu.memref_squeeze %dma_start3A_615 : memref<1x640x128xf32, #tpu.memory_space<hbm>> -> memref<640x128xf32, #tpu.memory_space<hbm>>
      %dma_start3A_617 = arith.constant 0 : i32
      %dma_start3A_618 = tpu.memref_slice %arg22[%mul3A_611, %dma_start3A_617] : memref<10240x128xf32, #tpu.memory_space<vmem_shared>> -> memref<640x128xf32, #tpu.memory_space<vmem_shared>>
      tpu.enqueue_dma source(%dma_start3A_618 : memref<640x128xf32, #tpu.memory_space<vmem_shared>>) target(%dma_start3A_616 : memref<640x128xf32, #tpu.memory_space<hbm>>) target_semaphore(%run_scoped3A : memref<!tpu.dma_semaphore, #tpu.memory_space<semaphore_mem>>)
      %dma_wait3A_619 = arith.constant 0 : i32
      %dma_wait3A_620 = tpu.memref_slice %arg5[%arg0, %mul3A_613, %dma_wait3A_619] : memref<2x10240x128xf32, #tpu.memory_space<hbm>> -> memref<1x640x128xf32, #tpu.memory_space<hbm>>
      %dma_wait3A_621 = tpu.memref_squeeze %dma_wait3A_620 : memref<1x640x128xf32, #tpu.memory_space<hbm>> -> memref<640x128xf32, #tpu.memory_space<hbm>>
      %dma_wait3A_622 = arith.constant 0 : i32
      %dma_wait3A_623 = tpu.memref_slice %arg22[%mul3A_611, %dma_wait3A_622] : memref<10240x128xf32, #tpu.memory_space<vmem_shared>> -> memref<640x128xf32, #tpu.memory_space<vmem_shared>>
      tpu.wait_dma2 semaphore(%run_scoped3A : memref<!tpu.dma_semaphore, #tpu.memory_space<semaphore_mem>>) src(%dma_wait3A_623 : memref<640x128xf32, #tpu.memory_space<vmem_shared>>) dst(%dma_wait3A_621 : memref<640x128xf32, #tpu.memory_space<hbm>>)
      tpu.yield
    }) : () -> ()
    return
  }
}

#map = affine_map<(d0, d1) -> (0, 0)>
#map1 = affine_map<(d0, d1) -> (0)>
#map2 = affine_map<(d0, d1) -> (0, 0, 0)>
module attributes {stable_mosaic.version = 14 : i64} {
  func.func @agg(%arg0: i32, %arg1: i32, %arg2: memref<10000x128xf32, #tpu.memory_space<hbm>>, %arg3: memref<320000xi32, #tpu.memory_space<hbm>>, %arg4: memref<320000xi32, #tpu.memory_space<hbm>>, %arg5: memref<2x10240x128xf32, #tpu.memory_space<hbm>>, %arg6: memref<80xi32, #tpu.memory_space<vmem>>, %arg7: memref<80xi32, #tpu.memory_space<vmem>>, %arg8: memref<80xi32, #tpu.memory_space<vmem>>, %arg9: memref<80xi32, #tpu.memory_space<vmem>>, %arg10: memref<80xi32, #tpu.memory_space<vmem>>, %arg11: memref<80xi32, #tpu.memory_space<vmem>>, %arg12: memref<80xi32, #tpu.memory_space<vmem>>, %arg13: memref<80xi32, #tpu.memory_space<vmem>>, %arg14: memref<80xi32, #tpu.memory_space<vmem>>, %arg15: memref<80xi32, #tpu.memory_space<vmem>>, %arg16: memref<80xi32, #tpu.memory_space<vmem>>, %arg17: memref<80xi32, #tpu.memory_space<vmem>>, %arg18: memref<80x128xf32, #tpu.memory_space<vmem>>, %arg19: memref<80x128xf32, #tpu.memory_space<vmem>>, %arg20: memref<80x128xf32, #tpu.memory_space<vmem>>, %arg21: memref<80x128xf32, #tpu.memory_space<vmem>>, %arg22: memref<10240x128xf32, #tpu.memory_space<vmem_shared>>, %arg23: memref<!tpu.dma_semaphore, #tpu.memory_space<semaphore_mem>>, %arg24: memref<!tpu.dma_semaphore, #tpu.memory_space<semaphore_mem>>, %arg25: memref<!tpu.dma_semaphore, #tpu.memory_space<semaphore_mem>>, %arg26: memref<!tpu.dma_semaphore, #tpu.memory_space<semaphore_mem>>, %arg27: memref<!tpu.dma_semaphore, #tpu.memory_space<semaphore_mem>>, %arg28: memref<!tpu.dma_semaphore, #tpu.memory_space<semaphore_mem>>, %arg29: memref<!tpu.dma_semaphore, #tpu.memory_space<semaphore_mem>>, %arg30: memref<!tpu.dma_semaphore, #tpu.memory_space<semaphore_mem>>, %arg31: memref<!tpu.dma_semaphore, #tpu.memory_space<semaphore_mem>>, %arg32: memref<!tpu.dma_semaphore, #tpu.memory_space<semaphore_mem>>, %arg33: memref<!tpu.dma_semaphore, #tpu.memory_space<semaphore_mem>>, %arg34: memref<!tpu.dma_semaphore, #tpu.memory_space<semaphore_mem>>) attributes {dimension_semantics = [#tpu.dimension_semantics<core_parallel>, #tpu.dimension_semantics<subcore_parallel>], iteration_bounds = array<i64: 2, 16>, scalar_prefetch = 0 : i64, scratch_operands = 29 : i64, tpu.core_type = #tpu.core_type<sc_vector_subcore>, window_params = [{transform_indices = #map}, {transform_indices = #map1}, {transform_indices = #map1}, {transform_indices = #map2}]} {
    %mul3A = arith.constant 16 : i32
    %mul3A_0 = arith.muli %arg0, %mul3A : i32
    %add3A = arith.addi %mul3A_0, %arg1 : i32
    %mul3A_1 = arith.constant 10000 : i32
    %mul3A_2 = arith.muli %add3A, %mul3A_1 : i32
    %scan3A = arith.constant 0 : i32
    %scan3A_3 = arith.constant 0 : i32
    %scan3A_4 = arith.constant 80 : i32
    %scan3A_5 = arith.addi %scan3A_3, %scan3A_4 : i32
    %scan3A_6 = arith.constant 1 : i32
    scf.for %scan3A_614 = %scan3A_3 to %scan3A_5 step %scan3A_6  : i32 {
      %broadcast_in_dim3A = arith.constant 0.000000e+00 : f32
      %broadcast_in_dim3A_615 = vector.broadcast %broadcast_in_dim3A : f32 to vector<16xf32>
      %swap3A_616 = arith.index_cast %scan3A_614 : i32 to index
      %swap3A_617 = arith.constant 0 : index
      %swap3A_618 = tpu.vector_load %arg18[%swap3A_616, %swap3A_617] {strides = array<i32>} : memref<80x128xf32, #tpu.memory_space<vmem>>, vector<1x16xf32>,
      %swap3A_619 = vector.shape_cast %swap3A_618 : vector<1x16xf32> to vector<16xf32>
      %swap3A_620 = vector.shape_cast %broadcast_in_dim3A_615 : vector<16xf32> to vector<1x16xf32>
      tpu.vector_store %arg18[%swap3A_616, %swap3A_617], %swap3A_620 {strides = array<i32>} : memref<80x128xf32, #tpu.memory_space<vmem>>, vector<1x16xf32>,
      %broadcast_in_dim3A_621 = arith.constant 0.000000e+00 : f32
      %broadcast_in_dim3A_622 = vector.broadcast %broadcast_in_dim3A_621 : f32 to vector<16xf32>
      %swap3A_623 = arith.index_cast %scan3A_614 : i32 to index
      %swap3A_624 = arith.constant 16 : index
      %swap3A_625 = tpu.vector_load %arg18[%swap3A_623, %swap3A_624] {strides = array<i32>} : memref<80x128xf32, #tpu.memory_space<vmem>>, vector<1x16xf32>,
      %swap3A_626 = vector.shape_cast %swap3A_625 : vector<1x16xf32> to vector<16xf32>
      %swap3A_627 = vector.shape_cast %broadcast_in_dim3A_622 : vector<16xf32> to vector<1x16xf32>
      tpu.vector_store %arg18[%swap3A_623, %swap3A_624], %swap3A_627 {strides = array<i32>} : memref<80x128xf32, #tpu.memory_space<vmem>>, vector<1x16xf32>,
      %broadcast_in_dim3A_628 = arith.constant 0.000000e+00 : f32
      %broadcast_in_dim3A_629 = vector.broadcast %broadcast_in_dim3A_628 : f32 to vector<16xf32>
      %swap3A_630 = arith.index_cast %scan3A_614 : i32 to index
      %swap3A_631 = arith.constant 32 : index
      %swap3A_632 = tpu.vector_load %arg18[%swap3A_630, %swap3A_631] {strides = array<i32>} : memref<80x128xf32, #tpu.memory_space<vmem>>, vector<1x16xf32>,
      %swap3A_633 = vector.shape_cast %swap3A_632 : vector<1x16xf32> to vector<16xf32>
      %swap3A_634 = vector.shape_cast %broadcast_in_dim3A_629 : vector<16xf32> to vector<1x16xf32>
      tpu.vector_store %arg18[%swap3A_630, %swap3A_631], %swap3A_634 {strides = array<i32>} : memref<80x128xf32, #tpu.memory_space<vmem>>, vector<1x16xf32>,
      %broadcast_in_dim3A_635 = arith.constant 0.000000e+00 : f32
      %broadcast_in_dim3A_636 = vector.broadcast %broadcast_in_dim3A_635 : f32 to vector<16xf32>
      %swap3A_637 = arith.index_cast %scan3A_614 : i32 to index
      %swap3A_638 = arith.constant 48 : index
      %swap3A_639 = tpu.vector_load %arg18[%swap3A_637, %swap3A_638] {strides = array<i32>} : memref<80x128xf32, #tpu.memory_space<vmem>>, vector<1x16xf32>,
      %swap3A_640 = vector.shape_cast %swap3A_639 : vector<1x16xf32> to vector<16xf32>
      %swap3A_641 = vector.shape_cast %broadcast_in_dim3A_636 : vector<16xf32> to vector<1x16xf32>
      tpu.vector_store %arg18[%swap3A_637, %swap3A_638], %swap3A_641 {strides = array<i32>} : memref<80x128xf32, #tpu.memory_space<vmem>>, vector<1x16xf32>,
      %broadcast_in_dim3A_642 = arith.constant 0.000000e+00 : f32
      %broadcast_in_dim3A_643 = vector.broadcast %broadcast_in_dim3A_642 : f32 to vector<16xf32>
      %swap3A_644 = arith.index_cast %scan3A_614 : i32 to index
      %swap3A_645 = arith.constant 64 : index
      %swap3A_646 = tpu.vector_load %arg18[%swap3A_644, %swap3A_645] {strides = array<i32>} : memref<80x128xf32, #tpu.memory_space<vmem>>, vector<1x16xf32>,
      %swap3A_647 = vector.shape_cast %swap3A_646 : vector<1x16xf32> to vector<16xf32>
      %swap3A_648 = vector.shape_cast %broadcast_in_dim3A_643 : vector<16xf32> to vector<1x16xf32>
      tpu.vector_store %arg18[%swap3A_644, %swap3A_645], %swap3A_648 {strides = array<i32>} : memref<80x128xf32, #tpu.memory_space<vmem>>, vector<1x16xf32>,
      %broadcast_in_dim3A_649 = arith.constant 0.000000e+00 : f32
      %broadcast_in_dim3A_650 = vector.broadcast %broadcast_in_dim3A_649 : f32 to vector<16xf32>
      %swap3A_651 = arith.index_cast %scan3A_614 : i32 to index
      %swap3A_652 = arith.constant 80 : index
      %swap3A_653 = tpu.vector_load %arg18[%swap3A_651, %swap3A_652] {strides = array<i32>} : memref<80x128xf32, #tpu.memory_space<vmem>>, vector<1x16xf32>,
      %swap3A_654 = vector.shape_cast %swap3A_653 : vector<1x16xf32> to vector<16xf32>
      %swap3A_655 = vector.shape_cast %broadcast_in_dim3A_650 : vector<16xf32> to vector<1x16xf32>
      tpu.vector_store %arg18[%swap3A_651, %swap3A_652], %swap3A_655 {strides = array<i32>} : memref<80x128xf32, #tpu.memory_space<vmem>>, vector<1x16xf32>,
      %broadcast_in_dim3A_656 = arith.constant 0.000000e+00 : f32
      %broadcast_in_dim3A_657 = vector.broadcast %broadcast_in_dim3A_656 : f32 to vector<16xf32>
      %swap3A_658 = arith.index_cast %scan3A_614 : i32 to index
      %swap3A_659 = arith.constant 96 : index
      %swap3A_660 = tpu.vector_load %arg18[%swap3A_658, %swap3A_659] {strides = array<i32>} : memref<80x128xf32, #tpu.memory_space<vmem>>, vector<1x16xf32>,
      %swap3A_661 = vector.shape_cast %swap3A_660 : vector<1x16xf32> to vector<16xf32>
      %swap3A_662 = vector.shape_cast %broadcast_in_dim3A_657 : vector<16xf32> to vector<1x16xf32>
      tpu.vector_store %arg18[%swap3A_658, %swap3A_659], %swap3A_662 {strides = array<i32>} : memref<80x128xf32, #tpu.memory_space<vmem>>, vector<1x16xf32>,
      %broadcast_in_dim3A_663 = arith.constant 0.000000e+00 : f32
      %broadcast_in_dim3A_664 = vector.broadcast %broadcast_in_dim3A_663 : f32 to vector<16xf32>
      %swap3A_665 = arith.index_cast %scan3A_614 : i32 to index
      %swap3A_666 = arith.constant 112 : index
      %swap3A_667 = tpu.vector_load %arg18[%swap3A_665, %swap3A_666] {strides = array<i32>} : memref<80x128xf32, #tpu.memory_space<vmem>>, vector<1x16xf32>,
      %swap3A_668 = vector.shape_cast %swap3A_667 : vector<1x16xf32> to vector<16xf32>
      %swap3A_669 = vector.shape_cast %broadcast_in_dim3A_664 : vector<16xf32> to vector<1x16xf32>
      tpu.vector_store %arg18[%swap3A_665, %swap3A_666], %swap3A_669 {strides = array<i32>} : memref<80x128xf32, #tpu.memory_space<vmem>>, vector<1x16xf32>,
    }
    %scan3A_7 = arith.constant 80 : i32
    %mul3A_8 = arith.constant 640 : i32
    %mul3A_9 = arith.muli %arg1, %mul3A_8 : i32
    %add3A_10 = arith.constant 0 : i32
    %add3A_11 = arith.addi %mul3A_9, %add3A_10 : i32
    "tpu.region"() ({
      %run_scoped3A = tpu.sem_alloc : memref<!tpu.dma_semaphore, #tpu.memory_space<semaphore_mem>>
      %dma_start3A_614 = arith.constant 0 : i32
      %dma_start3A_615 = tpu.memref_slice %arg22[%add3A_11, %dma_start3A_614] : memref<10240x128xf32, #tpu.memory_space<vmem_shared>> -> memref<80x128xf32, #tpu.memory_space<vmem_shared>>
      %dma_start3A_616 = arith.constant 0 : i32
      %dma_start3A_617 = tpu.memref_slice %arg22[%add3A_11, %dma_start3A_616] : memref<10240x128xf32, #tpu.memory_space<vmem_shared>> -> memref<80x128xf32, #tpu.memory_space<vmem_shared>>
      tpu.enqueue_dma source(%arg18 : memref<80x128xf32, #tpu.memory_space<vmem>>) target(%dma_start3A_617 : memref<80x128xf32, #tpu.memory_space<vmem_shared>>) target_semaphore(%run_scoped3A : memref<!tpu.dma_semaphore, #tpu.memory_space<semaphore_mem>>)
      %dma_wait3A_618 = arith.constant 0 : i32
      %dma_wait3A_619 = tpu.memref_slice %arg22[%add3A_11, %dma_wait3A_618] : memref<10240x128xf32, #tpu.memory_space<vmem_shared>> -> memref<80x128xf32, #tpu.memory_space<vmem_shared>>
      %dma_wait3A_620 = arith.constant 0 : i32
      %dma_wait3A_621 = tpu.memref_slice %arg22[%add3A_11, %dma_wait3A_620] : memref<10240x128xf32, #tpu.memory_space<vmem_shared>> -> memref<80x128xf32, #tpu.memory_space<vmem_shared>>
      tpu.wait_dma2 semaphore(%run_scoped3A : memref<!tpu.dma_semaphore, #tpu.memory_space<semaphore_mem>>) src(%arg18 : memref<80x128xf32, #tpu.memory_space<vmem>>) dst(%dma_wait3A_621 : memref<80x128xf32, #tpu.memory_space<vmem_shared>>)
      tpu.yield
    }) : () -> ()
    %mul3A_12 = arith.constant 640 : i32
    %mul3A_13 = arith.muli %arg1, %mul3A_12 : i32
    %add3A_14 = arith.constant 80 : i32
    %add3A_15 = arith.addi %mul3A_13, %add3A_14 : i32
    "tpu.region"() ({
      %run_scoped3A = tpu.sem_alloc : memref<!tpu.dma_semaphore, #tpu.memory_space<semaphore_mem>>
      %dma_start3A_614 = arith.constant 0 : i32
      %dma_start3A_615 = tpu.memref_slice %arg22[%add3A_15, %dma_start3A_614] : memref<10240x128xf32, #tpu.memory_space<vmem_shared>> -> memref<80x128xf32, #tpu.memory_space<vmem_shared>>
      %dma_start3A_616 = arith.constant 0 : i32
      %dma_start3A_617 = tpu.memref_slice %arg22[%add3A_15, %dma_start3A_616] : memref<10240x128xf32, #tpu.memory_space<vmem_shared>> -> memref<80x128xf32, #tpu.memory_space<vmem_shared>>
      tpu.enqueue_dma source(%arg18 : memref<80x128xf32, #tpu.memory_space<vmem>>) target(%dma_start3A_617 : memref<80x128xf32, #tpu.memory_space<vmem_shared>>) target_semaphore(%run_scoped3A : memref<!tpu.dma_semaphore, #tpu.memory_space<semaphore_mem>>)
      %dma_wait3A_618 = arith.constant 0 : i32
      %dma_wait3A_619 = tpu.memref_slice %arg22[%add3A_15, %dma_wait3A_618] : memref<10240x128xf32, #tpu.memory_space<vmem_shared>> -> memref<80x128xf32, #tpu.memory_space<vmem_shared>>
      %dma_wait3A_620 = arith.constant 0 : i32
      %dma_wait3A_621 = tpu.memref_slice %arg22[%add3A_15, %dma_wait3A_620] : memref<10240x128xf32, #tpu.memory_space<vmem_shared>> -> memref<80x128xf32, #tpu.memory_space<vmem_shared>>
      tpu.wait_dma2 semaphore(%run_scoped3A : memref<!tpu.dma_semaphore, #tpu.memory_space<semaphore_mem>>) src(%arg18 : memref<80x128xf32, #tpu.memory_space<vmem>>) dst(%dma_wait3A_621 : memref<80x128xf32, #tpu.memory_space<vmem_shared>>)
      tpu.yield
    }) : () -> ()
    %mul3A_16 = arith.constant 640 : i32
    %mul3A_17 = arith.muli %arg1, %mul3A_16 : i32
    %add3A_18 = arith.constant 160 : i32
    %add3A_19 = arith.addi %mul3A_17, %add3A_18 : i32
    "tpu.region"() ({
      %run_scoped3A = tpu.sem_alloc : memref<!tpu.dma_semaphore, #tpu.memory_space<semaphore_mem>>
      %dma_start3A_614 = arith.constant 0 : i32
      %dma_start3A_615 = tpu.memref_slice %arg22[%add3A_19, %dma_start3A_614] : memref<10240x128xf32, #tpu.memory_space<vmem_shared>> -> memref<80x128xf32, #tpu.memory_space<vmem_shared>>
      %dma_start3A_616 = arith.constant 0 : i32
      %dma_start3A_617 = tpu.memref_slice %arg22[%add3A_19, %dma_start3A_616] : memref<10240x128xf32, #tpu.memory_space<vmem_shared>> -> memref<80x128xf32, #tpu.memory_space<vmem_shared>>
      tpu.enqueue_dma source(%arg18 : memref<80x128xf32, #tpu.memory_space<vmem>>) target(%dma_start3A_617 : memref<80x128xf32, #tpu.memory_space<vmem_shared>>) target_semaphore(%run_scoped3A : memref<!tpu.dma_semaphore, #tpu.memory_space<semaphore_mem>>)
      %dma_wait3A_618 = arith.constant 0 : i32
      %dma_wait3A_619 = tpu.memref_slice %arg22[%add3A_19, %dma_wait3A_618] : memref<10240x128xf32, #tpu.memory_space<vmem_shared>> -> memref<80x128xf32, #tpu.memory_space<vmem_shared>>
      %dma_wait3A_620 = arith.constant 0 : i32
      %dma_wait3A_621 = tpu.memref_slice %arg22[%add3A_19, %dma_wait3A_620] : memref<10240x128xf32, #tpu.memory_space<vmem_shared>> -> memref<80x128xf32, #tpu.memory_space<vmem_shared>>
      tpu.wait_dma2 semaphore(%run_scoped3A : memref<!tpu.dma_semaphore, #tpu.memory_space<semaphore_mem>>) src(%arg18 : memref<80x128xf32, #tpu.memory_space<vmem>>) dst(%dma_wait3A_621 : memref<80x128xf32, #tpu.memory_space<vmem_shared>>)
      tpu.yield
    }) : () -> ()
    %mul3A_20 = arith.constant 640 : i32
    %mul3A_21 = arith.muli %arg1, %mul3A_20 : i32
    %add3A_22 = arith.constant 240 : i32
    %add3A_23 = arith.addi %mul3A_21, %add3A_22 : i32
    "tpu.region"() ({
      %run_scoped3A = tpu.sem_alloc : memref<!tpu.dma_semaphore, #tpu.memory_space<semaphore_mem>>
      %dma_start3A_614 = arith.constant 0 : i32
      %dma_start3A_615 = tpu.memref_slice %arg22[%add3A_23, %dma_start3A_614] : memref<10240x128xf32, #tpu.memory_space<vmem_shared>> -> memref<80x128xf32, #tpu.memory_space<vmem_shared>>
      %dma_start3A_616 = arith.constant 0 : i32
      %dma_start3A_617 = tpu.memref_slice %arg22[%add3A_23, %dma_start3A_616] : memref<10240x128xf32, #tpu.memory_space<vmem_shared>> -> memref<80x128xf32, #tpu.memory_space<vmem_shared>>
      tpu.enqueue_dma source(%arg18 : memref<80x128xf32, #tpu.memory_space<vmem>>) target(%dma_start3A_617 : memref<80x128xf32, #tpu.memory_space<vmem_shared>>) target_semaphore(%run_scoped3A : memref<!tpu.dma_semaphore, #tpu.memory_space<semaphore_mem>>)
      %dma_wait3A_618 = arith.constant 0 : i32
      %dma_wait3A_619 = tpu.memref_slice %arg22[%add3A_23, %dma_wait3A_618] : memref<10240x128xf32, #tpu.memory_space<vmem_shared>> -> memref<80x128xf32, #tpu.memory_space<vmem_shared>>
      %dma_wait3A_620 = arith.constant 0 : i32
      %dma_wait3A_621 = tpu.memref_slice %arg22[%add3A_23, %dma_wait3A_620] : memref<10240x128xf32, #tpu.memory_space<vmem_shared>> -> memref<80x128xf32, #tpu.memory_space<vmem_shared>>
      tpu.wait_dma2 semaphore(%run_scoped3A : memref<!tpu.dma_semaphore, #tpu.memory_space<semaphore_mem>>) src(%arg18 : memref<80x128xf32, #tpu.memory_space<vmem>>) dst(%dma_wait3A_621 : memref<80x128xf32, #tpu.memory_space<vmem_shared>>)
      tpu.yield
    }) : () -> ()
    %mul3A_24 = arith.constant 640 : i32
    %mul3A_25 = arith.muli %arg1, %mul3A_24 : i32
    %add3A_26 = arith.constant 320 : i32
    %add3A_27 = arith.addi %mul3A_25, %add3A_26 : i32
    "tpu.region"() ({
      %run_scoped3A = tpu.sem_alloc : memref<!tpu.dma_semaphore, #tpu.memory_space<semaphore_mem>>
      %dma_start3A_614 = arith.constant 0 : i32
      %dma_start3A_615 = tpu.memref_slice %arg22[%add3A_27, %dma_start3A_614] : memref<10240x128xf32, #tpu.memory_space<vmem_shared>> -> memref<80x128xf32, #tpu.memory_space<vmem_shared>>
      %dma_start3A_616 = arith.constant 0 : i32
      %dma_start3A_617 = tpu.memref_slice %arg22[%add3A_27, %dma_start3A_616] : memref<10240x128xf32, #tpu.memory_space<vmem_shared>> -> memref<80x128xf32, #tpu.memory_space<vmem_shared>>
      tpu.enqueue_dma source(%arg18 : memref<80x128xf32, #tpu.memory_space<vmem>>) target(%dma_start3A_617 : memref<80x128xf32, #tpu.memory_space<vmem_shared>>) target_semaphore(%run_scoped3A : memref<!tpu.dma_semaphore, #tpu.memory_space<semaphore_mem>>)
      %dma_wait3A_618 = arith.constant 0 : i32
      %dma_wait3A_619 = tpu.memref_slice %arg22[%add3A_27, %dma_wait3A_618] : memref<10240x128xf32, #tpu.memory_space<vmem_shared>> -> memref<80x128xf32, #tpu.memory_space<vmem_shared>>
      %dma_wait3A_620 = arith.constant 0 : i32
      %dma_wait3A_621 = tpu.memref_slice %arg22[%add3A_27, %dma_wait3A_620] : memref<10240x128xf32, #tpu.memory_space<vmem_shared>> -> memref<80x128xf32, #tpu.memory_space<vmem_shared>>
      tpu.wait_dma2 semaphore(%run_scoped3A : memref<!tpu.dma_semaphore, #tpu.memory_space<semaphore_mem>>) src(%arg18 : memref<80x128xf32, #tpu.memory_space<vmem>>) dst(%dma_wait3A_621 : memref<80x128xf32, #tpu.memory_space<vmem_shared>>)
      tpu.yield
    }) : () -> ()
    %mul3A_28 = arith.constant 640 : i32
    %mul3A_29 = arith.muli %arg1, %mul3A_28 : i32
    %add3A_30 = arith.constant 400 : i32
    %add3A_31 = arith.addi %mul3A_29, %add3A_30 : i32
    "tpu.region"() ({
      %run_scoped3A = tpu.sem_alloc : memref<!tpu.dma_semaphore, #tpu.memory_space<semaphore_mem>>
      %dma_start3A_614 = arith.constant 0 : i32
      %dma_start3A_615 = tpu.memref_slice %arg22[%add3A_31, %dma_start3A_614] : memref<10240x128xf32, #tpu.memory_space<vmem_shared>> -> memref<80x128xf32, #tpu.memory_space<vmem_shared>>
      %dma_start3A_616 = arith.constant 0 : i32
      %dma_start3A_617 = tpu.memref_slice %arg22[%add3A_31, %dma_start3A_616] : memref<10240x128xf32, #tpu.memory_space<vmem_shared>> -> memref<80x128xf32, #tpu.memory_space<vmem_shared>>
      tpu.enqueue_dma source(%arg18 : memref<80x128xf32, #tpu.memory_space<vmem>>) target(%dma_start3A_617 : memref<80x128xf32, #tpu.memory_space<vmem_shared>>) target_semaphore(%run_scoped3A : memref<!tpu.dma_semaphore, #tpu.memory_space<semaphore_mem>>)
      %dma_wait3A_618 = arith.constant 0 : i32
      %dma_wait3A_619 = tpu.memref_slice %arg22[%add3A_31, %dma_wait3A_618] : memref<10240x128xf32, #tpu.memory_space<vmem_shared>> -> memref<80x128xf32, #tpu.memory_space<vmem_shared>>
      %dma_wait3A_620 = arith.constant 0 : i32
      %dma_wait3A_621 = tpu.memref_slice %arg22[%add3A_31, %dma_wait3A_620] : memref<10240x128xf32, #tpu.memory_space<vmem_shared>> -> memref<80x128xf32, #tpu.memory_space<vmem_shared>>
      tpu.wait_dma2 semaphore(%run_scoped3A : memref<!tpu.dma_semaphore, #tpu.memory_space<semaphore_mem>>) src(%arg18 : memref<80x128xf32, #tpu.memory_space<vmem>>) dst(%dma_wait3A_621 : memref<80x128xf32, #tpu.memory_space<vmem_shared>>)
      tpu.yield
    }) : () -> ()
    %mul3A_32 = arith.constant 640 : i32
    %mul3A_33 = arith.muli %arg1, %mul3A_32 : i32
    %add3A_34 = arith.constant 480 : i32
    %add3A_35 = arith.addi %mul3A_33, %add3A_34 : i32
    "tpu.region"() ({
      %run_scoped3A = tpu.sem_alloc : memref<!tpu.dma_semaphore, #tpu.memory_space<semaphore_mem>>
      %dma_start3A_614 = arith.constant 0 : i32
      %dma_start3A_615 = tpu.memref_slice %arg22[%add3A_35, %dma_start3A_614] : memref<10240x128xf32, #tpu.memory_space<vmem_shared>> -> memref<80x128xf32, #tpu.memory_space<vmem_shared>>
      %dma_start3A_616 = arith.constant 0 : i32
      %dma_start3A_617 = tpu.memref_slice %arg22[%add3A_35, %dma_start3A_616] : memref<10240x128xf32, #tpu.memory_space<vmem_shared>> -> memref<80x128xf32, #tpu.memory_space<vmem_shared>>
      tpu.enqueue_dma source(%arg18 : memref<80x128xf32, #tpu.memory_space<vmem>>) target(%dma_start3A_617 : memref<80x128xf32, #tpu.memory_space<vmem_shared>>) target_semaphore(%run_scoped3A : memref<!tpu.dma_semaphore, #tpu.memory_space<semaphore_mem>>)
      %dma_wait3A_618 = arith.constant 0 : i32
      %dma_wait3A_619 = tpu.memref_slice %arg22[%add3A_35, %dma_wait3A_618] : memref<10240x128xf32, #tpu.memory_space<vmem_shared>> -> memref<80x128xf32, #tpu.memory_space<vmem_shared>>
      %dma_wait3A_620 = arith.constant 0 : i32
      %dma_wait3A_621 = tpu.memref_slice %arg22[%add3A_35, %dma_wait3A_620] : memref<10240x128xf32, #tpu.memory_space<vmem_shared>> -> memref<80x128xf32, #tpu.memory_space<vmem_shared>>
      tpu.wait_dma2 semaphore(%run_scoped3A : memref<!tpu.dma_semaphore, #tpu.memory_space<semaphore_mem>>) src(%arg18 : memref<80x128xf32, #tpu.memory_space<vmem>>) dst(%dma_wait3A_621 : memref<80x128xf32, #tpu.memory_space<vmem_shared>>)
      tpu.yield
    }) : () -> ()
    %mul3A_36 = arith.constant 640 : i32
    %mul3A_37 = arith.muli %arg1, %mul3A_36 : i32
    %add3A_38 = arith.constant 560 : i32
    %add3A_39 = arith.addi %mul3A_37, %add3A_38 : i32
    "tpu.region"() ({
      %run_scoped3A = tpu.sem_alloc : memref<!tpu.dma_semaphore, #tpu.memory_space<semaphore_mem>>
      %dma_start3A_614 = arith.constant 0 : i32
      %dma_start3A_615 = tpu.memref_slice %arg22[%add3A_39, %dma_start3A_614] : memref<10240x128xf32, #tpu.memory_space<vmem_shared>> -> memref<80x128xf32, #tpu.memory_space<vmem_shared>>
      %dma_start3A_616 = arith.constant 0 : i32
      %dma_start3A_617 = tpu.memref_slice %arg22[%add3A_39, %dma_start3A_616] : memref<10240x128xf32, #tpu.memory_space<vmem_shared>> -> memref<80x128xf32, #tpu.memory_space<vmem_shared>>
      tpu.enqueue_dma source(%arg18 : memref<80x128xf32, #tpu.memory_space<vmem>>) target(%dma_start3A_617 : memref<80x128xf32, #tpu.memory_space<vmem_shared>>) target_semaphore(%run_scoped3A : memref<!tpu.dma_semaphore, #tpu.memory_space<semaphore_mem>>)
      %dma_wait3A_618 = arith.constant 0 : i32
      %dma_wait3A_619 = tpu.memref_slice %arg22[%add3A_39, %dma_wait3A_618] : memref<10240x128xf32, #tpu.memory_space<vmem_shared>> -> memref<80x128xf32, #tpu.memory_space<vmem_shared>>
      %dma_wait3A_620 = arith.constant 0 : i32
      %dma_wait3A_621 = tpu.memref_slice %arg22[%add3A_39, %dma_wait3A_620] : memref<10240x128xf32, #tpu.memory_space<vmem_shared>> -> memref<80x128xf32, #tpu.memory_space<vmem_shared>>
      tpu.wait_dma2 semaphore(%run_scoped3A : memref<!tpu.dma_semaphore, #tpu.memory_space<semaphore_mem>>) src(%arg18 : memref<80x128xf32, #tpu.memory_space<vmem>>) dst(%dma_wait3A_621 : memref<80x128xf32, #tpu.memory_space<vmem_shared>>)
      tpu.yield
    }) : () -> ()
    %barrier3A = arith.constant 0 : index
    tpu.barrier barrier_id(%barrier3A)
    %add3A_40 = arith.constant 0 : i32
    %add3A_41 = arith.addi %mul3A_2, %add3A_40 : i32
    %dma_start3A = tpu.memref_slice %arg3[%add3A_41] : memref<320000xi32, #tpu.memory_space<hbm>> -> memref<80xi32, #tpu.memory_space<hbm>>
    %dma_start3A_42 = tpu.memref_slice %arg3[%add3A_41] : memref<320000xi32, #tpu.memory_space<hbm>> -> memref<80xi32, #tpu.memory_space<hbm>>
    tpu.enqueue_dma source(%dma_start3A_42 : memref<80xi32, #tpu.memory_space<hbm>>) target(%arg6 : memref<80xi32, #tpu.memory_space<vmem>>) target_semaphore(%arg23 : memref<!tpu.dma_semaphore, #tpu.memory_space<semaphore_mem>>)
    %add3A_43 = arith.constant 0 : i32
    %add3A_44 = arith.addi %mul3A_2, %add3A_43 : i32
    %dma_start3A_45 = tpu.memref_slice %arg4[%add3A_44] : memref<320000xi32, #tpu.memory_space<hbm>> -> memref<80xi32, #tpu.memory_space<hbm>>
    %dma_start3A_46 = tpu.memref_slice %arg4[%add3A_44] : memref<320000xi32, #tpu.memory_space<hbm>> -> memref<80xi32, #tpu.memory_space<hbm>>
    tpu.enqueue_dma source(%dma_start3A_46 : memref<80xi32, #tpu.memory_space<hbm>>) target(%arg10 : memref<80xi32, #tpu.memory_space<vmem>>) target_semaphore(%arg23 : memref<!tpu.dma_semaphore, #tpu.memory_space<semaphore_mem>>)
    %add3A_47 = arith.constant 80 : i32
    %add3A_48 = arith.addi %mul3A_2, %add3A_47 : i32
    %dma_start3A_49 = tpu.memref_slice %arg3[%add3A_48] : memref<320000xi32, #tpu.memory_space<hbm>> -> memref<80xi32, #tpu.memory_space<hbm>>
    %dma_start3A_50 = tpu.memref_slice %arg3[%add3A_48] : memref<320000xi32, #tpu.memory_space<hbm>> -> memref<80xi32, #tpu.memory_space<hbm>>
    tpu.enqueue_dma source(%dma_start3A_50 : memref<80xi32, #tpu.memory_space<hbm>>) target(%arg7 : memref<80xi32, #tpu.memory_space<vmem>>) target_semaphore(%arg24 : memref<!tpu.dma_semaphore, #tpu.memory_space<semaphore_mem>>)
    %add3A_51 = arith.constant 80 : i32
    %add3A_52 = arith.addi %mul3A_2, %add3A_51 : i32
    %dma_start3A_53 = tpu.memref_slice %arg4[%add3A_52] : memref<320000xi32, #tpu.memory_space<hbm>> -> memref<80xi32, #tpu.memory_space<hbm>>
    %dma_start3A_54 = tpu.memref_slice %arg4[%add3A_52] : memref<320000xi32, #tpu.memory_space<hbm>> -> memref<80xi32, #tpu.memory_space<hbm>>
    tpu.enqueue_dma source(%dma_start3A_54 : memref<80xi32, #tpu.memory_space<hbm>>) target(%arg11 : memref<80xi32, #tpu.memory_space<vmem>>) target_semaphore(%arg24 : memref<!tpu.dma_semaphore, #tpu.memory_space<semaphore_mem>>)
    %add3A_55 = arith.constant 160 : i32
    %add3A_56 = arith.addi %mul3A_2, %add3A_55 : i32
    %dma_start3A_57 = tpu.memref_slice %arg3[%add3A_56] : memref<320000xi32, #tpu.memory_space<hbm>> -> memref<80xi32, #tpu.memory_space<hbm>>
    %dma_start3A_58 = tpu.memref_slice %arg3[%add3A_56] : memref<320000xi32, #tpu.memory_space<hbm>> -> memref<80xi32, #tpu.memory_space<hbm>>
    tpu.enqueue_dma source(%dma_start3A_58 : memref<80xi32, #tpu.memory_space<hbm>>) target(%arg8 : memref<80xi32, #tpu.memory_space<vmem>>) target_semaphore(%arg25 : memref<!tpu.dma_semaphore, #tpu.memory_space<semaphore_mem>>)
    %add3A_59 = arith.constant 160 : i32
    %add3A_60 = arith.addi %mul3A_2, %add3A_59 : i32
    %dma_start3A_61 = tpu.memref_slice %arg4[%add3A_60] : memref<320000xi32, #tpu.memory_space<hbm>> -> memref<80xi32, #tpu.memory_space<hbm>>
    %dma_start3A_62 = tpu.memref_slice %arg4[%add3A_60] : memref<320000xi32, #tpu.memory_space<hbm>> -> memref<80xi32, #tpu.memory_space<hbm>>
    tpu.enqueue_dma source(%dma_start3A_62 : memref<80xi32, #tpu.memory_space<hbm>>) target(%arg12 : memref<80xi32, #tpu.memory_space<vmem>>) target_semaphore(%arg25 : memref<!tpu.dma_semaphore, #tpu.memory_space<semaphore_mem>>)
    %add3A_63 = arith.constant 240 : i32
    %add3A_64 = arith.addi %mul3A_2, %add3A_63 : i32
    %dma_start3A_65 = tpu.memref_slice %arg3[%add3A_64] : memref<320000xi32, #tpu.memory_space<hbm>> -> memref<80xi32, #tpu.memory_space<hbm>>
    %dma_start3A_66 = tpu.memref_slice %arg3[%add3A_64] : memref<320000xi32, #tpu.memory_space<hbm>> -> memref<80xi32, #tpu.memory_space<hbm>>
    tpu.enqueue_dma source(%dma_start3A_66 : memref<80xi32, #tpu.memory_space<hbm>>) target(%arg9 : memref<80xi32, #tpu.memory_space<vmem>>) target_semaphore(%arg26 : memref<!tpu.dma_semaphore, #tpu.memory_space<semaphore_mem>>)
    %add3A_67 = arith.constant 240 : i32
    %add3A_68 = arith.addi %mul3A_2, %add3A_67 : i32
    %dma_start3A_69 = tpu.memref_slice %arg4[%add3A_68] : memref<320000xi32, #tpu.memory_space<hbm>> -> memref<80xi32, #tpu.memory_space<hbm>>
    %dma_start3A_70 = tpu.memref_slice %arg4[%add3A_68] : memref<320000xi32, #tpu.memory_space<hbm>> -> memref<80xi32, #tpu.memory_space<hbm>>
    tpu.enqueue_dma source(%dma_start3A_70 : memref<80xi32, #tpu.memory_space<hbm>>) target(%arg13 : memref<80xi32, #tpu.memory_space<vmem>>) target_semaphore(%arg26 : memref<!tpu.dma_semaphore, #tpu.memory_space<semaphore_mem>>)
    %add3A_71 = arith.constant 0 : i32
    %add3A_72 = arith.addi %mul3A_2, %add3A_71 : i32
    %dma_wait3A = tpu.memref_slice %arg3[%add3A_72] : memref<320000xi32, #tpu.memory_space<hbm>> -> memref<80xi32, #tpu.memory_space<hbm>>
    %dma_wait3A_73 = tpu.memref_slice %arg3[%add3A_72] : memref<320000xi32, #tpu.memory_space<hbm>> -> memref<80xi32, #tpu.memory_space<hbm>>
    tpu.wait_dma2 semaphore(%arg23 : memref<!tpu.dma_semaphore, #tpu.memory_space<semaphore_mem>>) src(%dma_wait3A_73 : memref<80xi32, #tpu.memory_space<hbm>>) dst(%arg6 : memref<80xi32, #tpu.memory_space<vmem>>)
    %add3A_74 = arith.constant 0 : i32
    %add3A_75 = arith.addi %mul3A_2, %add3A_74 : i32
    %dma_wait3A_76 = tpu.memref_slice %arg4[%add3A_75] : memref<320000xi32, #tpu.memory_space<hbm>> -> memref<80xi32, #tpu.memory_space<hbm>>
    %dma_wait3A_77 = tpu.memref_slice %arg4[%add3A_75] : memref<320000xi32, #tpu.memory_space<hbm>> -> memref<80xi32, #tpu.memory_space<hbm>>
    tpu.wait_dma2 semaphore(%arg23 : memref<!tpu.dma_semaphore, #tpu.memory_space<semaphore_mem>>) src(%dma_wait3A_77 : memref<80xi32, #tpu.memory_space<hbm>>) dst(%arg10 : memref<80xi32, #tpu.memory_space<vmem>>)
    %dma_start3A_78 = arith.constant 0 : i32
    %dma_start3A_79 = arith.constant 0 : i32
    %dma_start3A_80 = tpu.memref_slice %arg2[%dma_start3A_78, %dma_start3A_79] : memref<10000x128xf32, #tpu.memory_space<hbm>> -> memref<10000x128xf32, #tpu.memory_space<hbm>>
    tpu.enqueue_indirect_dma source(%dma_start3A_80 : memref<10000x128xf32, #tpu.memory_space<hbm>>) target(%arg18 : memref<80x128xf32, #tpu.memory_space<vmem>>) offsets(%arg6 : memref<80xi32, #tpu.memory_space<vmem>>) semaphore(%arg27 : memref<!tpu.dma_semaphore, #tpu.memory_space<semaphore_mem>>)
    %add3A_81 = arith.constant 80 : i32
    %add3A_82 = arith.addi %mul3A_2, %add3A_81 : i32
    %dma_wait3A_83 = tpu.memref_slice %arg3[%add3A_82] : memref<320000xi32, #tpu.memory_space<hbm>> -> memref<80xi32, #tpu.memory_space<hbm>>
    %dma_wait3A_84 = tpu.memref_slice %arg3[%add3A_82] : memref<320000xi32, #tpu.memory_space<hbm>> -> memref<80xi32, #tpu.memory_space<hbm>>
    tpu.wait_dma2 semaphore(%arg24 : memref<!tpu.dma_semaphore, #tpu.memory_space<semaphore_mem>>) src(%dma_wait3A_84 : memref<80xi32, #tpu.memory_space<hbm>>) dst(%arg7 : memref<80xi32, #tpu.memory_space<vmem>>)
    %add3A_85 = arith.constant 80 : i32
    %add3A_86 = arith.addi %mul3A_2, %add3A_85 : i32
    %dma_wait3A_87 = tpu.memref_slice %arg4[%add3A_86] : memref<320000xi32, #tpu.memory_space<hbm>> -> memref<80xi32, #tpu.memory_space<hbm>>
    %dma_wait3A_88 = tpu.memref_slice %arg4[%add3A_86] : memref<320000xi32, #tpu.memory_space<hbm>> -> memref<80xi32, #tpu.memory_space<hbm>>
    tpu.wait_dma2 semaphore(%arg24 : memref<!tpu.dma_semaphore, #tpu.memory_space<semaphore_mem>>) src(%dma_wait3A_88 : memref<80xi32, #tpu.memory_space<hbm>>) dst(%arg11 : memref<80xi32, #tpu.memory_space<vmem>>)
    %dma_start3A_89 = arith.constant 0 : i32
    %dma_start3A_90 = arith.constant 0 : i32
    %dma_start3A_91 = tpu.memref_slice %arg2[%dma_start3A_89, %dma_start3A_90] : memref<10000x128xf32, #tpu.memory_space<hbm>> -> memref<10000x128xf32, #tpu.memory_space<hbm>>
    tpu.enqueue_indirect_dma source(%dma_start3A_91 : memref<10000x128xf32, #tpu.memory_space<hbm>>) target(%arg19 : memref<80x128xf32, #tpu.memory_space<vmem>>) offsets(%arg7 : memref<80xi32, #tpu.memory_space<vmem>>) semaphore(%arg28 : memref<!tpu.dma_semaphore, #tpu.memory_space<semaphore_mem>>)
    %add3A_92 = arith.constant 160 : i32
    %add3A_93 = arith.addi %mul3A_2, %add3A_92 : i32
    %dma_wait3A_94 = tpu.memref_slice %arg3[%add3A_93] : memref<320000xi32, #tpu.memory_space<hbm>> -> memref<80xi32, #tpu.memory_space<hbm>>
    %dma_wait3A_95 = tpu.memref_slice %arg3[%add3A_93] : memref<320000xi32, #tpu.memory_space<hbm>> -> memref<80xi32, #tpu.memory_space<hbm>>
    tpu.wait_dma2 semaphore(%arg25 : memref<!tpu.dma_semaphore, #tpu.memory_space<semaphore_mem>>) src(%dma_wait3A_95 : memref<80xi32, #tpu.memory_space<hbm>>) dst(%arg8 : memref<80xi32, #tpu.memory_space<vmem>>)
    %add3A_96 = arith.constant 160 : i32
    %add3A_97 = arith.addi %mul3A_2, %add3A_96 : i32
    %dma_wait3A_98 = tpu.memref_slice %arg4[%add3A_97] : memref<320000xi32, #tpu.memory_space<hbm>> -> memref<80xi32, #tpu.memory_space<hbm>>
    %dma_wait3A_99 = tpu.memref_slice %arg4[%add3A_97] : memref<320000xi32, #tpu.memory_space<hbm>> -> memref<80xi32, #tpu.memory_space<hbm>>
    tpu.wait_dma2 semaphore(%arg25 : memref<!tpu.dma_semaphore, #tpu.memory_space<semaphore_mem>>) src(%dma_wait3A_99 : memref<80xi32, #tpu.memory_space<hbm>>) dst(%arg12 : memref<80xi32, #tpu.memory_space<vmem>>)
    %dma_start3A_100 = arith.constant 0 : i32
    %dma_start3A_101 = arith.constant 0 : i32
    %dma_start3A_102 = tpu.memref_slice %arg2[%dma_start3A_100, %dma_start3A_101] : memref<10000x128xf32, #tpu.memory_space<hbm>> -> memref<10000x128xf32, #tpu.memory_space<hbm>>
    tpu.enqueue_indirect_dma source(%dma_start3A_102 : memref<10000x128xf32, #tpu.memory_space<hbm>>) target(%arg20 : memref<80x128xf32, #tpu.memory_space<vmem>>) offsets(%arg8 : memref<80xi32, #tpu.memory_space<vmem>>) semaphore(%arg29 : memref<!tpu.dma_semaphore, #tpu.memory_space<semaphore_mem>>)
    %dma_wait3A_103 = arith.constant 0 : i32
    %dma_wait3A_104 = arith.constant 0 : i32
    %dma_wait3A_105 = tpu.memref_slice %arg2[%dma_wait3A_103, %dma_wait3A_104] : memref<10000x128xf32, #tpu.memory_space<hbm>> -> memref<10000x128xf32, #tpu.memory_space<hbm>>
    tpu.wait_indirect_dma semaphore(%arg27 : memref<!tpu.dma_semaphore, #tpu.memory_space<semaphore_mem>>) src(%dma_wait3A_105 : memref<10000x128xf32, #tpu.memory_space<hbm>>) dst(%arg18 : memref<80x128xf32, #tpu.memory_space<vmem>>)
    %get3A = arith.constant 0 : index
    %get3A_106 = tpu.vector_load %arg10[%get3A] {strides = array<i32>} : memref<80xi32, #tpu.memory_space<vmem>>, vector<16xi32>,
    %get3A_107 = vector.shape_cast %get3A_106 : vector<16xi32> to vector<16xi32>
    %swap3A = arith.constant 0 : index
    %swap3A_108 = tpu.vector_load %arg14[%swap3A] {strides = array<i32>} : memref<80xi32, #tpu.memory_space<vmem>>, vector<16xi32>,
    %swap3A_109 = vector.shape_cast %swap3A_108 : vector<16xi32> to vector<16xi32>
    %swap3A_110 = vector.shape_cast %get3A_107 : vector<16xi32> to vector<16xi32>
    tpu.vector_store %arg14[%swap3A], %swap3A_110 {strides = array<i32>} : memref<80xi32, #tpu.memory_space<vmem>>, vector<16xi32>,
    %get3A_111 = arith.constant 16 : index
    %get3A_112 = tpu.vector_load %arg10[%get3A_111] {strides = array<i32>} : memref<80xi32, #tpu.memory_space<vmem>>, vector<16xi32>,
    %get3A_113 = vector.shape_cast %get3A_112 : vector<16xi32> to vector<16xi32>
    %swap3A_114 = arith.constant 16 : index
    %swap3A_115 = tpu.vector_load %arg14[%swap3A_114] {strides = array<i32>} : memref<80xi32, #tpu.memory_space<vmem>>, vector<16xi32>,
    %swap3A_116 = vector.shape_cast %swap3A_115 : vector<16xi32> to vector<16xi32>
    %swap3A_117 = vector.shape_cast %get3A_113 : vector<16xi32> to vector<16xi32>
    tpu.vector_store %arg14[%swap3A_114], %swap3A_117 {strides = array<i32>} : memref<80xi32, #tpu.memory_space<vmem>>, vector<16xi32>,
    %get3A_118 = arith.constant 32 : index
    %get3A_119 = tpu.vector_load %arg10[%get3A_118] {strides = array<i32>} : memref<80xi32, #tpu.memory_space<vmem>>, vector<16xi32>,
    %get3A_120 = vector.shape_cast %get3A_119 : vector<16xi32> to vector<16xi32>
    %swap3A_121 = arith.constant 32 : index
    %swap3A_122 = tpu.vector_load %arg14[%swap3A_121] {strides = array<i32>} : memref<80xi32, #tpu.memory_space<vmem>>, vector<16xi32>,
    %swap3A_123 = vector.shape_cast %swap3A_122 : vector<16xi32> to vector<16xi32>
    %swap3A_124 = vector.shape_cast %get3A_120 : vector<16xi32> to vector<16xi32>
    tpu.vector_store %arg14[%swap3A_121], %swap3A_124 {strides = array<i32>} : memref<80xi32, #tpu.memory_space<vmem>>, vector<16xi32>,
    %get3A_125 = arith.constant 48 : index
    %get3A_126 = tpu.vector_load %arg10[%get3A_125] {strides = array<i32>} : memref<80xi32, #tpu.memory_space<vmem>>, vector<16xi32>,
    %get3A_127 = vector.shape_cast %get3A_126 : vector<16xi32> to vector<16xi32>
    %swap3A_128 = arith.constant 48 : index
    %swap3A_129 = tpu.vector_load %arg14[%swap3A_128] {strides = array<i32>} : memref<80xi32, #tpu.memory_space<vmem>>, vector<16xi32>,
    %swap3A_130 = vector.shape_cast %swap3A_129 : vector<16xi32> to vector<16xi32>
    %swap3A_131 = vector.shape_cast %get3A_127 : vector<16xi32> to vector<16xi32>
    tpu.vector_store %arg14[%swap3A_128], %swap3A_131 {strides = array<i32>} : memref<80xi32, #tpu.memory_space<vmem>>, vector<16xi32>,
    %get3A_132 = arith.constant 64 : index
    %get3A_133 = tpu.vector_load %arg10[%get3A_132] {strides = array<i32>} : memref<80xi32, #tpu.memory_space<vmem>>, vector<16xi32>,
    %get3A_134 = vector.shape_cast %get3A_133 : vector<16xi32> to vector<16xi32>
    %swap3A_135 = arith.constant 64 : index
    %swap3A_136 = tpu.vector_load %arg14[%swap3A_135] {strides = array<i32>} : memref<80xi32, #tpu.memory_space<vmem>>, vector<16xi32>,
    %swap3A_137 = vector.shape_cast %swap3A_136 : vector<16xi32> to vector<16xi32>
    %swap3A_138 = vector.shape_cast %get3A_134 : vector<16xi32> to vector<16xi32>
    tpu.vector_store %arg14[%swap3A_135], %swap3A_138 {strides = array<i32>} : memref<80xi32, #tpu.memory_space<vmem>>, vector<16xi32>,
    %add3A_139 = arith.constant 320 : i32
    %add3A_140 = arith.addi %mul3A_2, %add3A_139 : i32
    %dma_start3A_141 = tpu.memref_slice %arg3[%add3A_140] : memref<320000xi32, #tpu.memory_space<hbm>> -> memref<80xi32, #tpu.memory_space<hbm>>
    %dma_start3A_142 = tpu.memref_slice %arg3[%add3A_140] : memref<320000xi32, #tpu.memory_space<hbm>> -> memref<80xi32, #tpu.memory_space<hbm>>
    tpu.enqueue_dma source(%dma_start3A_142 : memref<80xi32, #tpu.memory_space<hbm>>) target(%arg6 : memref<80xi32, #tpu.memory_space<vmem>>) target_semaphore(%arg23 : memref<!tpu.dma_semaphore, #tpu.memory_space<semaphore_mem>>)
    %add3A_143 = arith.constant 320 : i32
    %add3A_144 = arith.addi %mul3A_2, %add3A_143 : i32
    %dma_start3A_145 = tpu.memref_slice %arg4[%add3A_144] : memref<320000xi32, #tpu.memory_space<hbm>> -> memref<80xi32, #tpu.memory_space<hbm>>
    %dma_start3A_146 = tpu.memref_slice %arg4[%add3A_144] : memref<320000xi32, #tpu.memory_space<hbm>> -> memref<80xi32, #tpu.memory_space<hbm>>
    tpu.enqueue_dma source(%dma_start3A_146 : memref<80xi32, #tpu.memory_space<hbm>>) target(%arg10 : memref<80xi32, #tpu.memory_space<vmem>>) target_semaphore(%arg23 : memref<!tpu.dma_semaphore, #tpu.memory_space<semaphore_mem>>)
    %dma_start3A_147 = arith.constant 0 : i32
    %dma_start3A_148 = arith.constant 0 : i32
    %dma_start3A_149 = tpu.memref_slice %arg22[%dma_start3A_147, %dma_start3A_148] : memref<10240x128xf32, #tpu.memory_space<vmem_shared>> -> memref<10240x128xf32, #tpu.memory_space<vmem_shared>>
    tpu.enqueue_indirect_dma source(%arg18 : memref<80x128xf32, #tpu.memory_space<vmem>>) target(%dma_start3A_149 : memref<10240x128xf32, #tpu.memory_space<vmem_shared>>) offsets(%arg14 : memref<80xi32, #tpu.memory_space<vmem>>) semaphore(%arg31 : memref<!tpu.dma_semaphore, #tpu.memory_space<semaphore_mem>>) {add = true}
    %add3A_150 = arith.constant 240 : i32
    %add3A_151 = arith.addi %mul3A_2, %add3A_150 : i32
    %dma_wait3A_152 = tpu.memref_slice %arg3[%add3A_151] : memref<320000xi32, #tpu.memory_space<hbm>> -> memref<80xi32, #tpu.memory_space<hbm>>
    %dma_wait3A_153 = tpu.memref_slice %arg3[%add3A_151] : memref<320000xi32, #tpu.memory_space<hbm>> -> memref<80xi32, #tpu.memory_space<hbm>>
    tpu.wait_dma2 semaphore(%arg26 : memref<!tpu.dma_semaphore, #tpu.memory_space<semaphore_mem>>) src(%dma_wait3A_153 : memref<80xi32, #tpu.memory_space<hbm>>) dst(%arg9 : memref<80xi32, #tpu.memory_space<vmem>>)
    %add3A_154 = arith.constant 240 : i32
    %add3A_155 = arith.addi %mul3A_2, %add3A_154 : i32
    %dma_wait3A_156 = tpu.memref_slice %arg4[%add3A_155] : memref<320000xi32, #tpu.memory_space<hbm>> -> memref<80xi32, #tpu.memory_space<hbm>>
    %dma_wait3A_157 = tpu.memref_slice %arg4[%add3A_155] : memref<320000xi32, #tpu.memory_space<hbm>> -> memref<80xi32, #tpu.memory_space<hbm>>
    tpu.wait_dma2 semaphore(%arg26 : memref<!tpu.dma_semaphore, #tpu.memory_space<semaphore_mem>>) src(%dma_wait3A_157 : memref<80xi32, #tpu.memory_space<hbm>>) dst(%arg13 : memref<80xi32, #tpu.memory_space<vmem>>)
    %dma_start3A_158 = arith.constant 0 : i32
    %dma_start3A_159 = arith.constant 0 : i32
    %dma_start3A_160 = tpu.memref_slice %arg2[%dma_start3A_158, %dma_start3A_159] : memref<10000x128xf32, #tpu.memory_space<hbm>> -> memref<10000x128xf32, #tpu.memory_space<hbm>>
    tpu.enqueue_indirect_dma source(%dma_start3A_160 : memref<10000x128xf32, #tpu.memory_space<hbm>>) target(%arg21 : memref<80x128xf32, #tpu.memory_space<vmem>>) offsets(%arg9 : memref<80xi32, #tpu.memory_space<vmem>>) semaphore(%arg30 : memref<!tpu.dma_semaphore, #tpu.memory_space<semaphore_mem>>)
    %dma_wait3A_161 = arith.constant 0 : i32
    %dma_wait3A_162 = arith.constant 0 : i32
    %dma_wait3A_163 = tpu.memref_slice %arg2[%dma_wait3A_161, %dma_wait3A_162] : memref<10000x128xf32, #tpu.memory_space<hbm>> -> memref<10000x128xf32, #tpu.memory_space<hbm>>
    tpu.wait_indirect_dma semaphore(%arg28 : memref<!tpu.dma_semaphore, #tpu.memory_space<semaphore_mem>>) src(%dma_wait3A_163 : memref<10000x128xf32, #tpu.memory_space<hbm>>) dst(%arg19 : memref<80x128xf32, #tpu.memory_space<vmem>>)
    %get3A_164 = arith.constant 0 : index
    %get3A_165 = tpu.vector_load %arg11[%get3A_164] {strides = array<i32>} : memref<80xi32, #tpu.memory_space<vmem>>, vector<16xi32>,
    %get3A_166 = vector.shape_cast %get3A_165 : vector<16xi32> to vector<16xi32>
    %swap3A_167 = arith.constant 0 : index
    %swap3A_168 = tpu.vector_load %arg15[%swap3A_167] {strides = array<i32>} : memref<80xi32, #tpu.memory_space<vmem>>, vector<16xi32>,
    %swap3A_169 = vector.shape_cast %swap3A_168 : vector<16xi32> to vector<16xi32>
    %swap3A_170 = vector.shape_cast %get3A_166 : vector<16xi32> to vector<16xi32>
    tpu.vector_store %arg15[%swap3A_167], %swap3A_170 {strides = array<i32>} : memref<80xi32, #tpu.memory_space<vmem>>, vector<16xi32>,
    %get3A_171 = arith.constant 16 : index
    %get3A_172 = tpu.vector_load %arg11[%get3A_171] {strides = array<i32>} : memref<80xi32, #tpu.memory_space<vmem>>, vector<16xi32>,
    %get3A_173 = vector.shape_cast %get3A_172 : vector<16xi32> to vector<16xi32>
    %swap3A_174 = arith.constant 16 : index
    %swap3A_175 = tpu.vector_load %arg15[%swap3A_174] {strides = array<i32>} : memref<80xi32, #tpu.memory_space<vmem>>, vector<16xi32>,
    %swap3A_176 = vector.shape_cast %swap3A_175 : vector<16xi32> to vector<16xi32>
    %swap3A_177 = vector.shape_cast %get3A_173 : vector<16xi32> to vector<16xi32>
    tpu.vector_store %arg15[%swap3A_174], %swap3A_177 {strides = array<i32>} : memref<80xi32, #tpu.memory_space<vmem>>, vector<16xi32>,
    %get3A_178 = arith.constant 32 : index
    %get3A_179 = tpu.vector_load %arg11[%get3A_178] {strides = array<i32>} : memref<80xi32, #tpu.memory_space<vmem>>, vector<16xi32>,
    %get3A_180 = vector.shape_cast %get3A_179 : vector<16xi32> to vector<16xi32>
    %swap3A_181 = arith.constant 32 : index
    %swap3A_182 = tpu.vector_load %arg15[%swap3A_181] {strides = array<i32>} : memref<80xi32, #tpu.memory_space<vmem>>, vector<16xi32>,
    %swap3A_183 = vector.shape_cast %swap3A_182 : vector<16xi32> to vector<16xi32>
    %swap3A_184 = vector.shape_cast %get3A_180 : vector<16xi32> to vector<16xi32>
    tpu.vector_store %arg15[%swap3A_181], %swap3A_184 {strides = array<i32>} : memref<80xi32, #tpu.memory_space<vmem>>, vector<16xi32>,
    %get3A_185 = arith.constant 48 : index
    %get3A_186 = tpu.vector_load %arg11[%get3A_185] {strides = array<i32>} : memref<80xi32, #tpu.memory_space<vmem>>, vector<16xi32>,
    %get3A_187 = vector.shape_cast %get3A_186 : vector<16xi32> to vector<16xi32>
    %swap3A_188 = arith.constant 48 : index
    %swap3A_189 = tpu.vector_load %arg15[%swap3A_188] {strides = array<i32>} : memref<80xi32, #tpu.memory_space<vmem>>, vector<16xi32>,
    %swap3A_190 = vector.shape_cast %swap3A_189 : vector<16xi32> to vector<16xi32>
    %swap3A_191 = vector.shape_cast %get3A_187 : vector<16xi32> to vector<16xi32>
    tpu.vector_store %arg15[%swap3A_188], %swap3A_191 {strides = array<i32>} : memref<80xi32, #tpu.memory_space<vmem>>, vector<16xi32>,
    %get3A_192 = arith.constant 64 : index
    %get3A_193 = tpu.vector_load %arg11[%get3A_192] {strides = array<i32>} : memref<80xi32, #tpu.memory_space<vmem>>, vector<16xi32>,
    %get3A_194 = vector.shape_cast %get3A_193 : vector<16xi32> to vector<16xi32>
    %swap3A_195 = arith.constant 64 : index
    %swap3A_196 = tpu.vector_load %arg15[%swap3A_195] {strides = array<i32>} : memref<80xi32, #tpu.memory_space<vmem>>, vector<16xi32>,
    %swap3A_197 = vector.shape_cast %swap3A_196 : vector<16xi32> to vector<16xi32>
    %swap3A_198 = vector.shape_cast %get3A_194 : vector<16xi32> to vector<16xi32>
    tpu.vector_store %arg15[%swap3A_195], %swap3A_198 {strides = array<i32>} : memref<80xi32, #tpu.memory_space<vmem>>, vector<16xi32>,
    %add3A_199 = arith.constant 400 : i32
    %add3A_200 = arith.addi %mul3A_2, %add3A_199 : i32
    %dma_start3A_201 = tpu.memref_slice %arg3[%add3A_200] : memref<320000xi32, #tpu.memory_space<hbm>> -> memref<80xi32, #tpu.memory_space<hbm>>
    %dma_start3A_202 = tpu.memref_slice %arg3[%add3A_200] : memref<320000xi32, #tpu.memory_space<hbm>> -> memref<80xi32, #tpu.memory_space<hbm>>
    tpu.enqueue_dma source(%dma_start3A_202 : memref<80xi32, #tpu.memory_space<hbm>>) target(%arg7 : memref<80xi32, #tpu.memory_space<vmem>>) target_semaphore(%arg24 : memref<!tpu.dma_semaphore, #tpu.memory_space<semaphore_mem>>)
    %add3A_203 = arith.constant 400 : i32
    %add3A_204 = arith.addi %mul3A_2, %add3A_203 : i32
    %dma_start3A_205 = tpu.memref_slice %arg4[%add3A_204] : memref<320000xi32, #tpu.memory_space<hbm>> -> memref<80xi32, #tpu.memory_space<hbm>>
    %dma_start3A_206 = tpu.memref_slice %arg4[%add3A_204] : memref<320000xi32, #tpu.memory_space<hbm>> -> memref<80xi32, #tpu.memory_space<hbm>>
    tpu.enqueue_dma source(%dma_start3A_206 : memref<80xi32, #tpu.memory_space<hbm>>) target(%arg11 : memref<80xi32, #tpu.memory_space<vmem>>) target_semaphore(%arg24 : memref<!tpu.dma_semaphore, #tpu.memory_space<semaphore_mem>>)
    %dma_start3A_207 = arith.constant 0 : i32
    %dma_start3A_208 = arith.constant 0 : i32
    %dma_start3A_209 = tpu.memref_slice %arg22[%dma_start3A_207, %dma_start3A_208] : memref<10240x128xf32, #tpu.memory_space<vmem_shared>> -> memref<10240x128xf32, #tpu.memory_space<vmem_shared>>
    tpu.enqueue_indirect_dma source(%arg19 : memref<80x128xf32, #tpu.memory_space<vmem>>) target(%dma_start3A_209 : memref<10240x128xf32, #tpu.memory_space<vmem_shared>>) offsets(%arg15 : memref<80xi32, #tpu.memory_space<vmem>>) semaphore(%arg32 : memref<!tpu.dma_semaphore, #tpu.memory_space<semaphore_mem>>) {add = true}
    %scan3A_210 = arith.constant 0 : i32
    %scan3A_211 = arith.constant 0 : i32
    %scan3A_212 = arith.constant 29 : i32
    %scan3A_213 = arith.addi %scan3A_211, %scan3A_212 : i32
    %scan3A_214 = arith.constant 1 : i32
    scf.for %scan3A_614 = %scan3A_211 to %scan3A_213 step %scan3A_214  : i32 {
      %mul3A_615 = arith.constant 4 : i32
      %mul3A_616 = arith.muli %mul3A_615, %scan3A_614 : i32
      %add3A_617 = arith.constant 2 : i32
      %add3A_618 = arith.addi %add3A_617, %mul3A_616 : i32
      %add3A_619 = arith.constant 0 : i32
      %add3A_620 = arith.addi %add3A_618, %add3A_619 : i32
      %sub3A = arith.constant 2 : i32
      %sub3A_621 = arith.subi %add3A_620, %sub3A : i32
      %dma_wait3A_622 = arith.constant 0 : i32
      %dma_wait3A_623 = arith.constant 0 : i32
      %dma_wait3A_624 = tpu.memref_slice %arg22[%dma_wait3A_622, %dma_wait3A_623] : memref<10240x128xf32, #tpu.memory_space<vmem_shared>> -> memref<10240x128xf32, #tpu.memory_space<vmem_shared>>
      tpu.wait_indirect_dma semaphore(%arg31 : memref<!tpu.dma_semaphore, #tpu.memory_space<semaphore_mem>>) src(%arg18 : memref<80x128xf32, #tpu.memory_space<vmem>>) dst(%dma_wait3A_624 : memref<10240x128xf32, #tpu.memory_space<vmem_shared>>)
      %add3A_625 = arith.constant 2 : i32
      %add3A_626 = arith.addi %add3A_620, %add3A_625 : i32
      %mul3A_627 = arith.constant 80 : i32
      %mul3A_628 = arith.muli %add3A_626, %mul3A_627 : i32
      %add3A_629 = arith.addi %mul3A_2, %mul3A_628 : i32
      %dma_wait3A_630 = tpu.memref_slice %arg3[%add3A_629] : memref<320000xi32, #tpu.memory_space<hbm>> -> memref<80xi32, #tpu.memory_space<hbm>>
      %dma_wait3A_631 = tpu.memref_slice %arg3[%add3A_629] : memref<320000xi32, #tpu.memory_space<hbm>> -> memref<80xi32, #tpu.memory_space<hbm>>
      tpu.wait_dma2 semaphore(%arg23 : memref<!tpu.dma_semaphore, #tpu.memory_space<semaphore_mem>>) src(%dma_wait3A_631 : memref<80xi32, #tpu.memory_space<hbm>>) dst(%arg6 : memref<80xi32, #tpu.memory_space<vmem>>)
      %mul3A_632 = arith.constant 80 : i32
      %mul3A_633 = arith.muli %add3A_626, %mul3A_632 : i32
      %add3A_634 = arith.addi %mul3A_2, %mul3A_633 : i32
      %dma_wait3A_635 = tpu.memref_slice %arg4[%add3A_634] : memref<320000xi32, #tpu.memory_space<hbm>> -> memref<80xi32, #tpu.memory_space<hbm>>
      %dma_wait3A_636 = tpu.memref_slice %arg4[%add3A_634] : memref<320000xi32, #tpu.memory_space<hbm>> -> memref<80xi32, #tpu.memory_space<hbm>>
      tpu.wait_dma2 semaphore(%arg23 : memref<!tpu.dma_semaphore, #tpu.memory_space<semaphore_mem>>) src(%dma_wait3A_636 : memref<80xi32, #tpu.memory_space<hbm>>) dst(%arg10 : memref<80xi32, #tpu.memory_space<vmem>>)
      %add3A_637 = arith.constant 2 : i32
      %add3A_638 = arith.addi %add3A_620, %add3A_637 : i32
      %dma_start3A_639 = arith.constant 0 : i32
      %dma_start3A_640 = arith.constant 0 : i32
      %dma_start3A_641 = tpu.memref_slice %arg2[%dma_start3A_639, %dma_start3A_640] : memref<10000x128xf32, #tpu.memory_space<hbm>> -> memref<10000x128xf32, #tpu.memory_space<hbm>>
      tpu.enqueue_indirect_dma source(%dma_start3A_641 : memref<10000x128xf32, #tpu.memory_space<hbm>>) target(%arg18 : memref<80x128xf32, #tpu.memory_space<vmem>>) offsets(%arg6 : memref<80xi32, #tpu.memory_space<vmem>>) semaphore(%arg27 : memref<!tpu.dma_semaphore, #tpu.memory_space<semaphore_mem>>)
      %dma_wait3A_642 = arith.constant 0 : i32
      %dma_wait3A_643 = arith.constant 0 : i32
      %dma_wait3A_644 = tpu.memref_slice %arg2[%dma_wait3A_642, %dma_wait3A_643] : memref<10000x128xf32, #tpu.memory_space<hbm>> -> memref<10000x128xf32, #tpu.memory_space<hbm>>
      tpu.wait_indirect_dma semaphore(%arg29 : memref<!tpu.dma_semaphore, #tpu.memory_space<semaphore_mem>>) src(%dma_wait3A_644 : memref<10000x128xf32, #tpu.memory_space<hbm>>) dst(%arg20 : memref<80x128xf32, #tpu.memory_space<vmem>>)
      %get3A_645 = arith.constant 0 : index
      %get3A_646 = tpu.vector_load %arg12[%get3A_645] {strides = array<i32>} : memref<80xi32, #tpu.memory_space<vmem>>, vector<16xi32>,
      %get3A_647 = vector.shape_cast %get3A_646 : vector<16xi32> to vector<16xi32>
      %swap3A_648 = arith.constant 0 : index
      %swap3A_649 = tpu.vector_load %arg16[%swap3A_648] {strides = array<i32>} : memref<80xi32, #tpu.memory_space<vmem>>, vector<16xi32>,
      %swap3A_650 = vector.shape_cast %swap3A_649 : vector<16xi32> to vector<16xi32>
      %swap3A_651 = vector.shape_cast %get3A_647 : vector<16xi32> to vector<16xi32>
      tpu.vector_store %arg16[%swap3A_648], %swap3A_651 {strides = array<i32>} : memref<80xi32, #tpu.memory_space<vmem>>, vector<16xi32>,
      %get3A_652 = arith.constant 16 : index
      %get3A_653 = tpu.vector_load %arg12[%get3A_652] {strides = array<i32>} : memref<80xi32, #tpu.memory_space<vmem>>, vector<16xi32>,
      %get3A_654 = vector.shape_cast %get3A_653 : vector<16xi32> to vector<16xi32>
      %swap3A_655 = arith.constant 16 : index
      %swap3A_656 = tpu.vector_load %arg16[%swap3A_655] {strides = array<i32>} : memref<80xi32, #tpu.memory_space<vmem>>, vector<16xi32>,
      %swap3A_657 = vector.shape_cast %swap3A_656 : vector<16xi32> to vector<16xi32>
      %swap3A_658 = vector.shape_cast %get3A_654 : vector<16xi32> to vector<16xi32>
      tpu.vector_store %arg16[%swap3A_655], %swap3A_658 {strides = array<i32>} : memref<80xi32, #tpu.memory_space<vmem>>, vector<16xi32>,
      %get3A_659 = arith.constant 32 : index
      %get3A_660 = tpu.vector_load %arg12[%get3A_659] {strides = array<i32>} : memref<80xi32, #tpu.memory_space<vmem>>, vector<16xi32>,
      %get3A_661 = vector.shape_cast %get3A_660 : vector<16xi32> to vector<16xi32>
      %swap3A_662 = arith.constant 32 : index
      %swap3A_663 = tpu.vector_load %arg16[%swap3A_662] {strides = array<i32>} : memref<80xi32, #tpu.memory_space<vmem>>, vector<16xi32>,
      %swap3A_664 = vector.shape_cast %swap3A_663 : vector<16xi32> to vector<16xi32>
      %swap3A_665 = vector.shape_cast %get3A_661 : vector<16xi32> to vector<16xi32>
      tpu.vector_store %arg16[%swap3A_662], %swap3A_665 {strides = array<i32>} : memref<80xi32, #tpu.memory_space<vmem>>, vector<16xi32>,
      %get3A_666 = arith.constant 48 : index
      %get3A_667 = tpu.vector_load %arg12[%get3A_666] {strides = array<i32>} : memref<80xi32, #tpu.memory_space<vmem>>, vector<16xi32>,
      %get3A_668 = vector.shape_cast %get3A_667 : vector<16xi32> to vector<16xi32>
      %swap3A_669 = arith.constant 48 : index
      %swap3A_670 = tpu.vector_load %arg16[%swap3A_669] {strides = array<i32>} : memref<80xi32, #tpu.memory_space<vmem>>, vector<16xi32>,
      %swap3A_671 = vector.shape_cast %swap3A_670 : vector<16xi32> to vector<16xi32>
      %swap3A_672 = vector.shape_cast %get3A_668 : vector<16xi32> to vector<16xi32>
      tpu.vector_store %arg16[%swap3A_669], %swap3A_672 {strides = array<i32>} : memref<80xi32, #tpu.memory_space<vmem>>, vector<16xi32>,
      %get3A_673 = arith.constant 64 : index
      %get3A_674 = tpu.vector_load %arg12[%get3A_673] {strides = array<i32>} : memref<80xi32, #tpu.memory_space<vmem>>, vector<16xi32>,
      %get3A_675 = vector.shape_cast %get3A_674 : vector<16xi32> to vector<16xi32>
      %swap3A_676 = arith.constant 64 : index
      %swap3A_677 = tpu.vector_load %arg16[%swap3A_676] {strides = array<i32>} : memref<80xi32, #tpu.memory_space<vmem>>, vector<16xi32>,
      %swap3A_678 = vector.shape_cast %swap3A_677 : vector<16xi32> to vector<16xi32>
      %swap3A_679 = vector.shape_cast %get3A_675 : vector<16xi32> to vector<16xi32>
      tpu.vector_store %arg16[%swap3A_676], %swap3A_679 {strides = array<i32>} : memref<80xi32, #tpu.memory_space<vmem>>, vector<16xi32>,
      %add3A_680 = arith.constant 4 : i32
      %add3A_681 = arith.addi %add3A_620, %add3A_680 : i32
      %mul3A_682 = arith.constant 80 : i32
      %mul3A_683 = arith.muli %add3A_681, %mul3A_682 : i32
      %add3A_684 = arith.addi %mul3A_2, %mul3A_683 : i32
      %dma_start3A_685 = tpu.memref_slice %arg3[%add3A_684] : memref<320000xi32, #tpu.memory_space<hbm>> -> memref<80xi32, #tpu.memory_space<hbm>>
      %dma_start3A_686 = tpu.memref_slice %arg3[%add3A_684] : memref<320000xi32, #tpu.memory_space<hbm>> -> memref<80xi32, #tpu.memory_space<hbm>>
      tpu.enqueue_dma source(%dma_start3A_686 : memref<80xi32, #tpu.memory_space<hbm>>) target(%arg8 : memref<80xi32, #tpu.memory_space<vmem>>) target_semaphore(%arg25 : memref<!tpu.dma_semaphore, #tpu.memory_space<semaphore_mem>>)
      %mul3A_687 = arith.constant 80 : i32
      %mul3A_688 = arith.muli %add3A_681, %mul3A_687 : i32
      %add3A_689 = arith.addi %mul3A_2, %mul3A_688 : i32
      %dma_start3A_690 = tpu.memref_slice %arg4[%add3A_689] : memref<320000xi32, #tpu.memory_space<hbm>> -> memref<80xi32, #tpu.memory_space<hbm>>
      %dma_start3A_691 = tpu.memref_slice %arg4[%add3A_689] : memref<320000xi32, #tpu.memory_space<hbm>> -> memref<80xi32, #tpu.memory_space<hbm>>
      tpu.enqueue_dma source(%dma_start3A_691 : memref<80xi32, #tpu.memory_space<hbm>>) target(%arg12 : memref<80xi32, #tpu.memory_space<vmem>>) target_semaphore(%arg25 : memref<!tpu.dma_semaphore, #tpu.memory_space<semaphore_mem>>)
      %dma_start3A_692 = arith.constant 0 : i32
      %dma_start3A_693 = arith.constant 0 : i32
      %dma_start3A_694 = tpu.memref_slice %arg22[%dma_start3A_692, %dma_start3A_693] : memref<10240x128xf32, #tpu.memory_space<vmem_shared>> -> memref<10240x128xf32, #tpu.memory_space<vmem_shared>>
      tpu.enqueue_indirect_dma source(%arg20 : memref<80x128xf32, #tpu.memory_space<vmem>>) target(%dma_start3A_694 : memref<10240x128xf32, #tpu.memory_space<vmem_shared>>) offsets(%arg16 : memref<80xi32, #tpu.memory_space<vmem>>) semaphore(%arg33 : memref<!tpu.dma_semaphore, #tpu.memory_space<semaphore_mem>>) {add = true}
      %mul3A_695 = arith.constant 4 : i32
      %mul3A_696 = arith.muli %mul3A_695, %scan3A_614 : i32
      %add3A_697 = arith.constant 2 : i32
      %add3A_698 = arith.addi %add3A_697, %mul3A_696 : i32
      %add3A_699 = arith.constant 1 : i32
      %add3A_700 = arith.addi %add3A_698, %add3A_699 : i32
      %sub3A_701 = arith.constant 2 : i32
      %sub3A_702 = arith.subi %add3A_700, %sub3A_701 : i32
      %dma_wait3A_703 = arith.constant 0 : i32
      %dma_wait3A_704 = arith.constant 0 : i32
      %dma_wait3A_705 = tpu.memref_slice %arg22[%dma_wait3A_703, %dma_wait3A_704] : memref<10240x128xf32, #tpu.memory_space<vmem_shared>> -> memref<10240x128xf32, #tpu.memory_space<vmem_shared>>
      tpu.wait_indirect_dma semaphore(%arg32 : memref<!tpu.dma_semaphore, #tpu.memory_space<semaphore_mem>>) src(%arg19 : memref<80x128xf32, #tpu.memory_space<vmem>>) dst(%dma_wait3A_705 : memref<10240x128xf32, #tpu.memory_space<vmem_shared>>)
      %add3A_706 = arith.constant 2 : i32
      %add3A_707 = arith.addi %add3A_700, %add3A_706 : i32
      %mul3A_708 = arith.constant 80 : i32
      %mul3A_709 = arith.muli %add3A_707, %mul3A_708 : i32
      %add3A_710 = arith.addi %mul3A_2, %mul3A_709 : i32
      %dma_wait3A_711 = tpu.memref_slice %arg3[%add3A_710] : memref<320000xi32, #tpu.memory_space<hbm>> -> memref<80xi32, #tpu.memory_space<hbm>>
      %dma_wait3A_712 = tpu.memref_slice %arg3[%add3A_710] : memref<320000xi32, #tpu.memory_space<hbm>> -> memref<80xi32, #tpu.memory_space<hbm>>
      tpu.wait_dma2 semaphore(%arg24 : memref<!tpu.dma_semaphore, #tpu.memory_space<semaphore_mem>>) src(%dma_wait3A_712 : memref<80xi32, #tpu.memory_space<hbm>>) dst(%arg7 : memref<80xi32, #tpu.memory_space<vmem>>)
      %mul3A_713 = arith.constant 80 : i32
      %mul3A_714 = arith.muli %add3A_707, %mul3A_713 : i32
      %add3A_715 = arith.addi %mul3A_2, %mul3A_714 : i32
      %dma_wait3A_716 = tpu.memref_slice %arg4[%add3A_715] : memref<320000xi32, #tpu.memory_space<hbm>> -> memref<80xi32, #tpu.memory_space<hbm>>
      %dma_wait3A_717 = tpu.memref_slice %arg4[%add3A_715] : memref<320000xi32, #tpu.memory_space<hbm>> -> memref<80xi32, #tpu.memory_space<hbm>>
      tpu.wait_dma2 semaphore(%arg24 : memref<!tpu.dma_semaphore, #tpu.memory_space<semaphore_mem>>) src(%dma_wait3A_717 : memref<80xi32, #tpu.memory_space<hbm>>) dst(%arg11 : memref<80xi32, #tpu.memory_space<vmem>>)
      %add3A_718 = arith.constant 2 : i32
      %add3A_719 = arith.addi %add3A_700, %add3A_718 : i32
      %dma_start3A_720 = arith.constant 0 : i32
      %dma_start3A_721 = arith.constant 0 : i32
      %dma_start3A_722 = tpu.memref_slice %arg2[%dma_start3A_720, %dma_start3A_721] : memref<10000x128xf32, #tpu.memory_space<hbm>> -> memref<10000x128xf32, #tpu.memory_space<hbm>>
      tpu.enqueue_indirect_dma source(%dma_start3A_722 : memref<10000x128xf32, #tpu.memory_space<hbm>>) target(%arg19 : memref<80x128xf32, #tpu.memory_space<vmem>>) offsets(%arg7 : memref<80xi32, #tpu.memory_space<vmem>>) semaphore(%arg28 : memref<!tpu.dma_semaphore, #tpu.memory_space<semaphore_mem>>)
      %dma_wait3A_723 = arith.constant 0 : i32
      %dma_wait3A_724 = arith.constant 0 : i32
      %dma_wait3A_725 = tpu.memref_slice %arg2[%dma_wait3A_723, %dma_wait3A_724] : memref<10000x128xf32, #tpu.memory_space<hbm>> -> memref<10000x128xf32, #tpu.memory_space<hbm>>
      tpu.wait_indirect_dma semaphore(%arg30 : memref<!tpu.dma_semaphore, #tpu.memory_space<semaphore_mem>>) src(%dma_wait3A_725 : memref<10000x128xf32, #tpu.memory_space<hbm>>) dst(%arg21 : memref<80x128xf32, #tpu.memory_space<vmem>>)
      %get3A_726 = arith.constant 0 : index
      %get3A_727 = tpu.vector_load %arg13[%get3A_726] {strides = array<i32>} : memref<80xi32, #tpu.memory_space<vmem>>, vector<16xi32>,
      %get3A_728 = vector.shape_cast %get3A_727 : vector<16xi32> to vector<16xi32>
      %swap3A_729 = arith.constant 0 : index
      %swap3A_730 = tpu.vector_load %arg17[%swap3A_729] {strides = array<i32>} : memref<80xi32, #tpu.memory_space<vmem>>, vector<16xi32>,
      %swap3A_731 = vector.shape_cast %swap3A_730 : vector<16xi32> to vector<16xi32>
      %swap3A_732 = vector.shape_cast %get3A_728 : vector<16xi32> to vector<16xi32>
      tpu.vector_store %arg17[%swap3A_729], %swap3A_732 {strides = array<i32>} : memref<80xi32, #tpu.memory_space<vmem>>, vector<16xi32>,
      %get3A_733 = arith.constant 16 : index
      %get3A_734 = tpu.vector_load %arg13[%get3A_733] {strides = array<i32>} : memref<80xi32, #tpu.memory_space<vmem>>, vector<16xi32>,
      %get3A_735 = vector.shape_cast %get3A_734 : vector<16xi32> to vector<16xi32>
      %swap3A_736 = arith.constant 16 : index
      %swap3A_737 = tpu.vector_load %arg17[%swap3A_736] {strides = array<i32>} : memref<80xi32, #tpu.memory_space<vmem>>, vector<16xi32>,
      %swap3A_738 = vector.shape_cast %swap3A_737 : vector<16xi32> to vector<16xi32>
      %swap3A_739 = vector.shape_cast %get3A_735 : vector<16xi32> to vector<16xi32>
      tpu.vector_store %arg17[%swap3A_736], %swap3A_739 {strides = array<i32>} : memref<80xi32, #tpu.memory_space<vmem>>, vector<16xi32>,
      %get3A_740 = arith.constant 32 : index
      %get3A_741 = tpu.vector_load %arg13[%get3A_740] {strides = array<i32>} : memref<80xi32, #tpu.memory_space<vmem>>, vector<16xi32>,
      %get3A_742 = vector.shape_cast %get3A_741 : vector<16xi32> to vector<16xi32>
      %swap3A_743 = arith.constant 32 : index
      %swap3A_744 = tpu.vector_load %arg17[%swap3A_743] {strides = array<i32>} : memref<80xi32, #tpu.memory_space<vmem>>, vector<16xi32>,
      %swap3A_745 = vector.shape_cast %swap3A_744 : vector<16xi32> to vector<16xi32>
      %swap3A_746 = vector.shape_cast %get3A_742 : vector<16xi32> to vector<16xi32>
      tpu.vector_store %arg17[%swap3A_743], %swap3A_746 {strides = array<i32>} : memref<80xi32, #tpu.memory_space<vmem>>, vector<16xi32>,
      %get3A_747 = arith.constant 48 : index
      %get3A_748 = tpu.vector_load %arg13[%get3A_747] {strides = array<i32>} : memref<80xi32, #tpu.memory_space<vmem>>, vector<16xi32>,
      %get3A_749 = vector.shape_cast %get3A_748 : vector<16xi32> to vector<16xi32>
      %swap3A_750 = arith.constant 48 : index
      %swap3A_751 = tpu.vector_load %arg17[%swap3A_750] {strides = array<i32>} : memref<80xi32, #tpu.memory_space<vmem>>, vector<16xi32>,
      %swap3A_752 = vector.shape_cast %swap3A_751 : vector<16xi32> to vector<16xi32>
      %swap3A_753 = vector.shape_cast %get3A_749 : vector<16xi32> to vector<16xi32>
      tpu.vector_store %arg17[%swap3A_750], %swap3A_753 {strides = array<i32>} : memref<80xi32, #tpu.memory_space<vmem>>, vector<16xi32>,
      %get3A_754 = arith.constant 64 : index
      %get3A_755 = tpu.vector_load %arg13[%get3A_754] {strides = array<i32>} : memref<80xi32, #tpu.memory_space<vmem>>, vector<16xi32>,
      %get3A_756 = vector.shape_cast %get3A_755 : vector<16xi32> to vector<16xi32>
      %swap3A_757 = arith.constant 64 : index
      %swap3A_758 = tpu.vector_load %arg17[%swap3A_757] {strides = array<i32>} : memref<80xi32, #tpu.memory_space<vmem>>, vector<16xi32>,
      %swap3A_759 = vector.shape_cast %swap3A_758 : vector<16xi32> to vector<16xi32>
      %swap3A_760 = vector.shape_cast %get3A_756 : vector<16xi32> to vector<16xi32>
      tpu.vector_store %arg17[%swap3A_757], %swap3A_760 {strides = array<i32>} : memref<80xi32, #tpu.memory_space<vmem>>, vector<16xi32>,
      %add3A_761 = arith.constant 4 : i32
      %add3A_762 = arith.addi %add3A_700, %add3A_761 : i32
      %mul3A_763 = arith.constant 80 : i32
      %mul3A_764 = arith.muli %add3A_762, %mul3A_763 : i32
      %add3A_765 = arith.addi %mul3A_2, %mul3A_764 : i32
      %dma_start3A_766 = tpu.memref_slice %arg3[%add3A_765] : memref<320000xi32, #tpu.memory_space<hbm>> -> memref<80xi32, #tpu.memory_space<hbm>>
      %dma_start3A_767 = tpu.memref_slice %arg3[%add3A_765] : memref<320000xi32, #tpu.memory_space<hbm>> -> memref<80xi32, #tpu.memory_space<hbm>>
      tpu.enqueue_dma source(%dma_start3A_767 : memref<80xi32, #tpu.memory_space<hbm>>) target(%arg9 : memref<80xi32, #tpu.memory_space<vmem>>) target_semaphore(%arg26 : memref<!tpu.dma_semaphore, #tpu.memory_space<semaphore_mem>>)
      %mul3A_768 = arith.constant 80 : i32
      %mul3A_769 = arith.muli %add3A_762, %mul3A_768 : i32
      %add3A_770 = arith.addi %mul3A_2, %mul3A_769 : i32
      %dma_start3A_771 = tpu.memref_slice %arg4[%add3A_770] : memref<320000xi32, #tpu.memory_space<hbm>> -> memref<80xi32, #tpu.memory_space<hbm>>
      %dma_start3A_772 = tpu.memref_slice %arg4[%add3A_770] : memref<320000xi32, #tpu.memory_space<hbm>> -> memref<80xi32, #tpu.memory_space<hbm>>
      tpu.enqueue_dma source(%dma_start3A_772 : memref<80xi32, #tpu.memory_space<hbm>>) target(%arg13 : memref<80xi32, #tpu.memory_space<vmem>>) target_semaphore(%arg26 : memref<!tpu.dma_semaphore, #tpu.memory_space<semaphore_mem>>)
      %dma_start3A_773 = arith.constant 0 : i32
      %dma_start3A_774 = arith.constant 0 : i32
      %dma_start3A_775 = tpu.memref_slice %arg22[%dma_start3A_773, %dma_start3A_774] : memref<10240x128xf32, #tpu.memory_space<vmem_shared>> -> memref<10240x128xf32, #tpu.memory_space<vmem_shared>>
      tpu.enqueue_indirect_dma source(%arg21 : memref<80x128xf32, #tpu.memory_space<vmem>>) target(%dma_start3A_775 : memref<10240x128xf32, #tpu.memory_space<vmem_shared>>) offsets(%arg17 : memref<80xi32, #tpu.memory_space<vmem>>) semaphore(%arg34 : memref<!tpu.dma_semaphore, #tpu.memory_space<semaphore_mem>>) {add = true}
      %mul3A_776 = arith.constant 4 : i32
      %mul3A_777 = arith.muli %mul3A_776, %scan3A_614 : i32
      %add3A_778 = arith.constant 2 : i32
      %add3A_779 = arith.addi %add3A_778, %mul3A_777 : i32
      %add3A_780 = arith.constant 2 : i32
      %add3A_781 = arith.addi %add3A_779, %add3A_780 : i32
      %sub3A_782 = arith.constant 2 : i32
      %sub3A_783 = arith.subi %add3A_781, %sub3A_782 : i32
      %dma_wait3A_784 = arith.constant 0 : i32
      %dma_wait3A_785 = arith.constant 0 : i32
      %dma_wait3A_786 = tpu.memref_slice %arg22[%dma_wait3A_784, %dma_wait3A_785] : memref<10240x128xf32, #tpu.memory_space<vmem_shared>> -> memref<10240x128xf32, #tpu.memory_space<vmem_shared>>
      tpu.wait_indirect_dma semaphore(%arg33 : memref<!tpu.dma_semaphore, #tpu.memory_space<semaphore_mem>>) src(%arg20 : memref<80x128xf32, #tpu.memory_space<vmem>>) dst(%dma_wait3A_786 : memref<10240x128xf32, #tpu.memory_space<vmem_shared>>)
      %add3A_787 = arith.constant 2 : i32
      %add3A_788 = arith.addi %add3A_781, %add3A_787 : i32
      %mul3A_789 = arith.constant 80 : i32
      %mul3A_790 = arith.muli %add3A_788, %mul3A_789 : i32
      %add3A_791 = arith.addi %mul3A_2, %mul3A_790 : i32
      %dma_wait3A_792 = tpu.memref_slice %arg3[%add3A_791] : memref<320000xi32, #tpu.memory_space<hbm>> -> memref<80xi32, #tpu.memory_space<hbm>>
      %dma_wait3A_793 = tpu.memref_slice %arg3[%add3A_791] : memref<320000xi32, #tpu.memory_space<hbm>> -> memref<80xi32, #tpu.memory_space<hbm>>
      tpu.wait_dma2 semaphore(%arg25 : memref<!tpu.dma_semaphore, #tpu.memory_space<semaphore_mem>>) src(%dma_wait3A_793 : memref<80xi32, #tpu.memory_space<hbm>>) dst(%arg8 : memref<80xi32, #tpu.memory_space<vmem>>)
      %mul3A_794 = arith.constant 80 : i32
      %mul3A_795 = arith.muli %add3A_788, %mul3A_794 : i32
      %add3A_796 = arith.addi %mul3A_2, %mul3A_795 : i32
      %dma_wait3A_797 = tpu.memref_slice %arg4[%add3A_796] : memref<320000xi32, #tpu.memory_space<hbm>> -> memref<80xi32, #tpu.memory_space<hbm>>
      %dma_wait3A_798 = tpu.memref_slice %arg4[%add3A_796] : memref<320000xi32, #tpu.memory_space<hbm>> -> memref<80xi32, #tpu.memory_space<hbm>>
      tpu.wait_dma2 semaphore(%arg25 : memref<!tpu.dma_semaphore, #tpu.memory_space<semaphore_mem>>) src(%dma_wait3A_798 : memref<80xi32, #tpu.memory_space<hbm>>) dst(%arg12 : memref<80xi32, #tpu.memory_space<vmem>>)
      %add3A_799 = arith.constant 2 : i32
      %add3A_800 = arith.addi %add3A_781, %add3A_799 : i32
      %dma_start3A_801 = arith.constant 0 : i32
      %dma_start3A_802 = arith.constant 0 : i32
      %dma_start3A_803 = tpu.memref_slice %arg2[%dma_start3A_801, %dma_start3A_802] : memref<10000x128xf32, #tpu.memory_space<hbm>> -> memref<10000x128xf32, #tpu.memory_space<hbm>>
      tpu.enqueue_indirect_dma source(%dma_start3A_803 : memref<10000x128xf32, #tpu.memory_space<hbm>>) target(%arg20 : memref<80x128xf32, #tpu.memory_space<vmem>>) offsets(%arg8 : memref<80xi32, #tpu.memory_space<vmem>>) semaphore(%arg29 : memref<!tpu.dma_semaphore, #tpu.memory_space<semaphore_mem>>)
      %dma_wait3A_804 = arith.constant 0 : i32
      %dma_wait3A_805 = arith.constant 0 : i32
      %dma_wait3A_806 = tpu.memref_slice %arg2[%dma_wait3A_804, %dma_wait3A_805] : memref<10000x128xf32, #tpu.memory_space<hbm>> -> memref<10000x128xf32, #tpu.memory_space<hbm>>
      tpu.wait_indirect_dma semaphore(%arg27 : memref<!tpu.dma_semaphore, #tpu.memory_space<semaphore_mem>>) src(%dma_wait3A_806 : memref<10000x128xf32, #tpu.memory_space<hbm>>) dst(%arg18 : memref<80x128xf32, #tpu.memory_space<vmem>>)
      %get3A_807 = arith.constant 0 : index
      %get3A_808 = tpu.vector_load %arg10[%get3A_807] {strides = array<i32>} : memref<80xi32, #tpu.memory_space<vmem>>, vector<16xi32>,
      %get3A_809 = vector.shape_cast %get3A_808 : vector<16xi32> to vector<16xi32>
      %swap3A_810 = arith.constant 0 : index
      %swap3A_811 = tpu.vector_load %arg14[%swap3A_810] {strides = array<i32>} : memref<80xi32, #tpu.memory_space<vmem>>, vector<16xi32>,
      %swap3A_812 = vector.shape_cast %swap3A_811 : vector<16xi32> to vector<16xi32>
      %swap3A_813 = vector.shape_cast %get3A_809 : vector<16xi32> to vector<16xi32>
      tpu.vector_store %arg14[%swap3A_810], %swap3A_813 {strides = array<i32>} : memref<80xi32, #tpu.memory_space<vmem>>, vector<16xi32>,
      %get3A_814 = arith.constant 16 : index
      %get3A_815 = tpu.vector_load %arg10[%get3A_814] {strides = array<i32>} : memref<80xi32, #tpu.memory_space<vmem>>, vector<16xi32>,
      %get3A_816 = vector.shape_cast %get3A_815 : vector<16xi32> to vector<16xi32>
      %swap3A_817 = arith.constant 16 : index
      %swap3A_818 = tpu.vector_load %arg14[%swap3A_817] {strides = array<i32>} : memref<80xi32, #tpu.memory_space<vmem>>, vector<16xi32>,
      %swap3A_819 = vector.shape_cast %swap3A_818 : vector<16xi32> to vector<16xi32>
      %swap3A_820 = vector.shape_cast %get3A_816 : vector<16xi32> to vector<16xi32>
      tpu.vector_store %arg14[%swap3A_817], %swap3A_820 {strides = array<i32>} : memref<80xi32, #tpu.memory_space<vmem>>, vector<16xi32>,
      %get3A_821 = arith.constant 32 : index
      %get3A_822 = tpu.vector_load %arg10[%get3A_821] {strides = array<i32>} : memref<80xi32, #tpu.memory_space<vmem>>, vector<16xi32>,
      %get3A_823 = vector.shape_cast %get3A_822 : vector<16xi32> to vector<16xi32>
      %swap3A_824 = arith.constant 32 : index
      %swap3A_825 = tpu.vector_load %arg14[%swap3A_824] {strides = array<i32>} : memref<80xi32, #tpu.memory_space<vmem>>, vector<16xi32>,
      %swap3A_826 = vector.shape_cast %swap3A_825 : vector<16xi32> to vector<16xi32>
      %swap3A_827 = vector.shape_cast %get3A_823 : vector<16xi32> to vector<16xi32>
      tpu.vector_store %arg14[%swap3A_824], %swap3A_827 {strides = array<i32>} : memref<80xi32, #tpu.memory_space<vmem>>, vector<16xi32>,
      %get3A_828 = arith.constant 48 : index
      %get3A_829 = tpu.vector_load %arg10[%get3A_828] {strides = array<i32>} : memref<80xi32, #tpu.memory_space<vmem>>, vector<16xi32>,
      %get3A_830 = vector.shape_cast %get3A_829 : vector<16xi32> to vector<16xi32>
      %swap3A_831 = arith.constant 48 : index
      %swap3A_832 = tpu.vector_load %arg14[%swap3A_831] {strides = array<i32>} : memref<80xi32, #tpu.memory_space<vmem>>, vector<16xi32>,
      %swap3A_833 = vector.shape_cast %swap3A_832 : vector<16xi32> to vector<16xi32>
      %swap3A_834 = vector.shape_cast %get3A_830 : vector<16xi32> to vector<16xi32>
      tpu.vector_store %arg14[%swap3A_831], %swap3A_834 {strides = array<i32>} : memref<80xi32, #tpu.memory_space<vmem>>, vector<16xi32>,
      %get3A_835 = arith.constant 64 : index
      %get3A_836 = tpu.vector_load %arg10[%get3A_835] {strides = array<i32>} : memref<80xi32, #tpu.memory_space<vmem>>, vector<16xi32>,
      %get3A_837 = vector.shape_cast %get3A_836 : vector<16xi32> to vector<16xi32>
      %swap3A_838 = arith.constant 64 : index
      %swap3A_839 = tpu.vector_load %arg14[%swap3A_838] {strides = array<i32>} : memref<80xi32, #tpu.memory_space<vmem>>, vector<16xi32>,
      %swap3A_840 = vector.shape_cast %swap3A_839 : vector<16xi32> to vector<16xi32>
      %swap3A_841 = vector.shape_cast %get3A_837 : vector<16xi32> to vector<16xi32>
      tpu.vector_store %arg14[%swap3A_838], %swap3A_841 {strides = array<i32>} : memref<80xi32, #tpu.memory_space<vmem>>, vector<16xi32>,
      %add3A_842 = arith.constant 4 : i32
      %add3A_843 = arith.addi %add3A_781, %add3A_842 : i32
      %mul3A_844 = arith.constant 80 : i32
      %mul3A_845 = arith.muli %add3A_843, %mul3A_844 : i32
      %add3A_846 = arith.addi %mul3A_2, %mul3A_845 : i32
      %dma_start3A_847 = tpu.memref_slice %arg3[%add3A_846] : memref<320000xi32, #tpu.memory_space<hbm>> -> memref<80xi32, #tpu.memory_space<hbm>>
      %dma_start3A_848 = tpu.memref_slice %arg3[%add3A_846] : memref<320000xi32, #tpu.memory_space<hbm>> -> memref<80xi32, #tpu.memory_space<hbm>>
      tpu.enqueue_dma source(%dma_start3A_848 : memref<80xi32, #tpu.memory_space<hbm>>) target(%arg6 : memref<80xi32, #tpu.memory_space<vmem>>) target_semaphore(%arg23 : memref<!tpu.dma_semaphore, #tpu.memory_space<semaphore_mem>>)
      %mul3A_849 = arith.constant 80 : i32
      %mul3A_850 = arith.muli %add3A_843, %mul3A_849 : i32
      %add3A_851 = arith.addi %mul3A_2, %mul3A_850 : i32
      %dma_start3A_852 = tpu.memref_slice %arg4[%add3A_851] : memref<320000xi32, #tpu.memory_space<hbm>> -> memref<80xi32, #tpu.memory_space<hbm>>
      %dma_start3A_853 = tpu.memref_slice %arg4[%add3A_851] : memref<320000xi32, #tpu.memory_space<hbm>> -> memref<80xi32, #tpu.memory_space<hbm>>
      tpu.enqueue_dma source(%dma_start3A_853 : memref<80xi32, #tpu.memory_space<hbm>>) target(%arg10 : memref<80xi32, #tpu.memory_space<vmem>>) target_semaphore(%arg23 : memref<!tpu.dma_semaphore, #tpu.memory_space<semaphore_mem>>)
      %dma_start3A_854 = arith.constant 0 : i32
      %dma_start3A_855 = arith.constant 0 : i32
      %dma_start3A_856 = tpu.memref_slice %arg22[%dma_start3A_854, %dma_start3A_855] : memref<10240x128xf32, #tpu.memory_space<vmem_shared>> -> memref<10240x128xf32, #tpu.memory_space<vmem_shared>>
      tpu.enqueue_indirect_dma source(%arg18 : memref<80x128xf32, #tpu.memory_space<vmem>>) target(%dma_start3A_856 : memref<10240x128xf32, #tpu.memory_space<vmem_shared>>) offsets(%arg14 : memref<80xi32, #tpu.memory_space<vmem>>) semaphore(%arg31 : memref<!tpu.dma_semaphore, #tpu.memory_space<semaphore_mem>>) {add = true}
      %mul3A_857 = arith.constant 4 : i32
      %mul3A_858 = arith.muli %mul3A_857, %scan3A_614 : i32
      %add3A_859 = arith.constant 2 : i32
      %add3A_860 = arith.addi %add3A_859, %mul3A_858 : i32
      %add3A_861 = arith.constant 3 : i32
      %add3A_862 = arith.addi %add3A_860, %add3A_861 : i32
      %sub3A_863 = arith.constant 2 : i32
      %sub3A_864 = arith.subi %add3A_862, %sub3A_863 : i32
      %dma_wait3A_865 = arith.constant 0 : i32
      %dma_wait3A_866 = arith.constant 0 : i32
      %dma_wait3A_867 = tpu.memref_slice %arg22[%dma_wait3A_865, %dma_wait3A_866] : memref<10240x128xf32, #tpu.memory_space<vmem_shared>> -> memref<10240x128xf32, #tpu.memory_space<vmem_shared>>
      tpu.wait_indirect_dma semaphore(%arg34 : memref<!tpu.dma_semaphore, #tpu.memory_space<semaphore_mem>>) src(%arg21 : memref<80x128xf32, #tpu.memory_space<vmem>>) dst(%dma_wait3A_867 : memref<10240x128xf32, #tpu.memory_space<vmem_shared>>)
      %add3A_868 = arith.constant 2 : i32
      %add3A_869 = arith.addi %add3A_862, %add3A_868 : i32
      %mul3A_870 = arith.constant 80 : i32
      %mul3A_871 = arith.muli %add3A_869, %mul3A_870 : i32
      %add3A_872 = arith.addi %mul3A_2, %mul3A_871 : i32
      %dma_wait3A_873 = tpu.memref_slice %arg3[%add3A_872] : memref<320000xi32, #tpu.memory_space<hbm>> -> memref<80xi32, #tpu.memory_space<hbm>>
      %dma_wait3A_874 = tpu.memref_slice %arg3[%add3A_872] : memref<320000xi32, #tpu.memory_space<hbm>> -> memref<80xi32, #tpu.memory_space<hbm>>
      tpu.wait_dma2 semaphore(%arg26 : memref<!tpu.dma_semaphore, #tpu.memory_space<semaphore_mem>>) src(%dma_wait3A_874 : memref<80xi32, #tpu.memory_space<hbm>>) dst(%arg9 : memref<80xi32, #tpu.memory_space<vmem>>)
      %mul3A_875 = arith.constant 80 : i32
      %mul3A_876 = arith.muli %add3A_869, %mul3A_875 : i32
      %add3A_877 = arith.addi %mul3A_2, %mul3A_876 : i32
      %dma_wait3A_878 = tpu.memref_slice %arg4[%add3A_877] : memref<320000xi32, #tpu.memory_space<hbm>> -> memref<80xi32, #tpu.memory_space<hbm>>
      %dma_wait3A_879 = tpu.memref_slice %arg4[%add3A_877] : memref<320000xi32, #tpu.memory_space<hbm>> -> memref<80xi32, #tpu.memory_space<hbm>>
      tpu.wait_dma2 semaphore(%arg26 : memref<!tpu.dma_semaphore, #tpu.memory_space<semaphore_mem>>) src(%dma_wait3A_879 : memref<80xi32, #tpu.memory_space<hbm>>) dst(%arg13 : memref<80xi32, #tpu.memory_space<vmem>>)
      %add3A_880 = arith.constant 2 : i32
      %add3A_881 = arith.addi %add3A_862, %add3A_880 : i32
      %dma_start3A_882 = arith.constant 0 : i32
      %dma_start3A_883 = arith.constant 0 : i32
      %dma_start3A_884 = tpu.memref_slice %arg2[%dma_start3A_882, %dma_start3A_883] : memref<10000x128xf32, #tpu.memory_space<hbm>> -> memref<10000x128xf32, #tpu.memory_space<hbm>>
      tpu.enqueue_indirect_dma source(%dma_start3A_884 : memref<10000x128xf32, #tpu.memory_space<hbm>>) target(%arg21 : memref<80x128xf32, #tpu.memory_space<vmem>>) offsets(%arg9 : memref<80xi32, #tpu.memory_space<vmem>>) semaphore(%arg30 : memref<!tpu.dma_semaphore, #tpu.memory_space<semaphore_mem>>)
      %dma_wait3A_885 = arith.constant 0 : i32
      %dma_wait3A_886 = arith.constant 0 : i32
      %dma_wait3A_887 = tpu.memref_slice %arg2[%dma_wait3A_885, %dma_wait3A_886] : memref<10000x128xf32, #tpu.memory_space<hbm>> -> memref<10000x128xf32, #tpu.memory_space<hbm>>
      tpu.wait_indirect_dma semaphore(%arg28 : memref<!tpu.dma_semaphore, #tpu.memory_space<semaphore_mem>>) src(%dma_wait3A_887 : memref<10000x128xf32, #tpu.memory_space<hbm>>) dst(%arg19 : memref<80x128xf32, #tpu.memory_space<vmem>>)
      %get3A_888 = arith.constant 0 : index
      %get3A_889 = tpu.vector_load %arg11[%get3A_888] {strides = array<i32>} : memref<80xi32, #tpu.memory_space<vmem>>, vector<16xi32>,
      %get3A_890 = vector.shape_cast %get3A_889 : vector<16xi32> to vector<16xi32>
      %swap3A_891 = arith.constant 0 : index
      %swap3A_892 = tpu.vector_load %arg15[%swap3A_891] {strides = array<i32>} : memref<80xi32, #tpu.memory_space<vmem>>, vector<16xi32>,
      %swap3A_893 = vector.shape_cast %swap3A_892 : vector<16xi32> to vector<16xi32>
      %swap3A_894 = vector.shape_cast %get3A_890 : vector<16xi32> to vector<16xi32>
      tpu.vector_store %arg15[%swap3A_891], %swap3A_894 {strides = array<i32>} : memref<80xi32, #tpu.memory_space<vmem>>, vector<16xi32>,
      %get3A_895 = arith.constant 16 : index
      %get3A_896 = tpu.vector_load %arg11[%get3A_895] {strides = array<i32>} : memref<80xi32, #tpu.memory_space<vmem>>, vector<16xi32>,
      %get3A_897 = vector.shape_cast %get3A_896 : vector<16xi32> to vector<16xi32>
      %swap3A_898 = arith.constant 16 : index
      %swap3A_899 = tpu.vector_load %arg15[%swap3A_898] {strides = array<i32>} : memref<80xi32, #tpu.memory_space<vmem>>, vector<16xi32>,
      %swap3A_900 = vector.shape_cast %swap3A_899 : vector<16xi32> to vector<16xi32>
      %swap3A_901 = vector.shape_cast %get3A_897 : vector<16xi32> to vector<16xi32>
      tpu.vector_store %arg15[%swap3A_898], %swap3A_901 {strides = array<i32>} : memref<80xi32, #tpu.memory_space<vmem>>, vector<16xi32>,
      %get3A_902 = arith.constant 32 : index
      %get3A_903 = tpu.vector_load %arg11[%get3A_902] {strides = array<i32>} : memref<80xi32, #tpu.memory_space<vmem>>, vector<16xi32>,
      %get3A_904 = vector.shape_cast %get3A_903 : vector<16xi32> to vector<16xi32>
      %swap3A_905 = arith.constant 32 : index
      %swap3A_906 = tpu.vector_load %arg15[%swap3A_905] {strides = array<i32>} : memref<80xi32, #tpu.memory_space<vmem>>, vector<16xi32>,
      %swap3A_907 = vector.shape_cast %swap3A_906 : vector<16xi32> to vector<16xi32>
      %swap3A_908 = vector.shape_cast %get3A_904 : vector<16xi32> to vector<16xi32>
      tpu.vector_store %arg15[%swap3A_905], %swap3A_908 {strides = array<i32>} : memref<80xi32, #tpu.memory_space<vmem>>, vector<16xi32>,
      %get3A_909 = arith.constant 48 : index
      %get3A_910 = tpu.vector_load %arg11[%get3A_909] {strides = array<i32>} : memref<80xi32, #tpu.memory_space<vmem>>, vector<16xi32>,
      %get3A_911 = vector.shape_cast %get3A_910 : vector<16xi32> to vector<16xi32>
      %swap3A_912 = arith.constant 48 : index
      %swap3A_913 = tpu.vector_load %arg15[%swap3A_912] {strides = array<i32>} : memref<80xi32, #tpu.memory_space<vmem>>, vector<16xi32>,
      %swap3A_914 = vector.shape_cast %swap3A_913 : vector<16xi32> to vector<16xi32>
      %swap3A_915 = vector.shape_cast %get3A_911 : vector<16xi32> to vector<16xi32>
      tpu.vector_store %arg15[%swap3A_912], %swap3A_915 {strides = array<i32>} : memref<80xi32, #tpu.memory_space<vmem>>, vector<16xi32>,
      %get3A_916 = arith.constant 64 : index
      %get3A_917 = tpu.vector_load %arg11[%get3A_916] {strides = array<i32>} : memref<80xi32, #tpu.memory_space<vmem>>, vector<16xi32>,
      %get3A_918 = vector.shape_cast %get3A_917 : vector<16xi32> to vector<16xi32>
      %swap3A_919 = arith.constant 64 : index
      %swap3A_920 = tpu.vector_load %arg15[%swap3A_919] {strides = array<i32>} : memref<80xi32, #tpu.memory_space<vmem>>, vector<16xi32>,
      %swap3A_921 = vector.shape_cast %swap3A_920 : vector<16xi32> to vector<16xi32>
      %swap3A_922 = vector.shape_cast %get3A_918 : vector<16xi32> to vector<16xi32>
      tpu.vector_store %arg15[%swap3A_919], %swap3A_922 {strides = array<i32>} : memref<80xi32, #tpu.memory_space<vmem>>, vector<16xi32>,
      %add3A_923 = arith.constant 4 : i32
      %add3A_924 = arith.addi %add3A_862, %add3A_923 : i32
      %mul3A_925 = arith.constant 80 : i32
      %mul3A_926 = arith.muli %add3A_924, %mul3A_925 : i32
      %add3A_927 = arith.addi %mul3A_2, %mul3A_926 : i32
      %dma_start3A_928 = tpu.memref_slice %arg3[%add3A_927] : memref<320000xi32, #tpu.memory_space<hbm>> -> memref<80xi32, #tpu.memory_space<hbm>>
      %dma_start3A_929 = tpu.memref_slice %arg3[%add3A_927] : memref<320000xi32, #tpu.memory_space<hbm>> -> memref<80xi32, #tpu.memory_space<hbm>>
      tpu.enqueue_dma source(%dma_start3A_929 : memref<80xi32, #tpu.memory_space<hbm>>) target(%arg7 : memref<80xi32, #tpu.memory_space<vmem>>) target_semaphore(%arg24 : memref<!tpu.dma_semaphore, #tpu.memory_space<semaphore_mem>>)
      %mul3A_930 = arith.constant 80 : i32
      %mul3A_931 = arith.muli %add3A_924, %mul3A_930 : i32
      %add3A_932 = arith.addi %mul3A_2, %mul3A_931 : i32
      %dma_start3A_933 = tpu.memref_slice %arg4[%add3A_932] : memref<320000xi32, #tpu.memory_space<hbm>> -> memref<80xi32, #tpu.memory_space<hbm>>
      %dma_start3A_934 = tpu.memref_slice %arg4[%add3A_932] : memref<320000xi32, #tpu.memory_space<hbm>> -> memref<80xi32, #tpu.memory_space<hbm>>
      tpu.enqueue_dma source(%dma_start3A_934 : memref<80xi32, #tpu.memory_space<hbm>>) target(%arg11 : memref<80xi32, #tpu.memory_space<vmem>>) target_semaphore(%arg24 : memref<!tpu.dma_semaphore, #tpu.memory_space<semaphore_mem>>)
      %dma_start3A_935 = arith.constant 0 : i32
      %dma_start3A_936 = arith.constant 0 : i32
      %dma_start3A_937 = tpu.memref_slice %arg22[%dma_start3A_935, %dma_start3A_936] : memref<10240x128xf32, #tpu.memory_space<vmem_shared>> -> memref<10240x128xf32, #tpu.memory_space<vmem_shared>>
      tpu.enqueue_indirect_dma source(%arg19 : memref<80x128xf32, #tpu.memory_space<vmem>>) target(%dma_start3A_937 : memref<10240x128xf32, #tpu.memory_space<vmem_shared>>) offsets(%arg15 : memref<80xi32, #tpu.memory_space<vmem>>) semaphore(%arg32 : memref<!tpu.dma_semaphore, #tpu.memory_space<semaphore_mem>>) {add = true}
    }
    %scan3A_215 = arith.constant 29 : i32
    %dma_wait3A_216 = arith.constant 0 : i32
    %dma_wait3A_217 = arith.constant 0 : i32
    %dma_wait3A_218 = tpu.memref_slice %arg22[%dma_wait3A_216, %dma_wait3A_217] : memref<10240x128xf32, #tpu.memory_space<vmem_shared>> -> memref<10240x128xf32, #tpu.memory_space<vmem_shared>>
    tpu.wait_indirect_dma semaphore(%arg31 : memref<!tpu.dma_semaphore, #tpu.memory_space<semaphore_mem>>) src(%arg18 : memref<80x128xf32, #tpu.memory_space<vmem>>) dst(%dma_wait3A_218 : memref<10240x128xf32, #tpu.memory_space<vmem_shared>>)
    %add3A_219 = arith.constant 9600 : i32
    %add3A_220 = arith.addi %mul3A_2, %add3A_219 : i32
    %dma_wait3A_221 = tpu.memref_slice %arg3[%add3A_220] : memref<320000xi32, #tpu.memory_space<hbm>> -> memref<80xi32, #tpu.memory_space<hbm>>
    %dma_wait3A_222 = tpu.memref_slice %arg3[%add3A_220] : memref<320000xi32, #tpu.memory_space<hbm>> -> memref<80xi32, #tpu.memory_space<hbm>>
    tpu.wait_dma2 semaphore(%arg23 : memref<!tpu.dma_semaphore, #tpu.memory_space<semaphore_mem>>) src(%dma_wait3A_222 : memref<80xi32, #tpu.memory_space<hbm>>) dst(%arg6 : memref<80xi32, #tpu.memory_space<vmem>>)
    %add3A_223 = arith.constant 9600 : i32
    %add3A_224 = arith.addi %mul3A_2, %add3A_223 : i32
    %dma_wait3A_225 = tpu.memref_slice %arg4[%add3A_224] : memref<320000xi32, #tpu.memory_space<hbm>> -> memref<80xi32, #tpu.memory_space<hbm>>
    %dma_wait3A_226 = tpu.memref_slice %arg4[%add3A_224] : memref<320000xi32, #tpu.memory_space<hbm>> -> memref<80xi32, #tpu.memory_space<hbm>>
    tpu.wait_dma2 semaphore(%arg23 : memref<!tpu.dma_semaphore, #tpu.memory_space<semaphore_mem>>) src(%dma_wait3A_226 : memref<80xi32, #tpu.memory_space<hbm>>) dst(%arg10 : memref<80xi32, #tpu.memory_space<vmem>>)
    %dma_start3A_227 = arith.constant 0 : i32
    %dma_start3A_228 = arith.constant 0 : i32
    %dma_start3A_229 = tpu.memref_slice %arg2[%dma_start3A_227, %dma_start3A_228] : memref<10000x128xf32, #tpu.memory_space<hbm>> -> memref<10000x128xf32, #tpu.memory_space<hbm>>
    tpu.enqueue_indirect_dma source(%dma_start3A_229 : memref<10000x128xf32, #tpu.memory_space<hbm>>) target(%arg18 : memref<80x128xf32, #tpu.memory_space<vmem>>) offsets(%arg6 : memref<80xi32, #tpu.memory_space<vmem>>) semaphore(%arg27 : memref<!tpu.dma_semaphore, #tpu.memory_space<semaphore_mem>>)
    %dma_wait3A_230 = arith.constant 0 : i32
    %dma_wait3A_231 = arith.constant 0 : i32
    %dma_wait3A_232 = tpu.memref_slice %arg2[%dma_wait3A_230, %dma_wait3A_231] : memref<10000x128xf32, #tpu.memory_space<hbm>> -> memref<10000x128xf32, #tpu.memory_space<hbm>>
    tpu.wait_indirect_dma semaphore(%arg29 : memref<!tpu.dma_semaphore, #tpu.memory_space<semaphore_mem>>) src(%dma_wait3A_232 : memref<10000x128xf32, #tpu.memory_space<hbm>>) dst(%arg20 : memref<80x128xf32, #tpu.memory_space<vmem>>)
    %get3A_233 = arith.constant 0 : index
    %get3A_234 = tpu.vector_load %arg12[%get3A_233] {strides = array<i32>} : memref<80xi32, #tpu.memory_space<vmem>>, vector<16xi32>,
    %get3A_235 = vector.shape_cast %get3A_234 : vector<16xi32> to vector<16xi32>
    %swap3A_236 = arith.constant 0 : index
    %swap3A_237 = tpu.vector_load %arg16[%swap3A_236] {strides = array<i32>} : memref<80xi32, #tpu.memory_space<vmem>>, vector<16xi32>,
    %swap3A_238 = vector.shape_cast %swap3A_237 : vector<16xi32> to vector<16xi32>
    %swap3A_239 = vector.shape_cast %get3A_235 : vector<16xi32> to vector<16xi32>
    tpu.vector_store %arg16[%swap3A_236], %swap3A_239 {strides = array<i32>} : memref<80xi32, #tpu.memory_space<vmem>>, vector<16xi32>,
    %get3A_240 = arith.constant 16 : index
    %get3A_241 = tpu.vector_load %arg12[%get3A_240] {strides = array<i32>} : memref<80xi32, #tpu.memory_space<vmem>>, vector<16xi32>,
    %get3A_242 = vector.shape_cast %get3A_241 : vector<16xi32> to vector<16xi32>
    %swap3A_243 = arith.constant 16 : index
    %swap3A_244 = tpu.vector_load %arg16[%swap3A_243] {strides = array<i32>} : memref<80xi32, #tpu.memory_space<vmem>>, vector<16xi32>,
    %swap3A_245 = vector.shape_cast %swap3A_244 : vector<16xi32> to vector<16xi32>
    %swap3A_246 = vector.shape_cast %get3A_242 : vector<16xi32> to vector<16xi32>
    tpu.vector_store %arg16[%swap3A_243], %swap3A_246 {strides = array<i32>} : memref<80xi32, #tpu.memory_space<vmem>>, vector<16xi32>,
    %get3A_247 = arith.constant 32 : index
    %get3A_248 = tpu.vector_load %arg12[%get3A_247] {strides = array<i32>} : memref<80xi32, #tpu.memory_space<vmem>>, vector<16xi32>,
    %get3A_249 = vector.shape_cast %get3A_248 : vector<16xi32> to vector<16xi32>
    %swap3A_250 = arith.constant 32 : index
    %swap3A_251 = tpu.vector_load %arg16[%swap3A_250] {strides = array<i32>} : memref<80xi32, #tpu.memory_space<vmem>>, vector<16xi32>,
    %swap3A_252 = vector.shape_cast %swap3A_251 : vector<16xi32> to vector<16xi32>
    %swap3A_253 = vector.shape_cast %get3A_249 : vector<16xi32> to vector<16xi32>
    tpu.vector_store %arg16[%swap3A_250], %swap3A_253 {strides = array<i32>} : memref<80xi32, #tpu.memory_space<vmem>>, vector<16xi32>,
    %get3A_254 = arith.constant 48 : index
    %get3A_255 = tpu.vector_load %arg12[%get3A_254] {strides = array<i32>} : memref<80xi32, #tpu.memory_space<vmem>>, vector<16xi32>,
    %get3A_256 = vector.shape_cast %get3A_255 : vector<16xi32> to vector<16xi32>
    %swap3A_257 = arith.constant 48 : index
    %swap3A_258 = tpu.vector_load %arg16[%swap3A_257] {strides = array<i32>} : memref<80xi32, #tpu.memory_space<vmem>>, vector<16xi32>,
    %swap3A_259 = vector.shape_cast %swap3A_258 : vector<16xi32> to vector<16xi32>
    %swap3A_260 = vector.shape_cast %get3A_256 : vector<16xi32> to vector<16xi32>
    tpu.vector_store %arg16[%swap3A_257], %swap3A_260 {strides = array<i32>} : memref<80xi32, #tpu.memory_space<vmem>>, vector<16xi32>,
    %get3A_261 = arith.constant 64 : index
    %get3A_262 = tpu.vector_load %arg12[%get3A_261] {strides = array<i32>} : memref<80xi32, #tpu.memory_space<vmem>>, vector<16xi32>,
    %get3A_263 = vector.shape_cast %get3A_262 : vector<16xi32> to vector<16xi32>
    %swap3A_264 = arith.constant 64 : index
    %swap3A_265 = tpu.vector_load %arg16[%swap3A_264] {strides = array<i32>} : memref<80xi32, #tpu.memory_space<vmem>>, vector<16xi32>,
    %swap3A_266 = vector.shape_cast %swap3A_265 : vector<16xi32> to vector<16xi32>
    %swap3A_267 = vector.shape_cast %get3A_263 : vector<16xi32> to vector<16xi32>
    tpu.vector_store %arg16[%swap3A_264], %swap3A_267 {strides = array<i32>} : memref<80xi32, #tpu.memory_space<vmem>>, vector<16xi32>,
    %add3A_268 = arith.constant 9760 : i32
    %add3A_269 = arith.addi %mul3A_2, %add3A_268 : i32
    %dma_start3A_270 = tpu.memref_slice %arg3[%add3A_269] : memref<320000xi32, #tpu.memory_space<hbm>> -> memref<80xi32, #tpu.memory_space<hbm>>
    %dma_start3A_271 = tpu.memref_slice %arg3[%add3A_269] : memref<320000xi32, #tpu.memory_space<hbm>> -> memref<80xi32, #tpu.memory_space<hbm>>
    tpu.enqueue_dma source(%dma_start3A_271 : memref<80xi32, #tpu.memory_space<hbm>>) target(%arg8 : memref<80xi32, #tpu.memory_space<vmem>>) target_semaphore(%arg25 : memref<!tpu.dma_semaphore, #tpu.memory_space<semaphore_mem>>)
    %add3A_272 = arith.constant 9760 : i32
    %add3A_273 = arith.addi %mul3A_2, %add3A_272 : i32
    %dma_start3A_274 = tpu.memref_slice %arg4[%add3A_273] : memref<320000xi32, #tpu.memory_space<hbm>> -> memref<80xi32, #tpu.memory_space<hbm>>
    %dma_start3A_275 = tpu.memref_slice %arg4[%add3A_273] : memref<320000xi32, #tpu.memory_space<hbm>> -> memref<80xi32, #tpu.memory_space<hbm>>
    tpu.enqueue_dma source(%dma_start3A_275 : memref<80xi32, #tpu.memory_space<hbm>>) target(%arg12 : memref<80xi32, #tpu.memory_space<vmem>>) target_semaphore(%arg25 : memref<!tpu.dma_semaphore, #tpu.memory_space<semaphore_mem>>)
    %dma_start3A_276 = arith.constant 0 : i32
    %dma_start3A_277 = arith.constant 0 : i32
    %dma_start3A_278 = tpu.memref_slice %arg22[%dma_start3A_276, %dma_start3A_277] : memref<10240x128xf32, #tpu.memory_space<vmem_shared>> -> memref<10240x128xf32, #tpu.memory_space<vmem_shared>>
    tpu.enqueue_indirect_dma source(%arg20 : memref<80x128xf32, #tpu.memory_space<vmem>>) target(%dma_start3A_278 : memref<10240x128xf32, #tpu.memory_space<vmem_shared>>) offsets(%arg16 : memref<80xi32, #tpu.memory_space<vmem>>) semaphore(%arg33 : memref<!tpu.dma_semaphore, #tpu.memory_space<semaphore_mem>>) {add = true}
    %dma_wait3A_279 = arith.constant 0 : i32
    %dma_wait3A_280 = arith.constant 0 : i32
    %dma_wait3A_281 = tpu.memref_slice %arg22[%dma_wait3A_279, %dma_wait3A_280] : memref<10240x128xf32, #tpu.memory_space<vmem_shared>> -> memref<10240x128xf32, #tpu.memory_space<vmem_shared>>
    tpu.wait_indirect_dma semaphore(%arg32 : memref<!tpu.dma_semaphore, #tpu.memory_space<semaphore_mem>>) src(%arg19 : memref<80x128xf32, #tpu.memory_space<vmem>>) dst(%dma_wait3A_281 : memref<10240x128xf32, #tpu.memory_space<vmem_shared>>)
    %add3A_282 = arith.constant 9680 : i32
    %add3A_283 = arith.addi %mul3A_2, %add3A_282 : i32
    %dma_wait3A_284 = tpu.memref_slice %arg3[%add3A_283] : memref<320000xi32, #tpu.memory_space<hbm>> -> memref<80xi32, #tpu.memory_space<hbm>>
    %dma_wait3A_285 = tpu.memref_slice %arg3[%add3A_283] : memref<320000xi32, #tpu.memory_space<hbm>> -> memref<80xi32, #tpu.memory_space<hbm>>
    tpu.wait_dma2 semaphore(%arg24 : memref<!tpu.dma_semaphore, #tpu.memory_space<semaphore_mem>>) src(%dma_wait3A_285 : memref<80xi32, #tpu.memory_space<hbm>>) dst(%arg7 : memref<80xi32, #tpu.memory_space<vmem>>)
    %add3A_286 = arith.constant 9680 : i32
    %add3A_287 = arith.addi %mul3A_2, %add3A_286 : i32
    %dma_wait3A_288 = tpu.memref_slice %arg4[%add3A_287] : memref<320000xi32, #tpu.memory_space<hbm>> -> memref<80xi32, #tpu.memory_space<hbm>>
    %dma_wait3A_289 = tpu.memref_slice %arg4[%add3A_287] : memref<320000xi32, #tpu.memory_space<hbm>> -> memref<80xi32, #tpu.memory_space<hbm>>
    tpu.wait_dma2 semaphore(%arg24 : memref<!tpu.dma_semaphore, #tpu.memory_space<semaphore_mem>>) src(%dma_wait3A_289 : memref<80xi32, #tpu.memory_space<hbm>>) dst(%arg11 : memref<80xi32, #tpu.memory_space<vmem>>)
    %dma_start3A_290 = arith.constant 0 : i32
    %dma_start3A_291 = arith.constant 0 : i32
    %dma_start3A_292 = tpu.memref_slice %arg2[%dma_start3A_290, %dma_start3A_291] : memref<10000x128xf32, #tpu.memory_space<hbm>> -> memref<10000x128xf32, #tpu.memory_space<hbm>>
    tpu.enqueue_indirect_dma source(%dma_start3A_292 : memref<10000x128xf32, #tpu.memory_space<hbm>>) target(%arg19 : memref<80x128xf32, #tpu.memory_space<vmem>>) offsets(%arg7 : memref<80xi32, #tpu.memory_space<vmem>>) semaphore(%arg28 : memref<!tpu.dma_semaphore, #tpu.memory_space<semaphore_mem>>)
    %dma_wait3A_293 = arith.constant 0 : i32
    %dma_wait3A_294 = arith.constant 0 : i32
    %dma_wait3A_295 = tpu.memref_slice %arg2[%dma_wait3A_293, %dma_wait3A_294] : memref<10000x128xf32, #tpu.memory_space<hbm>> -> memref<10000x128xf32, #tpu.memory_space<hbm>>
    tpu.wait_indirect_dma semaphore(%arg30 : memref<!tpu.dma_semaphore, #tpu.memory_space<semaphore_mem>>) src(%dma_wait3A_295 : memref<10000x128xf32, #tpu.memory_space<hbm>>) dst(%arg21 : memref<80x128xf32, #tpu.memory_space<vmem>>)
    %get3A_296 = arith.constant 0 : index
    %get3A_297 = tpu.vector_load %arg13[%get3A_296] {strides = array<i32>} : memref<80xi32, #tpu.memory_space<vmem>>, vector<16xi32>,
    %get3A_298 = vector.shape_cast %get3A_297 : vector<16xi32> to vector<16xi32>
    %swap3A_299 = arith.constant 0 : index
    %swap3A_300 = tpu.vector_load %arg17[%swap3A_299] {strides = array<i32>} : memref<80xi32, #tpu.memory_space<vmem>>, vector<16xi32>,
    %swap3A_301 = vector.shape_cast %swap3A_300 : vector<16xi32> to vector<16xi32>
    %swap3A_302 = vector.shape_cast %get3A_298 : vector<16xi32> to vector<16xi32>
    tpu.vector_store %arg17[%swap3A_299], %swap3A_302 {strides = array<i32>} : memref<80xi32, #tpu.memory_space<vmem>>, vector<16xi32>,
    %get3A_303 = arith.constant 16 : index
    %get3A_304 = tpu.vector_load %arg13[%get3A_303] {strides = array<i32>} : memref<80xi32, #tpu.memory_space<vmem>>, vector<16xi32>,
    %get3A_305 = vector.shape_cast %get3A_304 : vector<16xi32> to vector<16xi32>
    %swap3A_306 = arith.constant 16 : index
    %swap3A_307 = tpu.vector_load %arg17[%swap3A_306] {strides = array<i32>} : memref<80xi32, #tpu.memory_space<vmem>>, vector<16xi32>,
    %swap3A_308 = vector.shape_cast %swap3A_307 : vector<16xi32> to vector<16xi32>
    %swap3A_309 = vector.shape_cast %get3A_305 : vector<16xi32> to vector<16xi32>
    tpu.vector_store %arg17[%swap3A_306], %swap3A_309 {strides = array<i32>} : memref<80xi32, #tpu.memory_space<vmem>>, vector<16xi32>,
    %get3A_310 = arith.constant 32 : index
    %get3A_311 = tpu.vector_load %arg13[%get3A_310] {strides = array<i32>} : memref<80xi32, #tpu.memory_space<vmem>>, vector<16xi32>,
    %get3A_312 = vector.shape_cast %get3A_311 : vector<16xi32> to vector<16xi32>
    %swap3A_313 = arith.constant 32 : index
    %swap3A_314 = tpu.vector_load %arg17[%swap3A_313] {strides = array<i32>} : memref<80xi32, #tpu.memory_space<vmem>>, vector<16xi32>,
    %swap3A_315 = vector.shape_cast %swap3A_314 : vector<16xi32> to vector<16xi32>
    %swap3A_316 = vector.shape_cast %get3A_312 : vector<16xi32> to vector<16xi32>
    tpu.vector_store %arg17[%swap3A_313], %swap3A_316 {strides = array<i32>} : memref<80xi32, #tpu.memory_space<vmem>>, vector<16xi32>,
    %get3A_317 = arith.constant 48 : index
    %get3A_318 = tpu.vector_load %arg13[%get3A_317] {strides = array<i32>} : memref<80xi32, #tpu.memory_space<vmem>>, vector<16xi32>,
    %get3A_319 = vector.shape_cast %get3A_318 : vector<16xi32> to vector<16xi32>
    %swap3A_320 = arith.constant 48 : index
    %swap3A_321 = tpu.vector_load %arg17[%swap3A_320] {strides = array<i32>} : memref<80xi32, #tpu.memory_space<vmem>>, vector<16xi32>,
    %swap3A_322 = vector.shape_cast %swap3A_321 : vector<16xi32> to vector<16xi32>
    %swap3A_323 = vector.shape_cast %get3A_319 : vector<16xi32> to vector<16xi32>
    tpu.vector_store %arg17[%swap3A_320], %swap3A_323 {strides = array<i32>} : memref<80xi32, #tpu.memory_space<vmem>>, vector<16xi32>,
    %get3A_324 = arith.constant 64 : index
    %get3A_325 = tpu.vector_load %arg13[%get3A_324] {strides = array<i32>} : memref<80xi32, #tpu.memory_space<vmem>>, vector<16xi32>,
    %get3A_326 = vector.shape_cast %get3A_325 : vector<16xi32> to vector<16xi32>
    %swap3A_327 = arith.constant 64 : index
    %swap3A_328 = tpu.vector_load %arg17[%swap3A_327] {strides = array<i32>} : memref<80xi32, #tpu.memory_space<vmem>>, vector<16xi32>,
    %swap3A_329 = vector.shape_cast %swap3A_328 : vector<16xi32> to vector<16xi32>
    %swap3A_330 = vector.shape_cast %get3A_326 : vector<16xi32> to vector<16xi32>
    tpu.vector_store %arg17[%swap3A_327], %swap3A_330 {strides = array<i32>} : memref<80xi32, #tpu.memory_space<vmem>>, vector<16xi32>,
    %add3A_331 = arith.constant 9840 : i32
    %add3A_332 = arith.addi %mul3A_2, %add3A_331 : i32
    %dma_start3A_333 = tpu.memref_slice %arg3[%add3A_332] : memref<320000xi32, #tpu.memory_space<hbm>> -> memref<80xi32, #tpu.memory_space<hbm>>
    %dma_start3A_334 = tpu.memref_slice %arg3[%add3A_332] : memref<320000xi32, #tpu.memory_space<hbm>> -> memref<80xi32, #tpu.memory_space<hbm>>
    tpu.enqueue_dma source(%dma_start3A_334 : memref<80xi32, #tpu.memory_space<hbm>>) target(%arg9 : memref<80xi32, #tpu.memory_space<vmem>>) target_semaphore(%arg26 : memref<!tpu.dma_semaphore, #tpu.memory_space<semaphore_mem>>)
    %add3A_335 = arith.constant 9840 : i32
    %add3A_336 = arith.addi %mul3A_2, %add3A_335 : i32
    %dma_start3A_337 = tpu.memref_slice %arg4[%add3A_336] : memref<320000xi32, #tpu.memory_space<hbm>> -> memref<80xi32, #tpu.memory_space<hbm>>
    %dma_start3A_338 = tpu.memref_slice %arg4[%add3A_336] : memref<320000xi32, #tpu.memory_space<hbm>> -> memref<80xi32, #tpu.memory_space<hbm>>
    tpu.enqueue_dma source(%dma_start3A_338 : memref<80xi32, #tpu.memory_space<hbm>>) target(%arg13 : memref<80xi32, #tpu.memory_space<vmem>>) target_semaphore(%arg26 : memref<!tpu.dma_semaphore, #tpu.memory_space<semaphore_mem>>)
    %dma_start3A_339 = arith.constant 0 : i32
    %dma_start3A_340 = arith.constant 0 : i32
    %dma_start3A_341 = tpu.memref_slice %arg22[%dma_start3A_339, %dma_start3A_340] : memref<10240x128xf32, #tpu.memory_space<vmem_shared>> -> memref<10240x128xf32, #tpu.memory_space<vmem_shared>>
    tpu.enqueue_indirect_dma source(%arg21 : memref<80x128xf32, #tpu.memory_space<vmem>>) target(%dma_start3A_341 : memref<10240x128xf32, #tpu.memory_space<vmem_shared>>) offsets(%arg17 : memref<80xi32, #tpu.memory_space<vmem>>) semaphore(%arg34 : memref<!tpu.dma_semaphore, #tpu.memory_space<semaphore_mem>>) {add = true}
    %dma_wait3A_342 = arith.constant 0 : i32
    %dma_wait3A_343 = arith.constant 0 : i32
    %dma_wait3A_344 = tpu.memref_slice %arg22[%dma_wait3A_342, %dma_wait3A_343] : memref<10240x128xf32, #tpu.memory_space<vmem_shared>> -> memref<10240x128xf32, #tpu.memory_space<vmem_shared>>
    tpu.wait_indirect_dma semaphore(%arg33 : memref<!tpu.dma_semaphore, #tpu.memory_space<semaphore_mem>>) src(%arg20 : memref<80x128xf32, #tpu.memory_space<vmem>>) dst(%dma_wait3A_344 : memref<10240x128xf32, #tpu.memory_space<vmem_shared>>)
    %add3A_345 = arith.constant 9760 : i32
    %add3A_346 = arith.addi %mul3A_2, %add3A_345 : i32
    %dma_wait3A_347 = tpu.memref_slice %arg3[%add3A_346] : memref<320000xi32, #tpu.memory_space<hbm>> -> memref<80xi32, #tpu.memory_space<hbm>>
    %dma_wait3A_348 = tpu.memref_slice %arg3[%add3A_346] : memref<320000xi32, #tpu.memory_space<hbm>> -> memref<80xi32, #tpu.memory_space<hbm>>
    tpu.wait_dma2 semaphore(%arg25 : memref<!tpu.dma_semaphore, #tpu.memory_space<semaphore_mem>>) src(%dma_wait3A_348 : memref<80xi32, #tpu.memory_space<hbm>>) dst(%arg8 : memref<80xi32, #tpu.memory_space<vmem>>)
    %add3A_349 = arith.constant 9760 : i32
    %add3A_350 = arith.addi %mul3A_2, %add3A_349 : i32
    %dma_wait3A_351 = tpu.memref_slice %arg4[%add3A_350] : memref<320000xi32, #tpu.memory_space<hbm>> -> memref<80xi32, #tpu.memory_space<hbm>>
    %dma_wait3A_352 = tpu.memref_slice %arg4[%add3A_350] : memref<320000xi32, #tpu.memory_space<hbm>> -> memref<80xi32, #tpu.memory_space<hbm>>
    tpu.wait_dma2 semaphore(%arg25 : memref<!tpu.dma_semaphore, #tpu.memory_space<semaphore_mem>>) src(%dma_wait3A_352 : memref<80xi32, #tpu.memory_space<hbm>>) dst(%arg12 : memref<80xi32, #tpu.memory_space<vmem>>)
    %dma_start3A_353 = arith.constant 0 : i32
    %dma_start3A_354 = arith.constant 0 : i32
    %dma_start3A_355 = tpu.memref_slice %arg2[%dma_start3A_353, %dma_start3A_354] : memref<10000x128xf32, #tpu.memory_space<hbm>> -> memref<10000x128xf32, #tpu.memory_space<hbm>>
    tpu.enqueue_indirect_dma source(%dma_start3A_355 : memref<10000x128xf32, #tpu.memory_space<hbm>>) target(%arg20 : memref<80x128xf32, #tpu.memory_space<vmem>>) offsets(%arg8 : memref<80xi32, #tpu.memory_space<vmem>>) semaphore(%arg29 : memref<!tpu.dma_semaphore, #tpu.memory_space<semaphore_mem>>)
    %dma_wait3A_356 = arith.constant 0 : i32
    %dma_wait3A_357 = arith.constant 0 : i32
    %dma_wait3A_358 = tpu.memref_slice %arg2[%dma_wait3A_356, %dma_wait3A_357] : memref<10000x128xf32, #tpu.memory_space<hbm>> -> memref<10000x128xf32, #tpu.memory_space<hbm>>
    tpu.wait_indirect_dma semaphore(%arg27 : memref<!tpu.dma_semaphore, #tpu.memory_space<semaphore_mem>>) src(%dma_wait3A_358 : memref<10000x128xf32, #tpu.memory_space<hbm>>) dst(%arg18 : memref<80x128xf32, #tpu.memory_space<vmem>>)
    %get3A_359 = arith.constant 0 : index
    %get3A_360 = tpu.vector_load %arg10[%get3A_359] {strides = array<i32>} : memref<80xi32, #tpu.memory_space<vmem>>, vector<16xi32>,
    %get3A_361 = vector.shape_cast %get3A_360 : vector<16xi32> to vector<16xi32>
    %swap3A_362 = arith.constant 0 : index
    %swap3A_363 = tpu.vector_load %arg14[%swap3A_362] {strides = array<i32>} : memref<80xi32, #tpu.memory_space<vmem>>, vector<16xi32>,
    %swap3A_364 = vector.shape_cast %swap3A_363 : vector<16xi32> to vector<16xi32>
    %swap3A_365 = vector.shape_cast %get3A_361 : vector<16xi32> to vector<16xi32>
    tpu.vector_store %arg14[%swap3A_362], %swap3A_365 {strides = array<i32>} : memref<80xi32, #tpu.memory_space<vmem>>, vector<16xi32>,
    %get3A_366 = arith.constant 16 : index
    %get3A_367 = tpu.vector_load %arg10[%get3A_366] {strides = array<i32>} : memref<80xi32, #tpu.memory_space<vmem>>, vector<16xi32>,
    %get3A_368 = vector.shape_cast %get3A_367 : vector<16xi32> to vector<16xi32>
    %swap3A_369 = arith.constant 16 : index
    %swap3A_370 = tpu.vector_load %arg14[%swap3A_369] {strides = array<i32>} : memref<80xi32, #tpu.memory_space<vmem>>, vector<16xi32>,
    %swap3A_371 = vector.shape_cast %swap3A_370 : vector<16xi32> to vector<16xi32>
    %swap3A_372 = vector.shape_cast %get3A_368 : vector<16xi32> to vector<16xi32>
    tpu.vector_store %arg14[%swap3A_369], %swap3A_372 {strides = array<i32>} : memref<80xi32, #tpu.memory_space<vmem>>, vector<16xi32>,
    %get3A_373 = arith.constant 32 : index
    %get3A_374 = tpu.vector_load %arg10[%get3A_373] {strides = array<i32>} : memref<80xi32, #tpu.memory_space<vmem>>, vector<16xi32>,
    %get3A_375 = vector.shape_cast %get3A_374 : vector<16xi32> to vector<16xi32>
    %swap3A_376 = arith.constant 32 : index
    %swap3A_377 = tpu.vector_load %arg14[%swap3A_376] {strides = array<i32>} : memref<80xi32, #tpu.memory_space<vmem>>, vector<16xi32>,
    %swap3A_378 = vector.shape_cast %swap3A_377 : vector<16xi32> to vector<16xi32>
    %swap3A_379 = vector.shape_cast %get3A_375 : vector<16xi32> to vector<16xi32>
    tpu.vector_store %arg14[%swap3A_376], %swap3A_379 {strides = array<i32>} : memref<80xi32, #tpu.memory_space<vmem>>, vector<16xi32>,
    %get3A_380 = arith.constant 48 : index
    %get3A_381 = tpu.vector_load %arg10[%get3A_380] {strides = array<i32>} : memref<80xi32, #tpu.memory_space<vmem>>, vector<16xi32>,
    %get3A_382 = vector.shape_cast %get3A_381 : vector<16xi32> to vector<16xi32>
    %swap3A_383 = arith.constant 48 : index
    %swap3A_384 = tpu.vector_load %arg14[%swap3A_383] {strides = array<i32>} : memref<80xi32, #tpu.memory_space<vmem>>, vector<16xi32>,
    %swap3A_385 = vector.shape_cast %swap3A_384 : vector<16xi32> to vector<16xi32>
    %swap3A_386 = vector.shape_cast %get3A_382 : vector<16xi32> to vector<16xi32>
    tpu.vector_store %arg14[%swap3A_383], %swap3A_386 {strides = array<i32>} : memref<80xi32, #tpu.memory_space<vmem>>, vector<16xi32>,
    %get3A_387 = arith.constant 64 : index
    %get3A_388 = tpu.vector_load %arg10[%get3A_387] {strides = array<i32>} : memref<80xi32, #tpu.memory_space<vmem>>, vector<16xi32>,
    %get3A_389 = vector.shape_cast %get3A_388 : vector<16xi32> to vector<16xi32>
    %swap3A_390 = arith.constant 64 : index
    %swap3A_391 = tpu.vector_load %arg14[%swap3A_390] {strides = array<i32>} : memref<80xi32, #tpu.memory_space<vmem>>, vector<16xi32>,
    %swap3A_392 = vector.shape_cast %swap3A_391 : vector<16xi32> to vector<16xi32>
    %swap3A_393 = vector.shape_cast %get3A_389 : vector<16xi32> to vector<16xi32>
    tpu.vector_store %arg14[%swap3A_390], %swap3A_393 {strides = array<i32>} : memref<80xi32, #tpu.memory_space<vmem>>, vector<16xi32>,
    %add3A_394 = arith.constant 9920 : i32
    %add3A_395 = arith.addi %mul3A_2, %add3A_394 : i32
    %dma_start3A_396 = tpu.memref_slice %arg3[%add3A_395] : memref<320000xi32, #tpu.memory_space<hbm>> -> memref<80xi32, #tpu.memory_space<hbm>>
    %dma_start3A_397 = tpu.memref_slice %arg3[%add3A_395] : memref<320000xi32, #tpu.memory_space<hbm>> -> memref<80xi32, #tpu.memory_space<hbm>>
    tpu.enqueue_dma source(%dma_start3A_397 : memref<80xi32, #tpu.memory_space<hbm>>) target(%arg6 : memref<80xi32, #tpu.memory_space<vmem>>) target_semaphore(%arg23 : memref<!tpu.dma_semaphore, #tpu.memory_space<semaphore_mem>>)
    %add3A_398 = arith.constant 9920 : i32
    %add3A_399 = arith.addi %mul3A_2, %add3A_398 : i32
    %dma_start3A_400 = tpu.memref_slice %arg4[%add3A_399] : memref<320000xi32, #tpu.memory_space<hbm>> -> memref<80xi32, #tpu.memory_space<hbm>>
    %dma_start3A_401 = tpu.memref_slice %arg4[%add3A_399] : memref<320000xi32, #tpu.memory_space<hbm>> -> memref<80xi32, #tpu.memory_space<hbm>>
    tpu.enqueue_dma source(%dma_start3A_401 : memref<80xi32, #tpu.memory_space<hbm>>) target(%arg10 : memref<80xi32, #tpu.memory_space<vmem>>) target_semaphore(%arg23 : memref<!tpu.dma_semaphore, #tpu.memory_space<semaphore_mem>>)
    %dma_start3A_402 = arith.constant 0 : i32
    %dma_start3A_403 = arith.constant 0 : i32
    %dma_start3A_404 = tpu.memref_slice %arg22[%dma_start3A_402, %dma_start3A_403] : memref<10240x128xf32, #tpu.memory_space<vmem_shared>> -> memref<10240x128xf32, #tpu.memory_space<vmem_shared>>
    tpu.enqueue_indirect_dma source(%arg18 : memref<80x128xf32, #tpu.memory_space<vmem>>) target(%dma_start3A_404 : memref<10240x128xf32, #tpu.memory_space<vmem_shared>>) offsets(%arg14 : memref<80xi32, #tpu.memory_space<vmem>>) semaphore(%arg31 : memref<!tpu.dma_semaphore, #tpu.memory_space<semaphore_mem>>) {add = true}
    %dma_wait3A_405 = arith.constant 0 : i32
    %dma_wait3A_406 = arith.constant 0 : i32
    %dma_wait3A_407 = tpu.memref_slice %arg22[%dma_wait3A_405, %dma_wait3A_406] : memref<10240x128xf32, #tpu.memory_space<vmem_shared>> -> memref<10240x128xf32, #tpu.memory_space<vmem_shared>>
    tpu.wait_indirect_dma semaphore(%arg34 : memref<!tpu.dma_semaphore, #tpu.memory_space<semaphore_mem>>) src(%arg21 : memref<80x128xf32, #tpu.memory_space<vmem>>) dst(%dma_wait3A_407 : memref<10240x128xf32, #tpu.memory_space<vmem_shared>>)
    %add3A_408 = arith.constant 9840 : i32
    %add3A_409 = arith.addi %mul3A_2, %add3A_408 : i32
    %dma_wait3A_410 = tpu.memref_slice %arg3[%add3A_409] : memref<320000xi32, #tpu.memory_space<hbm>> -> memref<80xi32, #tpu.memory_space<hbm>>
    %dma_wait3A_411 = tpu.memref_slice %arg3[%add3A_409] : memref<320000xi32, #tpu.memory_space<hbm>> -> memref<80xi32, #tpu.memory_space<hbm>>
    tpu.wait_dma2 semaphore(%arg26 : memref<!tpu.dma_semaphore, #tpu.memory_space<semaphore_mem>>) src(%dma_wait3A_411 : memref<80xi32, #tpu.memory_space<hbm>>) dst(%arg9 : memref<80xi32, #tpu.memory_space<vmem>>)
    %add3A_412 = arith.constant 9840 : i32
    %add3A_413 = arith.addi %mul3A_2, %add3A_412 : i32
    %dma_wait3A_414 = tpu.memref_slice %arg4[%add3A_413] : memref<320000xi32, #tpu.memory_space<hbm>> -> memref<80xi32, #tpu.memory_space<hbm>>
    %dma_wait3A_415 = tpu.memref_slice %arg4[%add3A_413] : memref<320000xi32, #tpu.memory_space<hbm>> -> memref<80xi32, #tpu.memory_space<hbm>>
    tpu.wait_dma2 semaphore(%arg26 : memref<!tpu.dma_semaphore, #tpu.memory_space<semaphore_mem>>) src(%dma_wait3A_415 : memref<80xi32, #tpu.memory_space<hbm>>) dst(%arg13 : memref<80xi32, #tpu.memory_space<vmem>>)
    %dma_start3A_416 = arith.constant 0 : i32
    %dma_start3A_417 = arith.constant 0 : i32
    %dma_start3A_418 = tpu.memref_slice %arg2[%dma_start3A_416, %dma_start3A_417] : memref<10000x128xf32, #tpu.memory_space<hbm>> -> memref<10000x128xf32, #tpu.memory_space<hbm>>
    tpu.enqueue_indirect_dma source(%dma_start3A_418 : memref<10000x128xf32, #tpu.memory_space<hbm>>) target(%arg21 : memref<80x128xf32, #tpu.memory_space<vmem>>) offsets(%arg9 : memref<80xi32, #tpu.memory_space<vmem>>) semaphore(%arg30 : memref<!tpu.dma_semaphore, #tpu.memory_space<semaphore_mem>>)
    %dma_wait3A_419 = arith.constant 0 : i32
    %dma_wait3A_420 = arith.constant 0 : i32
    %dma_wait3A_421 = tpu.memref_slice %arg2[%dma_wait3A_419, %dma_wait3A_420] : memref<10000x128xf32, #tpu.memory_space<hbm>> -> memref<10000x128xf32, #tpu.memory_space<hbm>>
    tpu.wait_indirect_dma semaphore(%arg28 : memref<!tpu.dma_semaphore, #tpu.memory_space<semaphore_mem>>) src(%dma_wait3A_421 : memref<10000x128xf32, #tpu.memory_space<hbm>>) dst(%arg19 : memref<80x128xf32, #tpu.memory_space<vmem>>)
    %get3A_422 = arith.constant 0 : index
    %get3A_423 = tpu.vector_load %arg11[%get3A_422] {strides = array<i32>} : memref<80xi32, #tpu.memory_space<vmem>>, vector<16xi32>,
    %get3A_424 = vector.shape_cast %get3A_423 : vector<16xi32> to vector<16xi32>
    %swap3A_425 = arith.constant 0 : index
    %swap3A_426 = tpu.vector_load %arg15[%swap3A_425] {strides = array<i32>} : memref<80xi32, #tpu.memory_space<vmem>>, vector<16xi32>,
    %swap3A_427 = vector.shape_cast %swap3A_426 : vector<16xi32> to vector<16xi32>
    %swap3A_428 = vector.shape_cast %get3A_424 : vector<16xi32> to vector<16xi32>
    tpu.vector_store %arg15[%swap3A_425], %swap3A_428 {strides = array<i32>} : memref<80xi32, #tpu.memory_space<vmem>>, vector<16xi32>,
    %get3A_429 = arith.constant 16 : index
    %get3A_430 = tpu.vector_load %arg11[%get3A_429] {strides = array<i32>} : memref<80xi32, #tpu.memory_space<vmem>>, vector<16xi32>,
    %get3A_431 = vector.shape_cast %get3A_430 : vector<16xi32> to vector<16xi32>
    %swap3A_432 = arith.constant 16 : index
    %swap3A_433 = tpu.vector_load %arg15[%swap3A_432] {strides = array<i32>} : memref<80xi32, #tpu.memory_space<vmem>>, vector<16xi32>,
    %swap3A_434 = vector.shape_cast %swap3A_433 : vector<16xi32> to vector<16xi32>
    %swap3A_435 = vector.shape_cast %get3A_431 : vector<16xi32> to vector<16xi32>
    tpu.vector_store %arg15[%swap3A_432], %swap3A_435 {strides = array<i32>} : memref<80xi32, #tpu.memory_space<vmem>>, vector<16xi32>,
    %get3A_436 = arith.constant 32 : index
    %get3A_437 = tpu.vector_load %arg11[%get3A_436] {strides = array<i32>} : memref<80xi32, #tpu.memory_space<vmem>>, vector<16xi32>,
    %get3A_438 = vector.shape_cast %get3A_437 : vector<16xi32> to vector<16xi32>
    %swap3A_439 = arith.constant 32 : index
    %swap3A_440 = tpu.vector_load %arg15[%swap3A_439] {strides = array<i32>} : memref<80xi32, #tpu.memory_space<vmem>>, vector<16xi32>,
    %swap3A_441 = vector.shape_cast %swap3A_440 : vector<16xi32> to vector<16xi32>
    %swap3A_442 = vector.shape_cast %get3A_438 : vector<16xi32> to vector<16xi32>
    tpu.vector_store %arg15[%swap3A_439], %swap3A_442 {strides = array<i32>} : memref<80xi32, #tpu.memory_space<vmem>>, vector<16xi32>,
    %get3A_443 = arith.constant 48 : index
    %get3A_444 = tpu.vector_load %arg11[%get3A_443] {strides = array<i32>} : memref<80xi32, #tpu.memory_space<vmem>>, vector<16xi32>,
    %get3A_445 = vector.shape_cast %get3A_444 : vector<16xi32> to vector<16xi32>
    %swap3A_446 = arith.constant 48 : index
    %swap3A_447 = tpu.vector_load %arg15[%swap3A_446] {strides = array<i32>} : memref<80xi32, #tpu.memory_space<vmem>>, vector<16xi32>,
    %swap3A_448 = vector.shape_cast %swap3A_447 : vector<16xi32> to vector<16xi32>
    %swap3A_449 = vector.shape_cast %get3A_445 : vector<16xi32> to vector<16xi32>
    tpu.vector_store %arg15[%swap3A_446], %swap3A_449 {strides = array<i32>} : memref<80xi32, #tpu.memory_space<vmem>>, vector<16xi32>,
    %get3A_450 = arith.constant 64 : index
    %get3A_451 = tpu.vector_load %arg11[%get3A_450] {strides = array<i32>} : memref<80xi32, #tpu.memory_space<vmem>>, vector<16xi32>,
    %get3A_452 = vector.shape_cast %get3A_451 : vector<16xi32> to vector<16xi32>
    %swap3A_453 = arith.constant 64 : index
    %swap3A_454 = tpu.vector_load %arg15[%swap3A_453] {strides = array<i32>} : memref<80xi32, #tpu.memory_space<vmem>>, vector<16xi32>,
    %swap3A_455 = vector.shape_cast %swap3A_454 : vector<16xi32> to vector<16xi32>
    %swap3A_456 = vector.shape_cast %get3A_452 : vector<16xi32> to vector<16xi32>
    tpu.vector_store %arg15[%swap3A_453], %swap3A_456 {strides = array<i32>} : memref<80xi32, #tpu.memory_space<vmem>>, vector<16xi32>,
    %dma_start3A_457 = arith.constant 0 : i32
    %dma_start3A_458 = arith.constant 0 : i32
    %dma_start3A_459 = tpu.memref_slice %arg22[%dma_start3A_457, %dma_start3A_458] : memref<10240x128xf32, #tpu.memory_space<vmem_shared>> -> memref<10240x128xf32, #tpu.memory_space<vmem_shared>>
    tpu.enqueue_indirect_dma source(%arg19 : memref<80x128xf32, #tpu.memory_space<vmem>>) target(%dma_start3A_459 : memref<10240x128xf32, #tpu.memory_space<vmem_shared>>) offsets(%arg15 : memref<80xi32, #tpu.memory_space<vmem>>) semaphore(%arg32 : memref<!tpu.dma_semaphore, #tpu.memory_space<semaphore_mem>>) {add = true}
    %dma_wait3A_460 = arith.constant 0 : i32
    %dma_wait3A_461 = arith.constant 0 : i32
    %dma_wait3A_462 = tpu.memref_slice %arg22[%dma_wait3A_460, %dma_wait3A_461] : memref<10240x128xf32, #tpu.memory_space<vmem_shared>> -> memref<10240x128xf32, #tpu.memory_space<vmem_shared>>
    tpu.wait_indirect_dma semaphore(%arg31 : memref<!tpu.dma_semaphore, #tpu.memory_space<semaphore_mem>>) src(%arg18 : memref<80x128xf32, #tpu.memory_space<vmem>>) dst(%dma_wait3A_462 : memref<10240x128xf32, #tpu.memory_space<vmem_shared>>)
    %add3A_463 = arith.constant 9920 : i32
    %add3A_464 = arith.addi %mul3A_2, %add3A_463 : i32
    %dma_wait3A_465 = tpu.memref_slice %arg3[%add3A_464] : memref<320000xi32, #tpu.memory_space<hbm>> -> memref<80xi32, #tpu.memory_space<hbm>>
    %dma_wait3A_466 = tpu.memref_slice %arg3[%add3A_464] : memref<320000xi32, #tpu.memory_space<hbm>> -> memref<80xi32, #tpu.memory_space<hbm>>
    tpu.wait_dma2 semaphore(%arg23 : memref<!tpu.dma_semaphore, #tpu.memory_space<semaphore_mem>>) src(%dma_wait3A_466 : memref<80xi32, #tpu.memory_space<hbm>>) dst(%arg6 : memref<80xi32, #tpu.memory_space<vmem>>)
    %add3A_467 = arith.constant 9920 : i32
    %add3A_468 = arith.addi %mul3A_2, %add3A_467 : i32
    %dma_wait3A_469 = tpu.memref_slice %arg4[%add3A_468] : memref<320000xi32, #tpu.memory_space<hbm>> -> memref<80xi32, #tpu.memory_space<hbm>>
    %dma_wait3A_470 = tpu.memref_slice %arg4[%add3A_468] : memref<320000xi32, #tpu.memory_space<hbm>> -> memref<80xi32, #tpu.memory_space<hbm>>
    tpu.wait_dma2 semaphore(%arg23 : memref<!tpu.dma_semaphore, #tpu.memory_space<semaphore_mem>>) src(%dma_wait3A_470 : memref<80xi32, #tpu.memory_space<hbm>>) dst(%arg10 : memref<80xi32, #tpu.memory_space<vmem>>)
    %dma_start3A_471 = arith.constant 0 : i32
    %dma_start3A_472 = arith.constant 0 : i32
    %dma_start3A_473 = tpu.memref_slice %arg2[%dma_start3A_471, %dma_start3A_472] : memref<10000x128xf32, #tpu.memory_space<hbm>> -> memref<10000x128xf32, #tpu.memory_space<hbm>>
    tpu.enqueue_indirect_dma source(%dma_start3A_473 : memref<10000x128xf32, #tpu.memory_space<hbm>>) target(%arg18 : memref<80x128xf32, #tpu.memory_space<vmem>>) offsets(%arg6 : memref<80xi32, #tpu.memory_space<vmem>>) semaphore(%arg27 : memref<!tpu.dma_semaphore, #tpu.memory_space<semaphore_mem>>)
    %dma_wait3A_474 = arith.constant 0 : i32
    %dma_wait3A_475 = arith.constant 0 : i32
    %dma_wait3A_476 = tpu.memref_slice %arg2[%dma_wait3A_474, %dma_wait3A_475] : memref<10000x128xf32, #tpu.memory_space<hbm>> -> memref<10000x128xf32, #tpu.memory_space<hbm>>
    tpu.wait_indirect_dma semaphore(%arg29 : memref<!tpu.dma_semaphore, #tpu.memory_space<semaphore_mem>>) src(%dma_wait3A_476 : memref<10000x128xf32, #tpu.memory_space<hbm>>) dst(%arg20 : memref<80x128xf32, #tpu.memory_space<vmem>>)
    %get3A_477 = arith.constant 0 : index
    %get3A_478 = tpu.vector_load %arg12[%get3A_477] {strides = array<i32>} : memref<80xi32, #tpu.memory_space<vmem>>, vector<16xi32>,
    %get3A_479 = vector.shape_cast %get3A_478 : vector<16xi32> to vector<16xi32>
    %swap3A_480 = arith.constant 0 : index
    %swap3A_481 = tpu.vector_load %arg16[%swap3A_480] {strides = array<i32>} : memref<80xi32, #tpu.memory_space<vmem>>, vector<16xi32>,
    %swap3A_482 = vector.shape_cast %swap3A_481 : vector<16xi32> to vector<16xi32>
    %swap3A_483 = vector.shape_cast %get3A_479 : vector<16xi32> to vector<16xi32>
    tpu.vector_store %arg16[%swap3A_480], %swap3A_483 {strides = array<i32>} : memref<80xi32, #tpu.memory_space<vmem>>, vector<16xi32>,
    %get3A_484 = arith.constant 16 : index
    %get3A_485 = tpu.vector_load %arg12[%get3A_484] {strides = array<i32>} : memref<80xi32, #tpu.memory_space<vmem>>, vector<16xi32>,
    %get3A_486 = vector.shape_cast %get3A_485 : vector<16xi32> to vector<16xi32>
    %swap3A_487 = arith.constant 16 : index
    %swap3A_488 = tpu.vector_load %arg16[%swap3A_487] {strides = array<i32>} : memref<80xi32, #tpu.memory_space<vmem>>, vector<16xi32>,
    %swap3A_489 = vector.shape_cast %swap3A_488 : vector<16xi32> to vector<16xi32>
    %swap3A_490 = vector.shape_cast %get3A_486 : vector<16xi32> to vector<16xi32>
    tpu.vector_store %arg16[%swap3A_487], %swap3A_490 {strides = array<i32>} : memref<80xi32, #tpu.memory_space<vmem>>, vector<16xi32>,
    %get3A_491 = arith.constant 32 : index
    %get3A_492 = tpu.vector_load %arg12[%get3A_491] {strides = array<i32>} : memref<80xi32, #tpu.memory_space<vmem>>, vector<16xi32>,
    %get3A_493 = vector.shape_cast %get3A_492 : vector<16xi32> to vector<16xi32>
    %swap3A_494 = arith.constant 32 : index
    %swap3A_495 = tpu.vector_load %arg16[%swap3A_494] {strides = array<i32>} : memref<80xi32, #tpu.memory_space<vmem>>, vector<16xi32>,
    %swap3A_496 = vector.shape_cast %swap3A_495 : vector<16xi32> to vector<16xi32>
    %swap3A_497 = vector.shape_cast %get3A_493 : vector<16xi32> to vector<16xi32>
    tpu.vector_store %arg16[%swap3A_494], %swap3A_497 {strides = array<i32>} : memref<80xi32, #tpu.memory_space<vmem>>, vector<16xi32>,
    %get3A_498 = arith.constant 48 : index
    %get3A_499 = tpu.vector_load %arg12[%get3A_498] {strides = array<i32>} : memref<80xi32, #tpu.memory_space<vmem>>, vector<16xi32>,
    %get3A_500 = vector.shape_cast %get3A_499 : vector<16xi32> to vector<16xi32>
    %swap3A_501 = arith.constant 48 : index
    %swap3A_502 = tpu.vector_load %arg16[%swap3A_501] {strides = array<i32>} : memref<80xi32, #tpu.memory_space<vmem>>, vector<16xi32>,
    %swap3A_503 = vector.shape_cast %swap3A_502 : vector<16xi32> to vector<16xi32>
    %swap3A_504 = vector.shape_cast %get3A_500 : vector<16xi32> to vector<16xi32>
    tpu.vector_store %arg16[%swap3A_501], %swap3A_504 {strides = array<i32>} : memref<80xi32, #tpu.memory_space<vmem>>, vector<16xi32>,
    %get3A_505 = arith.constant 64 : index
    %get3A_506 = tpu.vector_load %arg12[%get3A_505] {strides = array<i32>} : memref<80xi32, #tpu.memory_space<vmem>>, vector<16xi32>,
    %get3A_507 = vector.shape_cast %get3A_506 : vector<16xi32> to vector<16xi32>
    %swap3A_508 = arith.constant 64 : index
    %swap3A_509 = tpu.vector_load %arg16[%swap3A_508] {strides = array<i32>} : memref<80xi32, #tpu.memory_space<vmem>>, vector<16xi32>,
    %swap3A_510 = vector.shape_cast %swap3A_509 : vector<16xi32> to vector<16xi32>
    %swap3A_511 = vector.shape_cast %get3A_507 : vector<16xi32> to vector<16xi32>
    tpu.vector_store %arg16[%swap3A_508], %swap3A_511 {strides = array<i32>} : memref<80xi32, #tpu.memory_space<vmem>>, vector<16xi32>,
    %dma_start3A_512 = arith.constant 0 : i32
    %dma_start3A_513 = arith.constant 0 : i32
    %dma_start3A_514 = tpu.memref_slice %arg22[%dma_start3A_512, %dma_start3A_513] : memref<10240x128xf32, #tpu.memory_space<vmem_shared>> -> memref<10240x128xf32, #tpu.memory_space<vmem_shared>>
    tpu.enqueue_indirect_dma source(%arg20 : memref<80x128xf32, #tpu.memory_space<vmem>>) target(%dma_start3A_514 : memref<10240x128xf32, #tpu.memory_space<vmem_shared>>) offsets(%arg16 : memref<80xi32, #tpu.memory_space<vmem>>) semaphore(%arg33 : memref<!tpu.dma_semaphore, #tpu.memory_space<semaphore_mem>>) {add = true}
    %dma_wait3A_515 = arith.constant 0 : i32
    %dma_wait3A_516 = arith.constant 0 : i32
    %dma_wait3A_517 = tpu.memref_slice %arg22[%dma_wait3A_515, %dma_wait3A_516] : memref<10240x128xf32, #tpu.memory_space<vmem_shared>> -> memref<10240x128xf32, #tpu.memory_space<vmem_shared>>
    tpu.wait_indirect_dma semaphore(%arg32 : memref<!tpu.dma_semaphore, #tpu.memory_space<semaphore_mem>>) src(%arg19 : memref<80x128xf32, #tpu.memory_space<vmem>>) dst(%dma_wait3A_517 : memref<10240x128xf32, #tpu.memory_space<vmem_shared>>)
    %dma_wait3A_518 = arith.constant 0 : i32
    %dma_wait3A_519 = arith.constant 0 : i32
    %dma_wait3A_520 = tpu.memref_slice %arg2[%dma_wait3A_518, %dma_wait3A_519] : memref<10000x128xf32, #tpu.memory_space<hbm>> -> memref<10000x128xf32, #tpu.memory_space<hbm>>
    tpu.wait_indirect_dma semaphore(%arg30 : memref<!tpu.dma_semaphore, #tpu.memory_space<semaphore_mem>>) src(%dma_wait3A_520 : memref<10000x128xf32, #tpu.memory_space<hbm>>) dst(%arg21 : memref<80x128xf32, #tpu.memory_space<vmem>>)
    %get3A_521 = arith.constant 0 : index
    %get3A_522 = tpu.vector_load %arg13[%get3A_521] {strides = array<i32>} : memref<80xi32, #tpu.memory_space<vmem>>, vector<16xi32>,
    %get3A_523 = vector.shape_cast %get3A_522 : vector<16xi32> to vector<16xi32>
    %swap3A_524 = arith.constant 0 : index
    %swap3A_525 = tpu.vector_load %arg17[%swap3A_524] {strides = array<i32>} : memref<80xi32, #tpu.memory_space<vmem>>, vector<16xi32>,
    %swap3A_526 = vector.shape_cast %swap3A_525 : vector<16xi32> to vector<16xi32>
    %swap3A_527 = vector.shape_cast %get3A_523 : vector<16xi32> to vector<16xi32>
    tpu.vector_store %arg17[%swap3A_524], %swap3A_527 {strides = array<i32>} : memref<80xi32, #tpu.memory_space<vmem>>, vector<16xi32>,
    %get3A_528 = arith.constant 16 : index
    %get3A_529 = tpu.vector_load %arg13[%get3A_528] {strides = array<i32>} : memref<80xi32, #tpu.memory_space<vmem>>, vector<16xi32>,
    %get3A_530 = vector.shape_cast %get3A_529 : vector<16xi32> to vector<16xi32>
    %swap3A_531 = arith.constant 16 : index
    %swap3A_532 = tpu.vector_load %arg17[%swap3A_531] {strides = array<i32>} : memref<80xi32, #tpu.memory_space<vmem>>, vector<16xi32>,
    %swap3A_533 = vector.shape_cast %swap3A_532 : vector<16xi32> to vector<16xi32>
    %swap3A_534 = vector.shape_cast %get3A_530 : vector<16xi32> to vector<16xi32>
    tpu.vector_store %arg17[%swap3A_531], %swap3A_534 {strides = array<i32>} : memref<80xi32, #tpu.memory_space<vmem>>, vector<16xi32>,
    %get3A_535 = arith.constant 32 : index
    %get3A_536 = tpu.vector_load %arg13[%get3A_535] {strides = array<i32>} : memref<80xi32, #tpu.memory_space<vmem>>, vector<16xi32>,
    %get3A_537 = vector.shape_cast %get3A_536 : vector<16xi32> to vector<16xi32>
    %swap3A_538 = arith.constant 32 : index
    %swap3A_539 = tpu.vector_load %arg17[%swap3A_538] {strides = array<i32>} : memref<80xi32, #tpu.memory_space<vmem>>, vector<16xi32>,
    %swap3A_540 = vector.shape_cast %swap3A_539 : vector<16xi32> to vector<16xi32>
    %swap3A_541 = vector.shape_cast %get3A_537 : vector<16xi32> to vector<16xi32>
    tpu.vector_store %arg17[%swap3A_538], %swap3A_541 {strides = array<i32>} : memref<80xi32, #tpu.memory_space<vmem>>, vector<16xi32>,
    %get3A_542 = arith.constant 48 : index
    %get3A_543 = tpu.vector_load %arg13[%get3A_542] {strides = array<i32>} : memref<80xi32, #tpu.memory_space<vmem>>, vector<16xi32>,
    %get3A_544 = vector.shape_cast %get3A_543 : vector<16xi32> to vector<16xi32>
    %swap3A_545 = arith.constant 48 : index
    %swap3A_546 = tpu.vector_load %arg17[%swap3A_545] {strides = array<i32>} : memref<80xi32, #tpu.memory_space<vmem>>, vector<16xi32>,
    %swap3A_547 = vector.shape_cast %swap3A_546 : vector<16xi32> to vector<16xi32>
    %swap3A_548 = vector.shape_cast %get3A_544 : vector<16xi32> to vector<16xi32>
    tpu.vector_store %arg17[%swap3A_545], %swap3A_548 {strides = array<i32>} : memref<80xi32, #tpu.memory_space<vmem>>, vector<16xi32>,
    %get3A_549 = arith.constant 64 : index
    %get3A_550 = tpu.vector_load %arg13[%get3A_549] {strides = array<i32>} : memref<80xi32, #tpu.memory_space<vmem>>, vector<16xi32>,
    %get3A_551 = vector.shape_cast %get3A_550 : vector<16xi32> to vector<16xi32>
    %swap3A_552 = arith.constant 64 : index
    %swap3A_553 = tpu.vector_load %arg17[%swap3A_552] {strides = array<i32>} : memref<80xi32, #tpu.memory_space<vmem>>, vector<16xi32>,
    %swap3A_554 = vector.shape_cast %swap3A_553 : vector<16xi32> to vector<16xi32>
    %swap3A_555 = vector.shape_cast %get3A_551 : vector<16xi32> to vector<16xi32>
    tpu.vector_store %arg17[%swap3A_552], %swap3A_555 {strides = array<i32>} : memref<80xi32, #tpu.memory_space<vmem>>, vector<16xi32>,
    %dma_start3A_556 = arith.constant 0 : i32
    %dma_start3A_557 = arith.constant 0 : i32
    %dma_start3A_558 = tpu.memref_slice %arg22[%dma_start3A_556, %dma_start3A_557] : memref<10240x128xf32, #tpu.memory_space<vmem_shared>> -> memref<10240x128xf32, #tpu.memory_space<vmem_shared>>
    tpu.enqueue_indirect_dma source(%arg21 : memref<80x128xf32, #tpu.memory_space<vmem>>) target(%dma_start3A_558 : memref<10240x128xf32, #tpu.memory_space<vmem_shared>>) offsets(%arg17 : memref<80xi32, #tpu.memory_space<vmem>>) semaphore(%arg34 : memref<!tpu.dma_semaphore, #tpu.memory_space<semaphore_mem>>) {add = true}
    %dma_wait3A_559 = arith.constant 0 : i32
    %dma_wait3A_560 = arith.constant 0 : i32
    %dma_wait3A_561 = tpu.memref_slice %arg22[%dma_wait3A_559, %dma_wait3A_560] : memref<10240x128xf32, #tpu.memory_space<vmem_shared>> -> memref<10240x128xf32, #tpu.memory_space<vmem_shared>>
    tpu.wait_indirect_dma semaphore(%arg33 : memref<!tpu.dma_semaphore, #tpu.memory_space<semaphore_mem>>) src(%arg20 : memref<80x128xf32, #tpu.memory_space<vmem>>) dst(%dma_wait3A_561 : memref<10240x128xf32, #tpu.memory_space<vmem_shared>>)
    %dma_wait3A_562 = arith.constant 0 : i32
    %dma_wait3A_563 = arith.constant 0 : i32
    %dma_wait3A_564 = tpu.memref_slice %arg2[%dma_wait3A_562, %dma_wait3A_563] : memref<10000x128xf32, #tpu.memory_space<hbm>> -> memref<10000x128xf32, #tpu.memory_space<hbm>>
    tpu.wait_indirect_dma semaphore(%arg27 : memref<!tpu.dma_semaphore, #tpu.memory_space<semaphore_mem>>) src(%dma_wait3A_564 : memref<10000x128xf32, #tpu.memory_space<hbm>>) dst(%arg18 : memref<80x128xf32, #tpu.memory_space<vmem>>)
    %get3A_565 = arith.constant 0 : index
    %get3A_566 = tpu.vector_load %arg10[%get3A_565] {strides = array<i32>} : memref<80xi32, #tpu.memory_space<vmem>>, vector<16xi32>,
    %get3A_567 = vector.shape_cast %get3A_566 : vector<16xi32> to vector<16xi32>
    %swap3A_568 = arith.constant 0 : index
    %swap3A_569 = tpu.vector_load %arg14[%swap3A_568] {strides = array<i32>} : memref<80xi32, #tpu.memory_space<vmem>>, vector<16xi32>,
    %swap3A_570 = vector.shape_cast %swap3A_569 : vector<16xi32> to vector<16xi32>
    %swap3A_571 = vector.shape_cast %get3A_567 : vector<16xi32> to vector<16xi32>
    tpu.vector_store %arg14[%swap3A_568], %swap3A_571 {strides = array<i32>} : memref<80xi32, #tpu.memory_space<vmem>>, vector<16xi32>,
    %get3A_572 = arith.constant 16 : index
    %get3A_573 = tpu.vector_load %arg10[%get3A_572] {strides = array<i32>} : memref<80xi32, #tpu.memory_space<vmem>>, vector<16xi32>,
    %get3A_574 = vector.shape_cast %get3A_573 : vector<16xi32> to vector<16xi32>
    %swap3A_575 = arith.constant 16 : index
    %swap3A_576 = tpu.vector_load %arg14[%swap3A_575] {strides = array<i32>} : memref<80xi32, #tpu.memory_space<vmem>>, vector<16xi32>,
    %swap3A_577 = vector.shape_cast %swap3A_576 : vector<16xi32> to vector<16xi32>
    %swap3A_578 = vector.shape_cast %get3A_574 : vector<16xi32> to vector<16xi32>
    tpu.vector_store %arg14[%swap3A_575], %swap3A_578 {strides = array<i32>} : memref<80xi32, #tpu.memory_space<vmem>>, vector<16xi32>,
    %get3A_579 = arith.constant 32 : index
    %get3A_580 = tpu.vector_load %arg10[%get3A_579] {strides = array<i32>} : memref<80xi32, #tpu.memory_space<vmem>>, vector<16xi32>,
    %get3A_581 = vector.shape_cast %get3A_580 : vector<16xi32> to vector<16xi32>
    %swap3A_582 = arith.constant 32 : index
    %swap3A_583 = tpu.vector_load %arg14[%swap3A_582] {strides = array<i32>} : memref<80xi32, #tpu.memory_space<vmem>>, vector<16xi32>,
    %swap3A_584 = vector.shape_cast %swap3A_583 : vector<16xi32> to vector<16xi32>
    %swap3A_585 = vector.shape_cast %get3A_581 : vector<16xi32> to vector<16xi32>
    tpu.vector_store %arg14[%swap3A_582], %swap3A_585 {strides = array<i32>} : memref<80xi32, #tpu.memory_space<vmem>>, vector<16xi32>,
    %get3A_586 = arith.constant 48 : index
    %get3A_587 = tpu.vector_load %arg10[%get3A_586] {strides = array<i32>} : memref<80xi32, #tpu.memory_space<vmem>>, vector<16xi32>,
    %get3A_588 = vector.shape_cast %get3A_587 : vector<16xi32> to vector<16xi32>
    %swap3A_589 = arith.constant 48 : index
    %swap3A_590 = tpu.vector_load %arg14[%swap3A_589] {strides = array<i32>} : memref<80xi32, #tpu.memory_space<vmem>>, vector<16xi32>,
    %swap3A_591 = vector.shape_cast %swap3A_590 : vector<16xi32> to vector<16xi32>
    %swap3A_592 = vector.shape_cast %get3A_588 : vector<16xi32> to vector<16xi32>
    tpu.vector_store %arg14[%swap3A_589], %swap3A_592 {strides = array<i32>} : memref<80xi32, #tpu.memory_space<vmem>>, vector<16xi32>,
    %get3A_593 = arith.constant 64 : index
    %get3A_594 = tpu.vector_load %arg10[%get3A_593] {strides = array<i32>} : memref<80xi32, #tpu.memory_space<vmem>>, vector<16xi32>,
    %get3A_595 = vector.shape_cast %get3A_594 : vector<16xi32> to vector<16xi32>
    %swap3A_596 = arith.constant 64 : index
    %swap3A_597 = tpu.vector_load %arg14[%swap3A_596] {strides = array<i32>} : memref<80xi32, #tpu.memory_space<vmem>>, vector<16xi32>,
    %swap3A_598 = vector.shape_cast %swap3A_597 : vector<16xi32> to vector<16xi32>
    %swap3A_599 = vector.shape_cast %get3A_595 : vector<16xi32> to vector<16xi32>
    tpu.vector_store %arg14[%swap3A_596], %swap3A_599 {strides = array<i32>} : memref<80xi32, #tpu.memory_space<vmem>>, vector<16xi32>,
    %dma_start3A_600 = arith.constant 0 : i32
    %dma_start3A_601 = arith.constant 0 : i32
    %dma_start3A_602 = tpu.memref_slice %arg22[%dma_start3A_600, %dma_start3A_601] : memref<10240x128xf32, #tpu.memory_space<vmem_shared>> -> memref<10240x128xf32, #tpu.memory_space<vmem_shared>>
    tpu.enqueue_indirect_dma source(%arg18 : memref<80x128xf32, #tpu.memory_space<vmem>>) target(%dma_start3A_602 : memref<10240x128xf32, #tpu.memory_space<vmem_shared>>) offsets(%arg14 : memref<80xi32, #tpu.memory_space<vmem>>) semaphore(%arg31 : memref<!tpu.dma_semaphore, #tpu.memory_space<semaphore_mem>>) {add = true}
    %dma_wait3A_603 = arith.constant 0 : i32
    %dma_wait3A_604 = arith.constant 0 : i32
    %dma_wait3A_605 = tpu.memref_slice %arg22[%dma_wait3A_603, %dma_wait3A_604] : memref<10240x128xf32, #tpu.memory_space<vmem_shared>> -> memref<10240x128xf32, #tpu.memory_space<vmem_shared>>
    tpu.wait_indirect_dma semaphore(%arg34 : memref<!tpu.dma_semaphore, #tpu.memory_space<semaphore_mem>>) src(%arg21 : memref<80x128xf32, #tpu.memory_space<vmem>>) dst(%dma_wait3A_605 : memref<10240x128xf32, #tpu.memory_space<vmem_shared>>)
    %dma_wait3A_606 = arith.constant 0 : i32
    %dma_wait3A_607 = arith.constant 0 : i32
    %dma_wait3A_608 = tpu.memref_slice %arg22[%dma_wait3A_606, %dma_wait3A_607] : memref<10240x128xf32, #tpu.memory_space<vmem_shared>> -> memref<10240x128xf32, #tpu.memory_space<vmem_shared>>
    tpu.wait_indirect_dma semaphore(%arg31 : memref<!tpu.dma_semaphore, #tpu.memory_space<semaphore_mem>>) src(%arg18 : memref<80x128xf32, #tpu.memory_space<vmem>>) dst(%dma_wait3A_608 : memref<10240x128xf32, #tpu.memory_space<vmem_shared>>)
    %barrier3A_609 = arith.constant 0 : index
    tpu.barrier barrier_id(%barrier3A_609)
    %mul3A_610 = arith.constant 640 : i32
    %mul3A_611 = arith.muli %arg1, %mul3A_610 : i32
    %mul3A_612 = arith.constant 640 : i32
    %mul3A_613 = arith.muli %arg1, %mul3A_612 : i32
    "tpu.region"() ({
      %run_scoped3A = tpu.sem_alloc : memref<!tpu.dma_semaphore, #tpu.memory_space<semaphore_mem>>
      %dma_start3A_614 = arith.constant 0 : i32
      %dma_start3A_615 = tpu.memref_slice %arg5[%arg0, %mul3A_613, %dma_start3A_614] : memref<2x10240x128xf32, #tpu.memory_space<hbm>> -> memref<1x640x128xf32, #tpu.memory_space<hbm>>
      %dma_start3A_616 = tpu.memref_squeeze %dma_start3A_615 : memref<1x640x128xf32, #tpu.memory_space<hbm>> -> memref<640x128xf32, #tpu.memory_space<hbm>>
      %dma_start3A_617 = arith.constant 0 : i32
      %dma_start3A_618 = tpu.memref_slice %arg22[%mul3A_611, %dma_start3A_617] : memref<10240x128xf32, #tpu.memory_space<vmem_shared>> -> memref<640x128xf32, #tpu.memory_space<vmem_shared>>
      tpu.enqueue_dma source(%dma_start3A_618 : memref<640x128xf32, #tpu.memory_space<vmem_shared>>) target(%dma_start3A_616 : memref<640x128xf32, #tpu.memory_space<hbm>>) target_semaphore(%run_scoped3A : memref<!tpu.dma_semaphore, #tpu.memory_space<semaphore_mem>>)
      %dma_wait3A_619 = arith.constant 0 : i32
      %dma_wait3A_620 = tpu.memref_slice %arg5[%arg0, %mul3A_613, %dma_wait3A_619] : memref<2x10240x128xf32, #tpu.memory_space<hbm>> -> memref<1x640x128xf32, #tpu.memory_space<hbm>>
      %dma_wait3A_621 = tpu.memref_squeeze %dma_wait3A_620 : memref<1x640x128xf32, #tpu.memory_space<hbm>> -> memref<640x128xf32, #tpu.memory_space<hbm>>
      %dma_wait3A_622 = arith.constant 0 : i32
      %dma_wait3A_623 = tpu.memref_slice %arg22[%mul3A_611, %dma_wait3A_622] : memref<10240x128xf32, #tpu.memory_space<vmem_shared>> -> memref<640x128xf32, #tpu.memory_space<vmem_shared>>
      tpu.wait_dma2 semaphore(%run_scoped3A : memref<!tpu.dma_semaphore, #tpu.memory_space<semaphore_mem>>) src(%dma_wait3A_623 : memref<640x128xf32, #tpu.memory_space<vmem_shared>>) dst(%dma_wait3A_621 : memref<640x128xf32, #tpu.memory_space<hbm>>)
      tpu.yield
    }) : () -> ()
    return
  }
}

module attributes {stable_mosaic.version = 14 : i64} {
  func.func @body(%arg0: i32, %arg1: memref<2x1000x128xf32, #tpu.memory_space<vmem>>, %arg2: memref<128x128xf32, #tpu.memory_space<vmem>>, %arg3: memref<1x128xf32, #tpu.memory_space<vmem>>, %arg4: memref<1000x128xf32, #tpu.memory_space<vmem>>) attributes {dimension_semantics = [#tpu.dimension_semantics<arbitrary>], iteration_bounds = array<i64: 10>, scalar_prefetch = 0 : i64, scratch_operands = 0 : i64, tpu.core_type = #tpu.core_type<tc>, window_params = [{transform_indices = @transform_0, window_bounds = array<i64: 2, 1000, 128>}, {pipeline_mode = #tpu.pipeline_mode<synchronous>, transform_indices = @transform_1, window_bounds = array<i64: 128, 128>}, {pipeline_mode = #tpu.pipeline_mode<synchronous>, transform_indices = @transform_2, window_bounds = array<i64: 1, 128>}, {transform_indices = @transform_3, window_bounds = array<i64: 1000, 128>}]} {
    %get3A = arith.constant 0 : index
    %get3A_0 = arith.constant 0 : index
    %get3A_1 = arith.constant 0 : index
    %get3A_2 = vector.load %arg1[%get3A, %get3A_0, %get3A_1] : memref<2x1000x128xf32, #tpu.memory_space<vmem>>, vector<1x1000x128xf32>
    %get3A_3 = vector.shape_cast %get3A_2 : vector<1x1000x128xf32> to vector<1000x128xf32>
    %get3A_4 = arith.constant 1 : index
    %get3A_5 = arith.constant 0 : index
    %get3A_6 = arith.constant 0 : index
    %get3A_7 = vector.load %arg1[%get3A_4, %get3A_5, %get3A_6] : memref<2x1000x128xf32, #tpu.memory_space<vmem>>, vector<1x1000x128xf32>
    %get3A_8 = vector.shape_cast %get3A_7 : vector<1x1000x128xf32> to vector<1000x128xf32>
    %add3A = arith.addf %get3A_3, %get3A_8 : vector<1000x128xf32>
    %get3A_9 = arith.constant 0 : index
    %get3A_10 = arith.constant 0 : index
    %get3A_11 = vector.load %arg2[%get3A_9, %get3A_10] : memref<128x128xf32, #tpu.memory_space<vmem>>, vector<128x128xf32>
    %dot_general3A = arith.constant dense<0.000000e+00> : vector<1000x128xf32>
    %dot_general3A_12 = tpu.matmul %add3A, %get3A_11, %dot_general3A {dimension_numbers = #tpu.dot_dimension_numbers<[1], [0], [0], [1], [0, 0, 1, 1], [], []>, transpose_lhs_hint = false} : vector<1000x128xf32>, vector<128x128xf32>, vector<1000x128xf32> -> vector<1000x128xf32>
    %get3A_13 = arith.constant 0 : index
    %get3A_14 = arith.constant 0 : index
    %get3A_15 = vector.load %arg3[%get3A_13, %get3A_14] : memref<1x128xf32, #tpu.memory_space<vmem>>, vector<1x128xf32>
    %add3A_16 = vector.broadcast %get3A_15 : vector<1x128xf32> to vector<1000x128xf32>
    %add3A_17 = arith.addf %dot_general3A_12, %add3A_16 : vector<1000x128xf32>
    %swap3A = arith.constant 0 : index
    %swap3A_18 = arith.constant 0 : index
    %swap3A_19 = vector.load %arg4[%swap3A, %swap3A_18] : memref<1000x128xf32, #tpu.memory_space<vmem>>, vector<1000x128xf32>
    tpu.vector_store %arg4[%swap3A, %swap3A_18], %add3A_17 {strides = array<i32>} : memref<1000x128xf32, #tpu.memory_space<vmem>>, vector<1000x128xf32>,
    return
  }
  func.func @transform_0(%arg0: i32) -> (i32, i32, i32) {
    %c0_i32 = arith.constant 0 : i32
    %c0_i32_0 = arith.constant 0 : i32
    %c0_i32_1 = arith.constant 0 : i32
    return %c0_i32, %arg0, %c0_i32_0 : i32, i32, i32
  }
  func.func @transform_1(%arg0: i32) -> (i32, i32) {
    %c0_i32 = arith.constant 0 : i32
    %c0_i32_0 = arith.constant 0 : i32
    %c0_i32_1 = arith.constant 0 : i32
    return %c0_i32, %c0_i32_0 : i32, i32
  }
  func.func @transform_2(%arg0: i32) -> (i32, i32) {
    %c0_i32 = arith.constant 0 : i32
    %c0_i32_0 = arith.constant 0 : i32
    %c0_i32_1 = arith.constant 0 : i32
    return %c0_i32, %c0_i32_0 : i32, i32
  }
  func.func @transform_3(%arg0: i32) -> (i32, i32) {
    %c0_i32 = arith.constant 0 : i32
    %c0_i32_0 = arith.constant 0 : i32
    return %arg0, %c0_i32 : i32, i32
  }
}

module attributes {stable_mosaic.version = 14 : i64} {
  func.func @body(%arg0: i32, %arg1: memref<2x1000x128xf32, #tpu.memory_space<vmem>>, %arg2: memref<128x128xf32, #tpu.memory_space<vmem>>, %arg3: memref<1x128xf32, #tpu.memory_space<vmem>>, %arg4: memref<1000x128xf32, #tpu.memory_space<vmem>>) attributes {dimension_semantics = [#tpu.dimension_semantics<arbitrary>], iteration_bounds = array<i64: 10>, scalar_prefetch = 0 : i64, scratch_operands = 0 : i64, tpu.core_type = #tpu.core_type<tc>, window_params = [{transform_indices = @transform_0, window_bounds = array<i64: 2, 1000, 128>}, {pipeline_mode = #tpu.pipeline_mode<synchronous>, transform_indices = @transform_1, window_bounds = array<i64: 128, 128>}, {pipeline_mode = #tpu.pipeline_mode<synchronous>, transform_indices = @transform_2, window_bounds = array<i64: 1, 128>}, {transform_indices = @transform_3, window_bounds = array<i64: 1000, 128>}]} {
    %get3A = arith.constant 0 : index
    %get3A_0 = arith.constant 0 : index
    %get3A_1 = arith.constant 0 : index
    %get3A_2 = vector.load %arg1[%get3A, %get3A_0, %get3A_1] : memref<2x1000x128xf32, #tpu.memory_space<vmem>>, vector<1x1000x128xf32>
    %get3A_3 = vector.shape_cast %get3A_2 : vector<1x1000x128xf32> to vector<1000x128xf32>
    %get3A_4 = arith.constant 1 : index
    %get3A_5 = arith.constant 0 : index
    %get3A_6 = arith.constant 0 : index
    %get3A_7 = vector.load %arg1[%get3A_4, %get3A_5, %get3A_6] : memref<2x1000x128xf32, #tpu.memory_space<vmem>>, vector<1x1000x128xf32>
    %get3A_8 = vector.shape_cast %get3A_7 : vector<1x1000x128xf32> to vector<1000x128xf32>
    %add3A = arith.addf %get3A_3, %get3A_8 : vector<1000x128xf32>
    %get3A_9 = arith.constant 0 : index
    %get3A_10 = arith.constant 0 : index
    %get3A_11 = vector.load %arg2[%get3A_9, %get3A_10] : memref<128x128xf32, #tpu.memory_space<vmem>>, vector<128x128xf32>
    %dot_general3A = arith.constant dense<0.000000e+00> : vector<1000x128xf32>
    %dot_general3A_12 = tpu.matmul %add3A, %get3A_11, %dot_general3A {dimension_numbers = #tpu.dot_dimension_numbers<[1], [0], [0], [1], [0, 0, 1, 1], [], []>, transpose_lhs_hint = false} : vector<1000x128xf32>, vector<128x128xf32>, vector<1000x128xf32> -> vector<1000x128xf32>
    %get3A_13 = arith.constant 0 : index
    %get3A_14 = arith.constant 0 : index
    %get3A_15 = vector.load %arg3[%get3A_13, %get3A_14] : memref<1x128xf32, #tpu.memory_space<vmem>>, vector<1x128xf32>
    %add3A_16 = vector.broadcast %get3A_15 : vector<1x128xf32> to vector<1000x128xf32>
    %add3A_17 = arith.addf %dot_general3A_12, %add3A_16 : vector<1000x128xf32>
    %max3A = arith.constant 0.000000e+00 : f32
    %max3A_18 = vector.broadcast %max3A : f32 to vector<1000x128xf32>
    %max3A_19 = arith.maximumf %add3A_17, %max3A_18 : vector<1000x128xf32>
    %swap3A = arith.constant 0 : index
    %swap3A_20 = arith.constant 0 : index
    %swap3A_21 = vector.load %arg4[%swap3A, %swap3A_20] : memref<1000x128xf32, #tpu.memory_space<vmem>>, vector<1000x128xf32>
    tpu.vector_store %arg4[%swap3A, %swap3A_20], %max3A_19 {strides = array<i32>} : memref<1000x128xf32, #tpu.memory_space<vmem>>, vector<1000x128xf32>,
    return
  }
  func.func @transform_0(%arg0: i32) -> (i32, i32, i32) {
    %c0_i32 = arith.constant 0 : i32
    %c0_i32_0 = arith.constant 0 : i32
    %c0_i32_1 = arith.constant 0 : i32
    return %c0_i32, %arg0, %c0_i32_0 : i32, i32, i32
  }
  func.func @transform_1(%arg0: i32) -> (i32, i32) {
    %c0_i32 = arith.constant 0 : i32
    %c0_i32_0 = arith.constant 0 : i32
    %c0_i32_1 = arith.constant 0 : i32
    return %c0_i32, %c0_i32_0 : i32, i32
  }
  func.func @transform_2(%arg0: i32) -> (i32, i32) {
    %c0_i32 = arith.constant 0 : i32
    %c0_i32_0 = arith.constant 0 : i32
    %c0_i32_1 = arith.constant 0 : i32
    return %c0_i32, %c0_i32_0 : i32, i32
  }
  func.func @transform_3(%arg0: i32) -> (i32, i32) {
    %c0_i32 = arith.constant 0 : i32
    %c0_i32_0 = arith.constant 0 : i32
    return %arg0, %c0_i32 : i32, i32
  }
}

</mosaic_0001>

<sc_bundles>
// kernel: kernel.6.cloned.1.call-start
scs
__scs_entry_jumppad:
0x0: {  	(pc) =	sbr.rel $0x88, $3  }
0x1: {  	(tag) =	ssettag $0x0;
	lr =	simm.s32 $0x1  }
0x2: {  	[smem:$0x3F9B] =	sst lr;
	_ =	strace $0xD0000000  }
0x3: {  	_ = 	snop  }
0x4: {  	_ = 	snop  }
0x5: {  	_ = 	snop  }
0x6: {  	_ = 	snop  }
0x7: {  	_ = 	snop  }
__scs_overlays_trampoline_lowered:
0x8: {  	[smem:$0x3FAA] =	sst s0  }
0x9: {  	[smem:$0x3FAB] =	sst s1  }
0xa: {  	[smem:$0x3FAC] =	sst s2  }
0xb: {  	[smem:$0x3FAD] =	sst s3  }
0xc: {  	[smem:$0x3FAE] =	sst s4  }
0xd: {  	[smem:$0x3FAF] =	sst s5  }
0xe: {  	[smem:$0x3FB0] =	sst s6  }
0xf: {  	[smem:$0x3FB1] =	sst s7  }
0x10: {  	[smem:$0x3FB2] =	sst s8  }
0x11: {  	[smem:$0x3FB3] =	sst s9;
	s0 =	simm.s32 @!p0 $0x0  }
0x12: {  	s1 =	sld [smem:$0x3F99];
	s0 =	simm.s32 @p0 $0x1  }
0x13: {  	[smem:$0x3FB4] =	sst s0;
	s0 =	simm.s32 @!p1 $0x0  }
0x14: {  	s2 =	sld [smem:$0x3F98];
	s0 =	simm.s32 @p1 $0x1  }
0x15: {  	[smem:$0x3FB5] =	sst s0;
	s0 =	simm.s32 @!p2 $0x0  }
0x16: {  	s3 =	sld [smem:$0x3FDB];
	s0 =	simm.s32 @p2 $0x1  }
0x17: {  	s4 =	simm.s32 $0x1BF5;
	[smem:$0x3FB7] =	sst s0  }
0x18: {  	s0 =	sld [smem:$0x3F9A];
	_ =	swait.ge [sflag:s4], $0x0  }
0x19: {  	s7 =	sld [smem:$0x3F9B]  }
0x1a: {  	s8 =	sadd.s32 $0xFFFFE003, lr  }
0x1b: {  	s9 =	sadd.s32 $0xFFFFFEF7, lr;
	s5 =	simm.s32 $0xFFFFFFFF;
	p2 =	slt.u32 s8, $0xFFFFF086  }
0x1c: {  	p1 =	slt.u32 s9, $0xF7A;
	s5 =	simm.s32 @!p2 $0x0  }
0x1d: {  	s5 =	simm.s32 @p1 $0x1;
	p0 =	seq.s32 s7, s2  }
0x1e: {  	s7 =	smul.u32 @!p0 $0xF7A, s2;
	p2 =	seq.s32 @!p0 s5, $0x0  }
0x1f: {  	s9 =	smul.u32 $0xF7A, s1;
	s8 =	simm.s32 @!p0 $0x1BF5;
	p2 =	por !p2, p0  }
0x20: {  	[sflag:s8] =	ssyncset.s32 @!p0 $0xFFFFF086;
	s6 =	sadd.s32 @!p0 s3, s7;
	s7 =	simm.s32 @!p0 $0x108  }
0x21: {  	s3 =	sadd.s32 s3, s9;
	s6 =	sadd.s32 @!p0 $0x88, s6;
	s7 =	simm.s32 @p2 $0x1082  }
0x22: {  	[simem:s7], [sflag:s8] =	dma.local @!p0 [hbm:s6], $0xF7A  }
0x23: {  	s9 =	sor.u32 $0xD0000000, s2;
	s6 =	simm.s32 $0x108;
	_ =	swait.ge @!p0 [sflag:s8], $0x0  }
0x24: {  	s3 =	sadd.s32 $0x88, s3;
	s6 =	simm.s32 @!p1 $0x1082;
	[sflag:s4] =	ssyncset.s32 $0xFFFFF086  }
0x25: {  	[simem:s6], [sflag:s4] =	dma.local [hbm:s3], $0xF7A  }
0x26: {  	[smem:$0x3F9B] =	sst s1;
	(tag) =	ssettag s2;
	_ =	strace s9  }
0x27: {  	s1 =	sld [smem:$0x3FAB]  }
0x28: {  	s2 =	sld [smem:$0x3FAC]  }
0x29: {  	s4 =	sld [smem:$0x3FAE]  }
0x2a: {  	p0 =	seq.s32 s5, $0x0;
	s5 =	sld [smem:$0x3FAF]  }
0x2b: {  	s6 =	sld [smem:$0x3FB0]  }
0x2c: {  	s7 =	sld [smem:$0x3FB1]  }
0x2d: {  	s3 =	simm.s32 $0x108;
	s8 =	sld [smem:$0x3FB2]  }
0x2e: {  	s3 =	simm.s32 @!p0 $0x1082;
	s9 =	sld [smem:$0x3FB3]  }
0x2f: {  	lr =	sadd.s32 s0, s3;
	s0 =	sld [smem:$0x3FAA]  }
0x30: {  	s3 =	sld [smem:$0x3FAD]  }
0x31: {  	[smem:$0x3FB6] =	sst s10  }
0x32: {  	s10 =	sld [smem:$0x3FB4];
	_ =	sdelay $0x3  }
0x33: {  	p0 =	seq.s32 s10, $0x1;
	s10 =	sld [smem:$0x3FB6];
	_ =	sdelay $0x3  }
0x34: {  	[smem:$0x3FB6] =	sst s10  }
0x35: {  	s10 =	sld [smem:$0x3FB5];
	_ =	sdelay $0x3  }
0x36: {  	p1 =	seq.s32 s10, $0x1;
	s10 =	sld [smem:$0x3FB6];
	_ =	sdelay $0x3  }
0x37: {  	[smem:$0x3FB6] =	sst s10  }
0x38: {  	s10 =	sld [smem:$0x3FB7]  }
0x39: {  	_ = 	snop;
	(pc) =	sbr.ind lr, $3  }
0x3a: {  	_ = 	snop  }
0x3b: {  	_ = 	snop  }
0x3c: {  	p2 =	seq.s32 s10, $0x1;
	s10 =	sld [smem:$0x3FB6]  }
0x3d: {  	_ =	shalt  }
0x3e: {  	_ =	shalt  }
0x3f: {  	_ =	shalt  }
0x40: {  	_ =	shalt  }
0x41: {  	_ =	shalt  }
0x42: {  	_ =	shalt  }
0x43: {  	_ =	shalt  }
0x44: {  	_ =	shalt  }
0x45: {  	_ =	shalt  }
0x46: {  	_ =	shalt  }
0x47: {  	_ =	shalt  }
0x48: {  	_ =	shalt  }
0x49: {  	_ =	shalt  }
0x4a: {  	_ =	shalt  }
0x4b: {  	_ =	shalt  }
0x4c: {  	_ =	shalt  }
0x4d: {  	_ =	shalt  }
0x4e: {  	_ =	shalt  }
0x4f: {  	_ =	shalt  }
0x50: {  	_ =	shalt  }
0x51: {  	_ =	shalt  }
0x52: {  	_ =	shalt  }
0x53: {  	_ =	shalt  }
0x54: {  	_ =	shalt  }
0x55: {  	_ =	shalt  }
0x56: {  	_ =	shalt  }
0x57: {  	_ =	shalt  }
0x58: {  	_ =	shalt  }
0x59: {  	_ =	shalt  }
0x5a: {  	_ =	shalt  }
0x5b: {  	_ =	shalt  }
0x5c: {  	_ =	shalt  }
0x5d: {  	_ =	shalt  }
0x5e: {  	_ =	shalt  }
0x5f: {  	_ =	shalt  }
0x60: {  	_ =	shalt  }
0x61: {  	_ =	shalt  }
0x62: {  	_ =	shalt  }
0x63: {  	_ =	shalt  }
0x64: {  	_ =	shalt  }
0x65: {  	_ =	shalt  }
0x66: {  	_ =	shalt  }
0x67: {  	_ =	shalt  }
0x68: {  	_ =	shalt  }
0x69: {  	_ =	shalt  }
0x6a: {  	_ =	shalt  }
0x6b: {  	_ =	shalt  }
0x6c: {  	_ =	shalt  }
0x6d: {  	_ =	shalt  }
0x6e: {  	_ =	shalt  }
0x6f: {  	_ =	shalt  }
0x70: {  	_ =	shalt  }
0x71: {  	_ =	shalt  }
0x72: {  	_ =	shalt  }
0x73: {  	_ =	shalt  }
0x74: {  	_ =	shalt  }
0x75: {  	_ =	shalt  }
0x76: {  	_ =	shalt  }
0x77: {  	_ =	shalt  }
0x78: {  	_ =	shalt  }
0x79: {  	_ =	shalt  }
0x7a: {  	_ =	shalt  }
0x7b: {  	_ =	shalt  }
0x7c: {  	_ =	shalt  }
0x7d: {  	_ =	shalt  }
0x7e: {  	_ =	shalt  }
0x7f: {  	_ =	shalt  }
0x80: {  	_ =	shalt  }
0x81: {  	_ =	shalt  }
0x82: {  	_ =	shalt  }
0x83: {  	_ =	shalt  }
0x84: {  	_ =	shalt  }
0x85: {  	_ =	shalt  }
0x86: {  	_ =	shalt  }
0x87: {  	_ =	shalt  }
.Lfunc_end0:
.L_simem_size_0:
called_computation_lowered:
.L_overlay_start_0:
0x88: {  	s2 =	sld [smem:$0x3FD9]  }
0x89: {  	s3 =	sld [smem:$0x3FFE];
	_ =	sdelay $0x1  }
0x8a: {  	s1 =	srdreg.scid  }
0x8b: {  	s0 =	sand.u32 $0x1, s1  }
0x8c: {  	s17 =	sshll.u32 s0, $0xA;
	s2 =	sadd.s32 s3, s2  }
0x8d: {  	s2 =	sadd.s32 s2, s17  }
0x8e: {  	[smem:$0x3FC2] =	sst s2  }
0x8f: {  	_ = 	snop  }
0x90: {  	s2 =	sld [smem:$0x3FC9];
	(tm) =	ssettm $0x1  }
0x91: {  	s18 =	sld [smem:$0x3FFB];
	_ =	sdelay $0x3  }
0x92: {  	_ =	strace s18  }
0x93: {  	s3 =	sld [smem:$0x3FFC];
	_ =	sdelay $0x3  }
0x94: {  	_ =	strace s3  }
0x95: {  	s3 =	sld [smem:$0x3FFD];
	_ =	sdelay $0x3  }
0x96: {  	_ =	strace s3  }
0x97: {  	_ =	strace $0x8FFFFFFF  }
0x98: {  	s19 =	sld [smem:$0x3FDB];
	_ =	sdelay $0x1  }
0x99: {  	s4 =	simm.s32 $_scs_section_size  }
0x9a: {  	s5 =	simm.s32 $_size__tile_overlayer_lowered;
	s6 =	simm.s32 $_tile_overlayer_lowered  }
0x9b: {  	s22 =	simm.s32 $0x1BFF;
	s21 =	sshll.u32 s6, $0x1;
	s3 =	sadd.s32 s4, s19  }
0x9c: {  	s7 =	simm.s32 $0x0;
	s20 =	sshll.u32 s5, $0x1;
	s5 =	sadd.s32 s21, s3  }
0x9d: {  	[timem:s7], [sflag:s22] =	dma.local [hbm:s5], s20  }
0x9e: {  	_ =	swait.ge [sflag:s22], s20  }
0x9f: {  	s4 =	ssub.s32 $0x0, s20;
	[sflag:s22] =	ssyncset.done $0x0  }
0xa0: {  	[sflag:s22] =	ssyncadd.s32 s4;
	_ =	sdelay $0x1  }
0xa1: {  	s23 =	simm.s32 $0x1B8B  }
0xa2: {  	_ =	swait.ge [sflag:s23], $0x1  }
0xa3: {  	[sflag:s23] =	ssyncset.done $0x0  }
0xa4: {  	s25 =	simm.s32 $0x1B8E;
	s24 =	sld [smem:$0x3FFE];
	[sflag:s23] =	ssyncadd.s32 $0xFFFFFFFF  }
0xa5: {  	s26 =	simm.s32 $execute0_lowered;
	[smem:$0x3FD2] =	sst s25  }
0xa6: {  	s5 =	sshll.u32 s26, $0x1;
	_ =	strace $0x80000046;
	[dreg:$0x1] =	wrdreg $0xFFFFFFFF  }
0xa7: {  	s28 =	simm.s32 $_size_execute0_lowered;
	s3 =	sadd.s32 s3, s5;
	[dreg:$0x0] =	wrdreg $0x0  }
0xa8: {  	s5 =	sshll.u32 s28, $0x1;
	[dreg:$0x2] =	wrdreg s3  }
0xa9: {  	[dreg:$0x3] =	wrdreg s5  }
0xaa: {  	[dreg:$0x4] =	wrdreg $0xC0  }
0xab: {  	_ =	task [dreg:s7], $0x5FFFF  }
0xac: {  	[dreg:$0x1] =	wrdreg $0xFFFFFFFF  }
0xad: {  	[dreg:$0x0] =	wrdreg $0x60  }
0xae: {  	[dreg:$0x2] =	wrdreg s2  }
0xaf: {  	[dreg:$0x3] =	wrdreg s24  }
0xb0: {  	[dreg:$0x4] =	wrdreg $0xA6000  }
0xb1: {  	[dreg:$0x5] =	wrdreg $0x9  }
0xb2: {  	_ =	task.clear_ibuf [dreg:s7], $0x6FFFF;
	_ =	strace $0x90000046  }
0xb3: {  	s29 =	simm.s32 $0x9;
	_ =	strace $0x80000048  }
0xb4: {  	_ =	swait.ge [sflag:s29], $0x1  }
0xb5: {  	[sflag:s29] =	ssyncadd.s32 $0xFFFFFFFF  }
0xb6: {  	_ =	strace $0x90000048  }
0xb7: {  	_ =	sfence  }
0xb8: {  	s30 =	sld [smem:$0x0];
	_ =	sdelay $0x2  }
0xb9: {  	s31 =	sshll.u32 s1, $0xD;
	s1 =	sshrl.u32 s1, $0x2  }
0xba: {  	s3 =	sand.u32 $0x4000, s31;
	s1 =	sadd.s32 s1, s30  }
0xbb: {  	s0 =	sor.u32 s3, s0;
	s1 =	sshll.u32 s1, $0x11  }
0xbc: {  	s0 =	sor.u32 s1, s0  }
0xbd: {  	s0 =	sadd.s32 $0x8F2B, s0  }
0xbe: {  	[sflag:s0] =	ssyncadd.remote.s32 $0x1  }
0xbf: {  	_ =	sfence.sel $0xFFFF  }
0xc0: {  	[dreg:$0x0] =	wrdreg $0xFFFFFFFF;
	(pc) =	sbr.abs _section_cstart, $3  }
0xc1: {  	[dreg:$0x1] =	wrdreg $0xFFFFFFFF  }
0xc2: {  	_ =	task.clear_ibuf [dreg:s7], $0x2FFFF;
	_ =	strace $0x9FFFFFFF  }
0xc3: {  	(tm) =	ssettm $0x7FFFFFFF  }
tec
execute0_lowered:
.L_overlay_start_1:
0x0: {  	(tag) =	ssettag $0x1  }
0x1: {  	s1 =	rddreg [dreg:$0x0];
	s12 =	stileid.u32  }
0x2: {  	s3 =	srdreg.scid;
	s6 =	smul.u32 $0x14000, s12  }
0x3: {  	s0 =	rddreg [dreg:$0x1];
	s3 =	sand.u32 $0x1, s3;
	s9 =	smul.u32 $0x50000, s12  }
0x4: {  	s2 =	rddreg [dreg:$0x2];
	s5 =	smul.u32 $0x140000, s3  }
0x5: {  	s7 =	sshll.u32 s3, $0x4;
	s22 =	ssub.s32 $0x2, s3;
	s3 =	smul.u32 $0x27100, s3  }
0x6: {  	s4 =	simm.s32 $0x0;
	s7 =	sor.u32 s12, s7;
	s12 =	smul.u32 $0x2710, s12  }
0x7: {  	[smem:$0x7FF] =	sst s4;
	s8 =	sadd.s32 $0xAC00, s0;
	s21 =	smul.u32 $0x2710, s7  }
0x8: {  	s10 =	sadd.s32 $0xE00, s0;
	_ =	strace $0x80000047;
	s5 =	sadd.s32 s6, s5  }
0x9: {  	s5 =	sshrl.u32 s5, $0x3;
	s3 =	sadd.s32 s12, s3;
	s6 =	sshrl.u32 s21, $0x3  }
0xa: {  	s0 =	sadd.s32 s5, s0;
	s17 =	sadd.s32 $0x2D0, s3;
	s24 =	sadd.s32 s8, s6  }
0xb: {  	s19 =	sshrl.u32 s17, $0x3;
	s17 =	sadd.s32 s10, s6;
	[dreg:$0xc] =	wrdreg s24  }
0xc: {  	s25 =	sadd.s32 $0xA, s6;
	s0 =	sadd.s32 $0x14A00, s0;
	[dreg:$0x19] =	wrdreg s17  }
0xd: {  	s7 =	sshrl.u32 s9, $0x2;
	s11 =	sadd.s32 s8, s25;
	[dreg:$0x1f] =	wrdreg s0  }
0xe: {  	s26 =	sadd.s32 $0x14, s6;
	s9 =	sadd.s32 s10, s25;
	[dreg:$0xd] =	wrdreg s11  }
0xf: {  	s14 =	sadd.s32 $0x1E, s6;
	s13 =	sadd.s32 s8, s26;
	[dreg:$0xe] =	wrdreg s9  }
0x10: {  	s16 =	sadd.s32 $0x28, s6;
	s15 =	sadd.s32 s8, s14;
	[dreg:$0xf] =	wrdreg s13  }
0x11: {  	s23 =	sshrl.u32 s22, $0x1;
	s18 =	sadd.s32 s8, s16;
	[dreg:$0x11] =	wrdreg s15  }
0x12: {  	s20 =	sadd.s32 $0x32, s6;
	s21 =	sadd.s32 s19, s10;
	[dreg:$0x13] =	wrdreg s18  }
0x13: {  	s5 =	ssub.s32 s22, s23;
	s23 =	sadd.s32 s8, s20;
	[dreg:$0x4] =	wrdreg s21  }
0x14: {  	s11 =	sadd.s32 s10, s26;
	[dreg:$0x15] =	wrdreg s23  }
0x15: {  	s9 =	sadd.s32 s10, s14;
	[dreg:$0x10] =	wrdreg s11  }
0x16: {  	[dreg:$0x12] =	wrdreg s9;
	s9 =	sadd.s32 s10, s16  }
0x17: {  	s26 =	sadd.s32 $0x4C4, s6;
	s11 =	sadd.s32 s10, s20;
	[dreg:$0x14] =	wrdreg s9  }
0x18: {  	s13 =	sadd.s32 $0x280, s3;
	s14 =	sadd.s32 s8, s26;
	[dreg:$0x16] =	wrdreg s11  }
0x19: {  	s22 =	sshrl.u32 s13, $0x3;
	s9 =	sadd.s32 s19, s8;
	[dreg:$0x17] =	wrdreg s14  }
0x1a: {  	s25 =	sadd.s32 $0x230, s3;
	s24 =	sadd.s32 s22, s10;
	[dreg:$0x5] =	wrdreg s9  }
0x1b: {  	s3 =	sadd.s32 $0x1E0, s3;
	s12 =	sadd.s32 s22, s8;
	[dreg:$0x6] =	wrdreg s24  }
0x1c: {  	s3 =	sshrl.u32 s3, $0x3;
	s11 =	sadd.s32 s10, s26;
	[dreg:$0x7] =	wrdreg s12  }
0x1d: {  	s16 =	sadd.s32 $0x4CE, s6;
	s15 =	sadd.s32 s3, s10;
	[dreg:$0x18] =	wrdreg s11  }
0x1e: {  	s18 =	sadd.s32 s8, s16;
	[dreg:$0xa] =	wrdreg s15  }
0x1f: {  	s3 =	sadd.s32 s3, s8;
	[dreg:$0x1a] =	wrdreg s18  }
0x20: {  	s19 =	smax.u32 s5, $0x1;
	[dreg:$0xb] =	wrdreg s3  }
0x21: {  	s9 =	sshrl.u32 s25, $0x3;
	s11 =	sadd.s32 s7, s2;
	[smem:$0x7F6] =	sst s19  }
0x22: {  	s30 =	simm.s32 $0x300;
	s13 =	sadd.s32 s9, s10;
	[dreg:$0x1e] =	wrdreg s11  }
0x23: {  	s6 =	sadd.s32 $0x4D8, s6;
	s9 =	sadd.s32 s9, s8;
	[dreg:$0x8] =	wrdreg s13  }
0x24: {  	s28 =	simm.s32 $0x9;
	s8 =	sadd.s32 s8, s6;
	[dreg:$0x9] =	wrdreg s9  }
0x25: {  	s29 =	simm.s32 $0x7;
	s6 =	sadd.s32 s10, s6;
	[dreg:$0x1c] =	wrdreg s8  }
0x26: {  	s31 =	simm.s32 $0xA;
	s20 =	sadd.s32 $0x2800, s11;
	[dreg:$0x1d] =	wrdreg s6  }
0x27: {  	s0 =	simm.s32 $0x8;
	s21 =	sadd.s32 $0x5000, s11;
	[smem:$0x7F7] =	sst s20  }
0x28: {  	s14 =	simm.s32 $0x1;
	s22 =	sadd.s32 $0x7800, s11;
	[smem:$0x7F8] =	sst s21  }
0x29: {  	s5 =	simm.s32 $0x80;
	s23 =	sadd.s32 $0xA000, s11;
	[smem:$0x7F9] =	sst s22  }
0x2a: {  	s15 =	simm.s32 $0x50;
	s24 =	sadd.s32 $0xC800, s11;
	[smem:$0x7FA] =	sst s23  }
0x2b: {  	s18 =	simm.s32 $0x3;
	s25 =	sadd.s32 $0xF000, s11;
	[smem:$0x7FB] =	sst s24  }
0x2c: {  	s3 =	simm.s32 $0x400;
	s26 =	sadd.s32 $0x11800, s11;
	[smem:$0x7FC] =	sst s25  }
0x2d: {  	s12 =	simm.s32 $0x100;
	s9 =	sadd.s32 s10, s16;
	[smem:$0x7FD] =	sst s26  }
0x2e: {  	s8 =	simm.s32 $0x600;
	s13 =	simm.s32 $0xD;
	s21 =	simm.s32 $0x200  }
0x2f: {  	s16 =	simm.s32 $0x2;
	s20 =	simm.s32 $0x5;
	s22 =	simm.s32 $0x4  }
0x30: {  	s25 =	simm.s32 $0x6;
	s26 =	simm.s32 $0x480;
	s23 =	simm.s32 $0xB  }
0x31: {  	v0 =	vimm.f32 $0.0e+00;
	s6 =	simm.s32 $0xC;
	[dreg:$0x1b] =	wrdreg s9;
	s9 =	simm.s32 $0x0  }
.LBB2_1:
0x32: {  	[smem:$0x7F5] =	sst s9;
	s7 =	simm.s32 $0x0;
	s9 =	simm.s32 $0x200  }
.LBB2_2:
0x33: {  	p0 =	sne.s32 s9, $0x9E00;
	[tilespmem:s7+$0x670] =	vst v0  }
0x34: {  	[tilespmem:s7+$0x600] =	vst v0  }
0x35: {  	[tilespmem:s7+$0x610] =	vst v0  }
.Ltmp0:
0x36: {  	[tilespmem:s7+$0x620] =	vst v0;
	(pc) =	sbr.rel @p0 .LBB2_2-.Ltmp0, $4  }
0x37: {  	[tilespmem:s7+$0x630] =	vst v0  }
0x38: {  	[tilespmem:s7+$0x640] =	vst v0  }
0x39: {  	[tilespmem:s7+$0x650] =	vst v0  }
0x3a: {  	[tilespmem:s7+$0x660] =	vst v0;
	s7 =	sshra.s32 s9, $0x2;
	s9 =	sadd.s32 $0x200, s9  }
0x3b: {  	[tilespmem:s7+$0x670] =	vst v0  }
0x3c: {  	[tilespmem:s7+$0x600] =	vst v0  }
0x3d: {  	[tilespmem:s7+$0x610] =	vst v0  }
0x3e: {  	[tilespmem:s7+$0x620] =	vst v0  }
0x3f: {  	[tilespmem:s7+$0x630] =	vst v0  }
0x40: {  	[tilespmem:s7+$0x640] =	vst v0  }
0x41: {  	[tilespmem:s7+$0x650] =	vst v0  }
0x42: {  	[tilespmem:s7+$0x660] =	vst v0  }
0x43: {  	[spmem:s11] =	stream.linear.scatter [tilespmem:s8], [sflag:$0xD], $0x2800, $0x38;
	[tilespmem:$0x1E600] =	vst v63  }
0x44: {  	_ =	swait.ge [sflag:s13], $0x2800  }
0x45: {  	s11 =	sld [smem:$0x7F7]  }
0x46: {  	[sflag:s13] =	ssyncset.done $0x0  }
0x47: {  	[sflag:s13] =	ssyncadd.s32 $0xFFFFD800  }
0x48: {  	[spmem:s11] =	stream.linear.scatter [tilespmem:s8], [sflag:$0xD], $0x2800, $0x38;
	[tilespmem:$0x1E600] =	vst v63  }
0x49: {  	_ =	swait.ge [sflag:s13], $0x2800  }
0x4a: {  	s17 =	sld [smem:$0x7F8]  }
0x4b: {  	[sflag:s13] =	ssyncset.done $0x0  }
0x4c: {  	[sflag:s13] =	ssyncadd.s32 $0xFFFFD800  }
0x4d: {  	[spmem:s17] =	stream.linear.scatter [tilespmem:s8], [sflag:$0xD], $0x2800, $0x38;
	[tilespmem:$0x1E600] =	vst v63  }
0x4e: {  	_ =	swait.ge [sflag:s13], $0x2800  }
0x4f: {  	s19 =	sld [smem:$0x7F9]  }
0x50: {  	[sflag:s13] =	ssyncset.done $0x0  }
0x51: {  	[sflag:s13] =	ssyncadd.s32 $0xFFFFD800  }
0x52: {  	[spmem:s19] =	stream.linear.scatter [tilespmem:s8], [sflag:$0xD], $0x2800, $0x38;
	[tilespmem:$0x1E600] =	vst v63  }
0x53: {  	_ =	swait.ge [sflag:s13], $0x2800  }
0x54: {  	s24 =	sld [smem:$0x7FA]  }
0x55: {  	[sflag:s13] =	ssyncset.done $0x0  }
0x56: {  	[sflag:s13] =	ssyncadd.s32 $0xFFFFD800  }
0x57: {  	[spmem:s24] =	stream.linear.scatter [tilespmem:s8], [sflag:$0xD], $0x2800, $0x38;
	[tilespmem:$0x1E600] =	vst v63  }
0x58: {  	_ =	swait.ge [sflag:s13], $0x2800  }
0x59: {  	s9 =	sld [smem:$0x7FB]  }
0x5a: {  	[sflag:s13] =	ssyncset.done $0x0  }
0x5b: {  	[sflag:s13] =	ssyncadd.s32 $0xFFFFD800  }
0x5c: {  	[spmem:s9] =	stream.linear.scatter [tilespmem:s8], [sflag:$0xD], $0x2800, $0x38;
	[tilespmem:$0x1E600] =	vst v63  }
0x5d: {  	_ =	swait.ge [sflag:s13], $0x2800  }
0x5e: {  	s10 =	sld [smem:$0x7FC]  }
0x5f: {  	[sflag:s13] =	ssyncset.done $0x0  }
0x60: {  	[sflag:s13] =	ssyncadd.s32 $0xFFFFD800  }
0x61: {  	[spmem:s10] =	stream.linear.scatter [tilespmem:s8], [sflag:$0xD], $0x2800, $0x38;
	[tilespmem:$0x1E600] =	vst v63  }
0x62: {  	_ =	swait.ge [sflag:s13], $0x2800  }
0x63: {  	s11 =	sld [smem:$0x7FD]  }
0x64: {  	[sflag:s13] =	ssyncset.done $0x0  }
0x65: {  	[sflag:s13] =	ssyncadd.s32 $0xFFFFD800  }
0x66: {  	[spmem:s11] =	stream.linear.scatter [tilespmem:s8], [sflag:$0xD], $0x2800, $0x38;
	[tilespmem:$0x1E600] =	vst v63  }
0x67: {  	_ =	swait.ge [sflag:s13], $0x2800  }
0x68: {  	[sflag:s13] =	ssyncset.done $0x0  }
0x69: {  	[sflag:s13] =	ssyncadd.s32 $0xFFFFD800  }
0x6a: {  	[bflag:$0x0] =	sbarrier.arrive $0xFFFF  }
0x6b: {  	s7 =	simm.s32 $0x0;
	s9 =	rddreg [dreg:$0xc]  }
0x6c: {  	[tilespmem:s7], [sflag:$0x1] =	stream.linear.gather [hbm4b:s9+s7], $0x50, $0x38;
	[tilespmem:$0x1E600] =	vst v63  }
0x6d: {  	s13 =	rddreg [dreg:$0x19]  }
0x6e: {  	[tilespmem:s21], [sflag:$0x1] =	stream.linear.gather [hbm4b:s13+s7], $0x50, $0x38;
	[tilespmem:$0x1E600] =	vst v63  }
0x6f: {  	s17 =	rddreg [dreg:$0xd]  }
0x70: {  	[tilespmem:s5], [sflag:$0x2] =	stream.linear.gather [hbm4b:s17+s7], $0x50, $0x38;
	[tilespmem:$0x1E600] =	vst v63  }
0x71: {  	s24 =	simm.s32 $0x280;
	s19 =	rddreg [dreg:$0xe]  }
0x72: {  	[tilespmem:s24], [sflag:$0x2] =	stream.linear.gather [hbm4b:s19+s7], $0x50, $0x38;
	[tilespmem:$0x1E600] =	vst v63  }
0x73: {  	s10 =	rddreg [dreg:$0xf]  }
0x74: {  	[tilespmem:s12], [sflag:$0x3] =	stream.linear.gather [hbm4b:s10+s7], $0x50, $0x38;
	[tilespmem:$0x1E600] =	vst v63  }
0x75: {  	s11 =	rddreg [dreg:$0x10]  }
0x76: {  	[tilespmem:s30], [sflag:$0x3] =	stream.linear.gather [hbm4b:s11+s7], $0x50, $0x38;
	[tilespmem:$0x1E600] =	vst v63  }
0x77: {  	s13 =	rddreg [dreg:$0x11];
	s17 =	simm.s32 $0x180  }
0x78: {  	[tilespmem:s17], [sflag:$0x4] =	stream.linear.gather [hbm4b:s13+s7], $0x50, $0x38;
	[tilespmem:$0x1E600] =	vst v63  }
0x79: {  	s19 =	rddreg [dreg:$0x12];
	s13 =	simm.s32 $0x380  }
0x7a: {  	[tilespmem:s13], [sflag:$0x4] =	stream.linear.gather [hbm4b:s19+s7], $0x50, $0x38;
	[tilespmem:$0x1E600] =	vst v63  }
0x7b: {  	_ =	swait.ge [sflag:s14], $0x50  }
0x7c: {  	[sflag:s14] =	ssyncset.done $0x0  }
0x7d: {  	[sflag:s14] =	ssyncadd.s32 $0xFFFFFFB0  }
0x7e: {  	_ =	swait.ge [sflag:s14], $0x50  }
0x7f: {  	[sflag:s14] =	ssyncset.done $0x0  }
0x80: {  	[sflag:s14] =	ssyncadd.s32 $0xFFFFFFB0  }
0x81: {  	[tilespmem:s8], [sflag:$0x5] =	stream.indirect.gather [hbm4b:s1+s15], $0x80, s7, s15, $0xb8;
	[tilespmem:$0x1E600] =	vst v63  }
0x82: {  	_ =	swait.ge [sflag:s16], $0x50  }
0x83: {  	[sflag:s16] =	ssyncset.done $0x0  }
0x84: {  	[sflag:s16] =	ssyncadd.s32 $0xFFFFFFB0  }
0x85: {  	_ =	swait.ge [sflag:s16], $0x50  }
0x86: {  	[sflag:s16] =	ssyncset.done $0x0  }
0x87: {  	s19 =	simm.s32 $0x2E00;
	[sflag:s16] =	ssyncadd.s32 $0xFFFFFFB0  }
0x88: {  	[tilespmem:s19], [sflag:$0x6] =	stream.indirect.gather [hbm4b:s1+s15], $0x80, s5, s15, $0xb8;
	[tilespmem:$0x1E600] =	vst v63  }
0x89: {  	_ =	swait.ge [sflag:s18], $0x50  }
0x8a: {  	[sflag:s18] =	ssyncset.done $0x0  }
0x8b: {  	[sflag:s18] =	ssyncadd.s32 $0xFFFFFFB0  }
0x8c: {  	_ =	swait.ge [sflag:s18], $0x50  }
0x8d: {  	[sflag:s18] =	ssyncset.done $0x0  }
0x8e: {  	s10 =	simm.s32 $0x5600;
	[sflag:s18] =	ssyncadd.s32 $0xFFFFFFB0  }
0x8f: {  	[tilespmem:s10], [sflag:$0x7] =	stream.indirect.gather [hbm4b:s1+s15], $0x80, s12, s15, $0xb8;
	[tilespmem:$0x1E600] =	vst v63  }
0x90: {  	_ =	swait.ge [sflag:s20], $0x2800  }
0x91: {  	[sflag:s20] =	ssyncset.done $0x0  }
0x92: {  	[sflag:s20] =	ssyncadd.s32 $0xFFFFD800  }
0x93: {  	v1 =	vld [tilespmem:$0x200]  }
0x94: {  	v2 =	vld [tilespmem:$0x210]  }
0x95: {  	v3 =	vld [tilespmem:$0x220]  }
0x96: {  	v4 =	vld [tilespmem:$0x230]  }
0x97: {  	v5 =	vld [tilespmem:$0x240]  }
0x98: {  	[tilespmem:$0x400] =	vst v1  }
0x99: {  	[tilespmem:$0x410] =	vst v2  }
0x9a: {  	[tilespmem:$0x420] =	vst v3  }
0x9b: {  	[tilespmem:$0x430] =	vst v4  }
0x9c: {  	s24 =	rddreg [dreg:$0x13];
	[tilespmem:$0x440] =	vst v5  }
0x9d: {  	[tilespmem:s7], [sflag:$0x1] =	stream.linear.gather [hbm4b:s24+s7], $0x50, $0x38;
	[tilespmem:$0x1E600] =	vst v63  }
0x9e: {  	s11 =	rddreg [dreg:$0x14]  }
0x9f: {  	[tilespmem:s21], [sflag:$0x1] =	stream.linear.gather [hbm4b:s11+s7], $0x50, $0x38;
	[tilespmem:$0x1E600] =	vst v63  }
0xa0: {  	_ = 	snop  }
0xa1: {  	[spmem:s2] =	stream.indirect.scatter.add.f32 [tilespmem:s8], [sflag:$0x9], $0x80, s3, s15, $0xb8;
	[tilespmem:$0x1E600] =	vst v63  }
0xa2: {  	_ =	swait.ge [sflag:s22], $0x50  }
0xa3: {  	[sflag:s22] =	ssyncset.done $0x0  }
0xa4: {  	[sflag:s22] =	ssyncadd.s32 $0xFFFFFFB0  }
0xa5: {  	_ =	swait.ge [sflag:s22], $0x50  }
0xa6: {  	[sflag:s22] =	ssyncset.done $0x0  }
0xa7: {  	s3 =	simm.s32 $0x7E00;
	[sflag:s22] =	ssyncadd.s32 $0xFFFFFFB0  }
0xa8: {  	[tilespmem:s3], [sflag:$0x8] =	stream.indirect.gather [hbm4b:s1+s15], $0x80, s17, s15, $0xb8;
	[tilespmem:$0x1E600] =	vst v63  }
0xa9: {  	_ =	swait.ge [sflag:s25], $0x2800  }
0xaa: {  	[sflag:s25] =	ssyncset.done $0x0  }
0xab: {  	[sflag:s25] =	ssyncadd.s32 $0xFFFFD800  }
0xac: {  	v1 =	vld [tilespmem:$0x280]  }
0xad: {  	v2 =	vld [tilespmem:$0x290]  }
0xae: {  	v3 =	vld [tilespmem:$0x2A0]  }
0xaf: {  	v4 =	vld [tilespmem:$0x2B0]  }
0xb0: {  	v5 =	vld [tilespmem:$0x2C0]  }
0xb1: {  	[tilespmem:$0x480] =	vst v1  }
0xb2: {  	[tilespmem:$0x490] =	vst v2  }
0xb3: {  	[tilespmem:$0x4A0] =	vst v3  }
0xb4: {  	[tilespmem:$0x4B0] =	vst v4  }
0xb5: {  	s24 =	rddreg [dreg:$0x15];
	[tilespmem:$0x4C0] =	vst v5  }
0xb6: {  	[tilespmem:s5], [sflag:$0x2] =	stream.linear.gather [hbm4b:s24+s7], $0x50, $0x38;
	[tilespmem:$0x1E600] =	vst v63  }
0xb7: {  	s11 =	simm.s32 $0x280;
	s21 =	rddreg [dreg:$0x16]  }
0xb8: {  	[tilespmem:s11], [sflag:$0x2] =	stream.linear.gather [hbm4b:s21+s7], $0x50, $0x38;
	[tilespmem:$0x1E600] =	vst v63  }
0xb9: {  	_ = 	snop  }
0xba: {  	[spmem:s2] =	stream.indirect.scatter.add.f32 [tilespmem:s19], [sflag:$0xA], $0x80, s26, s15, $0xb8;
	[tilespmem:$0x1E600] =	vst v63  }
0xbb: {  	_ =	swait.ge [sflag:s28], $0x2800  }
0xbc: {  	[sflag:s28] =	ssyncset.done $0x0  }
0xbd: {  	[sflag:s28] =	ssyncadd.s32 $0xFFFFD800  }
0xbe: {  	_ =	swait.ge [sflag:s14], $0x50  }
0xbf: {  	[sflag:s14] =	ssyncset.done $0x0  }
0xc0: {  	[sflag:s14] =	ssyncadd.s32 $0xFFFFFFB0  }
0xc1: {  	_ =	swait.ge [sflag:s14], $0x50  }
0xc2: {  	[sflag:s14] =	ssyncset.done $0x0  }
0xc3: {  	[sflag:s14] =	ssyncadd.s32 $0xFFFFFFB0  }
0xc4: {  	[tilespmem:s8], [sflag:$0x5] =	stream.indirect.gather [hbm4b:s1+s15], $0x80, s4, s15, $0xb8;
	[tilespmem:$0x1E600] =	vst v63  }
0xc5: {  	_ =	swait.ge [sflag:s29], $0x2800  }
0xc6: {  	[sflag:s29] =	ssyncset.done $0x0  }
0xc7: {  	[sflag:s29] =	ssyncadd.s32 $0xFFFFD800  }
0xc8: {  	v1 =	vld [tilespmem:$0x300]  }
0xc9: {  	v2 =	vld [tilespmem:$0x320]  }
0xca: {  	v3 =	vld [tilespmem:$0x330]  }
0xcb: {  	v4 =	vld [tilespmem:$0x310]  }
0xcc: {  	v5 =	vld [tilespmem:$0x340]  }
0xcd: {  	[tilespmem:$0x500] =	vst v1  }
0xce: {  	[tilespmem:$0x520] =	vst v2  }
0xcf: {  	[tilespmem:$0x530] =	vst v3  }
0xd0: {  	s24 =	rddreg [dreg:$0xb];
	[tilespmem:$0x510] =	vst v4  }
0xd1: {  	s26 =	rddreg [dreg:$0xa];
	s9 =	sadd.s32 $0x0, s24;
	[tilespmem:$0x540] =	vst v5  }
0xd2: {  	[tilespmem:s12], [sflag:$0x3] =	stream.linear.gather [hbm4b:s9+s4], $0x50, $0x38;
	[tilespmem:$0x1E600] =	vst v63  }
0xd3: {  	s8 =	sadd.s32 $0x0, s26  }
0xd4: {  	[tilespmem:s30], [sflag:$0x3] =	stream.linear.gather [hbm4b:s8+s4], $0x50, $0x38;
	[tilespmem:$0x1E600] =	vst v63  }
0xd5: {  	s11 =	simm.s32 $0x500  }
0xd6: {  	[spmem:s2] =	stream.indirect.scatter.add.f32 [tilespmem:s10], [sflag:$0xB], $0x80, s11, s15, $0xb8;
	[tilespmem:$0x1E600] =	vst v63  }
0xd7: {  	_ =	swait.ge [sflag:s31], $0x2800  }
0xd8: {  	[sflag:s31] =	ssyncset.done $0x0  }
0xd9: {  	[sflag:s31] =	ssyncadd.s32 $0xFFFFD800  }
0xda: {  	_ =	swait.ge [sflag:s16], $0x50  }
0xdb: {  	[sflag:s16] =	ssyncset.done $0x0  }
0xdc: {  	[sflag:s16] =	ssyncadd.s32 $0xFFFFFFB0  }
0xdd: {  	_ =	swait.ge [sflag:s16], $0x50  }
0xde: {  	[sflag:s16] =	ssyncset.done $0x0  }
0xdf: {  	[sflag:s16] =	ssyncadd.s32 $0xFFFFFFB0  }
0xe0: {  	[tilespmem:s19], [sflag:$0x6] =	stream.indirect.gather [hbm4b:s1+s15], $0x80, s5, s15, $0xb8;
	[tilespmem:$0x1E600] =	vst v63  }
0xe1: {  	_ =	swait.ge [sflag:s0], $0x2800  }
0xe2: {  	[sflag:s0] =	ssyncset.done $0x0  }
0xe3: {  	[sflag:s0] =	ssyncadd.s32 $0xFFFFD800  }
0xe4: {  	v1 =	vld [tilespmem:$0x3B0]  }
0xe5: {  	v2 =	vld [tilespmem:$0x390]  }
0xe6: {  	v3 =	vld [tilespmem:$0x3C0]  }
0xe7: {  	v4 =	vld [tilespmem:$0x3A0]  }
0xe8: {  	v5 =	vld [tilespmem:$0x380]  }
0xe9: {  	[tilespmem:$0x5B0] =	vst v1  }
0xea: {  	[tilespmem:$0x590] =	vst v2  }
0xeb: {  	[tilespmem:$0x5C0] =	vst v3  }
0xec: {  	s21 =	rddreg [dreg:$0x9];
	[tilespmem:$0x5A0] =	vst v4  }
0xed: {  	s24 =	rddreg [dreg:$0x8];
	s9 =	sadd.s32 $0x0, s21;
	[tilespmem:$0x580] =	vst v5  }
0xee: {  	[tilespmem:s17], [sflag:$0x4] =	stream.linear.gather [hbm4b:s9+s4], $0x50, $0x38;
	[tilespmem:$0x1E600] =	vst v63  }
0xef: {  	s26 =	sadd.s32 $0x0, s24  }
0xf0: {  	[tilespmem:s13], [sflag:$0x4] =	stream.linear.gather [hbm4b:s26+s4], $0x50, $0x38;
	[tilespmem:$0x1E600] =	vst v63  }
0xf1: {  	s30 =	simm.s32 $0x580  }
0xf2: {  	[spmem:s2] =	stream.indirect.scatter.add.f32 [tilespmem:s3], [sflag:$0xC], $0x80, s30, s15, $0xb8;
	[tilespmem:$0x1E600] =	vst v63  }
0xf3: {  	_ =	swait.ge [sflag:s23], $0x2800  }
0xf4: {  	[sflag:s23] =	ssyncset.done $0x0  }
0xf5: {  	[sflag:s23] =	ssyncadd.s32 $0xFFFFD800  }
0xf6: {  	_ =	swait.ge [sflag:s18], $0x50  }
0xf7: {  	[sflag:s18] =	ssyncset.done $0x0  }
0xf8: {  	[sflag:s18] =	ssyncadd.s32 $0xFFFFFFB0  }
0xf9: {  	_ =	swait.ge [sflag:s18], $0x50  }
0xfa: {  	[sflag:s18] =	ssyncset.done $0x0  }
0xfb: {  	[sflag:s18] =	ssyncadd.s32 $0xFFFFFFB0  }
0xfc: {  	[tilespmem:s10], [sflag:$0x7] =	stream.indirect.gather [hbm4b:s1+s15], $0x80, s12, s15, $0xb8;
	[tilespmem:$0x1E600] =	vst v63  }
0xfd: {  	_ =	swait.ge [sflag:s20], $0x2800  }
0xfe: {  	[sflag:s20] =	ssyncset.done $0x0  }
0xff: {  	[sflag:s20] =	ssyncadd.s32 $0xFFFFD800  }
0x100: {  	v5 =	vld [tilespmem:$0x240]  }
0x101: {  	v4 =	vld [tilespmem:$0x210]  }
0x102: {  	v2 =	vld [tilespmem:$0x200]  }
0x103: {  	s24 =	simm.s32 $0x200;
	v3 =	vld [tilespmem:$0x230]  }
0x104: {  	s9 =	simm.s32 $0x28;
	s26 =	simm.s32 $0x480;
	s10 =	simm.s32 $0x600;
	v1 =	vld [tilespmem:$0x220]  }
.LBB2_4:
0x105: {  	[tilespmem:$0x440] =	vst v5  }
0x106: {  	[tilespmem:$0x410] =	vst v4  }
0x107: {  	[tilespmem:$0x400] =	vst v2  }
0x108: {  	s13 =	rddreg [dreg:$0x7];
	[tilespmem:$0x430] =	vst v3  }
0x109: {  	s21 =	rddreg [dreg:$0x6];
	s13 =	sadd.s32 s7, s13;
	[tilespmem:$0x420] =	vst v1  }
0x10a: {  	[tilespmem:s4], [sflag:$0x1] =	stream.linear.gather [hbm4b:s13+s4], $0x50, $0x38;
	[tilespmem:$0x1E600] =	vst v63  }
0x10b: {  	s21 =	sadd.s32 s7, s21  }
0x10c: {  	[tilespmem:s24], [sflag:$0x1] =	stream.linear.gather [hbm4b:s21+s4], $0x50, $0x38;
	[tilespmem:$0x1E600] =	vst v63  }
0x10d: {  	s3 =	simm.s32 $0x400  }
0x10e: {  	[spmem:s2] =	stream.indirect.scatter.add.f32 [tilespmem:s10], [sflag:$0x9], $0x80, s3, s15, $0xb8;
	[tilespmem:$0x1E600] =	vst v63  }
0x10f: {  	_ =	swait.ge [sflag:s6], $0x2800  }
0x110: {  	[sflag:s6] =	ssyncset.done $0x0  }
0x111: {  	[sflag:s6] =	ssyncadd.s32 $0xFFFFD800  }
0x112: {  	_ =	swait.ge [sflag:s22], $0x50  }
0x113: {  	[sflag:s22] =	ssyncset.done $0x0  }
0x114: {  	[sflag:s22] =	ssyncadd.s32 $0xFFFFFFB0  }
0x115: {  	_ =	swait.ge [sflag:s22], $0x50  }
0x116: {  	[sflag:s22] =	ssyncset.done $0x0  }
0x117: {  	s17 =	simm.s32 $0x7E00;
	s19 =	simm.s32 $0x180;
	[sflag:s22] =	ssyncadd.s32 $0xFFFFFFB0  }
0x118: {  	[tilespmem:s17], [sflag:$0x8] =	stream.indirect.gather [hbm4b:s1+s15], $0x80, s19, s15, $0xb8;
	[tilespmem:$0x1E600] =	vst v63  }
0x119: {  	_ =	swait.ge [sflag:s25], $0x2800  }
0x11a: {  	[sflag:s25] =	ssyncset.done $0x0  }
0x11b: {  	[sflag:s25] =	ssyncadd.s32 $0xFFFFD800  }
0x11c: {  	v1 =	vld [tilespmem:$0x280]  }
0x11d: {  	v2 =	vld [tilespmem:$0x290]  }
0x11e: {  	v3 =	vld [tilespmem:$0x2A0]  }
0x11f: {  	v4 =	vld [tilespmem:$0x2C0]  }
0x120: {  	v5 =	vld [tilespmem:$0x2B0]  }
0x121: {  	[tilespmem:$0x480] =	vst v1  }
0x122: {  	[tilespmem:$0x490] =	vst v2  }
0x123: {  	[tilespmem:$0x4A0] =	vst v3  }
0x124: {  	s3 =	rddreg [dreg:$0x5];
	[tilespmem:$0x4C0] =	vst v4  }
0x125: {  	s8 =	rddreg [dreg:$0x4];
	s13 =	sadd.s32 s7, s3;
	[tilespmem:$0x4B0] =	vst v5  }
0x126: {  	[tilespmem:s5], [sflag:$0x2] =	stream.linear.gather [hbm4b:s13+s4], $0x50, $0x38;
	[tilespmem:$0x1E600] =	vst v63  }
0x127: {  	s30 =	simm.s32 $0x280;
	s21 =	sadd.s32 s7, s8  }
0x128: {  	[tilespmem:s30], [sflag:$0x2] =	stream.linear.gather [hbm4b:s21+s4], $0x50, $0x38;
	[tilespmem:$0x1E600] =	vst v63  }
0x129: {  	s8 =	simm.s32 $0x2E00  }
0x12a: {  	[spmem:s2] =	stream.indirect.scatter.add.f32 [tilespmem:s8], [sflag:$0xA], $0x80, s26, s15, $0xb8;
	[tilespmem:$0x1E600] =	vst v63  }
0x12b: {  	_ =	swait.ge [sflag:s28], $0x2800  }
0x12c: {  	[sflag:s28] =	ssyncset.done $0x0  }
0x12d: {  	[sflag:s28] =	ssyncadd.s32 $0xFFFFD800  }
0x12e: {  	_ =	swait.ge [sflag:s14], $0x50  }
0x12f: {  	[sflag:s14] =	ssyncset.done $0x0  }
0x130: {  	[sflag:s14] =	ssyncadd.s32 $0xFFFFFFB0  }
0x131: {  	_ =	swait.ge [sflag:s14], $0x50  }
0x132: {  	[sflag:s14] =	ssyncset.done $0x0  }
0x133: {  	[sflag:s14] =	ssyncadd.s32 $0xFFFFFFB0  }
0x134: {  	[tilespmem:s10], [sflag:$0x5] =	stream.indirect.gather [hbm4b:s1+s15], $0x80, s4, s15, $0xb8;
	[tilespmem:$0x1E600] =	vst v63  }
0x135: {  	_ =	swait.ge [sflag:s29], $0x2800  }
0x136: {  	[sflag:s29] =	ssyncset.done $0x0  }
0x137: {  	[sflag:s29] =	ssyncadd.s32 $0xFFFFD800  }
0x138: {  	v1 =	vld [tilespmem:$0x300]  }
0x139: {  	v2 =	vld [tilespmem:$0x320]  }
0x13a: {  	v3 =	vld [tilespmem:$0x330]  }
0x13b: {  	v4 =	vld [tilespmem:$0x310]  }
0x13c: {  	v5 =	vld [tilespmem:$0x340]  }
0x13d: {  	[tilespmem:$0x500] =	vst v1  }
0x13e: {  	[tilespmem:$0x520] =	vst v2  }
0x13f: {  	s11 =	smov.u32 s9;
	[tilespmem:$0x530] =	vst v3  }
0x140: {  	s7 =	smov.u32 s11;
	s13 =	rddreg [dreg:$0xb];
	[tilespmem:$0x510] =	vst v4  }
0x141: {  	s3 =	rddreg [dreg:$0xa];
	s11 =	sadd.s32 s7, s13;
	[tilespmem:$0x540] =	vst v5  }
0x142: {  	[tilespmem:s12], [sflag:$0x3] =	stream.linear.gather [hbm4b:s11+s4], $0x50, $0x38;
	[tilespmem:$0x1E600] =	vst v63  }
0x143: {  	s30 =	simm.s32 $0x300;
	s13 =	sadd.s32 s7, s3  }
0x144: {  	[tilespmem:s30], [sflag:$0x3] =	stream.linear.gather [hbm4b:s13+s4], $0x50, $0x38;
	[tilespmem:$0x1E600] =	vst v63  }
0x145: {  	s3 =	simm.s32 $0x5600;
	s13 =	simm.s32 $0x500  }
0x146: {  	[spmem:s2] =	stream.indirect.scatter.add.f32 [tilespmem:s3], [sflag:$0xB], $0x80, s13, s15, $0xb8;
	[tilespmem:$0x1E600] =	vst v63  }
0x147: {  	_ =	swait.ge [sflag:s31], $0x2800  }
0x148: {  	[sflag:s31] =	ssyncset.done $0x0  }
0x149: {  	[sflag:s31] =	ssyncadd.s32 $0xFFFFD800  }
0x14a: {  	_ =	swait.ge [sflag:s16], $0x50  }
0x14b: {  	[sflag:s16] =	ssyncset.done $0x0  }
0x14c: {  	[sflag:s16] =	ssyncadd.s32 $0xFFFFFFB0  }
0x14d: {  	_ =	swait.ge [sflag:s16], $0x50  }
0x14e: {  	[sflag:s16] =	ssyncset.done $0x0  }
0x14f: {  	[sflag:s16] =	ssyncadd.s32 $0xFFFFFFB0  }
0x150: {  	[tilespmem:s8], [sflag:$0x6] =	stream.indirect.gather [hbm4b:s1+s15], $0x80, s5, s15, $0xb8;
	[tilespmem:$0x1E600] =	vst v63  }
0x151: {  	_ =	swait.ge [sflag:s0], $0x2800  }
0x152: {  	[sflag:s0] =	ssyncset.done $0x0  }
0x153: {  	[sflag:s0] =	ssyncadd.s32 $0xFFFFD800  }
0x154: {  	v1 =	vld [tilespmem:$0x3B0]  }
0x155: {  	v2 =	vld [tilespmem:$0x390]  }
0x156: {  	v3 =	vld [tilespmem:$0x3C0]  }
0x157: {  	v4 =	vld [tilespmem:$0x3A0]  }
0x158: {  	v5 =	vld [tilespmem:$0x380]  }
0x159: {  	[tilespmem:$0x5B0] =	vst v1  }
0x15a: {  	[tilespmem:$0x590] =	vst v2  }
0x15b: {  	[tilespmem:$0x5C0] =	vst v3  }
0x15c: {  	s13 =	rddreg [dreg:$0x9];
	[tilespmem:$0x5A0] =	vst v4  }
0x15d: {  	s8 =	rddreg [dreg:$0x8];
	s11 =	sadd.s32 s7, s13;
	[tilespmem:$0x580] =	vst v5  }
0x15e: {  	[tilespmem:s19], [sflag:$0x4] =	stream.linear.gather [hbm4b:s11+s4], $0x50, $0x38;
	[tilespmem:$0x1E600] =	vst v63  }
0x15f: {  	s8 =	sadd.s32 s7, s8;
	s13 =	simm.s32 $0x380  }
0x160: {  	[tilespmem:s13], [sflag:$0x4] =	stream.linear.gather [hbm4b:s8+s4], $0x50, $0x38;
	[tilespmem:$0x1E600] =	vst v63  }
0x161: {  	s19 =	simm.s32 $0x580  }
0x162: {  	[spmem:s2] =	stream.indirect.scatter.add.f32 [tilespmem:s17], [sflag:$0xC], $0x80, s19, s15, $0xb8;
	[tilespmem:$0x1E600] =	vst v63  }
0x163: {  	_ =	swait.ge [sflag:s23], $0x2800  }
0x164: {  	[sflag:s23] =	ssyncset.done $0x0  }
0x165: {  	[sflag:s23] =	ssyncadd.s32 $0xFFFFD800  }
0x166: {  	_ =	swait.ge [sflag:s18], $0x50  }
0x167: {  	[sflag:s18] =	ssyncset.done $0x0  }
0x168: {  	[sflag:s18] =	ssyncadd.s32 $0xFFFFFFB0  }
0x169: {  	_ =	swait.ge [sflag:s18], $0x50  }
0x16a: {  	[sflag:s18] =	ssyncset.done $0x0  }
0x16b: {  	[sflag:s18] =	ssyncadd.s32 $0xFFFFFFB0  }
0x16c: {  	[tilespmem:s3], [sflag:$0x7] =	stream.indirect.gather [hbm4b:s1+s15], $0x80, s12, s15, $0xb8;
	[tilespmem:$0x1E600] =	vst v63  }
0x16d: {  	_ =	swait.ge [sflag:s20], $0x2800  }
0x16e: {  	[sflag:s20] =	ssyncset.done $0x0  }
0x16f: {  	p0 =	sne.s32 s9, $0x460;
	[sflag:s20] =	ssyncadd.s32 $0xFFFFD800  }
.Ltmp1:
0x170: {  	v5 =	vld [tilespmem:$0x240];
	(pc) =	sbr.rel @p0 .LBB2_4-.Ltmp1, $4  }
0x171: {  	v4 =	vld [tilespmem:$0x210]  }
0x172: {  	v2 =	vld [tilespmem:$0x200]  }
0x173: {  	v3 =	vld [tilespmem:$0x230]  }
0x174: {  	s9 =	sadd.s32 $0x28, s9;
	s21 =	simm.s32 $0x280;
	v1 =	vld [tilespmem:$0x220]  }
0x175: {  	[tilespmem:$0x440] =	vst v5  }
0x176: {  	[tilespmem:$0x410] =	vst v4  }
0x177: {  	[tilespmem:$0x400] =	vst v2  }
0x178: {  	s9 =	rddreg [dreg:$0x7];
	[tilespmem:$0x430] =	vst v3  }
0x179: {  	s11 =	rddreg [dreg:$0x6];
	s9 =	sadd.s32 s7, s9;
	[tilespmem:$0x420] =	vst v1  }
0x17a: {  	[tilespmem:s4], [sflag:$0x1] =	stream.linear.gather [hbm4b:s9+s4], $0x50, $0x38;
	[tilespmem:$0x1E600] =	vst v63  }
0x17b: {  	s24 =	simm.s32 $0x200;
	s17 =	sadd.s32 s7, s11  }
0x17c: {  	[tilespmem:s24], [sflag:$0x1] =	stream.linear.gather [hbm4b:s17+s4], $0x50, $0x38;
	[tilespmem:$0x1E600] =	vst v63  }
0x17d: {  	s8 =	simm.s32 $0x400  }
0x17e: {  	[spmem:s2] =	stream.indirect.scatter.add.f32 [tilespmem:s10], [sflag:$0x9], $0x80, s8, s15, $0xb8;
	[tilespmem:$0x1E600] =	vst v63  }
0x17f: {  	_ =	swait.ge [sflag:s6], $0x2800  }
0x180: {  	[sflag:s6] =	ssyncset.done $0x0  }
0x181: {  	[sflag:s6] =	ssyncadd.s32 $0xFFFFD800  }
0x182: {  	_ =	swait.ge [sflag:s22], $0x50  }
0x183: {  	[sflag:s22] =	ssyncset.done $0x0  }
0x184: {  	[sflag:s22] =	ssyncadd.s32 $0xFFFFFFB0  }
0x185: {  	_ =	swait.ge [sflag:s22], $0x50  }
0x186: {  	[sflag:s22] =	ssyncset.done $0x0  }
0x187: {  	s3 =	simm.s32 $0x7E00;
	s17 =	simm.s32 $0x180;
	[sflag:s22] =	ssyncadd.s32 $0xFFFFFFB0  }
0x188: {  	[tilespmem:s3], [sflag:$0x8] =	stream.indirect.gather [hbm4b:s1+s15], $0x80, s17, s15, $0xb8;
	[tilespmem:$0x1E600] =	vst v63  }
0x189: {  	_ =	swait.ge [sflag:s25], $0x2800  }
0x18a: {  	[sflag:s25] =	ssyncset.done $0x0  }
0x18b: {  	[sflag:s25] =	ssyncadd.s32 $0xFFFFD800  }
0x18c: {  	v1 =	vld [tilespmem:$0x280]  }
0x18d: {  	v2 =	vld [tilespmem:$0x290]  }
0x18e: {  	v3 =	vld [tilespmem:$0x2A0]  }
0x18f: {  	v48 =	vld [tilespmem:$0x2C0]  }
0x190: {  	v49 =	vld [tilespmem:$0x2B0]  }
0x191: {  	[tilespmem:$0x480] =	vst v1  }
0x192: {  	[tilespmem:$0x490] =	vst v2  }
0x193: {  	[tilespmem:$0x4A0] =	vst v3  }
0x194: {  	s19 =	rddreg [dreg:$0x5];
	[tilespmem:$0x4C0] =	vst v48  }
0x195: {  	s26 =	rddreg [dreg:$0x4];
	s9 =	sadd.s32 s7, s19;
	[tilespmem:$0x4B0] =	vst v49  }
0x196: {  	[tilespmem:s5], [sflag:$0x2] =	stream.linear.gather [hbm4b:s9+s4], $0x50, $0x38;
	[tilespmem:$0x1E600] =	vst v63  }
0x197: {  	s9 =	sadd.s32 s7, s26  }
0x198: {  	[tilespmem:s21], [sflag:$0x2] =	stream.linear.gather [hbm4b:s9+s4], $0x50, $0x38;
	[tilespmem:$0x1E600] =	vst v63  }
0x199: {  	s19 =	simm.s32 $0x2E00;
	s21 =	simm.s32 $0x480  }
0x19a: {  	[spmem:s2] =	stream.indirect.scatter.add.f32 [tilespmem:s19], [sflag:$0xA], $0x80, s21, s15, $0xb8;
	[tilespmem:$0x1E600] =	vst v63  }
0x19b: {  	_ =	swait.ge [sflag:s28], $0x2800  }
0x19c: {  	[sflag:s28] =	ssyncset.done $0x0  }
0x19d: {  	[sflag:s28] =	ssyncadd.s32 $0xFFFFD800  }
0x19e: {  	_ =	swait.ge [sflag:s14], $0x50  }
0x19f: {  	[sflag:s14] =	ssyncset.done $0x0  }
0x1a0: {  	[sflag:s14] =	ssyncadd.s32 $0xFFFFFFB0  }
0x1a1: {  	_ =	swait.ge [sflag:s14], $0x50  }
0x1a2: {  	[sflag:s14] =	ssyncset.done $0x0  }
0x1a3: {  	[sflag:s14] =	ssyncadd.s32 $0xFFFFFFB0  }
0x1a4: {  	[tilespmem:s10], [sflag:$0x5] =	stream.indirect.gather [hbm4b:s1+s15], $0x80, s4, s15, $0xb8;
	[tilespmem:$0x1E600] =	vst v63  }
0x1a5: {  	_ =	swait.ge [sflag:s29], $0x2800  }
0x1a6: {  	[sflag:s29] =	ssyncset.done $0x0  }
0x1a7: {  	[sflag:s29] =	ssyncadd.s32 $0xFFFFD800  }
0x1a8: {  	v1 =	vld [tilespmem:$0x300]  }
0x1a9: {  	v2 =	vld [tilespmem:$0x310]  }
0x1aa: {  	v3 =	vld [tilespmem:$0x320]  }
0x1ab: {  	v50 =	vld [tilespmem:$0x330]  }
0x1ac: {  	v51 =	vld [tilespmem:$0x340]  }
0x1ad: {  	[tilespmem:$0x500] =	vst v1  }
0x1ae: {  	[tilespmem:$0x510] =	vst v2  }
0x1af: {  	[tilespmem:$0x520] =	vst v3  }
0x1b0: {  	[tilespmem:$0x530] =	vst v50  }
0x1b1: {  	s11 =	rddreg [dreg:$0x17];
	[tilespmem:$0x540] =	vst v51  }
0x1b2: {  	[tilespmem:s12], [sflag:$0x3] =	stream.linear.gather [hbm4b:s11+s4], $0x50, $0x38;
	[tilespmem:$0x1E600] =	vst v63  }
0x1b3: {  	s26 =	rddreg [dreg:$0x18]  }
0x1b4: {  	[tilespmem:s30], [sflag:$0x3] =	stream.linear.gather [hbm4b:s26+s4], $0x50, $0x38;
	[tilespmem:$0x1E600] =	vst v63  }
0x1b5: {  	s11 =	simm.s32 $0x500;
	s26 =	simm.s32 $0x5600  }
0x1b6: {  	[spmem:s2] =	stream.indirect.scatter.add.f32 [tilespmem:s26], [sflag:$0xB], $0x80, s11, s15, $0xb8;
	[tilespmem:$0x1E600] =	vst v63  }
0x1b7: {  	_ =	swait.ge [sflag:s31], $0x2800  }
0x1b8: {  	[sflag:s31] =	ssyncset.done $0x0  }
0x1b9: {  	[sflag:s31] =	ssyncadd.s32 $0xFFFFD800  }
0x1ba: {  	_ =	swait.ge [sflag:s16], $0x50  }
0x1bb: {  	[sflag:s16] =	ssyncset.done $0x0  }
0x1bc: {  	[sflag:s16] =	ssyncadd.s32 $0xFFFFFFB0  }
0x1bd: {  	_ =	swait.ge [sflag:s16], $0x50  }
0x1be: {  	[sflag:s16] =	ssyncset.done $0x0  }
0x1bf: {  	[sflag:s16] =	ssyncadd.s32 $0xFFFFFFB0  }
0x1c0: {  	[tilespmem:s19], [sflag:$0x6] =	stream.indirect.gather [hbm4b:s1+s15], $0x80, s5, s15, $0xb8;
	[tilespmem:$0x1E600] =	vst v63  }
0x1c1: {  	_ =	swait.ge [sflag:s0], $0x2800  }
0x1c2: {  	[sflag:s0] =	ssyncset.done $0x0  }
0x1c3: {  	[sflag:s0] =	ssyncadd.s32 $0xFFFFD800  }
0x1c4: {  	v1 =	vld [tilespmem:$0x380]  }
0x1c5: {  	v2 =	vld [tilespmem:$0x390]  }
0x1c6: {  	v3 =	vld [tilespmem:$0x3A0]  }
0x1c7: {  	v52 =	vld [tilespmem:$0x3B0]  }
0x1c8: {  	v53 =	vld [tilespmem:$0x3C0]  }
0x1c9: {  	[tilespmem:$0x580] =	vst v1  }
0x1ca: {  	[tilespmem:$0x590] =	vst v2  }
0x1cb: {  	[tilespmem:$0x5A0] =	vst v3  }
0x1cc: {  	[tilespmem:$0x5B0] =	vst v52  }
0x1cd: {  	s9 =	rddreg [dreg:$0x1a];
	[tilespmem:$0x5C0] =	vst v53  }
0x1ce: {  	[tilespmem:s17], [sflag:$0x4] =	stream.linear.gather [hbm4b:s9+s4], $0x50, $0x38;
	[tilespmem:$0x1E600] =	vst v63  }
0x1cf: {  	s9 =	rddreg [dreg:$0x1b]  }
0x1d0: {  	[tilespmem:s13], [sflag:$0x4] =	stream.linear.gather [hbm4b:s9+s4], $0x50, $0x38;
	[tilespmem:$0x1E600] =	vst v63  }
0x1d1: {  	s9 =	simm.s32 $0x580  }
0x1d2: {  	[spmem:s2] =	stream.indirect.scatter.add.f32 [tilespmem:s3], [sflag:$0xC], $0x80, s9, s15, $0xb8;
	[tilespmem:$0x1E600] =	vst v63  }
0x1d3: {  	_ =	swait.ge [sflag:s23], $0x2800  }
0x1d4: {  	[sflag:s23] =	ssyncset.done $0x0  }
0x1d5: {  	[sflag:s23] =	ssyncadd.s32 $0xFFFFD800  }
0x1d6: {  	_ =	swait.ge [sflag:s18], $0x50  }
0x1d7: {  	[sflag:s18] =	ssyncset.done $0x0  }
0x1d8: {  	[sflag:s18] =	ssyncadd.s32 $0xFFFFFFB0  }
0x1d9: {  	_ =	swait.ge [sflag:s18], $0x50  }
0x1da: {  	[sflag:s18] =	ssyncset.done $0x0  }
0x1db: {  	[sflag:s18] =	ssyncadd.s32 $0xFFFFFFB0  }
0x1dc: {  	[tilespmem:s26], [sflag:$0x7] =	stream.indirect.gather [hbm4b:s1+s15], $0x80, s12, s15, $0xb8;
	[tilespmem:$0x1E600] =	vst v63  }
0x1dd: {  	_ =	swait.ge [sflag:s20], $0x2800  }
0x1de: {  	[sflag:s20] =	ssyncset.done $0x0  }
0x1df: {  	[sflag:s20] =	ssyncadd.s32 $0xFFFFD800  }
0x1e0: {  	v1 =	vld [tilespmem:$0x200]  }
0x1e1: {  	v2 =	vld [tilespmem:$0x210]  }
0x1e2: {  	v3 =	vld [tilespmem:$0x220]  }
0x1e3: {  	v54 =	vld [tilespmem:$0x230]  }
0x1e4: {  	v55 =	vld [tilespmem:$0x240]  }
0x1e5: {  	[tilespmem:$0x400] =	vst v1  }
0x1e6: {  	[tilespmem:$0x410] =	vst v2  }
0x1e7: {  	[tilespmem:$0x420] =	vst v3  }
0x1e8: {  	[tilespmem:$0x430] =	vst v54  }
0x1e9: {  	s13 =	rddreg [dreg:$0x1c];
	[tilespmem:$0x440] =	vst v55  }
0x1ea: {  	[tilespmem:s4], [sflag:$0x1] =	stream.linear.gather [hbm4b:s13+s4], $0x50, $0x38;
	[tilespmem:$0x1E600] =	vst v63  }
0x1eb: {  	s13 =	rddreg [dreg:$0x1d]  }
0x1ec: {  	[tilespmem:s24], [sflag:$0x1] =	stream.linear.gather [hbm4b:s13+s4], $0x50, $0x38;
	[tilespmem:$0x1E600] =	vst v63  }
0x1ed: {  	_ = 	snop  }
0x1ee: {  	[spmem:s2] =	stream.indirect.scatter.add.f32 [tilespmem:s10], [sflag:$0x9], $0x80, s8, s15, $0xb8;
	[tilespmem:$0x1E600] =	vst v63  }
0x1ef: {  	_ =	swait.ge [sflag:s6], $0x2800  }
0x1f0: {  	[sflag:s6] =	ssyncset.done $0x0  }
0x1f1: {  	[sflag:s6] =	ssyncadd.s32 $0xFFFFD800  }
0x1f2: {  	_ =	swait.ge [sflag:s22], $0x50  }
0x1f3: {  	[sflag:s22] =	ssyncset.done $0x0  }
0x1f4: {  	[sflag:s22] =	ssyncadd.s32 $0xFFFFFFB0  }
0x1f5: {  	_ =	swait.ge [sflag:s22], $0x50  }
0x1f6: {  	[sflag:s22] =	ssyncset.done $0x0  }
0x1f7: {  	[sflag:s22] =	ssyncadd.s32 $0xFFFFFFB0  }
0x1f8: {  	[tilespmem:s3], [sflag:$0x8] =	stream.indirect.gather [hbm4b:s1+s15], $0x80, s17, s15, $0xb8;
	[tilespmem:$0x1E600] =	vst v63  }
0x1f9: {  	_ =	swait.ge [sflag:s25], $0x2800  }
0x1fa: {  	[sflag:s25] =	ssyncset.done $0x0  }
0x1fb: {  	[sflag:s25] =	ssyncadd.s32 $0xFFFFD800  }
0x1fc: {  	v1 =	vld [tilespmem:$0x280]  }
0x1fd: {  	v2 =	vld [tilespmem:$0x290]  }
0x1fe: {  	v3 =	vld [tilespmem:$0x2A0]  }
0x1ff: {  	v56 =	vld [tilespmem:$0x2B0]  }
0x200: {  	v57 =	vld [tilespmem:$0x2C0]  }
0x201: {  	[tilespmem:$0x480] =	vst v1  }
0x202: {  	[tilespmem:$0x490] =	vst v2  }
0x203: {  	[tilespmem:$0x4A0] =	vst v3  }
0x204: {  	[tilespmem:$0x4B0] =	vst v56  }
0x205: {  	[tilespmem:$0x4C0] =	vst v57  }
0x206: {  	[spmem:s2] =	stream.indirect.scatter.add.f32 [tilespmem:s19], [sflag:$0xA], $0x80, s21, s15, $0xb8;
	[tilespmem:$0x1E600] =	vst v63  }
0x207: {  	_ =	swait.ge [sflag:s28], $0x2800  }
0x208: {  	[sflag:s28] =	ssyncset.done $0x0  }
0x209: {  	[sflag:s28] =	ssyncadd.s32 $0xFFFFD800  }
0x20a: {  	_ =	swait.ge [sflag:s14], $0x50  }
0x20b: {  	[sflag:s14] =	ssyncset.done $0x0  }
0x20c: {  	[sflag:s14] =	ssyncadd.s32 $0xFFFFFFB0  }
0x20d: {  	_ =	swait.ge [sflag:s14], $0x50  }
0x20e: {  	[sflag:s14] =	ssyncset.done $0x0  }
0x20f: {  	[sflag:s14] =	ssyncadd.s32 $0xFFFFFFB0  }
0x210: {  	[tilespmem:s10], [sflag:$0x5] =	stream.indirect.gather [hbm4b:s1+s15], $0x80, s4, s15, $0xb8;
	[tilespmem:$0x1E600] =	vst v63  }
0x211: {  	_ =	swait.ge [sflag:s29], $0x2800  }
0x212: {  	[sflag:s29] =	ssyncset.done $0x0  }
0x213: {  	[sflag:s29] =	ssyncadd.s32 $0xFFFFD800  }
0x214: {  	v1 =	vld [tilespmem:$0x300]  }
0x215: {  	v2 =	vld [tilespmem:$0x310]  }
0x216: {  	v3 =	vld [tilespmem:$0x320]  }
0x217: {  	v58 =	vld [tilespmem:$0x330]  }
0x218: {  	v59 =	vld [tilespmem:$0x340]  }
0x219: {  	[tilespmem:$0x500] =	vst v1  }
0x21a: {  	[tilespmem:$0x510] =	vst v2  }
0x21b: {  	[tilespmem:$0x520] =	vst v3  }
0x21c: {  	[tilespmem:$0x530] =	vst v58  }
0x21d: {  	[tilespmem:$0x540] =	vst v59  }
0x21e: {  	[spmem:s2] =	stream.indirect.scatter.add.f32 [tilespmem:s26], [sflag:$0xB], $0x80, s11, s15, $0xb8;
	[tilespmem:$0x1E600] =	vst v63  }
0x21f: {  	_ =	swait.ge [sflag:s31], $0x2800  }
0x220: {  	[sflag:s31] =	ssyncset.done $0x0  }
0x221: {  	[sflag:s31] =	ssyncadd.s32 $0xFFFFD800  }
0x222: {  	_ =	swait.ge [sflag:s0], $0x2800  }
0x223: {  	[sflag:s0] =	ssyncset.done $0x0  }
0x224: {  	[sflag:s0] =	ssyncadd.s32 $0xFFFFD800  }
0x225: {  	v1 =	vld [tilespmem:$0x380]  }
0x226: {  	v2 =	vld [tilespmem:$0x390]  }
0x227: {  	v3 =	vld [tilespmem:$0x3A0]  }
0x228: {  	v60 =	vld [tilespmem:$0x3B0]  }
0x229: {  	v61 =	vld [tilespmem:$0x3C0]  }
0x22a: {  	[tilespmem:$0x580] =	vst v1  }
0x22b: {  	[tilespmem:$0x590] =	vst v2  }
0x22c: {  	[tilespmem:$0x5A0] =	vst v3  }
0x22d: {  	[tilespmem:$0x5B0] =	vst v60  }
0x22e: {  	[tilespmem:$0x5C0] =	vst v61  }
0x22f: {  	[spmem:s2] =	stream.indirect.scatter.add.f32 [tilespmem:s3], [sflag:$0xC], $0x80, s9, s15, $0xb8;
	[tilespmem:$0x1E600] =	vst v63  }
0x230: {  	_ =	swait.ge [sflag:s23], $0x2800  }
0x231: {  	[sflag:s23] =	ssyncset.done $0x0  }
0x232: {  	[sflag:s23] =	ssyncadd.s32 $0xFFFFD800  }
0x233: {  	_ =	swait.ge [sflag:s20], $0x2800  }
0x234: {  	[sflag:s20] =	ssyncset.done $0x0  }
0x235: {  	[sflag:s20] =	ssyncadd.s32 $0xFFFFD800  }
0x236: {  	v1 =	vld [tilespmem:$0x200]  }
0x237: {  	v2 =	vld [tilespmem:$0x210]  }
0x238: {  	v3 =	vld [tilespmem:$0x220]  }
0x239: {  	v62 =	vld [tilespmem:$0x230]  }
0x23a: {  	v63 =	vld [tilespmem:$0x240]  }
0x23b: {  	[tilespmem:$0x400] =	vst v1  }
0x23c: {  	[tilespmem:$0x410] =	vst v2  }
0x23d: {  	[tilespmem:$0x420] =	vst v3  }
0x23e: {  	[tilespmem:$0x430] =	vst v62  }
0x23f: {  	[tilespmem:$0x440] =	vst v63  }
0x240: {  	[spmem:s2] =	stream.indirect.scatter.add.f32 [tilespmem:s10], [sflag:$0x9], $0x80, s8, s15, $0xb8;
	[tilespmem:$0x1E600] =	vst v63  }
0x241: {  	_ =	swait.ge [sflag:s6], $0x2800  }
0x242: {  	[sflag:s6] =	ssyncset.done $0x0  }
0x243: {  	[sflag:s6] =	ssyncadd.s32 $0xFFFFD800  }
0x244: {  	_ =	swait.ge [sflag:s28], $0x2800  }
0x245: {  	[sflag:s28] =	ssyncset.done $0x0  }
0x246: {  	[sflag:s28] =	ssyncadd.s32 $0xFFFFD800  }
0x247: {  	s17 =	stileid.u32;
	[bflag:$0x0] =	sbarrier.arrive $0xFFFF  }
0x248: {  	s13 =	simm.s32 $0xD;
	s7 =	sshll.u32 s17, $0x6;
	s11 =	rddreg [dreg:$0x1e]  }
0x249: {  	s7 =	sor.u32 $0x1C0D, s7;
	s21 =	rddreg [dreg:$0x1f];
	s19 =	sshrl.u32 s11, $0x3  }
0x24a: {  	[hbm:s21], [sflag:s7] =	dma.local [spmem:s19], $0x2800  }
0x24b: {  	_ =	swait.ge [sflag:s13], $0x2800  }
0x24c: {  	s24 =	sld [smem:$0x7F5]  }
0x24d: {  	s26 =	sld [smem:$0x7F6];
	_ =	sdelay $0x1  }
0x24e: {  	s9 =	sadd.s32 $0x1, s24  }
0x24f: {  	p0 =	sne.s32 s9, s26  }
.Ltmp2:
0x250: {  	_ = 	snop;
	(pc) =	sbr.rel @p0 .LBB2_1-.Ltmp2, $3  }
0x251: {  	_ =	sdelay $0x1  }
0x252: {  	s3 =	simm.s32 $0x400;
	s8 =	simm.s32 $0x600;
	[sflag:s13] =	ssyncset.done $0x0  }
0x253: {  	s21 =	simm.s32 $0x200;
	[sflag:s13] =	ssyncadd.s32 $0xFFFFD800;
	s26 =	simm.s32 $0x480  }
0x254: {  	_ =	sfence.sel $0x180000  }
0x255: {  	[bflag:$0x0] =	sbarrier.arrive $0xFFFF  }
0x256: {  	_ =	strace $0x90000047  }
0x257: {  	s0 =	stileid.u32;
	[bflag:$0x2] =	sbarrier.arrive $0xFFFF  }
0x258: {  	p0 =	sne.s32 s0, $0x0;
	s0 =	rddreg [dreg:$0x3]  }
0x259: {  	s0 =	sadd.s32 @!p0 $0x100000, s0  }
0x25a: {  	[sflag:s0] =	ssyncadd.tile.s32 @!p0 $0x1;
	_ =	shalt  }
.Lfunc_end2:
_tile_overlayer_lowered:
.L_overlay_start_2:
0x25b: {  	(tag) =	ssettag $0x2  }
0x25c: {  	s0 =	rddreg [dreg:$0x0];
	s2 =	stileid.u32  }
0x25d: {  	s1 =	rddreg [dreg:$0x1];
	p0 =	sne.s32 s2, $0x0  }
0x25e: {  	s3 =	rddreg [dreg:$0x2];
	[bflag:$0x3] =	sbarrier.arrive $0xFFFF;
	s2 =	simm.s32 @!p0 $0x1C0D  }
0x25f: {  	[timem:s3], [sflag:s2] =	dma.local @!p0 [hbm:s0], s1  }
0x260: {  	s0 =	simm.s32 @!p0 $0xD  }
0x261: {  	_ =	swait.ge @!p0 [sflag:s0], s1  }
0x262: {  	s1 =	ssub.s32 @!p0 $0x0, s1;
	[sflag:s0] =	ssyncset.done @!p0 $0x0  }
0x263: {  	[sflag:s0] =	ssyncadd.s32 @!p0 s1  }
0x264: {  	[bflag:$0x3] =	sbarrier.arrive $0xFFFF  }
0x265: {  	_ =	shalt  }

// kernel: kernel.9.cloned.1.call-start
scs
__scs_entry_jumppad:
0x0: {  	(pc) =	sbr.rel $0x88, $3  }
0x1: {  	(tag) =	ssettag $0x0;
	lr =	simm.s32 $0x1  }
0x2: {  	[smem:$0x3F9B] =	sst lr;
	_ =	strace $0xD0000000  }
0x3: {  	_ = 	snop  }
0x4: {  	_ = 	snop  }
0x5: {  	_ = 	snop  }
0x6: {  	_ = 	snop  }
0x7: {  	_ = 	snop  }
__scs_overlays_trampoline_lowered:
0x8: {  	[smem:$0x3FAA] =	sst s0  }
0x9: {  	[smem:$0x3FAB] =	sst s1  }
0xa: {  	[smem:$0x3FAC] =	sst s2  }
0xb: {  	[smem:$0x3FAD] =	sst s3  }
0xc: {  	[smem:$0x3FAE] =	sst s4  }
0xd: {  	[smem:$0x3FAF] =	sst s5  }
0xe: {  	[smem:$0x3FB0] =	sst s6  }
0xf: {  	[smem:$0x3FB1] =	sst s7  }
0x10: {  	[smem:$0x3FB2] =	sst s8  }
0x11: {  	[smem:$0x3FB3] =	sst s9;
	s0 =	simm.s32 @!p0 $0x0  }
0x12: {  	s1 =	sld [smem:$0x3F99];
	s0 =	simm.s32 @p0 $0x1  }
0x13: {  	[smem:$0x3FB4] =	sst s0;
	s0 =	simm.s32 @!p1 $0x0  }
0x14: {  	s2 =	sld [smem:$0x3F98];
	s0 =	simm.s32 @p1 $0x1  }
0x15: {  	[smem:$0x3FB5] =	sst s0;
	s0 =	simm.s32 @!p2 $0x0  }
0x16: {  	s3 =	sld [smem:$0x3FDB];
	s0 =	simm.s32 @p2 $0x1  }
0x17: {  	s4 =	simm.s32 $0x1BF5;
	[smem:$0x3FB7] =	sst s0  }
0x18: {  	s0 =	sld [smem:$0x3F9A];
	_ =	swait.ge [sflag:s4], $0x0  }
0x19: {  	s7 =	sld [smem:$0x3F9B]  }
0x1a: {  	s8 =	sadd.s32 $0xFFFFE003, lr  }
0x1b: {  	s9 =	sadd.s32 $0xFFFFFEF7, lr;
	s5 =	simm.s32 $0xFFFFFFFF;
	p2 =	slt.u32 s8, $0xFFFFF086  }
0x1c: {  	p1 =	slt.u32 s9, $0xF7A;
	s5 =	simm.s32 @!p2 $0x0  }
0x1d: {  	s5 =	simm.s32 @p1 $0x1;
	p0 =	seq.s32 s7, s2  }
0x1e: {  	s7 =	smul.u32 @!p0 $0xF7A, s2;
	p2 =	seq.s32 @!p0 s5, $0x0  }
0x1f: {  	s9 =	smul.u32 $0xF7A, s1;
	s8 =	simm.s32 @!p0 $0x1BF5;
	p2 =	por !p2, p0  }
0x20: {  	[sflag:s8] =	ssyncset.s32 @!p0 $0xFFFFF086;
	s6 =	sadd.s32 @!p0 s3, s7;
	s7 =	simm.s32 @!p0 $0x108  }
0x21: {  	s3 =	sadd.s32 s3, s9;
	s6 =	sadd.s32 @!p0 $0x88, s6;
	s7 =	simm.s32 @p2 $0x1082  }
0x22: {  	[simem:s7], [sflag:s8] =	dma.local @!p0 [hbm:s6], $0xF7A  }
0x23: {  	s9 =	sor.u32 $0xD0000000, s2;
	s6 =	simm.s32 $0x108;
	_ =	swait.ge @!p0 [sflag:s8], $0x0  }
0x24: {  	s3 =	sadd.s32 $0x88, s3;
	s6 =	simm.s32 @!p1 $0x1082;
	[sflag:s4] =	ssyncset.s32 $0xFFFFF086  }
0x25: {  	[simem:s6], [sflag:s4] =	dma.local [hbm:s3], $0xF7A  }
0x26: {  	[smem:$0x3F9B] =	sst s1;
	(tag) =	ssettag s2;
	_ =	strace s9  }
0x27: {  	s1 =	sld [smem:$0x3FAB]  }
0x28: {  	s2 =	sld [smem:$0x3FAC]  }
0x29: {  	s4 =	sld [smem:$0x3FAE]  }
0x2a: {  	p0 =	seq.s32 s5, $0x0;
	s5 =	sld [smem:$0x3FAF]  }
0x2b: {  	s6 =	sld [smem:$0x3FB0]  }
0x2c: {  	s7 =	sld [smem:$0x3FB1]  }
0x2d: {  	s3 =	simm.s32 $0x108;
	s8 =	sld [smem:$0x3FB2]  }
0x2e: {  	s3 =	simm.s32 @!p0 $0x1082;
	s9 =	sld [smem:$0x3FB3]  }
0x2f: {  	lr =	sadd.s32 s0, s3;
	s0 =	sld [smem:$0x3FAA]  }
0x30: {  	s3 =	sld [smem:$0x3FAD]  }
0x31: {  	[smem:$0x3FB6] =	sst s10  }
0x32: {  	s10 =	sld [smem:$0x3FB4];
	_ =	sdelay $0x3  }
0x33: {  	p0 =	seq.s32 s10, $0x1;
	s10 =	sld [smem:$0x3FB6];
	_ =	sdelay $0x3  }
0x34: {  	[smem:$0x3FB6] =	sst s10  }
0x35: {  	s10 =	sld [smem:$0x3FB5];
	_ =	sdelay $0x3  }
0x36: {  	p1 =	seq.s32 s10, $0x1;
	s10 =	sld [smem:$0x3FB6];
	_ =	sdelay $0x3  }
0x37: {  	[smem:$0x3FB6] =	sst s10  }
0x38: {  	s10 =	sld [smem:$0x3FB7]  }
0x39: {  	_ = 	snop;
	(pc) =	sbr.ind lr, $3  }
0x3a: {  	_ = 	snop  }
0x3b: {  	_ = 	snop  }
0x3c: {  	p2 =	seq.s32 s10, $0x1;
	s10 =	sld [smem:$0x3FB6]  }
0x3d: {  	_ =	shalt  }
0x3e: {  	_ =	shalt  }
0x3f: {  	_ =	shalt  }
0x40: {  	_ =	shalt  }
0x41: {  	_ =	shalt  }
0x42: {  	_ =	shalt  }
0x43: {  	_ =	shalt  }
0x44: {  	_ =	shalt  }
0x45: {  	_ =	shalt  }
0x46: {  	_ =	shalt  }
0x47: {  	_ =	shalt  }
0x48: {  	_ =	shalt  }
0x49: {  	_ =	shalt  }
0x4a: {  	_ =	shalt  }
0x4b: {  	_ =	shalt  }
0x4c: {  	_ =	shalt  }
0x4d: {  	_ =	shalt  }
0x4e: {  	_ =	shalt  }
0x4f: {  	_ =	shalt  }
0x50: {  	_ =	shalt  }
0x51: {  	_ =	shalt  }
0x52: {  	_ =	shalt  }
0x53: {  	_ =	shalt  }
0x54: {  	_ =	shalt  }
0x55: {  	_ =	shalt  }
0x56: {  	_ =	shalt  }
0x57: {  	_ =	shalt  }
0x58: {  	_ =	shalt  }
0x59: {  	_ =	shalt  }
0x5a: {  	_ =	shalt  }
0x5b: {  	_ =	shalt  }
0x5c: {  	_ =	shalt  }
0x5d: {  	_ =	shalt  }
0x5e: {  	_ =	shalt  }
0x5f: {  	_ =	shalt  }
0x60: {  	_ =	shalt  }
0x61: {  	_ =	shalt  }
0x62: {  	_ =	shalt  }
0x63: {  	_ =	shalt  }
0x64: {  	_ =	shalt  }
0x65: {  	_ =	shalt  }
0x66: {  	_ =	shalt  }
0x67: {  	_ =	shalt  }
0x68: {  	_ =	shalt  }
0x69: {  	_ =	shalt  }
0x6a: {  	_ =	shalt  }
0x6b: {  	_ =	shalt  }
0x6c: {  	_ =	shalt  }
0x6d: {  	_ =	shalt  }
0x6e: {  	_ =	shalt  }
0x6f: {  	_ =	shalt  }
0x70: {  	_ =	shalt  }
0x71: {  	_ =	shalt  }
0x72: {  	_ =	shalt  }
0x73: {  	_ =	shalt  }
0x74: {  	_ =	shalt  }
0x75: {  	_ =	shalt  }
0x76: {  	_ =	shalt  }
0x77: {  	_ =	shalt  }
0x78: {  	_ =	shalt  }
0x79: {  	_ =	shalt  }
0x7a: {  	_ =	shalt  }
0x7b: {  	_ =	shalt  }
0x7c: {  	_ =	shalt  }
0x7d: {  	_ =	shalt  }
0x7e: {  	_ =	shalt  }
0x7f: {  	_ =	shalt  }
0x80: {  	_ =	shalt  }
0x81: {  	_ =	shalt  }
0x82: {  	_ =	shalt  }
0x83: {  	_ =	shalt  }
0x84: {  	_ =	shalt  }
0x85: {  	_ =	shalt  }
0x86: {  	_ =	shalt  }
0x87: {  	_ =	shalt  }
.Lfunc_end0:
.L_simem_size_0:
called_computation.1_lowered:
.L_overlay_start_0:
0x88: {  	s2 =	sld [smem:$0x3FD9]  }
0x89: {  	s3 =	sld [smem:$0x3FFE];
	_ =	sdelay $0x1  }
0x8a: {  	s1 =	srdreg.scid  }
0x8b: {  	s0 =	sand.u32 $0x1, s1  }
0x8c: {  	s17 =	sshll.u32 s0, $0xA;
	s2 =	sadd.s32 s3, s2  }
0x8d: {  	s2 =	sadd.s32 s2, s17  }
0x8e: {  	[smem:$0x3FC2] =	sst s2  }
0x8f: {  	_ = 	snop  }
0x90: {  	s2 =	sld [smem:$0x3FD0];
	(tm) =	ssettm $0x1  }
0x91: {  	s18 =	sld [smem:$0x3FFB];
	_ =	sdelay $0x3  }
0x92: {  	_ =	strace s18  }
0x93: {  	s3 =	sld [smem:$0x3FFC];
	_ =	sdelay $0x3  }
0x94: {  	_ =	strace s3  }
0x95: {  	s3 =	sld [smem:$0x3FFD];
	_ =	sdelay $0x3  }
0x96: {  	_ =	strace s3  }
0x97: {  	_ =	strace $0x8FFFFFFF  }
0x98: {  	s19 =	sld [smem:$0x3FDB];
	_ =	sdelay $0x1  }
0x99: {  	s4 =	simm.s32 $_scs_section_size  }
0x9a: {  	s5 =	simm.s32 $_size__tile_overlayer_lowered;
	s6 =	simm.s32 $_tile_overlayer_lowered  }
0x9b: {  	s22 =	simm.s32 $0x1BFF;
	s21 =	sshll.u32 s6, $0x1;
	s3 =	sadd.s32 s4, s19  }
0x9c: {  	s7 =	simm.s32 $0x0;
	s20 =	sshll.u32 s5, $0x1;
	s5 =	sadd.s32 s21, s3  }
0x9d: {  	[timem:s7], [sflag:s22] =	dma.local [hbm:s5], s20  }
0x9e: {  	_ =	swait.ge [sflag:s22], s20  }
0x9f: {  	s4 =	ssub.s32 $0x0, s20;
	[sflag:s22] =	ssyncset.done $0x0  }
0xa0: {  	[sflag:s22] =	ssyncadd.s32 s4;
	_ =	sdelay $0x1  }
0xa1: {  	s23 =	simm.s32 $0x1B8B  }
0xa2: {  	_ =	swait.ge [sflag:s23], $0x1  }
0xa3: {  	[sflag:s23] =	ssyncset.done $0x0  }
0xa4: {  	s25 =	simm.s32 $0x1B8E;
	s24 =	sld [smem:$0x3FFE];
	[sflag:s23] =	ssyncadd.s32 $0xFFFFFFFF  }
0xa5: {  	s26 =	simm.s32 $execute0_lowered;
	[smem:$0x3FD2] =	sst s25  }
0xa6: {  	s5 =	sshll.u32 s26, $0x1;
	_ =	strace $0x80000049;
	[dreg:$0x1] =	wrdreg $0xFFFFFFFF  }
0xa7: {  	s28 =	simm.s32 $_size_execute0_lowered;
	s3 =	sadd.s32 s3, s5;
	[dreg:$0x0] =	wrdreg $0x0  }
0xa8: {  	s5 =	sshll.u32 s28, $0x1;
	[dreg:$0x2] =	wrdreg s3  }
0xa9: {  	[dreg:$0x3] =	wrdreg s5  }
0xaa: {  	[dreg:$0x4] =	wrdreg $0xC0  }
0xab: {  	_ =	task [dreg:s7], $0x5FFFF  }
0xac: {  	[dreg:$0x1] =	wrdreg $0xFFFFFFFF  }
0xad: {  	[dreg:$0x0] =	wrdreg $0x60  }
0xae: {  	[dreg:$0x2] =	wrdreg s2  }
0xaf: {  	[dreg:$0x3] =	wrdreg s24  }
0xb0: {  	[dreg:$0x4] =	wrdreg $0xA6000  }
0xb1: {  	[dreg:$0x5] =	wrdreg $0x9  }
0xb2: {  	_ =	task.clear_ibuf [dreg:s7], $0x6FFFF;
	_ =	strace $0x90000049  }
0xb3: {  	s29 =	simm.s32 $0x9;
	_ =	strace $0x8000004B  }
0xb4: {  	_ =	swait.ge [sflag:s29], $0x1  }
0xb5: {  	[sflag:s29] =	ssyncadd.s32 $0xFFFFFFFF  }
0xb6: {  	_ =	strace $0x9000004B  }
0xb7: {  	_ =	sfence  }
0xb8: {  	s30 =	sld [smem:$0x0];
	_ =	sdelay $0x2  }
0xb9: {  	s31 =	sshll.u32 s1, $0xD;
	s1 =	sshrl.u32 s1, $0x2  }
0xba: {  	s3 =	sand.u32 $0x4000, s31;
	s1 =	sadd.s32 s1, s30  }
0xbb: {  	s0 =	sor.u32 s3, s0;
	s1 =	sshll.u32 s1, $0x11  }
0xbc: {  	s0 =	sor.u32 s1, s0  }
0xbd: {  	s0 =	sadd.s32 $0x8F2B, s0  }
0xbe: {  	[sflag:s0] =	ssyncadd.remote.s32 $0x1  }
0xbf: {  	_ =	sfence.sel $0xFFFF  }
0xc0: {  	[dreg:$0x0] =	wrdreg $0xFFFFFFFF;
	(pc) =	sbr.abs _section_cstart, $3  }
0xc1: {  	[dreg:$0x1] =	wrdreg $0xFFFFFFFF  }
0xc2: {  	_ =	task.clear_ibuf [dreg:s7], $0x2FFFF;
	_ =	strace $0x9FFFFFFF  }
0xc3: {  	(tm) =	ssettm $0x7FFFFFFF  }
tec
execute0_lowered:
.L_overlay_start_1:
0x0: {  	(tag) =	ssettag $0x1  }
0x1: {  	s1 =	rddreg [dreg:$0x0];
	s12 =	stileid.u32  }
0x2: {  	s3 =	srdreg.scid;
	s6 =	smul.u32 $0x14000, s12  }
0x3: {  	s0 =	rddreg [dreg:$0x1];
	s3 =	sand.u32 $0x1, s3;
	s9 =	smul.u32 $0x50000, s12  }
0x4: {  	s2 =	rddreg [dreg:$0x2];
	s5 =	smul.u32 $0x140000, s3  }
0x5: {  	s7 =	sshll.u32 s3, $0x4;
	s22 =	ssub.s32 $0x2, s3;
	s3 =	smul.u32 $0x27100, s3  }
0x6: {  	s4 =	simm.s32 $0x0;
	s7 =	sor.u32 s12, s7;
	s12 =	smul.u32 $0x2710, s12  }
0x7: {  	[smem:$0x7FF] =	sst s4;
	s8 =	sadd.s32 $0xAC00, s0;
	s21 =	smul.u32 $0x2710, s7  }
0x8: {  	s10 =	sadd.s32 $0xE00, s0;
	_ =	strace $0x8000004A;
	s5 =	sadd.s32 s6, s5  }
0x9: {  	s5 =	sshrl.u32 s5, $0x3;
	s3 =	sadd.s32 s12, s3;
	s6 =	sshrl.u32 s21, $0x3  }
0xa: {  	s0 =	sadd.s32 s5, s0;
	s17 =	sadd.s32 $0x2D0, s3;
	s24 =	sadd.s32 s8, s6  }
0xb: {  	s19 =	sshrl.u32 s17, $0x3;
	s17 =	sadd.s32 s10, s6;
	[dreg:$0xc] =	wrdreg s24  }
0xc: {  	s25 =	sadd.s32 $0xA, s6;
	s0 =	sadd.s32 $0x14A00, s0;
	[dreg:$0x19] =	wrdreg s17  }
0xd: {  	s7 =	sshrl.u32 s9, $0x2;
	s11 =	sadd.s32 s8, s25;
	[dreg:$0x1f] =	wrdreg s0  }
0xe: {  	s26 =	sadd.s32 $0x14, s6;
	s9 =	sadd.s32 s10, s25;
	[dreg:$0xd] =	wrdreg s11  }
0xf: {  	s14 =	sadd.s32 $0x1E, s6;
	s13 =	sadd.s32 s8, s26;
	[dreg:$0xe] =	wrdreg s9  }
0x10: {  	s16 =	sadd.s32 $0x28, s6;
	s15 =	sadd.s32 s8, s14;
	[dreg:$0xf] =	wrdreg s13  }
0x11: {  	s23 =	sshrl.u32 s22, $0x1;
	s18 =	sadd.s32 s8, s16;
	[dreg:$0x11] =	wrdreg s15  }
0x12: {  	s20 =	sadd.s32 $0x32, s6;
	s21 =	sadd.s32 s19, s10;
	[dreg:$0x13] =	wrdreg s18  }
0x13: {  	s5 =	ssub.s32 s22, s23;
	s23 =	sadd.s32 s8, s20;
	[dreg:$0x4] =	wrdreg s21  }
0x14: {  	s11 =	sadd.s32 s10, s26;
	[dreg:$0x15] =	wrdreg s23  }
0x15: {  	s9 =	sadd.s32 s10, s14;
	[dreg:$0x10] =	wrdreg s11  }
0x16: {  	[dreg:$0x12] =	wrdreg s9;
	s9 =	sadd.s32 s10, s16  }
0x17: {  	s26 =	sadd.s32 $0x4C4, s6;
	s11 =	sadd.s32 s10, s20;
	[dreg:$0x14] =	wrdreg s9  }
0x18: {  	s13 =	sadd.s32 $0x280, s3;
	s14 =	sadd.s32 s8, s26;
	[dreg:$0x16] =	wrdreg s11  }
0x19: {  	s22 =	sshrl.u32 s13, $0x3;
	s9 =	sadd.s32 s19, s8;
	[dreg:$0x17] =	wrdreg s14  }
0x1a: {  	s25 =	sadd.s32 $0x230, s3;
	s24 =	sadd.s32 s22, s10;
	[dreg:$0x5] =	wrdreg s9  }
0x1b: {  	s3 =	sadd.s32 $0x1E0, s3;
	s12 =	sadd.s32 s22, s8;
	[dreg:$0x6] =	wrdreg s24  }
0x1c: {  	s3 =	sshrl.u32 s3, $0x3;
	s11 =	sadd.s32 s10, s26;
	[dreg:$0x7] =	wrdreg s12  }
0x1d: {  	s16 =	sadd.s32 $0x4CE, s6;
	s15 =	sadd.s32 s3, s10;
	[dreg:$0x18] =	wrdreg s11  }
0x1e: {  	s18 =	sadd.s32 s8, s16;
	[dreg:$0xa] =	wrdreg s15  }
0x1f: {  	s3 =	sadd.s32 s3, s8;
	[dreg:$0x1a] =	wrdreg s18  }
0x20: {  	s19 =	smax.u32 s5, $0x1;
	[dreg:$0xb] =	wrdreg s3  }
0x21: {  	s9 =	sshrl.u32 s25, $0x3;
	s11 =	sadd.s32 s7, s2;
	[smem:$0x7F6] =	sst s19  }
0x22: {  	s30 =	simm.s32 $0x300;
	s13 =	sadd.s32 s9, s10;
	[dreg:$0x1e] =	wrdreg s11  }
0x23: {  	s6 =	sadd.s32 $0x4D8, s6;
	s9 =	sadd.s32 s9, s8;
	[dreg:$0x8] =	wrdreg s13  }
0x24: {  	s28 =	simm.s32 $0x9;
	s8 =	sadd.s32 s8, s6;
	[dreg:$0x9] =	wrdreg s9  }
0x25: {  	s29 =	simm.s32 $0x7;
	s6 =	sadd.s32 s10, s6;
	[dreg:$0x1c] =	wrdreg s8  }
0x26: {  	s31 =	simm.s32 $0xA;
	s20 =	sadd.s32 $0x2800, s11;
	[dreg:$0x1d] =	wrdreg s6  }
0x27: {  	s0 =	simm.s32 $0x8;
	s21 =	sadd.s32 $0x5000, s11;
	[smem:$0x7F7] =	sst s20  }
0x28: {  	s14 =	simm.s32 $0x1;
	s22 =	sadd.s32 $0x7800, s11;
	[smem:$0x7F8] =	sst s21  }
0x29: {  	s5 =	simm.s32 $0x80;
	s23 =	sadd.s32 $0xA000, s11;
	[smem:$0x7F9] =	sst s22  }
0x2a: {  	s15 =	simm.s32 $0x50;
	s24 =	sadd.s32 $0xC800, s11;
	[smem:$0x7FA] =	sst s23  }
0x2b: {  	s18 =	simm.s32 $0x3;
	s25 =	sadd.s32 $0xF000, s11;
	[smem:$0x7FB] =	sst s24  }
0x2c: {  	s3 =	simm.s32 $0x400;
	s26 =	sadd.s32 $0x11800, s11;
	[smem:$0x7FC] =	sst s25  }
0x2d: {  	s12 =	simm.s32 $0x100;
	s9 =	sadd.s32 s10, s16;
	[smem:$0x7FD] =	sst s26  }
0x2e: {  	s8 =	simm.s32 $0x600;
	s13 =	simm.s32 $0xD;
	s21 =	simm.s32 $0x200  }
0x2f: {  	s16 =	simm.s32 $0x2;
	s20 =	simm.s32 $0x5;
	s22 =	simm.s32 $0x4  }
0x30: {  	s25 =	simm.s32 $0x6;
	s26 =	simm.s32 $0x480;
	s23 =	simm.s32 $0xB  }
0x31: {  	v0 =	vimm.f32 $0.0e+00;
	s6 =	simm.s32 $0xC;
	[dreg:$0x1b] =	wrdreg s9;
	s9 =	simm.s32 $0x0  }
.LBB2_1:
0x32: {  	[smem:$0x7F5] =	sst s9;
	s7 =	simm.s32 $0x0;
	s9 =	simm.s32 $0x200  }
.LBB2_2:
0x33: {  	p0 =	sne.s32 s9, $0x9E00;
	[tilespmem:s7+$0x670] =	vst v0  }
0x34: {  	[tilespmem:s7+$0x600] =	vst v0  }
0x35: {  	[tilespmem:s7+$0x610] =	vst v0  }
.Ltmp0:
0x36: {  	[tilespmem:s7+$0x620] =	vst v0;
	(pc) =	sbr.rel @p0 .LBB2_2-.Ltmp0, $4  }
0x37: {  	[tilespmem:s7+$0x630] =	vst v0  }
0x38: {  	[tilespmem:s7+$0x640] =	vst v0  }
0x39: {  	[tilespmem:s7+$0x650] =	vst v0  }
0x3a: {  	[tilespmem:s7+$0x660] =	vst v0;
	s7 =	sshra.s32 s9, $0x2;
	s9 =	sadd.s32 $0x200, s9  }
0x3b: {  	[tilespmem:s7+$0x670] =	vst v0  }
0x3c: {  	[tilespmem:s7+$0x600] =	vst v0  }
0x3d: {  	[tilespmem:s7+$0x610] =	vst v0  }
0x3e: {  	[tilespmem:s7+$0x620] =	vst v0  }
0x3f: {  	[tilespmem:s7+$0x630] =	vst v0  }
0x40: {  	[tilespmem:s7+$0x640] =	vst v0  }
0x41: {  	[tilespmem:s7+$0x650] =	vst v0  }
0x42: {  	[tilespmem:s7+$0x660] =	vst v0  }
0x43: {  	[spmem:s11] =	stream.linear.scatter [tilespmem:s8], [sflag:$0xD], $0x2800, $0x38;
	[tilespmem:$0x1E600] =	vst v63  }
0x44: {  	_ =	swait.ge [sflag:s13], $0x2800  }
0x45: {  	s11 =	sld [smem:$0x7F7]  }
0x46: {  	[sflag:s13] =	ssyncset.done $0x0  }
0x47: {  	[sflag:s13] =	ssyncadd.s32 $0xFFFFD800  }
0x48: {  	[spmem:s11] =	stream.linear.scatter [tilespmem:s8], [sflag:$0xD], $0x2800, $0x38;
	[tilespmem:$0x1E600] =	vst v63  }
0x49: {  	_ =	swait.ge [sflag:s13], $0x2800  }
0x4a: {  	s17 =	sld [smem:$0x7F8]  }
0x4b: {  	[sflag:s13] =	ssyncset.done $0x0  }
0x4c: {  	[sflag:s13] =	ssyncadd.s32 $0xFFFFD800  }
0x4d: {  	[spmem:s17] =	stream.linear.scatter [tilespmem:s8], [sflag:$0xD], $0x2800, $0x38;
	[tilespmem:$0x1E600] =	vst v63  }
0x4e: {  	_ =	swait.ge [sflag:s13], $0x2800  }
0x4f: {  	s19 =	sld [smem:$0x7F9]  }
0x50: {  	[sflag:s13] =	ssyncset.done $0x0  }
0x51: {  	[sflag:s13] =	ssyncadd.s32 $0xFFFFD800  }
0x52: {  	[spmem:s19] =	stream.linear.scatter [tilespmem:s8], [sflag:$0xD], $0x2800, $0x38;
	[tilespmem:$0x1E600] =	vst v63  }
0x53: {  	_ =	swait.ge [sflag:s13], $0x2800  }
0x54: {  	s24 =	sld [smem:$0x7FA]  }
0x55: {  	[sflag:s13] =	ssyncset.done $0x0  }
0x56: {  	[sflag:s13] =	ssyncadd.s32 $0xFFFFD800  }
0x57: {  	[spmem:s24] =	stream.linear.scatter [tilespmem:s8], [sflag:$0xD], $0x2800, $0x38;
	[tilespmem:$0x1E600] =	vst v63  }
0x58: {  	_ =	swait.ge [sflag:s13], $0x2800  }
0x59: {  	s9 =	sld [smem:$0x7FB]  }
0x5a: {  	[sflag:s13] =	ssyncset.done $0x0  }
0x5b: {  	[sflag:s13] =	ssyncadd.s32 $0xFFFFD800  }
0x5c: {  	[spmem:s9] =	stream.linear.scatter [tilespmem:s8], [sflag:$0xD], $0x2800, $0x38;
	[tilespmem:$0x1E600] =	vst v63  }
0x5d: {  	_ =	swait.ge [sflag:s13], $0x2800  }
0x5e: {  	s10 =	sld [smem:$0x7FC]  }
0x5f: {  	[sflag:s13] =	ssyncset.done $0x0  }
0x60: {  	[sflag:s13] =	ssyncadd.s32 $0xFFFFD800  }
0x61: {  	[spmem:s10] =	stream.linear.scatter [tilespmem:s8], [sflag:$0xD], $0x2800, $0x38;
	[tilespmem:$0x1E600] =	vst v63  }
0x62: {  	_ =	swait.ge [sflag:s13], $0x2800  }
0x63: {  	s11 =	sld [smem:$0x7FD]  }
0x64: {  	[sflag:s13] =	ssyncset.done $0x0  }
0x65: {  	[sflag:s13] =	ssyncadd.s32 $0xFFFFD800  }
0x66: {  	[spmem:s11] =	stream.linear.scatter [tilespmem:s8], [sflag:$0xD], $0x2800, $0x38;
	[tilespmem:$0x1E600] =	vst v63  }
0x67: {  	_ =	swait.ge [sflag:s13], $0x2800  }
0x68: {  	[sflag:s13] =	ssyncset.done $0x0  }
0x69: {  	[sflag:s13] =	ssyncadd.s32 $0xFFFFD800  }
0x6a: {  	[bflag:$0x0] =	sbarrier.arrive $0xFFFF  }
0x6b: {  	s7 =	simm.s32 $0x0;
	s9 =	rddreg [dreg:$0xc]  }
0x6c: {  	[tilespmem:s7], [sflag:$0x1] =	stream.linear.gather [hbm4b:s9+s7], $0x50, $0x38;
	[tilespmem:$0x1E600] =	vst v63  }
0x6d: {  	s13 =	rddreg [dreg:$0x19]  }
0x6e: {  	[tilespmem:s21], [sflag:$0x1] =	stream.linear.gather [hbm4b:s13+s7], $0x50, $0x38;
	[tilespmem:$0x1E600] =	vst v63  }
0x6f: {  	s17 =	rddreg [dreg:$0xd]  }
0x70: {  	[tilespmem:s5], [sflag:$0x2] =	stream.linear.gather [hbm4b:s17+s7], $0x50, $0x38;
	[tilespmem:$0x1E600] =	vst v63  }
0x71: {  	s24 =	simm.s32 $0x280;
	s19 =	rddreg [dreg:$0xe]  }
0x72: {  	[tilespmem:s24], [sflag:$0x2] =	stream.linear.gather [hbm4b:s19+s7], $0x50, $0x38;
	[tilespmem:$0x1E600] =	vst v63  }
0x73: {  	s10 =	rddreg [dreg:$0xf]  }
0x74: {  	[tilespmem:s12], [sflag:$0x3] =	stream.linear.gather [hbm4b:s10+s7], $0x50, $0x38;
	[tilespmem:$0x1E600] =	vst v63  }
0x75: {  	s11 =	rddreg [dreg:$0x10]  }
0x76: {  	[tilespmem:s30], [sflag:$0x3] =	stream.linear.gather [hbm4b:s11+s7], $0x50, $0x38;
	[tilespmem:$0x1E600] =	vst v63  }
0x77: {  	s13 =	rddreg [dreg:$0x11];
	s17 =	simm.s32 $0x180  }
0x78: {  	[tilespmem:s17], [sflag:$0x4] =	stream.linear.gather [hbm4b:s13+s7], $0x50, $0x38;
	[tilespmem:$0x1E600] =	vst v63  }
0x79: {  	s19 =	rddreg [dreg:$0x12];
	s13 =	simm.s32 $0x380  }
0x7a: {  	[tilespmem:s13], [sflag:$0x4] =	stream.linear.gather [hbm4b:s19+s7], $0x50, $0x38;
	[tilespmem:$0x1E600] =	vst v63  }
0x7b: {  	_ =	swait.ge [sflag:s14], $0x50  }
0x7c: {  	[sflag:s14] =	ssyncset.done $0x0  }
0x7d: {  	[sflag:s14] =	ssyncadd.s32 $0xFFFFFFB0  }
0x7e: {  	_ =	swait.ge [sflag:s14], $0x50  }
0x7f: {  	[sflag:s14] =	ssyncset.done $0x0  }
0x80: {  	[sflag:s14] =	ssyncadd.s32 $0xFFFFFFB0  }
0x81: {  	[tilespmem:s8], [sflag:$0x5] =	stream.indirect.gather [hbm4b:s1+s15], $0x80, s7, s15, $0xb8;
	[tilespmem:$0x1E600] =	vst v63  }
0x82: {  	_ =	swait.ge [sflag:s16], $0x50  }
0x83: {  	[sflag:s16] =	ssyncset.done $0x0  }
0x84: {  	[sflag:s16] =	ssyncadd.s32 $0xFFFFFFB0  }
0x85: {  	_ =	swait.ge [sflag:s16], $0x50  }
0x86: {  	[sflag:s16] =	ssyncset.done $0x0  }
0x87: {  	s19 =	simm.s32 $0x2E00;
	[sflag:s16] =	ssyncadd.s32 $0xFFFFFFB0  }
0x88: {  	[tilespmem:s19], [sflag:$0x6] =	stream.indirect.gather [hbm4b:s1+s15], $0x80, s5, s15, $0xb8;
	[tilespmem:$0x1E600] =	vst v63  }
0x89: {  	_ =	swait.ge [sflag:s18], $0x50  }
0x8a: {  	[sflag:s18] =	ssyncset.done $0x0  }
0x8b: {  	[sflag:s18] =	ssyncadd.s32 $0xFFFFFFB0  }
0x8c: {  	_ =	swait.ge [sflag:s18], $0x50  }
0x8d: {  	[sflag:s18] =	ssyncset.done $0x0  }
0x8e: {  	s10 =	simm.s32 $0x5600;
	[sflag:s18] =	ssyncadd.s32 $0xFFFFFFB0  }
0x8f: {  	[tilespmem:s10], [sflag:$0x7] =	stream.indirect.gather [hbm4b:s1+s15], $0x80, s12, s15, $0xb8;
	[tilespmem:$0x1E600] =	vst v63  }
0x90: {  	_ =	swait.ge [sflag:s20], $0x2800  }
0x91: {  	[sflag:s20] =	ssyncset.done $0x0  }
0x92: {  	[sflag:s20] =	ssyncadd.s32 $0xFFFFD800  }
0x93: {  	v1 =	vld [tilespmem:$0x200]  }
0x94: {  	v2 =	vld [tilespmem:$0x210]  }
0x95: {  	v3 =	vld [tilespmem:$0x220]  }
0x96: {  	v4 =	vld [tilespmem:$0x230]  }
0x97: {  	v5 =	vld [tilespmem:$0x240]  }
0x98: {  	[tilespmem:$0x400] =	vst v1  }
0x99: {  	[tilespmem:$0x410] =	vst v2  }
0x9a: {  	[tilespmem:$0x420] =	vst v3  }
0x9b: {  	[tilespmem:$0x430] =	vst v4  }
0x9c: {  	s24 =	rddreg [dreg:$0x13];
	[tilespmem:$0x440] =	vst v5  }
0x9d: {  	[tilespmem:s7], [sflag:$0x1] =	stream.linear.gather [hbm4b:s24+s7], $0x50, $0x38;
	[tilespmem:$0x1E600] =	vst v63  }
0x9e: {  	s11 =	rddreg [dreg:$0x14]  }
0x9f: {  	[tilespmem:s21], [sflag:$0x1] =	stream.linear.gather [hbm4b:s11+s7], $0x50, $0x38;
	[tilespmem:$0x1E600] =	vst v63  }
0xa0: {  	_ = 	snop  }
0xa1: {  	[spmem:s2] =	stream.indirect.scatter.add.f32 [tilespmem:s8], [sflag:$0x9], $0x80, s3, s15, $0xb8;
	[tilespmem:$0x1E600] =	vst v63  }
0xa2: {  	_ =	swait.ge [sflag:s22], $0x50  }
0xa3: {  	[sflag:s22] =	ssyncset.done $0x0  }
0xa4: {  	[sflag:s22] =	ssyncadd.s32 $0xFFFFFFB0  }
0xa5: {  	_ =	swait.ge [sflag:s22], $0x50  }
0xa6: {  	[sflag:s22] =	ssyncset.done $0x0  }
0xa7: {  	s3 =	simm.s32 $0x7E00;
	[sflag:s22] =	ssyncadd.s32 $0xFFFFFFB0  }
0xa8: {  	[tilespmem:s3], [sflag:$0x8] =	stream.indirect.gather [hbm4b:s1+s15], $0x80, s17, s15, $0xb8;
	[tilespmem:$0x1E600] =	vst v63  }
0xa9: {  	_ =	swait.ge [sflag:s25], $0x2800  }
0xaa: {  	[sflag:s25] =	ssyncset.done $0x0  }
0xab: {  	[sflag:s25] =	ssyncadd.s32 $0xFFFFD800  }
0xac: {  	v1 =	vld [tilespmem:$0x280]  }
0xad: {  	v2 =	vld [tilespmem:$0x290]  }
0xae: {  	v3 =	vld [tilespmem:$0x2A0]  }
0xaf: {  	v4 =	vld [tilespmem:$0x2B0]  }
0xb0: {  	v5 =	vld [tilespmem:$0x2C0]  }
0xb1: {  	[tilespmem:$0x480] =	vst v1  }
0xb2: {  	[tilespmem:$0x490] =	vst v2  }
0xb3: {  	[tilespmem:$0x4A0] =	vst v3  }
0xb4: {  	[tilespmem:$0x4B0] =	vst v4  }
0xb5: {  	s24 =	rddreg [dreg:$0x15];
	[tilespmem:$0x4C0] =	vst v5  }
0xb6: {  	[tilespmem:s5], [sflag:$0x2] =	stream.linear.gather [hbm4b:s24+s7], $0x50, $0x38;
	[tilespmem:$0x1E600] =	vst v63  }
0xb7: {  	s11 =	simm.s32 $0x280;
	s21 =	rddreg [dreg:$0x16]  }
0xb8: {  	[tilespmem:s11], [sflag:$0x2] =	stream.linear.gather [hbm4b:s21+s7], $0x50, $0x38;
	[tilespmem:$0x1E600] =	vst v63  }
0xb9: {  	_ = 	snop  }
0xba: {  	[spmem:s2] =	stream.indirect.scatter.add.f32 [tilespmem:s19], [sflag:$0xA], $0x80, s26, s15, $0xb8;
	[tilespmem:$0x1E600] =	vst v63  }
0xbb: {  	_ =	swait.ge [sflag:s28], $0x2800  }
0xbc: {  	[sflag:s28] =	ssyncset.done $0x0  }
0xbd: {  	[sflag:s28] =	ssyncadd.s32 $0xFFFFD800  }
0xbe: {  	_ =	swait.ge [sflag:s14], $0x50  }
0xbf: {  	[sflag:s14] =	ssyncset.done $0x0  }
0xc0: {  	[sflag:s14] =	ssyncadd.s32 $0xFFFFFFB0  }
0xc1: {  	_ =	swait.ge [sflag:s14], $0x50  }
0xc2: {  	[sflag:s14] =	ssyncset.done $0x0  }
0xc3: {  	[sflag:s14] =	ssyncadd.s32 $0xFFFFFFB0  }
0xc4: {  	[tilespmem:s8], [sflag:$0x5] =	stream.indirect.gather [hbm4b:s1+s15], $0x80, s4, s15, $0xb8;
	[tilespmem:$0x1E600] =	vst v63  }
0xc5: {  	_ =	swait.ge [sflag:s29], $0x2800  }
0xc6: {  	[sflag:s29] =	ssyncset.done $0x0  }
0xc7: {  	[sflag:s29] =	ssyncadd.s32 $0xFFFFD800  }
0xc8: {  	v1 =	vld [tilespmem:$0x300]  }
0xc9: {  	v2 =	vld [tilespmem:$0x320]  }
0xca: {  	v3 =	vld [tilespmem:$0x330]  }
0xcb: {  	v4 =	vld [tilespmem:$0x310]  }
0xcc: {  	v5 =	vld [tilespmem:$0x340]  }
0xcd: {  	[tilespmem:$0x500] =	vst v1  }
0xce: {  	[tilespmem:$0x520] =	vst v2  }
0xcf: {  	[tilespmem:$0x530] =	vst v3  }
0xd0: {  	s24 =	rddreg [dreg:$0xb];
	[tilespmem:$0x510] =	vst v4  }
0xd1: {  	s26 =	rddreg [dreg:$0xa];
	s9 =	sadd.s32 $0x0, s24;
	[tilespmem:$0x540] =	vst v5  }
0xd2: {  	[tilespmem:s12], [sflag:$0x3] =	stream.linear.gather [hbm4b:s9+s4], $0x50, $0x38;
	[tilespmem:$0x1E600] =	vst v63  }
0xd3: {  	s8 =	sadd.s32 $0x0, s26  }
0xd4: {  	[tilespmem:s30], [sflag:$0x3] =	stream.linear.gather [hbm4b:s8+s4], $0x50, $0x38;
	[tilespmem:$0x1E600] =	vst v63  }
0xd5: {  	s11 =	simm.s32 $0x500  }
0xd6: {  	[spmem:s2] =	stream.indirect.scatter.add.f32 [tilespmem:s10], [sflag:$0xB], $0x80, s11, s15, $0xb8;
	[tilespmem:$0x1E600] =	vst v63  }
0xd7: {  	_ =	swait.ge [sflag:s31], $0x2800  }
0xd8: {  	[sflag:s31] =	ssyncset.done $0x0  }
0xd9: {  	[sflag:s31] =	ssyncadd.s32 $0xFFFFD800  }
0xda: {  	_ =	swait.ge [sflag:s16], $0x50  }
0xdb: {  	[sflag:s16] =	ssyncset.done $0x0  }
0xdc: {  	[sflag:s16] =	ssyncadd.s32 $0xFFFFFFB0  }
0xdd: {  	_ =	swait.ge [sflag:s16], $0x50  }
0xde: {  	[sflag:s16] =	ssyncset.done $0x0  }
0xdf: {  	[sflag:s16] =	ssyncadd.s32 $0xFFFFFFB0  }
0xe0: {  	[tilespmem:s19], [sflag:$0x6] =	stream.indirect.gather [hbm4b:s1+s15], $0x80, s5, s15, $0xb8;
	[tilespmem:$0x1E600] =	vst v63  }
0xe1: {  	_ =	swait.ge [sflag:s0], $0x2800  }
0xe2: {  	[sflag:s0] =	ssyncset.done $0x0  }
0xe3: {  	[sflag:s0] =	ssyncadd.s32 $0xFFFFD800  }
0xe4: {  	v1 =	vld [tilespmem:$0x3B0]  }
0xe5: {  	v2 =	vld [tilespmem:$0x390]  }
0xe6: {  	v3 =	vld [tilespmem:$0x3C0]  }
0xe7: {  	v4 =	vld [tilespmem:$0x3A0]  }
0xe8: {  	v5 =	vld [tilespmem:$0x380]  }
0xe9: {  	[tilespmem:$0x5B0] =	vst v1  }
0xea: {  	[tilespmem:$0x590] =	vst v2  }
0xeb: {  	[tilespmem:$0x5C0] =	vst v3  }
0xec: {  	s21 =	rddreg [dreg:$0x9];
	[tilespmem:$0x5A0] =	vst v4  }
0xed: {  	s24 =	rddreg [dreg:$0x8];
	s9 =	sadd.s32 $0x0, s21;
	[tilespmem:$0x580] =	vst v5  }
0xee: {  	[tilespmem:s17], [sflag:$0x4] =	stream.linear.gather [hbm4b:s9+s4], $0x50, $0x38;
	[tilespmem:$0x1E600] =	vst v63  }
0xef: {  	s26 =	sadd.s32 $0x0, s24  }
0xf0: {  	[tilespmem:s13], [sflag:$0x4] =	stream.linear.gather [hbm4b:s26+s4], $0x50, $0x38;
	[tilespmem:$0x1E600] =	vst v63  }
0xf1: {  	s30 =	simm.s32 $0x580  }
0xf2: {  	[spmem:s2] =	stream.indirect.scatter.add.f32 [tilespmem:s3], [sflag:$0xC], $0x80, s30, s15, $0xb8;
	[tilespmem:$0x1E600] =	vst v63  }
0xf3: {  	_ =	swait.ge [sflag:s23], $0x2800  }
0xf4: {  	[sflag:s23] =	ssyncset.done $0x0  }
0xf5: {  	[sflag:s23] =	ssyncadd.s32 $0xFFFFD800  }
0xf6: {  	_ =	swait.ge [sflag:s18], $0x50  }
0xf7: {  	[sflag:s18] =	ssyncset.done $0x0  }
0xf8: {  	[sflag:s18] =	ssyncadd.s32 $0xFFFFFFB0  }
0xf9: {  	_ =	swait.ge [sflag:s18], $0x50  }
0xfa: {  	[sflag:s18] =	ssyncset.done $0x0  }
0xfb: {  	[sflag:s18] =	ssyncadd.s32 $0xFFFFFFB0  }
0xfc: {  	[tilespmem:s10], [sflag:$0x7] =	stream.indirect.gather [hbm4b:s1+s15], $0x80, s12, s15, $0xb8;
	[tilespmem:$0x1E600] =	vst v63  }
0xfd: {  	_ =	swait.ge [sflag:s20], $0x2800  }
0xfe: {  	[sflag:s20] =	ssyncset.done $0x0  }
0xff: {  	[sflag:s20] =	ssyncadd.s32 $0xFFFFD800  }
0x100: {  	v5 =	vld [tilespmem:$0x240]  }
0x101: {  	v4 =	vld [tilespmem:$0x210]  }
0x102: {  	v2 =	vld [tilespmem:$0x200]  }
0x103: {  	s24 =	simm.s32 $0x200;
	v3 =	vld [tilespmem:$0x230]  }
0x104: {  	s9 =	simm.s32 $0x28;
	s26 =	simm.s32 $0x480;
	s10 =	simm.s32 $0x600;
	v1 =	vld [tilespmem:$0x220]  }
.LBB2_4:
0x105: {  	[tilespmem:$0x440] =	vst v5  }
0x106: {  	[tilespmem:$0x410] =	vst v4  }
0x107: {  	[tilespmem:$0x400] =	vst v2  }
0x108: {  	s13 =	rddreg [dreg:$0x7];
	[tilespmem:$0x430] =	vst v3  }
0x109: {  	s21 =	rddreg [dreg:$0x6];
	s13 =	sadd.s32 s7, s13;
	[tilespmem:$0x420] =	vst v1  }
0x10a: {  	[tilespmem:s4], [sflag:$0x1] =	stream.linear.gather [hbm4b:s13+s4], $0x50, $0x38;
	[tilespmem:$0x1E600] =	vst v63  }
0x10b: {  	s21 =	sadd.s32 s7, s21  }
0x10c: {  	[tilespmem:s24], [sflag:$0x1] =	stream.linear.gather [hbm4b:s21+s4], $0x50, $0x38;
	[tilespmem:$0x1E600] =	vst v63  }
0x10d: {  	s3 =	simm.s32 $0x400  }
0x10e: {  	[spmem:s2] =	stream.indirect.scatter.add.f32 [tilespmem:s10], [sflag:$0x9], $0x80, s3, s15, $0xb8;
	[tilespmem:$0x1E600] =	vst v63  }
0x10f: {  	_ =	swait.ge [sflag:s6], $0x2800  }
0x110: {  	[sflag:s6] =	ssyncset.done $0x0  }
0x111: {  	[sflag:s6] =	ssyncadd.s32 $0xFFFFD800  }
0x112: {  	_ =	swait.ge [sflag:s22], $0x50  }
0x113: {  	[sflag:s22] =	ssyncset.done $0x0  }
0x114: {  	[sflag:s22] =	ssyncadd.s32 $0xFFFFFFB0  }
0x115: {  	_ =	swait.ge [sflag:s22], $0x50  }
0x116: {  	[sflag:s22] =	ssyncset.done $0x0  }
0x117: {  	s17 =	simm.s32 $0x7E00;
	s19 =	simm.s32 $0x180;
	[sflag:s22] =	ssyncadd.s32 $0xFFFFFFB0  }
0x118: {  	[tilespmem:s17], [sflag:$0x8] =	stream.indirect.gather [hbm4b:s1+s15], $0x80, s19, s15, $0xb8;
	[tilespmem:$0x1E600] =	vst v63  }
0x119: {  	_ =	swait.ge [sflag:s25], $0x2800  }
0x11a: {  	[sflag:s25] =	ssyncset.done $0x0  }
0x11b: {  	[sflag:s25] =	ssyncadd.s32 $0xFFFFD800  }
0x11c: {  	v1 =	vld [tilespmem:$0x280]  }
0x11d: {  	v2 =	vld [tilespmem:$0x290]  }
0x11e: {  	v3 =	vld [tilespmem:$0x2A0]  }
0x11f: {  	v4 =	vld [tilespmem:$0x2C0]  }
0x120: {  	v5 =	vld [tilespmem:$0x2B0]  }
0x121: {  	[tilespmem:$0x480] =	vst v1  }
0x122: {  	[tilespmem:$0x490] =	vst v2  }
0x123: {  	[tilespmem:$0x4A0] =	vst v3  }
0x124: {  	s3 =	rddreg [dreg:$0x5];
	[tilespmem:$0x4C0] =	vst v4  }
0x125: {  	s8 =	rddreg [dreg:$0x4];
	s13 =	sadd.s32 s7, s3;
	[tilespmem:$0x4B0] =	vst v5  }
0x126: {  	[tilespmem:s5], [sflag:$0x2] =	stream.linear.gather [hbm4b:s13+s4], $0x50, $0x38;
	[tilespmem:$0x1E600] =	vst v63  }
0x127: {  	s30 =	simm.s32 $0x280;
	s21 =	sadd.s32 s7, s8  }
0x128: {  	[tilespmem:s30], [sflag:$0x2] =	stream.linear.gather [hbm4b:s21+s4], $0x50, $0x38;
	[tilespmem:$0x1E600] =	vst v63  }
0x129: {  	s8 =	simm.s32 $0x2E00  }
0x12a: {  	[spmem:s2] =	stream.indirect.scatter.add.f32 [tilespmem:s8], [sflag:$0xA], $0x80, s26, s15, $0xb8;
	[tilespmem:$0x1E600] =	vst v63  }
0x12b: {  	_ =	swait.ge [sflag:s28], $0x2800  }
0x12c: {  	[sflag:s28] =	ssyncset.done $0x0  }
0x12d: {  	[sflag:s28] =	ssyncadd.s32 $0xFFFFD800  }
0x12e: {  	_ =	swait.ge [sflag:s14], $0x50  }
0x12f: {  	[sflag:s14] =	ssyncset.done $0x0  }
0x130: {  	[sflag:s14] =	ssyncadd.s32 $0xFFFFFFB0  }
0x131: {  	_ =	swait.ge [sflag:s14], $0x50  }
0x132: {  	[sflag:s14] =	ssyncset.done $0x0  }
0x133: {  	[sflag:s14] =	ssyncadd.s32 $0xFFFFFFB0  }
0x134: {  	[tilespmem:s10], [sflag:$0x5] =	stream.indirect.gather [hbm4b:s1+s15], $0x80, s4, s15, $0xb8;
	[tilespmem:$0x1E600] =	vst v63  }
0x135: {  	_ =	swait.ge [sflag:s29], $0x2800  }
0x136: {  	[sflag:s29] =	ssyncset.done $0x0  }
0x137: {  	[sflag:s29] =	ssyncadd.s32 $0xFFFFD800  }
0x138: {  	v1 =	vld [tilespmem:$0x300]  }
0x139: {  	v2 =	vld [tilespmem:$0x320]  }
0x13a: {  	v3 =	vld [tilespmem:$0x330]  }
0x13b: {  	v4 =	vld [tilespmem:$0x310]  }
0x13c: {  	v5 =	vld [tilespmem:$0x340]  }
0x13d: {  	[tilespmem:$0x500] =	vst v1  }
0x13e: {  	[tilespmem:$0x520] =	vst v2  }
0x13f: {  	s11 =	smov.u32 s9;
	[tilespmem:$0x530] =	vst v3  }
0x140: {  	s7 =	smov.u32 s11;
	s13 =	rddreg [dreg:$0xb];
	[tilespmem:$0x510] =	vst v4  }
0x141: {  	s3 =	rddreg [dreg:$0xa];
	s11 =	sadd.s32 s7, s13;
	[tilespmem:$0x540] =	vst v5  }
0x142: {  	[tilespmem:s12], [sflag:$0x3] =	stream.linear.gather [hbm4b:s11+s4], $0x50, $0x38;
	[tilespmem:$0x1E600] =	vst v63  }
0x143: {  	s30 =	simm.s32 $0x300;
	s13 =	sadd.s32 s7, s3  }
0x144: {  	[tilespmem:s30], [sflag:$0x3] =	stream.linear.gather [hbm4b:s13+s4], $0x50, $0x38;
	[tilespmem:$0x1E600] =	vst v63  }
0x145: {  	s3 =	simm.s32 $0x5600;
	s13 =	simm.s32 $0x500  }
0x146: {  	[spmem:s2] =	stream.indirect.scatter.add.f32 [tilespmem:s3], [sflag:$0xB], $0x80, s13, s15, $0xb8;
	[tilespmem:$0x1E600] =	vst v63  }
0x147: {  	_ =	swait.ge [sflag:s31], $0x2800  }
0x148: {  	[sflag:s31] =	ssyncset.done $0x0  }
0x149: {  	[sflag:s31] =	ssyncadd.s32 $0xFFFFD800  }
0x14a: {  	_ =	swait.ge [sflag:s16], $0x50  }
0x14b: {  	[sflag:s16] =	ssyncset.done $0x0  }
0x14c: {  	[sflag:s16] =	ssyncadd.s32 $0xFFFFFFB0  }
0x14d: {  	_ =	swait.ge [sflag:s16], $0x50  }
0x14e: {  	[sflag:s16] =	ssyncset.done $0x0  }
0x14f: {  	[sflag:s16] =	ssyncadd.s32 $0xFFFFFFB0  }
0x150: {  	[tilespmem:s8], [sflag:$0x6] =	stream.indirect.gather [hbm4b:s1+s15], $0x80, s5, s15, $0xb8;
	[tilespmem:$0x1E600] =	vst v63  }
0x151: {  	_ =	swait.ge [sflag:s0], $0x2800  }
0x152: {  	[sflag:s0] =	ssyncset.done $0x0  }
0x153: {  	[sflag:s0] =	ssyncadd.s32 $0xFFFFD800  }
0x154: {  	v1 =	vld [tilespmem:$0x3B0]  }
0x155: {  	v2 =	vld [tilespmem:$0x390]  }
0x156: {  	v3 =	vld [tilespmem:$0x3C0]  }
0x157: {  	v4 =	vld [tilespmem:$0x3A0]  }
0x158: {  	v5 =	vld [tilespmem:$0x380]  }
0x159: {  	[tilespmem:$0x5B0] =	vst v1  }
0x15a: {  	[tilespmem:$0x590] =	vst v2  }
0x15b: {  	[tilespmem:$0x5C0] =	vst v3  }
0x15c: {  	s13 =	rddreg [dreg:$0x9];
	[tilespmem:$0x5A0] =	vst v4  }
0x15d: {  	s8 =	rddreg [dreg:$0x8];
	s11 =	sadd.s32 s7, s13;
	[tilespmem:$0x580] =	vst v5  }
0x15e: {  	[tilespmem:s19], [sflag:$0x4] =	stream.linear.gather [hbm4b:s11+s4], $0x50, $0x38;
	[tilespmem:$0x1E600] =	vst v63  }
0x15f: {  	s8 =	sadd.s32 s7, s8;
	s13 =	simm.s32 $0x380  }
0x160: {  	[tilespmem:s13], [sflag:$0x4] =	stream.linear.gather [hbm4b:s8+s4], $0x50, $0x38;
	[tilespmem:$0x1E600] =	vst v63  }
0x161: {  	s19 =	simm.s32 $0x580  }
0x162: {  	[spmem:s2] =	stream.indirect.scatter.add.f32 [tilespmem:s17], [sflag:$0xC], $0x80, s19, s15, $0xb8;
	[tilespmem:$0x1E600] =	vst v63  }
0x163: {  	_ =	swait.ge [sflag:s23], $0x2800  }
0x164: {  	[sflag:s23] =	ssyncset.done $0x0  }
0x165: {  	[sflag:s23] =	ssyncadd.s32 $0xFFFFD800  }
0x166: {  	_ =	swait.ge [sflag:s18], $0x50  }
0x167: {  	[sflag:s18] =	ssyncset.done $0x0  }
0x168: {  	[sflag:s18] =	ssyncadd.s32 $0xFFFFFFB0  }
0x169: {  	_ =	swait.ge [sflag:s18], $0x50  }
0x16a: {  	[sflag:s18] =	ssyncset.done $0x0  }
0x16b: {  	[sflag:s18] =	ssyncadd.s32 $0xFFFFFFB0  }
0x16c: {  	[tilespmem:s3], [sflag:$0x7] =	stream.indirect.gather [hbm4b:s1+s15], $0x80, s12, s15, $0xb8;
	[tilespmem:$0x1E600] =	vst v63  }
0x16d: {  	_ =	swait.ge [sflag:s20], $0x2800  }
0x16e: {  	[sflag:s20] =	ssyncset.done $0x0  }
0x16f: {  	p0 =	sne.s32 s9, $0x460;
	[sflag:s20] =	ssyncadd.s32 $0xFFFFD800  }
.Ltmp1:
0x170: {  	v5 =	vld [tilespmem:$0x240];
	(pc) =	sbr.rel @p0 .LBB2_4-.Ltmp1, $4  }
0x171: {  	v4 =	vld [tilespmem:$0x210]  }
0x172: {  	v2 =	vld [tilespmem:$0x200]  }
0x173: {  	v3 =	vld [tilespmem:$0x230]  }
0x174: {  	s9 =	sadd.s32 $0x28, s9;
	s21 =	simm.s32 $0x280;
	v1 =	vld [tilespmem:$0x220]  }
0x175: {  	[tilespmem:$0x440] =	vst v5  }
0x176: {  	[tilespmem:$0x410] =	vst v4  }
0x177: {  	[tilespmem:$0x400] =	vst v2  }
0x178: {  	s9 =	rddreg [dreg:$0x7];
	[tilespmem:$0x430] =	vst v3  }
0x179: {  	s11 =	rddreg [dreg:$0x6];
	s9 =	sadd.s32 s7, s9;
	[tilespmem:$0x420] =	vst v1  }
0x17a: {  	[tilespmem:s4], [sflag:$0x1] =	stream.linear.gather [hbm4b:s9+s4], $0x50, $0x38;
	[tilespmem:$0x1E600] =	vst v63  }
0x17b: {  	s24 =	simm.s32 $0x200;
	s17 =	sadd.s32 s7, s11  }
0x17c: {  	[tilespmem:s24], [sflag:$0x1] =	stream.linear.gather [hbm4b:s17+s4], $0x50, $0x38;
	[tilespmem:$0x1E600] =	vst v63  }
0x17d: {  	s8 =	simm.s32 $0x400  }
0x17e: {  	[spmem:s2] =	stream.indirect.scatter.add.f32 [tilespmem:s10], [sflag:$0x9], $0x80, s8, s15, $0xb8;
	[tilespmem:$0x1E600] =	vst v63  }
0x17f: {  	_ =	swait.ge [sflag:s6], $0x2800  }
0x180: {  	[sflag:s6] =	ssyncset.done $0x0  }
0x181: {  	[sflag:s6] =	ssyncadd.s32 $0xFFFFD800  }
0x182: {  	_ =	swait.ge [sflag:s22], $0x50  }
0x183: {  	[sflag:s22] =	ssyncset.done $0x0  }
0x184: {  	[sflag:s22] =	ssyncadd.s32 $0xFFFFFFB0  }
0x185: {  	_ =	swait.ge [sflag:s22], $0x50  }
0x186: {  	[sflag:s22] =	ssyncset.done $0x0  }
0x187: {  	s3 =	simm.s32 $0x7E00;
	s17 =	simm.s32 $0x180;
	[sflag:s22] =	ssyncadd.s32 $0xFFFFFFB0  }
0x188: {  	[tilespmem:s3], [sflag:$0x8] =	stream.indirect.gather [hbm4b:s1+s15], $0x80, s17, s15, $0xb8;
	[tilespmem:$0x1E600] =	vst v63  }
0x189: {  	_ =	swait.ge [sflag:s25], $0x2800  }
0x18a: {  	[sflag:s25] =	ssyncset.done $0x0  }
0x18b: {  	[sflag:s25] =	ssyncadd.s32 $0xFFFFD800  }
0x18c: {  	v1 =	vld [tilespmem:$0x280]  }
0x18d: {  	v2 =	vld [tilespmem:$0x290]  }
0x18e: {  	v3 =	vld [tilespmem:$0x2A0]  }
0x18f: {  	v48 =	vld [tilespmem:$0x2C0]  }
0x190: {  	v49 =	vld [tilespmem:$0x2B0]  }
0x191: {  	[tilespmem:$0x480] =	vst v1  }
0x192: {  	[tilespmem:$0x490] =	vst v2  }
0x193: {  	[tilespmem:$0x4A0] =	vst v3  }
0x194: {  	s19 =	rddreg [dreg:$0x5];
	[tilespmem:$0x4C0] =	vst v48  }
0x195: {  	s26 =	rddreg [dreg:$0x4];
	s9 =	sadd.s32 s7, s19;
	[tilespmem:$0x4B0] =	vst v49  }
0x196: {  	[tilespmem:s5], [sflag:$0x2] =	stream.linear.gather [hbm4b:s9+s4], $0x50, $0x38;
	[tilespmem:$0x1E600] =	vst v63  }
0x197: {  	s9 =	sadd.s32 s7, s26  }
0x198: {  	[tilespmem:s21], [sflag:$0x2] =	stream.linear.gather [hbm4b:s9+s4], $0x50, $0x38;
	[tilespmem:$0x1E600] =	vst v63  }
0x199: {  	s19 =	simm.s32 $0x2E00;
	s21 =	simm.s32 $0x480  }
0x19a: {  	[spmem:s2] =	stream.indirect.scatter.add.f32 [tilespmem:s19], [sflag:$0xA], $0x80, s21, s15, $0xb8;
	[tilespmem:$0x1E600] =	vst v63  }
0x19b: {  	_ =	swait.ge [sflag:s28], $0x2800  }
0x19c: {  	[sflag:s28] =	ssyncset.done $0x0  }
0x19d: {  	[sflag:s28] =	ssyncadd.s32 $0xFFFFD800  }
0x19e: {  	_ =	swait.ge [sflag:s14], $0x50  }
0x19f: {  	[sflag:s14] =	ssyncset.done $0x0  }
0x1a0: {  	[sflag:s14] =	ssyncadd.s32 $0xFFFFFFB0  }
0x1a1: {  	_ =	swait.ge [sflag:s14], $0x50  }
0x1a2: {  	[sflag:s14] =	ssyncset.done $0x0  }
0x1a3: {  	[sflag:s14] =	ssyncadd.s32 $0xFFFFFFB0  }
0x1a4: {  	[tilespmem:s10], [sflag:$0x5] =	stream.indirect.gather [hbm4b:s1+s15], $0x80, s4, s15, $0xb8;
	[tilespmem:$0x1E600] =	vst v63  }
0x1a5: {  	_ =	swait.ge [sflag:s29], $0x2800  }
0x1a6: {  	[sflag:s29] =	ssyncset.done $0x0  }
0x1a7: {  	[sflag:s29] =	ssyncadd.s32 $0xFFFFD800  }
0x1a8: {  	v1 =	vld [tilespmem:$0x300]  }
0x1a9: {  	v2 =	vld [tilespmem:$0x310]  }
0x1aa: {  	v3 =	vld [tilespmem:$0x320]  }
0x1ab: {  	v50 =	vld [tilespmem:$0x330]  }
0x1ac: {  	v51 =	vld [tilespmem:$0x340]  }
0x1ad: {  	[tilespmem:$0x500] =	vst v1  }
0x1ae: {  	[tilespmem:$0x510] =	vst v2  }
0x1af: {  	[tilespmem:$0x520] =	vst v3  }
0x1b0: {  	[tilespmem:$0x530] =	vst v50  }
0x1b1: {  	s11 =	rddreg [dreg:$0x17];
	[tilespmem:$0x540] =	vst v51  }
0x1b2: {  	[tilespmem:s12], [sflag:$0x3] =	stream.linear.gather [hbm4b:s11+s4], $0x50, $0x38;
	[tilespmem:$0x1E600] =	vst v63  }
0x1b3: {  	s26 =	rddreg [dreg:$0x18]  }
0x1b4: {  	[tilespmem:s30], [sflag:$0x3] =	stream.linear.gather [hbm4b:s26+s4], $0x50, $0x38;
	[tilespmem:$0x1E600] =	vst v63  }
0x1b5: {  	s11 =	simm.s32 $0x500;
	s26 =	simm.s32 $0x5600  }
0x1b6: {  	[spmem:s2] =	stream.indirect.scatter.add.f32 [tilespmem:s26], [sflag:$0xB], $0x80, s11, s15, $0xb8;
	[tilespmem:$0x1E600] =	vst v63  }
0x1b7: {  	_ =	swait.ge [sflag:s31], $0x2800  }
0x1b8: {  	[sflag:s31] =	ssyncset.done $0x0  }
0x1b9: {  	[sflag:s31] =	ssyncadd.s32 $0xFFFFD800  }
0x1ba: {  	_ =	swait.ge [sflag:s16], $0x50  }
0x1bb: {  	[sflag:s16] =	ssyncset.done $0x0  }
0x1bc: {  	[sflag:s16] =	ssyncadd.s32 $0xFFFFFFB0  }
0x1bd: {  	_ =	swait.ge [sflag:s16], $0x50  }
0x1be: {  	[sflag:s16] =	ssyncset.done $0x0  }
0x1bf: {  	[sflag:s16] =	ssyncadd.s32 $0xFFFFFFB0  }
0x1c0: {  	[tilespmem:s19], [sflag:$0x6] =	stream.indirect.gather [hbm4b:s1+s15], $0x80, s5, s15, $0xb8;
	[tilespmem:$0x1E600] =	vst v63  }
0x1c1: {  	_ =	swait.ge [sflag:s0], $0x2800  }
0x1c2: {  	[sflag:s0] =	ssyncset.done $0x0  }
0x1c3: {  	[sflag:s0] =	ssyncadd.s32 $0xFFFFD800  }
0x1c4: {  	v1 =	vld [tilespmem:$0x380]  }
0x1c5: {  	v2 =	vld [tilespmem:$0x390]  }
0x1c6: {  	v3 =	vld [tilespmem:$0x3A0]  }
0x1c7: {  	v52 =	vld [tilespmem:$0x3B0]  }
0x1c8: {  	v53 =	vld [tilespmem:$0x3C0]  }
0x1c9: {  	[tilespmem:$0x580] =	vst v1  }
0x1ca: {  	[tilespmem:$0x590] =	vst v2  }
0x1cb: {  	[tilespmem:$0x5A0] =	vst v3  }
0x1cc: {  	[tilespmem:$0x5B0] =	vst v52  }
0x1cd: {  	s9 =	rddreg [dreg:$0x1a];
	[tilespmem:$0x5C0] =	vst v53  }
0x1ce: {  	[tilespmem:s17], [sflag:$0x4] =	stream.linear.gather [hbm4b:s9+s4], $0x50, $0x38;
	[tilespmem:$0x1E600] =	vst v63  }
0x1cf: {  	s9 =	rddreg [dreg:$0x1b]  }
0x1d0: {  	[tilespmem:s13], [sflag:$0x4] =	stream.linear.gather [hbm4b:s9+s4], $0x50, $0x38;
	[tilespmem:$0x1E600] =	vst v63  }
0x1d1: {  	s9 =	simm.s32 $0x580  }
0x1d2: {  	[spmem:s2] =	stream.indirect.scatter.add.f32 [tilespmem:s3], [sflag:$0xC], $0x80, s9, s15, $0xb8;
	[tilespmem:$0x1E600] =	vst v63  }
0x1d3: {  	_ =	swait.ge [sflag:s23], $0x2800  }
0x1d4: {  	[sflag:s23] =	ssyncset.done $0x0  }
0x1d5: {  	[sflag:s23] =	ssyncadd.s32 $0xFFFFD800  }
0x1d6: {  	_ =	swait.ge [sflag:s18], $0x50  }
0x1d7: {  	[sflag:s18] =	ssyncset.done $0x0  }
0x1d8: {  	[sflag:s18] =	ssyncadd.s32 $0xFFFFFFB0  }
0x1d9: {  	_ =	swait.ge [sflag:s18], $0x50  }
0x1da: {  	[sflag:s18] =	ssyncset.done $0x0  }
0x1db: {  	[sflag:s18] =	ssyncadd.s32 $0xFFFFFFB0  }
0x1dc: {  	[tilespmem:s26], [sflag:$0x7] =	stream.indirect.gather [hbm4b:s1+s15], $0x80, s12, s15, $0xb8;
	[tilespmem:$0x1E600] =	vst v63  }
0x1dd: {  	_ =	swait.ge [sflag:s20], $0x2800  }
0x1de: {  	[sflag:s20] =	ssyncset.done $0x0  }
0x1df: {  	[sflag:s20] =	ssyncadd.s32 $0xFFFFD800  }
0x1e0: {  	v1 =	vld [tilespmem:$0x200]  }
0x1e1: {  	v2 =	vld [tilespmem:$0x210]  }
0x1e2: {  	v3 =	vld [tilespmem:$0x220]  }
0x1e3: {  	v54 =	vld [tilespmem:$0x230]  }
0x1e4: {  	v55 =	vld [tilespmem:$0x240]  }
0x1e5: {  	[tilespmem:$0x400] =	vst v1  }
0x1e6: {  	[tilespmem:$0x410] =	vst v2  }
0x1e7: {  	[tilespmem:$0x420] =	vst v3  }
0x1e8: {  	[tilespmem:$0x430] =	vst v54  }
0x1e9: {  	s13 =	rddreg [dreg:$0x1c];
	[tilespmem:$0x440] =	vst v55  }
0x1ea: {  	[tilespmem:s4], [sflag:$0x1] =	stream.linear.gather [hbm4b:s13+s4], $0x50, $0x38;
	[tilespmem:$0x1E600] =	vst v63  }
0x1eb: {  	s13 =	rddreg [dreg:$0x1d]  }
0x1ec: {  	[tilespmem:s24], [sflag:$0x1] =	stream.linear.gather [hbm4b:s13+s4], $0x50, $0x38;
	[tilespmem:$0x1E600] =	vst v63  }
0x1ed: {  	_ = 	snop  }
0x1ee: {  	[spmem:s2] =	stream.indirect.scatter.add.f32 [tilespmem:s10], [sflag:$0x9], $0x80, s8, s15, $0xb8;
	[tilespmem:$0x1E600] =	vst v63  }
0x1ef: {  	_ =	swait.ge [sflag:s6], $0x2800  }
0x1f0: {  	[sflag:s6] =	ssyncset.done $0x0  }
0x1f1: {  	[sflag:s6] =	ssyncadd.s32 $0xFFFFD800  }
0x1f2: {  	_ =	swait.ge [sflag:s22], $0x50  }
0x1f3: {  	[sflag:s22] =	ssyncset.done $0x0  }
0x1f4: {  	[sflag:s22] =	ssyncadd.s32 $0xFFFFFFB0  }
0x1f5: {  	_ =	swait.ge [sflag:s22], $0x50  }
0x1f6: {  	[sflag:s22] =	ssyncset.done $0x0  }
0x1f7: {  	[sflag:s22] =	ssyncadd.s32 $0xFFFFFFB0  }
0x1f8: {  	[tilespmem:s3], [sflag:$0x8] =	stream.indirect.gather [hbm4b:s1+s15], $0x80, s17, s15, $0xb8;
	[tilespmem:$0x1E600] =	vst v63  }
0x1f9: {  	_ =	swait.ge [sflag:s25], $0x2800  }
0x1fa: {  	[sflag:s25] =	ssyncset.done $0x0  }
0x1fb: {  	[sflag:s25] =	ssyncadd.s32 $0xFFFFD800  }
0x1fc: {  	v1 =	vld [tilespmem:$0x280]  }
0x1fd: {  	v2 =	vld [tilespmem:$0x290]  }
0x1fe: {  	v3 =	vld [tilespmem:$0x2A0]  }
0x1ff: {  	v56 =	vld [tilespmem:$0x2B0]  }
0x200: {  	v57 =	vld [tilespmem:$0x2C0]  }
0x201: {  	[tilespmem:$0x480] =	vst v1  }
0x202: {  	[tilespmem:$0x490] =	vst v2  }
0x203: {  	[tilespmem:$0x4A0] =	vst v3  }
0x204: {  	[tilespmem:$0x4B0] =	vst v56  }
0x205: {  	[tilespmem:$0x4C0] =	vst v57  }
0x206: {  	[spmem:s2] =	stream.indirect.scatter.add.f32 [tilespmem:s19], [sflag:$0xA], $0x80, s21, s15, $0xb8;
	[tilespmem:$0x1E600] =	vst v63  }
0x207: {  	_ =	swait.ge [sflag:s28], $0x2800  }
0x208: {  	[sflag:s28] =	ssyncset.done $0x0  }
0x209: {  	[sflag:s28] =	ssyncadd.s32 $0xFFFFD800  }
0x20a: {  	_ =	swait.ge [sflag:s14], $0x50  }
0x20b: {  	[sflag:s14] =	ssyncset.done $0x0  }
0x20c: {  	[sflag:s14] =	ssyncadd.s32 $0xFFFFFFB0  }
0x20d: {  	_ =	swait.ge [sflag:s14], $0x50  }
0x20e: {  	[sflag:s14] =	ssyncset.done $0x0  }
0x20f: {  	[sflag:s14] =	ssyncadd.s32 $0xFFFFFFB0  }
0x210: {  	[tilespmem:s10], [sflag:$0x5] =	stream.indirect.gather [hbm4b:s1+s15], $0x80, s4, s15, $0xb8;
	[tilespmem:$0x1E600] =	vst v63  }
0x211: {  	_ =	swait.ge [sflag:s29], $0x2800  }
0x212: {  	[sflag:s29] =	ssyncset.done $0x0  }
0x213: {  	[sflag:s29] =	ssyncadd.s32 $0xFFFFD800  }
0x214: {  	v1 =	vld [tilespmem:$0x300]  }
0x215: {  	v2 =	vld [tilespmem:$0x310]  }
0x216: {  	v3 =	vld [tilespmem:$0x320]  }
0x217: {  	v58 =	vld [tilespmem:$0x330]  }
0x218: {  	v59 =	vld [tilespmem:$0x340]  }
0x219: {  	[tilespmem:$0x500] =	vst v1  }
0x21a: {  	[tilespmem:$0x510] =	vst v2  }
0x21b: {  	[tilespmem:$0x520] =	vst v3  }
0x21c: {  	[tilespmem:$0x530] =	vst v58  }
0x21d: {  	[tilespmem:$0x540] =	vst v59  }
0x21e: {  	[spmem:s2] =	stream.indirect.scatter.add.f32 [tilespmem:s26], [sflag:$0xB], $0x80, s11, s15, $0xb8;
	[tilespmem:$0x1E600] =	vst v63  }
0x21f: {  	_ =	swait.ge [sflag:s31], $0x2800  }
0x220: {  	[sflag:s31] =	ssyncset.done $0x0  }
0x221: {  	[sflag:s31] =	ssyncadd.s32 $0xFFFFD800  }
0x222: {  	_ =	swait.ge [sflag:s0], $0x2800  }
0x223: {  	[sflag:s0] =	ssyncset.done $0x0  }
0x224: {  	[sflag:s0] =	ssyncadd.s32 $0xFFFFD800  }
0x225: {  	v1 =	vld [tilespmem:$0x380]  }
0x226: {  	v2 =	vld [tilespmem:$0x390]  }
0x227: {  	v3 =	vld [tilespmem:$0x3A0]  }
0x228: {  	v60 =	vld [tilespmem:$0x3B0]  }
0x229: {  	v61 =	vld [tilespmem:$0x3C0]  }
0x22a: {  	[tilespmem:$0x580] =	vst v1  }
0x22b: {  	[tilespmem:$0x590] =	vst v2  }
0x22c: {  	[tilespmem:$0x5A0] =	vst v3  }
0x22d: {  	[tilespmem:$0x5B0] =	vst v60  }
0x22e: {  	[tilespmem:$0x5C0] =	vst v61  }
0x22f: {  	[spmem:s2] =	stream.indirect.scatter.add.f32 [tilespmem:s3], [sflag:$0xC], $0x80, s9, s15, $0xb8;
	[tilespmem:$0x1E600] =	vst v63  }
0x230: {  	_ =	swait.ge [sflag:s23], $0x2800  }
0x231: {  	[sflag:s23] =	ssyncset.done $0x0  }
0x232: {  	[sflag:s23] =	ssyncadd.s32 $0xFFFFD800  }
0x233: {  	_ =	swait.ge [sflag:s20], $0x2800  }
0x234: {  	[sflag:s20] =	ssyncset.done $0x0  }
0x235: {  	[sflag:s20] =	ssyncadd.s32 $0xFFFFD800  }
0x236: {  	v1 =	vld [tilespmem:$0x200]  }
0x237: {  	v2 =	vld [tilespmem:$0x210]  }
0x238: {  	v3 =	vld [tilespmem:$0x220]  }
0x239: {  	v62 =	vld [tilespmem:$0x230]  }
0x23a: {  	v63 =	vld [tilespmem:$0x240]  }
0x23b: {  	[tilespmem:$0x400] =	vst v1  }
0x23c: {  	[tilespmem:$0x410] =	vst v2  }
0x23d: {  	[tilespmem:$0x420] =	vst v3  }
0x23e: {  	[tilespmem:$0x430] =	vst v62  }
0x23f: {  	[tilespmem:$0x440] =	vst v63  }
0x240: {  	[spmem:s2] =	stream.indirect.scatter.add.f32 [tilespmem:s10], [sflag:$0x9], $0x80, s8, s15, $0xb8;
	[tilespmem:$0x1E600] =	vst v63  }
0x241: {  	_ =	swait.ge [sflag:s6], $0x2800  }
0x242: {  	[sflag:s6] =	ssyncset.done $0x0  }
0x243: {  	[sflag:s6] =	ssyncadd.s32 $0xFFFFD800  }
0x244: {  	_ =	swait.ge [sflag:s28], $0x2800  }
0x245: {  	[sflag:s28] =	ssyncset.done $0x0  }
0x246: {  	[sflag:s28] =	ssyncadd.s32 $0xFFFFD800  }
0x247: {  	s17 =	stileid.u32;
	[bflag:$0x0] =	sbarrier.arrive $0xFFFF  }
0x248: {  	s13 =	simm.s32 $0xD;
	s7 =	sshll.u32 s17, $0x6;
	s11 =	rddreg [dreg:$0x1e]  }
0x249: {  	s7 =	sor.u32 $0x1C0D, s7;
	s21 =	rddreg [dreg:$0x1f];
	s19 =	sshrl.u32 s11, $0x3  }
0x24a: {  	[hbm:s21], [sflag:s7] =	dma.local [spmem:s19], $0x2800  }
0x24b: {  	_ =	swait.ge [sflag:s13], $0x2800  }
0x24c: {  	s24 =	sld [smem:$0x7F5]  }
0x24d: {  	s26 =	sld [smem:$0x7F6];
	_ =	sdelay $0x1  }
0x24e: {  	s9 =	sadd.s32 $0x1, s24  }
0x24f: {  	p0 =	sne.s32 s9, s26  }
.Ltmp2:
0x250: {  	_ = 	snop;
	(pc) =	sbr.rel @p0 .LBB2_1-.Ltmp2, $3  }
0x251: {  	_ =	sdelay $0x1  }
0x252: {  	s3 =	simm.s32 $0x400;
	s8 =	simm.s32 $0x600;
	[sflag:s13] =	ssyncset.done $0x0  }
0x253: {  	s21 =	simm.s32 $0x200;
	[sflag:s13] =	ssyncadd.s32 $0xFFFFD800;
	s26 =	simm.s32 $0x480  }
0x254: {  	_ =	sfence.sel $0x180000  }
0x255: {  	[bflag:$0x0] =	sbarrier.arrive $0xFFFF  }
0x256: {  	_ =	strace $0x9000004A  }
0x257: {  	s0 =	stileid.u32;
	[bflag:$0x2] =	sbarrier.arrive $0xFFFF  }
0x258: {  	p0 =	sne.s32 s0, $0x0;
	s0 =	rddreg [dreg:$0x3]  }
0x259: {  	s0 =	sadd.s32 @!p0 $0x100000, s0  }
0x25a: {  	[sflag:s0] =	ssyncadd.tile.s32 @!p0 $0x1;
	_ =	shalt  }
.Lfunc_end2:
_tile_overlayer_lowered:
.L_overlay_start_2:
0x25b: {  	(tag) =	ssettag $0x2  }
0x25c: {  	s0 =	rddreg [dreg:$0x0];
	s2 =	stileid.u32  }
0x25d: {  	s1 =	rddreg [dreg:$0x1];
	p0 =	sne.s32 s2, $0x0  }
0x25e: {  	s3 =	rddreg [dreg:$0x2];
	[bflag:$0x3] =	sbarrier.arrive $0xFFFF;
	s2 =	simm.s32 @!p0 $0x1C0D  }
0x25f: {  	[timem:s3], [sflag:s2] =	dma.local @!p0 [hbm:s0], s1  }
0x260: {  	s0 =	simm.s32 @!p0 $0xD  }
0x261: {  	_ =	swait.ge @!p0 [sflag:s0], s1  }
0x262: {  	s1 =	ssub.s32 @!p0 $0x0, s1;
	[sflag:s0] =	ssyncset.done @!p0 $0x0  }
0x263: {  	[sflag:s0] =	ssyncadd.s32 @!p0 s1  }
0x264: {  	[bflag:$0x3] =	sbarrier.arrive $0xFFFF  }
0x265: {  	_ =	shalt  }

</sc_bundles>
